<compile_context>
chip_gen: v7x
topology: tpu7x:2x2x1
jax: 0.10.2.dev20260603
libtpu: 0.0.44.dev20260713+nightly
codegen_flags: <defaults>
</compile_context>

<pallas_src>
import functools

import jax
import jax.numpy as jnp
from jax import lax
from jax.experimental import pallas as pl
from jax.experimental.pallas import tpu as pltpu, tpu_sc as plsc

MAXB = 512
NH = 12
SEQ = 2048
NW = 32
ROWS = NH * SEQ
RPW = ROWS // NW
RB = 8
NBLK = RPW // RB
NBUF = 6
LOOK = 3
FW = 2 * SEQ
LANES = 16


def _sc_body(attn_hbm, bias_hbm, out_hbm, fbuf, bbuf,
             rowbuf0, rowbuf1, rowbuf2, rowbuf3, rowbuf4, rowbuf5,
             sin0, sin1, sin2, sin3, sin4, sin5,
             sout0, sout1, sout2, sout3, sout4, sout5):
    c = lax.axis_index("c")
    s = lax.axis_index("s")
    wid = s * 2 + c
    row0 = wid * RPW
    h0 = lax.shift_right_logical(row0, 11)
    h1 = lax.shift_right_logical(row0 + RPW - 1, 11)

    pltpu.sync_copy(bias_hbm, bbuf)

    lane_iota = lax.iota(jnp.int32, LANES)
    for fi, hsrc in ((0, h0), (1, h1)):
        tailv = bbuf[hsrc, pl.ds(MAXB - LANES, LANES)]
        c511 = jnp.max(jnp.where(lane_iota == LANES - 1, tailv, -jnp.inf))
        splat = jnp.full((LANES,), 0.0, jnp.float32) + c511
        zeros = jnp.full((LANES,), 0.0, jnp.float32)

        def fconst(cc, carry, fi=fi, splat=splat):
            fbuf[pl.ds(fi * FW + cc * LANES, LANES)] = splat
            return carry

        lax.fori_loop(0, (SEQ - MAXB) // LANES, fconst, 0)

        def frev(cc, carry, fi=fi, hsrc=hsrc):
            src = bbuf[hsrc, pl.ds(MAXB - LANES - cc * LANES, LANES)]
            fbuf[pl.ds(fi * FW + (SEQ - MAXB) + cc * LANES, LANES)] = (
                lax.rev(src, (0,)))
            return carry

        lax.fori_loop(0, MAXB // LANES, frev, 0)

        def fzero(cc, carry, fi=fi, zeros=zeros):
            fbuf[pl.ds(fi * FW + SEQ + cc * LANES, LANES)] = zeros
            return carry

        lax.fori_loop(0, SEQ // LANES, fzero, 0)

    bufs = (rowbuf0, rowbuf1, rowbuf2, rowbuf3, rowbuf4, rowbuf5)
    sins = (sin0, sin1, sin2, sin3, sin4, sin5)
    souts = (sout0, sout1, sout2, sout3, sout4, sout5)

    def in_slice(b):
        return attn_hbm.at[pl.ds(row0 + b * RB, RB)]

    def out_slice(b):
        return out_hbm.at[pl.ds(row0 + b * RB, RB)]

    def compute(b, buf):
        def rowfn(r, rcarry):
            rg = row0 + b * RB + r
            q = jnp.bitwise_and(rg, SEQ - 1)
            h = lax.shift_right_logical(rg, 11)
            fi = h - h0
            fbase = fi * FW + (SEQ - 1) - q
            qc = lax.shift_right_logical(q, 4)
            nsplat = lax.shift_right_arithmetic(
                jnp.maximum(q - (MAXB - 1), 0), 4)
            splatv = fbuf[pl.ds(fi * FW, LANES)]

            @plsc.parallel_loop(0, nsplat, 1, unroll=4)
            def _splat(i):
                off = i * LANES
                buf[r, pl.ds(off, LANES)] = (
                    buf[r, pl.ds(off, LANES)] + splatv)

            @plsc.parallel_loop(nsplat, qc + 1, 1, unroll=4)
            def _band(i):
                off = i * LANES
                a = buf[r, pl.ds(off, LANES)]
                fv = fbuf[pl.ds(fbase + off, LANES)]
                buf[r, pl.ds(off, LANES)] = a + fv

            return rcarry

        lax.fori_loop(0, RB, rowfn, 0)


    for b in range(LOOK):
        pltpu.async_copy(in_slice(b), bufs[b], sins[b])
    for b in range(LOOK):
        pltpu.async_copy(in_slice(b + LOOK), bufs[b + LOOK], sins[b + LOOK])
        pltpu.make_async_copy(in_slice(b), bufs[b], sins[b]).wait()
        if b >= 1:
            pltpu.async_copy(bufs[b - 1], out_slice(b - 1), souts[b - 1])
        compute(b, bufs[b])

    def steady(b, u, v, w):
        pltpu.make_async_copy(bufs[v], out_slice(b - LOOK), souts[v]).wait()
        pltpu.async_copy(in_slice(b + LOOK), bufs[v], sins[v])
        pltpu.make_async_copy(in_slice(b), bufs[u], sins[u]).wait()
        pltpu.async_copy(bufs[w], out_slice(b - 1), souts[w])
        compute(b, bufs[u])

    def outer(b2, carry):
        for k in range(NBUF):
            u = (LOOK + k) % NBUF
            steady(LOOK + b2 * NBUF + k, u, (u + LOOK) % NBUF,
                   (u - 1) % NBUF)
        return carry

    lax.fori_loop(0, (NBLK - 2 * LOOK) // NBUF, outer, 0)

    for b in range(NBLK - LOOK, NBLK):
        u = b % NBUF
        v = (u + LOOK) % NBUF
        w = (u - 1) % NBUF
        pltpu.make_async_copy(bufs[v], out_slice(b - LOOK), souts[v]).wait()
        pltpu.make_async_copy(in_slice(b), bufs[u], sins[u]).wait()
        pltpu.async_copy(bufs[w], out_slice(b - 1), souts[w])
        compute(b, bufs[u])
    ul = (NBLK - 1) % NBUF
    pltpu.async_copy(bufs[ul], out_slice(NBLK - 1), souts[ul])
    for b in range(NBLK - LOOK, NBLK):
        u = b % NBUF
        pltpu.make_async_copy(bufs[u], out_slice(b), souts[u]).wait()


@jax.jit
def kernel(attn_weights, learnable_bias_diagonals):
    shape = attn_weights.shape
    attn_flat = attn_weights.reshape(ROWS, SEQ)

    mesh = plsc.VectorSubcoreMesh(core_axis_name="c", subcore_axis_name="s")
    run = functools.partial(
        pl.kernel,
        mesh=mesh,
        out_type=jax.ShapeDtypeStruct((ROWS, SEQ), jnp.float32),
        compiler_params=pltpu.CompilerParams(needs_layout_passes=False),
        scratch_types=(
            [pltpu.VMEM((2 * FW,), jnp.float32),
             pltpu.VMEM((NH, MAXB), jnp.float32)]
            + [pltpu.VMEM((RB, SEQ), jnp.float32)
               for _ in range(NBUF)]
            + [pltpu.SemaphoreType.DMA for _ in range(2 * NBUF)]
        ),
    )(_sc_body)
    out_flat = run(attn_flat, learnable_bias_diagonals)
    return out_flat.reshape(shape)

# --- scband reference (transcript-rebuilt; emitter-appended) ---
"""Pipeline reference for scband-attention-with-learnable-bias-26594437497617 (READ-ONLY COPY).

The authoritative reference and input builder live on the scoring server;
editing this copy changes nothing except your own understanding.
"""

import jax, jax.numpy as jnp
import numpy as np

MAX_BIAS_LENGTH = 512

def setup_inputs(seed: int = 0) -> dict:
    key = jax.random.key(seed)
    k1, k2 = jax.random.split(key)
    attn_weights = jax.random.normal(k1, (1, 12, 2048, 2048), dtype=jnp.float32)
    learnable_bias_diagonals = jax.random.normal(k2, (12, MAX_BIAS_LENGTH), dtype=jnp.float32) * 0.02
    return {"attn_weights": attn_weights, "learnable_bias_diagonals": learnable_bias_diagonals}

def reference(attn_weights, learnable_bias_diagonals):
    batch_size, num_heads, seq_len_q, seq_len_k = attn_weights.shape
    q_pos = jnp.arange(seq_len_q, dtype=jnp.int32)
    k_pos = jnp.arange(seq_len_k, dtype=jnp.int32)
    rel_pos = q_pos[:, None] - k_pos[None, :]
    causal_mask = (rel_pos >= 0).astype(attn_weights.dtype)
    rel_pos = jnp.clip(rel_pos, 0, MAX_BIAS_LENGTH - 1)
    # gather: [num_heads, seq_len_q, seq_len_k]
    bias_values = jnp.take(learnable_bias_diagonals, rel_pos, axis=1)
    bias_values = bias_values * causal_mask
    bias_values = jnp.broadcast_to(bias_values[None, :, :, :], attn_weights.shape)
    final = attn_weights + bias_values
    return final

if __name__ == "__main__":
    import jax
    _d = setup_inputs()
    print(jax.jit(kernel)(*tuple(_d.values())))

</pallas_src>

<mosaic_0001>
#map = affine_map<(d0, d1) -> (0, 0)>
module attributes {stable_mosaic.version = 14 : i64} {
  func.func @_sc_body(%arg0: i32, %arg1: i32, %arg2: memref<24576x2048xf32, #tpu.memory_space<hbm>>, %arg3: memref<12x512xf32, #tpu.memory_space<hbm>>, %arg4: memref<24576x2048xf32, #tpu.memory_space<hbm>>, %arg5: memref<8192xf32, #tpu.memory_space<vmem>>, %arg6: memref<12x512xf32, #tpu.memory_space<vmem>>, %arg7: memref<8x2048xf32, #tpu.memory_space<vmem>>, %arg8: memref<8x2048xf32, #tpu.memory_space<vmem>>, %arg9: memref<8x2048xf32, #tpu.memory_space<vmem>>, %arg10: memref<8x2048xf32, #tpu.memory_space<vmem>>, %arg11: memref<8x2048xf32, #tpu.memory_space<vmem>>, %arg12: memref<8x2048xf32, #tpu.memory_space<vmem>>, %arg13: memref<!tpu.dma_semaphore, #tpu.memory_space<semaphore_mem>>, %arg14: memref<!tpu.dma_semaphore, #tpu.memory_space<semaphore_mem>>, %arg15: memref<!tpu.dma_semaphore, #tpu.memory_space<semaphore_mem>>, %arg16: memref<!tpu.dma_semaphore, #tpu.memory_space<semaphore_mem>>, %arg17: memref<!tpu.dma_semaphore, #tpu.memory_space<semaphore_mem>>, %arg18: memref<!tpu.dma_semaphore, #tpu.memory_space<semaphore_mem>>, %arg19: memref<!tpu.dma_semaphore, #tpu.memory_space<semaphore_mem>>, %arg20: memref<!tpu.dma_semaphore, #tpu.memory_space<semaphore_mem>>, %arg21: memref<!tpu.dma_semaphore, #tpu.memory_space<semaphore_mem>>, %arg22: memref<!tpu.dma_semaphore, #tpu.memory_space<semaphore_mem>>, %arg23: memref<!tpu.dma_semaphore, #tpu.memory_space<semaphore_mem>>, %arg24: memref<!tpu.dma_semaphore, #tpu.memory_space<semaphore_mem>>) attributes {dimension_semantics = [#tpu.dimension_semantics<core_parallel>, #tpu.dimension_semantics<subcore_parallel>], iteration_bounds = array<i64: 2, 16>, scalar_prefetch = 0 : i64, scratch_operands = 20 : i64, tpu.core_type = #tpu.core_type<sc_vector_subcore>, window_params = [{transform_indices = #map}, {transform_indices = #map}, {transform_indices = #map}]} {
    %mul3A = arith.constant 2 : i32
    %mul3A_0 = arith.muli %arg1, %mul3A : i32
    %add3A = arith.addi %mul3A_0, %arg0 : i32
    %mul3A_1 = arith.constant 768 : i32
    %mul3A_2 = arith.muli %add3A, %mul3A_1 : i32
    %shift_right_logical3A = arith.constant 11 : i32
    %shift_right_logical3A_3 = arith.shrui %mul3A_2, %shift_right_logical3A : i32
    %add3A_4 = arith.constant 768 : i32
    %add3A_5 = arith.addi %mul3A_2, %add3A_4 : i32
    %sub3A = arith.constant 1 : i32
    %sub3A_6 = arith.subi %add3A_5, %sub3A : i32
    %shift_right_logical3A_7 = arith.constant 11 : i32
    %shift_right_logical3A_8 = arith.shrui %sub3A_6, %shift_right_logical3A_7 : i32
    "tpu.region"() ({
      %run_scoped3A = tpu.sem_alloc : memref<!tpu.dma_semaphore, #tpu.memory_space<semaphore_mem>>
      tpu.enqueue_dma source(%arg3 : memref<12x512xf32, #tpu.memory_space<hbm>>) target(%arg6 : memref<12x512xf32, #tpu.memory_space<vmem>>) target_semaphore(%run_scoped3A : memref<!tpu.dma_semaphore, #tpu.memory_space<semaphore_mem>>)
      tpu.wait_dma2 semaphore(%run_scoped3A : memref<!tpu.dma_semaphore, #tpu.memory_space<semaphore_mem>>) src(%arg3 : memref<12x512xf32, #tpu.memory_space<hbm>>) dst(%arg6 : memref<12x512xf32, #tpu.memory_space<vmem>>)
      tpu.yield
    }) : () -> ()
    %iota3A = tpu.iota {dimensions = array<i32: 0>} : vector<16xi32>
    %get3A = arith.index_cast %shift_right_logical3A_3 : i32 to index
    %get3A_9 = arith.constant 496 : index
    %get3A_10 = tpu.vector_load %arg6[%get3A, %get3A_9] {strides = array<i32>} : memref<12x512xf32, #tpu.memory_space<vmem>>, vector<16xf32>,
    %eq3A = arith.constant 15 : i32
    %eq3A_11 = vector.broadcast %eq3A : i32 to vector<16xi32>
    %eq3A_12 = arith.cmpi eq, %iota3A, %eq3A_11 : vector<16xi32>
    %jit3A = arith.constant 0xFF800000 : f32
    %broadcast_in_dim3A = vector.broadcast %jit3A : f32 to vector<16xf32>
    %select_n3A = arith.select %eq3A_12, %get3A_10, %broadcast_in_dim3A : vector<16xi1>, vector<16xf32>
    %reduce_max3A = arith.constant true
    %reduce_max3A_13 = vector.broadcast %reduce_max3A : i1 to vector<16xi1>
    %reduce_max3A_14 = tpu.scan <max>, %select_n3A masked %reduce_max3A_13 : vector<16xf32>, vector<16xi1> -> vector<16xf32>
    %reduce_max3A_15 = vector.extract %reduce_max3A_14[15] : f32 from vector<16xf32>
    %broadcast_in_dim3A_16 = arith.constant 0.000000e+00 : f32
    %broadcast_in_dim3A_17 = vector.broadcast %broadcast_in_dim3A_16 : f32 to vector<16xf32>
    %add3A_18 = vector.broadcast %reduce_max3A_15 : f32 to vector<16xf32>
    %add3A_19 = arith.addf %broadcast_in_dim3A_17, %add3A_18 : vector<16xf32>
    %broadcast_in_dim3A_20 = arith.constant 0.000000e+00 : f32
    %broadcast_in_dim3A_21 = vector.broadcast %broadcast_in_dim3A_20 : f32 to vector<16xf32>
    %scan3A = arith.constant 0 : i32
    %scan3A_22 = arith.constant 0 : i32
    %scan3A_23 = arith.constant 96 : i32
    %scan3A_24 = arith.addi %scan3A_22, %scan3A_23 : i32
    %scan3A_25 = arith.constant 1 : i32
    scf.for %scan3A_260 = %scan3A_22 to %scan3A_24 step %scan3A_25  : i32 {
      %mul3A_261 = arith.constant 16 : i32
      %mul3A_262 = arith.muli %scan3A_260, %mul3A_261 : i32
      %add3A_263 = arith.constant 0 : i32
      %add3A_264 = arith.addi %add3A_263, %mul3A_262 : i32
      %swap3A = arith.index_cast %add3A_264 : i32 to index
      %swap3A_265 = tpu.vector_load %arg5[%swap3A] {strides = array<i32>} : memref<8192xf32, #tpu.memory_space<vmem>>, vector<16xf32>,
      tpu.vector_store %arg5[%swap3A], %add3A_19 {strides = array<i32>} : memref<8192xf32, #tpu.memory_space<vmem>>, vector<16xf32>,
    }
    %scan3A_26 = arith.constant 96 : i32
    %scan3A_27 = arith.constant 0 : i32
    %scan3A_28 = arith.constant 0 : i32
    %scan3A_29 = arith.constant 32 : i32
    %scan3A_30 = arith.addi %scan3A_28, %scan3A_29 : i32
    %scan3A_31 = arith.constant 1 : i32
    scf.for %scan3A_260 = %scan3A_28 to %scan3A_30 step %scan3A_31  : i32 {
      %mul3A_261 = arith.constant 16 : i32
      %mul3A_262 = arith.muli %scan3A_260, %mul3A_261 : i32
      %sub3A_263 = arith.constant 496 : i32
      %sub3A_264 = arith.subi %sub3A_263, %mul3A_262 : i32
      %get3A_265 = arith.index_cast %shift_right_logical3A_3 : i32 to index
      %get3A_266 = arith.index_cast %sub3A_264 : i32 to index
      %get3A_267 = tpu.vector_load %arg6[%get3A_265, %get3A_266] {strides = array<i32>} : memref<12x512xf32, #tpu.memory_space<vmem>>, vector<16xf32>,
      %rev3A = arith.constant 15 : i32
      %rev3A_268 = vector.broadcast %rev3A : i32 to vector<16xi32>
      %rev3A_269 = tpu.iota {dimensions = array<i32: 0>} : vector<16xi32>
      %rev3A_270 = arith.subi %rev3A_268, %rev3A_269 : vector<16xi32>
      %rev3A_271 = tpu.dynamic_gather %get3A_267[%rev3A_270] in [0] : vector<16xf32>, vector<16xi32> -> vector<16xf32>
      %mul3A_272 = arith.constant 16 : i32
      %mul3A_273 = arith.muli %scan3A_260, %mul3A_272 : i32
      %add3A_274 = arith.constant 1536 : i32
      %add3A_275 = arith.addi %add3A_274, %mul3A_273 : i32
      %swap3A = arith.index_cast %add3A_275 : i32 to index
      %swap3A_276 = tpu.vector_load %arg5[%swap3A] {strides = array<i32>} : memref<8192xf32, #tpu.memory_space<vmem>>, vector<16xf32>,
      tpu.vector_store %arg5[%swap3A], %rev3A_271 {strides = array<i32>} : memref<8192xf32, #tpu.memory_space<vmem>>, vector<16xf32>,
    }
    %scan3A_32 = arith.constant 32 : i32
    %scan3A_33 = arith.constant 0 : i32
    %scan3A_34 = arith.constant 0 : i32
    %scan3A_35 = arith.constant 128 : i32
    %scan3A_36 = arith.addi %scan3A_34, %scan3A_35 : i32
    %scan3A_37 = arith.constant 1 : i32
    scf.for %scan3A_260 = %scan3A_34 to %scan3A_36 step %scan3A_37  : i32 {
      %mul3A_261 = arith.constant 16 : i32
      %mul3A_262 = arith.muli %scan3A_260, %mul3A_261 : i32
      %add3A_263 = arith.constant 2048 : i32
      %add3A_264 = arith.addi %add3A_263, %mul3A_262 : i32
      %swap3A = arith.index_cast %add3A_264 : i32 to index
      %swap3A_265 = tpu.vector_load %arg5[%swap3A] {strides = array<i32>} : memref<8192xf32, #tpu.memory_space<vmem>>, vector<16xf32>,
      tpu.vector_store %arg5[%swap3A], %broadcast_in_dim3A_21 {strides = array<i32>} : memref<8192xf32, #tpu.memory_space<vmem>>, vector<16xf32>,
    }
    %scan3A_38 = arith.constant 128 : i32
    %get3A_39 = arith.index_cast %shift_right_logical3A_8 : i32 to index
    %get3A_40 = arith.constant 496 : index
    %get3A_41 = tpu.vector_load %arg6[%get3A_39, %get3A_40] {strides = array<i32>} : memref<12x512xf32, #tpu.memory_space<vmem>>, vector<16xf32>,
    %eq3A_42 = arith.constant 15 : i32
    %eq3A_43 = vector.broadcast %eq3A_42 : i32 to vector<16xi32>
    %eq3A_44 = arith.cmpi eq, %iota3A, %eq3A_43 : vector<16xi32>
    %jit3A_45 = arith.constant 0xFF800000 : f32
    %broadcast_in_dim3A_46 = vector.broadcast %jit3A_45 : f32 to vector<16xf32>
    %select_n3A_47 = arith.select %eq3A_44, %get3A_41, %broadcast_in_dim3A_46 : vector<16xi1>, vector<16xf32>
    %reduce_max3A_48 = arith.constant true
    %reduce_max3A_49 = vector.broadcast %reduce_max3A_48 : i1 to vector<16xi1>
    %reduce_max3A_50 = tpu.scan <max>, %select_n3A_47 masked %reduce_max3A_49 : vector<16xf32>, vector<16xi1> -> vector<16xf32>
    %reduce_max3A_51 = vector.extract %reduce_max3A_50[15] : f32 from vector<16xf32>
    %broadcast_in_dim3A_52 = arith.constant 0.000000e+00 : f32
    %broadcast_in_dim3A_53 = vector.broadcast %broadcast_in_dim3A_52 : f32 to vector<16xf32>
    %add3A_54 = vector.broadcast %reduce_max3A_51 : f32 to vector<16xf32>
    %add3A_55 = arith.addf %broadcast_in_dim3A_53, %add3A_54 : vector<16xf32>
    %broadcast_in_dim3A_56 = arith.constant 0.000000e+00 : f32
    %broadcast_in_dim3A_57 = vector.broadcast %broadcast_in_dim3A_56 : f32 to vector<16xf32>
    %scan3A_58 = arith.constant 0 : i32
    %scan3A_59 = arith.constant 0 : i32
    %scan3A_60 = arith.constant 96 : i32
    %scan3A_61 = arith.addi %scan3A_59, %scan3A_60 : i32
    %scan3A_62 = arith.constant 1 : i32
    scf.for %scan3A_260 = %scan3A_59 to %scan3A_61 step %scan3A_62  : i32 {
      %mul3A_261 = arith.constant 16 : i32
      %mul3A_262 = arith.muli %scan3A_260, %mul3A_261 : i32
      %add3A_263 = arith.constant 4096 : i32
      %add3A_264 = arith.addi %add3A_263, %mul3A_262 : i32
      %swap3A = arith.index_cast %add3A_264 : i32 to index
      %swap3A_265 = tpu.vector_load %arg5[%swap3A] {strides = array<i32>} : memref<8192xf32, #tpu.memory_space<vmem>>, vector<16xf32>,
      tpu.vector_store %arg5[%swap3A], %add3A_55 {strides = array<i32>} : memref<8192xf32, #tpu.memory_space<vmem>>, vector<16xf32>,
    }
    %scan3A_63 = arith.constant 96 : i32
    %scan3A_64 = arith.constant 0 : i32
    %scan3A_65 = arith.constant 0 : i32
    %scan3A_66 = arith.constant 32 : i32
    %scan3A_67 = arith.addi %scan3A_65, %scan3A_66 : i32
    %scan3A_68 = arith.constant 1 : i32
    scf.for %scan3A_260 = %scan3A_65 to %scan3A_67 step %scan3A_68  : i32 {
      %mul3A_261 = arith.constant 16 : i32
      %mul3A_262 = arith.muli %scan3A_260, %mul3A_261 : i32
      %sub3A_263 = arith.constant 496 : i32
      %sub3A_264 = arith.subi %sub3A_263, %mul3A_262 : i32
      %get3A_265 = arith.index_cast %shift_right_logical3A_8 : i32 to index
      %get3A_266 = arith.index_cast %sub3A_264 : i32 to index
      %get3A_267 = tpu.vector_load %arg6[%get3A_265, %get3A_266] {strides = array<i32>} : memref<12x512xf32, #tpu.memory_space<vmem>>, vector<16xf32>,
      %rev3A = arith.constant 15 : i32
      %rev3A_268 = vector.broadcast %rev3A : i32 to vector<16xi32>
      %rev3A_269 = tpu.iota {dimensions = array<i32: 0>} : vector<16xi32>
      %rev3A_270 = arith.subi %rev3A_268, %rev3A_269 : vector<16xi32>
      %rev3A_271 = tpu.dynamic_gather %get3A_267[%rev3A_270] in [0] : vector<16xf32>, vector<16xi32> -> vector<16xf32>
      %mul3A_272 = arith.constant 16 : i32
      %mul3A_273 = arith.muli %scan3A_260, %mul3A_272 : i32
      %add3A_274 = arith.constant 5632 : i32
      %add3A_275 = arith.addi %add3A_274, %mul3A_273 : i32
      %swap3A = arith.index_cast %add3A_275 : i32 to index
      %swap3A_276 = tpu.vector_load %arg5[%swap3A] {strides = array<i32>} : memref<8192xf32, #tpu.memory_space<vmem>>, vector<16xf32>,
      tpu.vector_store %arg5[%swap3A], %rev3A_271 {strides = array<i32>} : memref<8192xf32, #tpu.memory_space<vmem>>, vector<16xf32>,
    }
    %scan3A_69 = arith.constant 32 : i32
    %scan3A_70 = arith.constant 0 : i32
    %scan3A_71 = arith.constant 0 : i32
    %scan3A_72 = arith.constant 128 : i32
    %scan3A_73 = arith.addi %scan3A_71, %scan3A_72 : i32
    %scan3A_74 = arith.constant 1 : i32
    scf.for %scan3A_260 = %scan3A_71 to %scan3A_73 step %scan3A_74  : i32 {
      %mul3A_261 = arith.constant 16 : i32
      %mul3A_262 = arith.muli %scan3A_260, %mul3A_261 : i32
      %add3A_263 = arith.constant 6144 : i32
      %add3A_264 = arith.addi %add3A_263, %mul3A_262 : i32
      %swap3A = arith.index_cast %add3A_264 : i32 to index
      %swap3A_265 = tpu.vector_load %arg5[%swap3A] {strides = array<i32>} : memref<8192xf32, #tpu.memory_space<vmem>>, vector<16xf32>,
      tpu.vector_store %arg5[%swap3A], %broadcast_in_dim3A_57 {strides = array<i32>} : memref<8192xf32, #tpu.memory_space<vmem>>, vector<16xf32>,
    }
    %scan3A_75 = arith.constant 128 : i32
    %add3A_76 = arith.constant 0 : i32
    %add3A_77 = arith.addi %mul3A_2, %add3A_76 : i32
    %dma_start3A = arith.constant 0 : i32
    %dma_start3A_78 = tpu.memref_slice %arg2[%add3A_77, %dma_start3A] : memref<24576x2048xf32, #tpu.memory_space<hbm>> -> memref<8x2048xf32, #tpu.memory_space<hbm>>
    %dma_start3A_79 = arith.constant 0 : i32
    %dma_start3A_80 = tpu.memref_slice %arg2[%add3A_77, %dma_start3A_79] : memref<24576x2048xf32, #tpu.memory_space<hbm>> -> memref<8x2048xf32, #tpu.memory_space<hbm>>
    tpu.enqueue_dma source(%dma_start3A_80 : memref<8x2048xf32, #tpu.memory_space<hbm>>) target(%arg7 : memref<8x2048xf32, #tpu.memory_space<vmem>>) target_semaphore(%arg13 : memref<!tpu.dma_semaphore, #tpu.memory_space<semaphore_mem>>)
    %add3A_81 = arith.constant 8 : i32
    %add3A_82 = arith.addi %mul3A_2, %add3A_81 : i32
    %dma_start3A_83 = arith.constant 0 : i32
    %dma_start3A_84 = tpu.memref_slice %arg2[%add3A_82, %dma_start3A_83] : memref<24576x2048xf32, #tpu.memory_space<hbm>> -> memref<8x2048xf32, #tpu.memory_space<hbm>>
    %dma_start3A_85 = arith.constant 0 : i32
    %dma_start3A_86 = tpu.memref_slice %arg2[%add3A_82, %dma_start3A_85] : memref<24576x2048xf32, #tpu.memory_space<hbm>> -> memref<8x2048xf32, #tpu.memory_space<hbm>>
    tpu.enqueue_dma source(%dma_start3A_86 : memref<8x2048xf32, #tpu.memory_space<hbm>>) target(%arg8 : memref<8x2048xf32, #tpu.memory_space<vmem>>) target_semaphore(%arg14 : memref<!tpu.dma_semaphore, #tpu.memory_space<semaphore_mem>>)
    %add3A_87 = arith.constant 16 : i32
    %add3A_88 = arith.addi %mul3A_2, %add3A_87 : i32
    %dma_start3A_89 = arith.constant 0 : i32
    %dma_start3A_90 = tpu.memref_slice %arg2[%add3A_88, %dma_start3A_89] : memref<24576x2048xf32, #tpu.memory_space<hbm>> -> memref<8x2048xf32, #tpu.memory_space<hbm>>
    %dma_start3A_91 = arith.constant 0 : i32
    %dma_start3A_92 = tpu.memref_slice %arg2[%add3A_88, %dma_start3A_91] : memref<24576x2048xf32, #tpu.memory_space<hbm>> -> memref<8x2048xf32, #tpu.memory_space<hbm>>
    tpu.enqueue_dma source(%dma_start3A_92 : memref<8x2048xf32, #tpu.memory_space<hbm>>) target(%arg9 : memref<8x2048xf32, #tpu.memory_space<vmem>>) target_semaphore(%arg15 : memref<!tpu.dma_semaphore, #tpu.memory_space<semaphore_mem>>)
    %add3A_93 = arith.constant 24 : i32
    %add3A_94 = arith.addi %mul3A_2, %add3A_93 : i32
    %dma_start3A_95 = arith.constant 0 : i32
    %dma_start3A_96 = tpu.memref_slice %arg2[%add3A_94, %dma_start3A_95] : memref<24576x2048xf32, #tpu.memory_space<hbm>> -> memref<8x2048xf32, #tpu.memory_space<hbm>>
    %dma_start3A_97 = arith.constant 0 : i32
    %dma_start3A_98 = tpu.memref_slice %arg2[%add3A_94, %dma_start3A_97] : memref<24576x2048xf32, #tpu.memory_space<hbm>> -> memref<8x2048xf32, #tpu.memory_space<hbm>>
    tpu.enqueue_dma source(%dma_start3A_98 : memref<8x2048xf32, #tpu.memory_space<hbm>>) target(%arg10 : memref<8x2048xf32, #tpu.memory_space<vmem>>) target_semaphore(%arg16 : memref<!tpu.dma_semaphore, #tpu.memory_space<semaphore_mem>>)
    %add3A_99 = arith.constant 0 : i32
    %add3A_100 = arith.addi %mul3A_2, %add3A_99 : i32
    %dma_wait3A = arith.constant 0 : i32
    %dma_wait3A_101 = tpu.memref_slice %arg2[%add3A_100, %dma_wait3A] : memref<24576x2048xf32, #tpu.memory_space<hbm>> -> memref<8x2048xf32, #tpu.memory_space<hbm>>
    %dma_wait3A_102 = arith.constant 0 : i32
    %dma_wait3A_103 = tpu.memref_slice %arg2[%add3A_100, %dma_wait3A_102] : memref<24576x2048xf32, #tpu.memory_space<hbm>> -> memref<8x2048xf32, #tpu.memory_space<hbm>>
    tpu.wait_dma2 semaphore(%arg13 : memref<!tpu.dma_semaphore, #tpu.memory_space<semaphore_mem>>) src(%dma_wait3A_103 : memref<8x2048xf32, #tpu.memory_space<hbm>>) dst(%arg7 : memref<8x2048xf32, #tpu.memory_space<vmem>>)
    %scan3A_104 = arith.constant 0 : i32
    %scan3A_105 = arith.constant 0 : i32
    %scan3A_106 = arith.constant 8 : i32
    %scan3A_107 = arith.addi %scan3A_105, %scan3A_106 : i32
    %scan3A_108 = arith.constant 1 : i32
    scf.for %scan3A_260 = %scan3A_105 to %scan3A_107 step %scan3A_108  : i32 {
      %add3A_261 = arith.constant 0 : i32
      %add3A_262 = arith.addi %mul3A_2, %add3A_261 : i32
      %add3A_263 = arith.addi %add3A_262, %scan3A_260 : i32
      %and3A = arith.constant 2047 : i32
      %and3A_264 = arith.andi %add3A_263, %and3A : i32
      %shift_right_logical3A_265 = arith.constant 11 : i32
      %shift_right_logical3A_266 = arith.shrui %add3A_263, %shift_right_logical3A_265 : i32
      %sub3A_267 = arith.subi %shift_right_logical3A_266, %shift_right_logical3A_3 : i32
      %mul3A_268 = arith.constant 4096 : i32
      %mul3A_269 = arith.muli %sub3A_267, %mul3A_268 : i32
      %add3A_270 = arith.constant 2047 : i32
      %add3A_271 = arith.addi %mul3A_269, %add3A_270 : i32
      %sub3A_272 = arith.subi %add3A_271, %and3A_264 : i32
      %shift_right_logical3A_273 = arith.constant 4 : i32
      %shift_right_logical3A_274 = arith.shrui %and3A_264, %shift_right_logical3A_273 : i32
      %sub3A_275 = arith.constant 511 : i32
      %sub3A_276 = arith.subi %and3A_264, %sub3A_275 : i32
      %max3A = arith.constant 0 : i32
      %max3A_277 = arith.maxsi %sub3A_276, %max3A : i32
      %shift_right_arithmetic3A = arith.constant 4 : i32
      %shift_right_arithmetic3A_278 = arith.shrsi %max3A_277, %shift_right_arithmetic3A : i32
      %mul3A_279 = arith.constant 4096 : i32
      %mul3A_280 = arith.muli %sub3A_267, %mul3A_279 : i32
      %get3A_281 = arith.index_cast %mul3A_280 : i32 to index
      %get3A_282 = tpu.vector_load %arg5[%get3A_281] {strides = array<i32>} : memref<8192xf32, #tpu.memory_space<vmem>>, vector<16xf32>,
      %parallel_loop3A = arith.constant 0 : i32
      %parallel_loop3A_283 = arith.constant 1 : i32
      scf.for %parallel_loop3A_287 = %parallel_loop3A to %shift_right_arithmetic3A_278 step %parallel_loop3A_283  : i32 {
        %parallel_loop3A_288 = arith.constant 16 : i32
        %parallel_loop3A_289 = arith.muli %parallel_loop3A_287, %parallel_loop3A_288 : i32
        %parallel_loop3A_290 = arith.index_cast %scan3A_260 : i32 to index
        %parallel_loop3A_291 = arith.index_cast %parallel_loop3A_289 : i32 to index
        %parallel_loop3A_292 = tpu.vector_load %arg7[%parallel_loop3A_290, %parallel_loop3A_291] {strides = array<i32>} : memref<8x2048xf32, #tpu.memory_space<vmem>>, vector<16xf32>,
        %parallel_loop3A_293 = arith.addf %parallel_loop3A_292, %get3A_282 : vector<16xf32>
        %parallel_loop3A_294 = arith.index_cast %scan3A_260 : i32 to index
        %parallel_loop3A_295 = arith.index_cast %parallel_loop3A_289 : i32 to index
        %parallel_loop3A_296 = tpu.vector_load %arg7[%parallel_loop3A_294, %parallel_loop3A_295] {strides = array<i32>} : memref<8x2048xf32, #tpu.memory_space<vmem>>, vector<16xf32>,
        tpu.vector_store %arg7[%parallel_loop3A_294, %parallel_loop3A_295], %parallel_loop3A_293 {strides = array<i32>} : memref<8x2048xf32, #tpu.memory_space<vmem>>, vector<16xf32>,
      } {sc.loop_unroll_factor = 4 : i64, sc.parallel_access}
      %add3A_284 = arith.constant 1 : i32
      %add3A_285 = arith.addi %shift_right_logical3A_274, %add3A_284 : i32
      %parallel_loop3A_286 = arith.constant 1 : i32
      scf.for %parallel_loop3A_287 = %shift_right_arithmetic3A_278 to %add3A_285 step %parallel_loop3A_286  : i32 {
        %parallel_loop3A_288 = arith.constant 16 : i32
        %parallel_loop3A_289 = arith.muli %parallel_loop3A_287, %parallel_loop3A_288 : i32
        %parallel_loop3A_290 = arith.index_cast %scan3A_260 : i32 to index
        %parallel_loop3A_291 = arith.index_cast %parallel_loop3A_289 : i32 to index
        %parallel_loop3A_292 = tpu.vector_load %arg7[%parallel_loop3A_290, %parallel_loop3A_291] {strides = array<i32>} : memref<8x2048xf32, #tpu.memory_space<vmem>>, vector<16xf32>,
        %parallel_loop3A_293 = arith.addi %sub3A_272, %parallel_loop3A_289 : i32
        %parallel_loop3A_294 = arith.index_cast %parallel_loop3A_293 : i32 to index
        %parallel_loop3A_295 = tpu.vector_load %arg5[%parallel_loop3A_294] {strides = array<i32>} : memref<8192xf32, #tpu.memory_space<vmem>>, vector<16xf32>,
        %parallel_loop3A_296 = arith.addf %parallel_loop3A_292, %parallel_loop3A_295 : vector<16xf32>
        %parallel_loop3A_297 = arith.index_cast %scan3A_260 : i32 to index
        %parallel_loop3A_298 = arith.index_cast %parallel_loop3A_289 : i32 to index
        %parallel_loop3A_299 = tpu.vector_load %arg7[%parallel_loop3A_297, %parallel_loop3A_298] {strides = array<i32>} : memref<8x2048xf32, #tpu.memory_space<vmem>>, vector<16xf32>,
        tpu.vector_store %arg7[%parallel_loop3A_297, %parallel_loop3A_298], %parallel_loop3A_296 {strides = array<i32>} : memref<8x2048xf32, #tpu.memory_space<vmem>>, vector<16xf32>,
      } {sc.loop_unroll_factor = 4 : i64, sc.parallel_access}
    }
    %scan3A_109 = arith.constant 8 : i32
    %add3A_110 = arith.constant 32 : i32
    %add3A_111 = arith.addi %mul3A_2, %add3A_110 : i32
    %dma_start3A_112 = arith.constant 0 : i32
    %dma_start3A_113 = tpu.memref_slice %arg2[%add3A_111, %dma_start3A_112] : memref<24576x2048xf32, #tpu.memory_space<hbm>> -> memref<8x2048xf32, #tpu.memory_space<hbm>>
    %dma_start3A_114 = arith.constant 0 : i32
    %dma_start3A_115 = tpu.memref_slice %arg2[%add3A_111, %dma_start3A_114] : memref<24576x2048xf32, #tpu.memory_space<hbm>> -> memref<8x2048xf32, #tpu.memory_space<hbm>>
    tpu.enqueue_dma source(%dma_start3A_115 : memref<8x2048xf32, #tpu.memory_space<hbm>>) target(%arg11 : memref<8x2048xf32, #tpu.memory_space<vmem>>) target_semaphore(%arg17 : memref<!tpu.dma_semaphore, #tpu.memory_space<semaphore_mem>>)
    %add3A_116 = arith.constant 8 : i32
    %add3A_117 = arith.addi %mul3A_2, %add3A_116 : i32
    %dma_wait3A_118 = arith.constant 0 : i32
    %dma_wait3A_119 = tpu.memref_slice %arg2[%add3A_117, %dma_wait3A_118] : memref<24576x2048xf32, #tpu.memory_space<hbm>> -> memref<8x2048xf32, #tpu.memory_space<hbm>>
    %dma_wait3A_120 = arith.constant 0 : i32
    %dma_wait3A_121 = tpu.memref_slice %arg2[%add3A_117, %dma_wait3A_120] : memref<24576x2048xf32, #tpu.memory_space<hbm>> -> memref<8x2048xf32, #tpu.memory_space<hbm>>
    tpu.wait_dma2 semaphore(%arg14 : memref<!tpu.dma_semaphore, #tpu.memory_space<semaphore_mem>>) src(%dma_wait3A_121 : memref<8x2048xf32, #tpu.memory_space<hbm>>) dst(%arg8 : memref<8x2048xf32, #tpu.memory_space<vmem>>)
    %add3A_122 = arith.constant 0 : i32
    %add3A_123 = arith.addi %mul3A_2, %add3A_122 : i32
    %dma_start3A_124 = arith.constant 0 : i32
    %dma_start3A_125 = tpu.memref_slice %arg4[%add3A_123, %dma_start3A_124] : memref<24576x2048xf32, #tpu.memory_space<hbm>> -> memref<8x2048xf32, #tpu.memory_space<hbm>>
    %dma_start3A_126 = arith.constant 0 : i32
    %dma_start3A_127 = tpu.memref_slice %arg4[%add3A_123, %dma_start3A_126] : memref<24576x2048xf32, #tpu.memory_space<hbm>> -> memref<8x2048xf32, #tpu.memory_space<hbm>>
    tpu.enqueue_dma source(%arg7 : memref<8x2048xf32, #tpu.memory_space<vmem>>) target(%dma_start3A_127 : memref<8x2048xf32, #tpu.memory_space<hbm>>) target_semaphore(%arg19 : memref<!tpu.dma_semaphore, #tpu.memory_space<semaphore_mem>>)
    %scan3A_128 = arith.constant 0 : i32
    %scan3A_129 = arith.constant 0 : i32
    %scan3A_130 = arith.constant 8 : i32
    %scan3A_131 = arith.addi %scan3A_129, %scan3A_130 : i32
    %scan3A_132 = arith.constant 1 : i32
    scf.for %scan3A_260 = %scan3A_129 to %scan3A_131 step %scan3A_132  : i32 {
      %add3A_261 = arith.constant 8 : i32
      %add3A_262 = arith.addi %mul3A_2, %add3A_261 : i32
      %add3A_263 = arith.addi %add3A_262, %scan3A_260 : i32
      %and3A = arith.constant 2047 : i32
      %and3A_264 = arith.andi %add3A_263, %and3A : i32
      %shift_right_logical3A_265 = arith.constant 11 : i32
      %shift_right_logical3A_266 = arith.shrui %add3A_263, %shift_right_logical3A_265 : i32
      %sub3A_267 = arith.subi %shift_right_logical3A_266, %shift_right_logical3A_3 : i32
      %mul3A_268 = arith.constant 4096 : i32
      %mul3A_269 = arith.muli %sub3A_267, %mul3A_268 : i32
      %add3A_270 = arith.constant 2047 : i32
      %add3A_271 = arith.addi %mul3A_269, %add3A_270 : i32
      %sub3A_272 = arith.subi %add3A_271, %and3A_264 : i32
      %shift_right_logical3A_273 = arith.constant 4 : i32
      %shift_right_logical3A_274 = arith.shrui %and3A_264, %shift_right_logical3A_273 : i32
      %sub3A_275 = arith.constant 511 : i32
      %sub3A_276 = arith.subi %and3A_264, %sub3A_275 : i32
      %max3A = arith.constant 0 : i32
      %max3A_277 = arith.maxsi %sub3A_276, %max3A : i32
      %shift_right_arithmetic3A = arith.constant 4 : i32
      %shift_right_arithmetic3A_278 = arith.shrsi %max3A_277, %shift_right_arithmetic3A : i32
      %mul3A_279 = arith.constant 4096 : i32
      %mul3A_280 = arith.muli %sub3A_267, %mul3A_279 : i32
      %get3A_281 = arith.index_cast %mul3A_280 : i32 to index
      %get3A_282 = tpu.vector_load %arg5[%get3A_281] {strides = array<i32>} : memref<8192xf32, #tpu.memory_space<vmem>>, vector<16xf32>,
      %parallel_loop3A = arith.constant 0 : i32
      %parallel_loop3A_283 = arith.constant 1 : i32
      scf.for %parallel_loop3A_287 = %parallel_loop3A to %shift_right_arithmetic3A_278 step %parallel_loop3A_283  : i32 {
        %parallel_loop3A_288 = arith.constant 16 : i32
        %parallel_loop3A_289 = arith.muli %parallel_loop3A_287, %parallel_loop3A_288 : i32
        %parallel_loop3A_290 = arith.index_cast %scan3A_260 : i32 to index
        %parallel_loop3A_291 = arith.index_cast %parallel_loop3A_289 : i32 to index
        %parallel_loop3A_292 = tpu.vector_load %arg8[%parallel_loop3A_290, %parallel_loop3A_291] {strides = array<i32>} : memref<8x2048xf32, #tpu.memory_space<vmem>>, vector<16xf32>,
        %parallel_loop3A_293 = arith.addf %parallel_loop3A_292, %get3A_282 : vector<16xf32>
        %parallel_loop3A_294 = arith.index_cast %scan3A_260 : i32 to index
        %parallel_loop3A_295 = arith.index_cast %parallel_loop3A_289 : i32 to index
        %parallel_loop3A_296 = tpu.vector_load %arg8[%parallel_loop3A_294, %parallel_loop3A_295] {strides = array<i32>} : memref<8x2048xf32, #tpu.memory_space<vmem>>, vector<16xf32>,
        tpu.vector_store %arg8[%parallel_loop3A_294, %parallel_loop3A_295], %parallel_loop3A_293 {strides = array<i32>} : memref<8x2048xf32, #tpu.memory_space<vmem>>, vector<16xf32>,
      } {sc.loop_unroll_factor = 4 : i64, sc.parallel_access}
      %add3A_284 = arith.constant 1 : i32
      %add3A_285 = arith.addi %shift_right_logical3A_274, %add3A_284 : i32
      %parallel_loop3A_286 = arith.constant 1 : i32
      scf.for %parallel_loop3A_287 = %shift_right_arithmetic3A_278 to %add3A_285 step %parallel_loop3A_286  : i32 {
        %parallel_loop3A_288 = arith.constant 16 : i32
        %parallel_loop3A_289 = arith.muli %parallel_loop3A_287, %parallel_loop3A_288 : i32
        %parallel_loop3A_290 = arith.index_cast %scan3A_260 : i32 to index
        %parallel_loop3A_291 = arith.index_cast %parallel_loop3A_289 : i32 to index
        %parallel_loop3A_292 = tpu.vector_load %arg8[%parallel_loop3A_290, %parallel_loop3A_291] {strides = array<i32>} : memref<8x2048xf32, #tpu.memory_space<vmem>>, vector<16xf32>,
        %parallel_loop3A_293 = arith.addi %sub3A_272, %parallel_loop3A_289 : i32
        %parallel_loop3A_294 = arith.index_cast %parallel_loop3A_293 : i32 to index
        %parallel_loop3A_295 = tpu.vector_load %arg5[%parallel_loop3A_294] {strides = array<i32>} : memref<8192xf32, #tpu.memory_space<vmem>>, vector<16xf32>,
        %parallel_loop3A_296 = arith.addf %parallel_loop3A_292, %parallel_loop3A_295 : vector<16xf32>
        %parallel_loop3A_297 = arith.index_cast %scan3A_260 : i32 to index
        %parallel_loop3A_298 = arith.index_cast %parallel_loop3A_289 : i32 to index
        %parallel_loop3A_299 = tpu.vector_load %arg8[%parallel_loop3A_297, %parallel_loop3A_298] {strides = array<i32>} : memref<8x2048xf32, #tpu.memory_space<vmem>>, vector<16xf32>,
        tpu.vector_store %arg8[%parallel_loop3A_297, %parallel_loop3A_298], %parallel_loop3A_296 {strides = array<i32>} : memref<8x2048xf32, #tpu.memory_space<vmem>>, vector<16xf32>,
      } {sc.loop_unroll_factor = 4 : i64, sc.parallel_access}
    }
    %scan3A_133 = arith.constant 8 : i32
    %add3A_134 = arith.constant 40 : i32
    %add3A_135 = arith.addi %mul3A_2, %add3A_134 : i32
    %dma_start3A_136 = arith.constant 0 : i32
    %dma_start3A_137 = tpu.memref_slice %arg2[%add3A_135, %dma_start3A_136] : memref<24576x2048xf32, #tpu.memory_space<hbm>> -> memref<8x2048xf32, #tpu.memory_space<hbm>>
    %dma_start3A_138 = arith.constant 0 : i32
    %dma_start3A_139 = tpu.memref_slice %arg2[%add3A_135, %dma_start3A_138] : memref<24576x2048xf32, #tpu.memory_space<hbm>> -> memref<8x2048xf32, #tpu.memory_space<hbm>>
    tpu.enqueue_dma source(%dma_start3A_139 : memref<8x2048xf32, #tpu.memory_space<hbm>>) target(%arg12 : memref<8x2048xf32, #tpu.memory_space<vmem>>) target_semaphore(%arg18 : memref<!tpu.dma_semaphore, #tpu.memory_space<semaphore_mem>>)
    %add3A_140 = arith.constant 16 : i32
    %add3A_141 = arith.addi %mul3A_2, %add3A_140 : i32
    %dma_wait3A_142 = arith.constant 0 : i32
    %dma_wait3A_143 = tpu.memref_slice %arg2[%add3A_141, %dma_wait3A_142] : memref<24576x2048xf32, #tpu.memory_space<hbm>> -> memref<8x2048xf32, #tpu.memory_space<hbm>>
    %dma_wait3A_144 = arith.constant 0 : i32
    %dma_wait3A_145 = tpu.memref_slice %arg2[%add3A_141, %dma_wait3A_144] : memref<24576x2048xf32, #tpu.memory_space<hbm>> -> memref<8x2048xf32, #tpu.memory_space<hbm>>
    tpu.wait_dma2 semaphore(%arg15 : memref<!tpu.dma_semaphore, #tpu.memory_space<semaphore_mem>>) src(%dma_wait3A_145 : memref<8x2048xf32, #tpu.memory_space<hbm>>) dst(%arg9 : memref<8x2048xf32, #tpu.memory_space<vmem>>)
    %add3A_146 = arith.constant 8 : i32
    %add3A_147 = arith.addi %mul3A_2, %add3A_146 : i32
    %dma_start3A_148 = arith.constant 0 : i32
    %dma_start3A_149 = tpu.memref_slice %arg4[%add3A_147, %dma_start3A_148] : memref<24576x2048xf32, #tpu.memory_space<hbm>> -> memref<8x2048xf32, #tpu.memory_space<hbm>>
    %dma_start3A_150 = arith.constant 0 : i32
    %dma_start3A_151 = tpu.memref_slice %arg4[%add3A_147, %dma_start3A_150] : memref<24576x2048xf32, #tpu.memory_space<hbm>> -> memref<8x2048xf32, #tpu.memory_space<hbm>>
    tpu.enqueue_dma source(%arg8 : memref<8x2048xf32, #tpu.memory_space<vmem>>) target(%dma_start3A_151 : memref<8x2048xf32, #tpu.memory_space<hbm>>) target_semaphore(%arg20 : memref<!tpu.dma_semaphore, #tpu.memory_space<semaphore_mem>>)
    %scan3A_152 = arith.constant 0 : i32
    %scan3A_153 = arith.constant 0 : i32
    %scan3A_154 = arith.constant 8 : i32
    %scan3A_155 = arith.addi %scan3A_153, %scan3A_154 : i32
    %scan3A_156 = arith.constant 1 : i32
    scf.for %scan3A_260 = %scan3A_153 to %scan3A_155 step %scan3A_156  : i32 {
      %add3A_261 = arith.constant 16 : i32
      %add3A_262 = arith.addi %mul3A_2, %add3A_261 : i32
      %add3A_263 = arith.addi %add3A_262, %scan3A_260 : i32
      %and3A = arith.constant 2047 : i32
      %and3A_264 = arith.andi %add3A_263, %and3A : i32
      %shift_right_logical3A_265 = arith.constant 11 : i32
      %shift_right_logical3A_266 = arith.shrui %add3A_263, %shift_right_logical3A_265 : i32
      %sub3A_267 = arith.subi %shift_right_logical3A_266, %shift_right_logical3A_3 : i32
      %mul3A_268 = arith.constant 4096 : i32
      %mul3A_269 = arith.muli %sub3A_267, %mul3A_268 : i32
      %add3A_270 = arith.constant 2047 : i32
      %add3A_271 = arith.addi %mul3A_269, %add3A_270 : i32
      %sub3A_272 = arith.subi %add3A_271, %and3A_264 : i32
      %shift_right_logical3A_273 = arith.constant 4 : i32
      %shift_right_logical3A_274 = arith.shrui %and3A_264, %shift_right_logical3A_273 : i32
      %sub3A_275 = arith.constant 511 : i32
      %sub3A_276 = arith.subi %and3A_264, %sub3A_275 : i32
      %max3A = arith.constant 0 : i32
      %max3A_277 = arith.maxsi %sub3A_276, %max3A : i32
      %shift_right_arithmetic3A = arith.constant 4 : i32
      %shift_right_arithmetic3A_278 = arith.shrsi %max3A_277, %shift_right_arithmetic3A : i32
      %mul3A_279 = arith.constant 4096 : i32
      %mul3A_280 = arith.muli %sub3A_267, %mul3A_279 : i32
      %get3A_281 = arith.index_cast %mul3A_280 : i32 to index
      %get3A_282 = tpu.vector_load %arg5[%get3A_281] {strides = array<i32>} : memref<8192xf32, #tpu.memory_space<vmem>>, vector<16xf32>,
      %parallel_loop3A = arith.constant 0 : i32
      %parallel_loop3A_283 = arith.constant 1 : i32
      scf.for %parallel_loop3A_287 = %parallel_loop3A to %shift_right_arithmetic3A_278 step %parallel_loop3A_283  : i32 {
        %parallel_loop3A_288 = arith.constant 16 : i32
        %parallel_loop3A_289 = arith.muli %parallel_loop3A_287, %parallel_loop3A_288 : i32
        %parallel_loop3A_290 = arith.index_cast %scan3A_260 : i32 to index
        %parallel_loop3A_291 = arith.index_cast %parallel_loop3A_289 : i32 to index
        %parallel_loop3A_292 = tpu.vector_load %arg9[%parallel_loop3A_290, %parallel_loop3A_291] {strides = array<i32>} : memref<8x2048xf32, #tpu.memory_space<vmem>>, vector<16xf32>,
        %parallel_loop3A_293 = arith.addf %parallel_loop3A_292, %get3A_282 : vector<16xf32>
        %parallel_loop3A_294 = arith.index_cast %scan3A_260 : i32 to index
        %parallel_loop3A_295 = arith.index_cast %parallel_loop3A_289 : i32 to index
        %parallel_loop3A_296 = tpu.vector_load %arg9[%parallel_loop3A_294, %parallel_loop3A_295] {strides = array<i32>} : memref<8x2048xf32, #tpu.memory_space<vmem>>, vector<16xf32>,
        tpu.vector_store %arg9[%parallel_loop3A_294, %parallel_loop3A_295], %parallel_loop3A_293 {strides = array<i32>} : memref<8x2048xf32, #tpu.memory_space<vmem>>, vector<16xf32>,
      } {sc.loop_unroll_factor = 4 : i64, sc.parallel_access}
      %add3A_284 = arith.constant 1 : i32
      %add3A_285 = arith.addi %shift_right_logical3A_274, %add3A_284 : i32
      %parallel_loop3A_286 = arith.constant 1 : i32
      scf.for %parallel_loop3A_287 = %shift_right_arithmetic3A_278 to %add3A_285 step %parallel_loop3A_286  : i32 {
        %parallel_loop3A_288 = arith.constant 16 : i32
        %parallel_loop3A_289 = arith.muli %parallel_loop3A_287, %parallel_loop3A_288 : i32
        %parallel_loop3A_290 = arith.index_cast %scan3A_260 : i32 to index
        %parallel_loop3A_291 = arith.index_cast %parallel_loop3A_289 : i32 to index
        %parallel_loop3A_292 = tpu.vector_load %arg9[%parallel_loop3A_290, %parallel_loop3A_291] {strides = array<i32>} : memref<8x2048xf32, #tpu.memory_space<vmem>>, vector<16xf32>,
        %parallel_loop3A_293 = arith.addi %sub3A_272, %parallel_loop3A_289 : i32
        %parallel_loop3A_294 = arith.index_cast %parallel_loop3A_293 : i32 to index
        %parallel_loop3A_295 = tpu.vector_load %arg5[%parallel_loop3A_294] {strides = array<i32>} : memref<8192xf32, #tpu.memory_space<vmem>>, vector<16xf32>,
        %parallel_loop3A_296 = arith.addf %parallel_loop3A_292, %parallel_loop3A_295 : vector<16xf32>
        %parallel_loop3A_297 = arith.index_cast %scan3A_260 : i32 to index
        %parallel_loop3A_298 = arith.index_cast %parallel_loop3A_289 : i32 to index
        %parallel_loop3A_299 = tpu.vector_load %arg9[%parallel_loop3A_297, %parallel_loop3A_298] {strides = array<i32>} : memref<8x2048xf32, #tpu.memory_space<vmem>>, vector<16xf32>,
        tpu.vector_store %arg9[%parallel_loop3A_297, %parallel_loop3A_298], %parallel_loop3A_296 {strides = array<i32>} : memref<8x2048xf32, #tpu.memory_space<vmem>>, vector<16xf32>,
      } {sc.loop_unroll_factor = 4 : i64, sc.parallel_access}
    }
    %scan3A_157 = arith.constant 8 : i32
    %scan3A_158 = arith.constant 0 : i32
    %scan3A_159 = arith.constant 0 : i32
    %scan3A_160 = arith.constant 15 : i32
    %scan3A_161 = arith.addi %scan3A_159, %scan3A_160 : i32
    %scan3A_162 = arith.constant 1 : i32
    scf.for %scan3A_260 = %scan3A_159 to %scan3A_161 step %scan3A_162  : i32 {
      %mul3A_261 = arith.constant 6 : i32
      %mul3A_262 = arith.muli %scan3A_260, %mul3A_261 : i32
      %add3A_263 = arith.constant 3 : i32
      %add3A_264 = arith.addi %add3A_263, %mul3A_262 : i32
      %add3A_265 = arith.constant 0 : i32
      %add3A_266 = arith.addi %add3A_264, %add3A_265 : i32
      %sub3A_267 = arith.constant 3 : i32
      %sub3A_268 = arith.subi %add3A_266, %sub3A_267 : i32
      %mul3A_269 = arith.constant 8 : i32
      %mul3A_270 = arith.muli %sub3A_268, %mul3A_269 : i32
      %add3A_271 = arith.addi %mul3A_2, %mul3A_270 : i32
      %dma_wait3A_272 = arith.constant 0 : i32
      %dma_wait3A_273 = tpu.memref_slice %arg4[%add3A_271, %dma_wait3A_272] : memref<24576x2048xf32, #tpu.memory_space<hbm>> -> memref<8x2048xf32, #tpu.memory_space<hbm>>
      %dma_wait3A_274 = arith.constant 0 : i32
      %dma_wait3A_275 = tpu.memref_slice %arg4[%add3A_271, %dma_wait3A_274] : memref<24576x2048xf32, #tpu.memory_space<hbm>> -> memref<8x2048xf32, #tpu.memory_space<hbm>>
      tpu.wait_dma2 semaphore(%arg19 : memref<!tpu.dma_semaphore, #tpu.memory_space<semaphore_mem>>) src(%arg7 : memref<8x2048xf32, #tpu.memory_space<vmem>>) dst(%dma_wait3A_275 : memref<8x2048xf32, #tpu.memory_space<hbm>>)
      %add3A_276 = arith.constant 3 : i32
      %add3A_277 = arith.addi %add3A_266, %add3A_276 : i32
      %mul3A_278 = arith.constant 8 : i32
      %mul3A_279 = arith.muli %add3A_277, %mul3A_278 : i32
      %add3A_280 = arith.addi %mul3A_2, %mul3A_279 : i32
      %dma_start3A_281 = arith.constant 0 : i32
      %dma_start3A_282 = tpu.memref_slice %arg2[%add3A_280, %dma_start3A_281] : memref<24576x2048xf32, #tpu.memory_space<hbm>> -> memref<8x2048xf32, #tpu.memory_space<hbm>>
      %dma_start3A_283 = arith.constant 0 : i32
      %dma_start3A_284 = tpu.memref_slice %arg2[%add3A_280, %dma_start3A_283] : memref<24576x2048xf32, #tpu.memory_space<hbm>> -> memref<8x2048xf32, #tpu.memory_space<hbm>>
      tpu.enqueue_dma source(%dma_start3A_284 : memref<8x2048xf32, #tpu.memory_space<hbm>>) target(%arg7 : memref<8x2048xf32, #tpu.memory_space<vmem>>) target_semaphore(%arg13 : memref<!tpu.dma_semaphore, #tpu.memory_space<semaphore_mem>>)
      %mul3A_285 = arith.constant 8 : i32
      %mul3A_286 = arith.muli %add3A_266, %mul3A_285 : i32
      %add3A_287 = arith.addi %mul3A_2, %mul3A_286 : i32
      %dma_wait3A_288 = arith.constant 0 : i32
      %dma_wait3A_289 = tpu.memref_slice %arg2[%add3A_287, %dma_wait3A_288] : memref<24576x2048xf32, #tpu.memory_space<hbm>> -> memref<8x2048xf32, #tpu.memory_space<hbm>>
      %dma_wait3A_290 = arith.constant 0 : i32
      %dma_wait3A_291 = tpu.memref_slice %arg2[%add3A_287, %dma_wait3A_290] : memref<24576x2048xf32, #tpu.memory_space<hbm>> -> memref<8x2048xf32, #tpu.memory_space<hbm>>
      tpu.wait_dma2 semaphore(%arg16 : memref<!tpu.dma_semaphore, #tpu.memory_space<semaphore_mem>>) src(%dma_wait3A_291 : memref<8x2048xf32, #tpu.memory_space<hbm>>) dst(%arg10 : memref<8x2048xf32, #tpu.memory_space<vmem>>)
      %sub3A_292 = arith.constant 1 : i32
      %sub3A_293 = arith.subi %add3A_266, %sub3A_292 : i32
      %mul3A_294 = arith.constant 8 : i32
      %mul3A_295 = arith.muli %sub3A_293, %mul3A_294 : i32
      %add3A_296 = arith.addi %mul3A_2, %mul3A_295 : i32
      %dma_start3A_297 = arith.constant 0 : i32
      %dma_start3A_298 = tpu.memref_slice %arg4[%add3A_296, %dma_start3A_297] : memref<24576x2048xf32, #tpu.memory_space<hbm>> -> memref<8x2048xf32, #tpu.memory_space<hbm>>
      %dma_start3A_299 = arith.constant 0 : i32
      %dma_start3A_300 = tpu.memref_slice %arg4[%add3A_296, %dma_start3A_299] : memref<24576x2048xf32, #tpu.memory_space<hbm>> -> memref<8x2048xf32, #tpu.memory_space<hbm>>
      tpu.enqueue_dma source(%arg9 : memref<8x2048xf32, #tpu.memory_space<vmem>>) target(%dma_start3A_300 : memref<8x2048xf32, #tpu.memory_space<hbm>>) target_semaphore(%arg21 : memref<!tpu.dma_semaphore, #tpu.memory_space<semaphore_mem>>)
      %scan3A_301 = arith.constant 0 : i32
      %scan3A_302 = arith.constant 0 : i32
      %scan3A_303 = arith.constant 8 : i32
      %scan3A_304 = arith.addi %scan3A_302, %scan3A_303 : i32
      %scan3A_305 = arith.constant 1 : i32
      scf.for %scan3A_537 = %scan3A_302 to %scan3A_304 step %scan3A_305  : i32 {
        %mul3A_538 = arith.constant 8 : i32
        %mul3A_539 = arith.muli %add3A_266, %mul3A_538 : i32
        %add3A_540 = arith.addi %mul3A_2, %mul3A_539 : i32
        %add3A_541 = arith.addi %add3A_540, %scan3A_537 : i32
        %and3A = arith.constant 2047 : i32
        %and3A_542 = arith.andi %add3A_541, %and3A : i32
        %shift_right_logical3A_543 = arith.constant 11 : i32
        %shift_right_logical3A_544 = arith.shrui %add3A_541, %shift_right_logical3A_543 : i32
        %sub3A_545 = arith.subi %shift_right_logical3A_544, %shift_right_logical3A_3 : i32
        %mul3A_546 = arith.constant 4096 : i32
        %mul3A_547 = arith.muli %sub3A_545, %mul3A_546 : i32
        %add3A_548 = arith.constant 2047 : i32
        %add3A_549 = arith.addi %mul3A_547, %add3A_548 : i32
        %sub3A_550 = arith.subi %add3A_549, %and3A_542 : i32
        %shift_right_logical3A_551 = arith.constant 4 : i32
        %shift_right_logical3A_552 = arith.shrui %and3A_542, %shift_right_logical3A_551 : i32
        %sub3A_553 = arith.constant 511 : i32
        %sub3A_554 = arith.subi %and3A_542, %sub3A_553 : i32
        %max3A = arith.constant 0 : i32
        %max3A_555 = arith.maxsi %sub3A_554, %max3A : i32
        %shift_right_arithmetic3A = arith.constant 4 : i32
        %shift_right_arithmetic3A_556 = arith.shrsi %max3A_555, %shift_right_arithmetic3A : i32
        %mul3A_557 = arith.constant 4096 : i32
        %mul3A_558 = arith.muli %sub3A_545, %mul3A_557 : i32
        %get3A_559 = arith.index_cast %mul3A_558 : i32 to index
        %get3A_560 = tpu.vector_load %arg5[%get3A_559] {strides = array<i32>} : memref<8192xf32, #tpu.memory_space<vmem>>, vector<16xf32>,
        %parallel_loop3A = arith.constant 0 : i32
        %parallel_loop3A_561 = arith.constant 1 : i32
        scf.for %parallel_loop3A_565 = %parallel_loop3A to %shift_right_arithmetic3A_556 step %parallel_loop3A_561  : i32 {
          %parallel_loop3A_566 = arith.constant 16 : i32
          %parallel_loop3A_567 = arith.muli %parallel_loop3A_565, %parallel_loop3A_566 : i32
          %parallel_loop3A_568 = arith.index_cast %scan3A_537 : i32 to index
          %parallel_loop3A_569 = arith.index_cast %parallel_loop3A_567 : i32 to index
          %parallel_loop3A_570 = tpu.vector_load %arg10[%parallel_loop3A_568, %parallel_loop3A_569] {strides = array<i32>} : memref<8x2048xf32, #tpu.memory_space<vmem>>, vector<16xf32>,
          %parallel_loop3A_571 = arith.addf %parallel_loop3A_570, %get3A_560 : vector<16xf32>
          %parallel_loop3A_572 = arith.index_cast %scan3A_537 : i32 to index
          %parallel_loop3A_573 = arith.index_cast %parallel_loop3A_567 : i32 to index
          %parallel_loop3A_574 = tpu.vector_load %arg10[%parallel_loop3A_572, %parallel_loop3A_573] {strides = array<i32>} : memref<8x2048xf32, #tpu.memory_space<vmem>>, vector<16xf32>,
          tpu.vector_store %arg10[%parallel_loop3A_572, %parallel_loop3A_573], %parallel_loop3A_571 {strides = array<i32>} : memref<8x2048xf32, #tpu.memory_space<vmem>>, vector<16xf32>,
        } {sc.loop_unroll_factor = 4 : i64, sc.parallel_access}
        %add3A_562 = arith.constant 1 : i32
        %add3A_563 = arith.addi %shift_right_logical3A_552, %add3A_562 : i32
        %parallel_loop3A_564 = arith.constant 1 : i32
        scf.for %parallel_loop3A_565 = %shift_right_arithmetic3A_556 to %add3A_563 step %parallel_loop3A_564  : i32 {
          %parallel_loop3A_566 = arith.constant 16 : i32
          %parallel_loop3A_567 = arith.muli %parallel_loop3A_565, %parallel_loop3A_566 : i32
          %parallel_loop3A_568 = arith.index_cast %scan3A_537 : i32 to index
          %parallel_loop3A_569 = arith.index_cast %parallel_loop3A_567 : i32 to index
          %parallel_loop3A_570 = tpu.vector_load %arg10[%parallel_loop3A_568, %parallel_loop3A_569] {strides = array<i32>} : memref<8x2048xf32, #tpu.memory_space<vmem>>, vector<16xf32>,
          %parallel_loop3A_571 = arith.addi %sub3A_550, %parallel_loop3A_567 : i32
          %parallel_loop3A_572 = arith.index_cast %parallel_loop3A_571 : i32 to index
          %parallel_loop3A_573 = tpu.vector_load %arg5[%parallel_loop3A_572] {strides = array<i32>} : memref<8192xf32, #tpu.memory_space<vmem>>, vector<16xf32>,
          %parallel_loop3A_574 = arith.addf %parallel_loop3A_570, %parallel_loop3A_573 : vector<16xf32>
          %parallel_loop3A_575 = arith.index_cast %scan3A_537 : i32 to index
          %parallel_loop3A_576 = arith.index_cast %parallel_loop3A_567 : i32 to index
          %parallel_loop3A_577 = tpu.vector_load %arg10[%parallel_loop3A_575, %parallel_loop3A_576] {strides = array<i32>} : memref<8x2048xf32, #tpu.memory_space<vmem>>, vector<16xf32>,
          tpu.vector_store %arg10[%parallel_loop3A_575, %parallel_loop3A_576], %parallel_loop3A_574 {strides = array<i32>} : memref<8x2048xf32, #tpu.memory_space<vmem>>, vector<16xf32>,
        } {sc.loop_unroll_factor = 4 : i64, sc.parallel_access}
      }
      %scan3A_306 = arith.constant 8 : i32
      %mul3A_307 = arith.constant 6 : i32
      %mul3A_308 = arith.muli %scan3A_260, %mul3A_307 : i32
      %add3A_309 = arith.constant 3 : i32
      %add3A_310 = arith.addi %add3A_309, %mul3A_308 : i32
      %add3A_311 = arith.constant 1 : i32
      %add3A_312 = arith.addi %add3A_310, %add3A_311 : i32
      %sub3A_313 = arith.constant 3 : i32
      %sub3A_314 = arith.subi %add3A_312, %sub3A_313 : i32
      %mul3A_315 = arith.constant 8 : i32
      %mul3A_316 = arith.muli %sub3A_314, %mul3A_315 : i32
      %add3A_317 = arith.addi %mul3A_2, %mul3A_316 : i32
      %dma_wait3A_318 = arith.constant 0 : i32
      %dma_wait3A_319 = tpu.memref_slice %arg4[%add3A_317, %dma_wait3A_318] : memref<24576x2048xf32, #tpu.memory_space<hbm>> -> memref<8x2048xf32, #tpu.memory_space<hbm>>
      %dma_wait3A_320 = arith.constant 0 : i32
      %dma_wait3A_321 = tpu.memref_slice %arg4[%add3A_317, %dma_wait3A_320] : memref<24576x2048xf32, #tpu.memory_space<hbm>> -> memref<8x2048xf32, #tpu.memory_space<hbm>>
      tpu.wait_dma2 semaphore(%arg20 : memref<!tpu.dma_semaphore, #tpu.memory_space<semaphore_mem>>) src(%arg8 : memref<8x2048xf32, #tpu.memory_space<vmem>>) dst(%dma_wait3A_321 : memref<8x2048xf32, #tpu.memory_space<hbm>>)
      %add3A_322 = arith.constant 3 : i32
      %add3A_323 = arith.addi %add3A_312, %add3A_322 : i32
      %mul3A_324 = arith.constant 8 : i32
      %mul3A_325 = arith.muli %add3A_323, %mul3A_324 : i32
      %add3A_326 = arith.addi %mul3A_2, %mul3A_325 : i32
      %dma_start3A_327 = arith.constant 0 : i32
      %dma_start3A_328 = tpu.memref_slice %arg2[%add3A_326, %dma_start3A_327] : memref<24576x2048xf32, #tpu.memory_space<hbm>> -> memref<8x2048xf32, #tpu.memory_space<hbm>>
      %dma_start3A_329 = arith.constant 0 : i32
      %dma_start3A_330 = tpu.memref_slice %arg2[%add3A_326, %dma_start3A_329] : memref<24576x2048xf32, #tpu.memory_space<hbm>> -> memref<8x2048xf32, #tpu.memory_space<hbm>>
      tpu.enqueue_dma source(%dma_start3A_330 : memref<8x2048xf32, #tpu.memory_space<hbm>>) target(%arg8 : memref<8x2048xf32, #tpu.memory_space<vmem>>) target_semaphore(%arg14 : memref<!tpu.dma_semaphore, #tpu.memory_space<semaphore_mem>>)
      %mul3A_331 = arith.constant 8 : i32
      %mul3A_332 = arith.muli %add3A_312, %mul3A_331 : i32
      %add3A_333 = arith.addi %mul3A_2, %mul3A_332 : i32
      %dma_wait3A_334 = arith.constant 0 : i32
      %dma_wait3A_335 = tpu.memref_slice %arg2[%add3A_333, %dma_wait3A_334] : memref<24576x2048xf32, #tpu.memory_space<hbm>> -> memref<8x2048xf32, #tpu.memory_space<hbm>>
      %dma_wait3A_336 = arith.constant 0 : i32
      %dma_wait3A_337 = tpu.memref_slice %arg2[%add3A_333, %dma_wait3A_336] : memref<24576x2048xf32, #tpu.memory_space<hbm>> -> memref<8x2048xf32, #tpu.memory_space<hbm>>
      tpu.wait_dma2 semaphore(%arg17 : memref<!tpu.dma_semaphore, #tpu.memory_space<semaphore_mem>>) src(%dma_wait3A_337 : memref<8x2048xf32, #tpu.memory_space<hbm>>) dst(%arg11 : memref<8x2048xf32, #tpu.memory_space<vmem>>)
      %sub3A_338 = arith.constant 1 : i32
      %sub3A_339 = arith.subi %add3A_312, %sub3A_338 : i32
      %mul3A_340 = arith.constant 8 : i32
      %mul3A_341 = arith.muli %sub3A_339, %mul3A_340 : i32
      %add3A_342 = arith.addi %mul3A_2, %mul3A_341 : i32
      %dma_start3A_343 = arith.constant 0 : i32
      %dma_start3A_344 = tpu.memref_slice %arg4[%add3A_342, %dma_start3A_343] : memref<24576x2048xf32, #tpu.memory_space<hbm>> -> memref<8x2048xf32, #tpu.memory_space<hbm>>
      %dma_start3A_345 = arith.constant 0 : i32
      %dma_start3A_346 = tpu.memref_slice %arg4[%add3A_342, %dma_start3A_345] : memref<24576x2048xf32, #tpu.memory_space<hbm>> -> memref<8x2048xf32, #tpu.memory_space<hbm>>
      tpu.enqueue_dma source(%arg10 : memref<8x2048xf32, #tpu.memory_space<vmem>>) target(%dma_start3A_346 : memref<8x2048xf32, #tpu.memory_space<hbm>>) target_semaphore(%arg22 : memref<!tpu.dma_semaphore, #tpu.memory_space<semaphore_mem>>)
      %scan3A_347 = arith.constant 0 : i32
      %scan3A_348 = arith.constant 0 : i32
      %scan3A_349 = arith.constant 8 : i32
      %scan3A_350 = arith.addi %scan3A_348, %scan3A_349 : i32
      %scan3A_351 = arith.constant 1 : i32
      scf.for %scan3A_537 = %scan3A_348 to %scan3A_350 step %scan3A_351  : i32 {
        %mul3A_538 = arith.constant 8 : i32
        %mul3A_539 = arith.muli %add3A_312, %mul3A_538 : i32
        %add3A_540 = arith.addi %mul3A_2, %mul3A_539 : i32
        %add3A_541 = arith.addi %add3A_540, %scan3A_537 : i32
        %and3A = arith.constant 2047 : i32
        %and3A_542 = arith.andi %add3A_541, %and3A : i32
        %shift_right_logical3A_543 = arith.constant 11 : i32
        %shift_right_logical3A_544 = arith.shrui %add3A_541, %shift_right_logical3A_543 : i32
        %sub3A_545 = arith.subi %shift_right_logical3A_544, %shift_right_logical3A_3 : i32
        %mul3A_546 = arith.constant 4096 : i32
        %mul3A_547 = arith.muli %sub3A_545, %mul3A_546 : i32
        %add3A_548 = arith.constant 2047 : i32
        %add3A_549 = arith.addi %mul3A_547, %add3A_548 : i32
        %sub3A_550 = arith.subi %add3A_549, %and3A_542 : i32
        %shift_right_logical3A_551 = arith.constant 4 : i32
        %shift_right_logical3A_552 = arith.shrui %and3A_542, %shift_right_logical3A_551 : i32
        %sub3A_553 = arith.constant 511 : i32
        %sub3A_554 = arith.subi %and3A_542, %sub3A_553 : i32
        %max3A = arith.constant 0 : i32
        %max3A_555 = arith.maxsi %sub3A_554, %max3A : i32
        %shift_right_arithmetic3A = arith.constant 4 : i32
        %shift_right_arithmetic3A_556 = arith.shrsi %max3A_555, %shift_right_arithmetic3A : i32
        %mul3A_557 = arith.constant 4096 : i32
        %mul3A_558 = arith.muli %sub3A_545, %mul3A_557 : i32
        %get3A_559 = arith.index_cast %mul3A_558 : i32 to index
        %get3A_560 = tpu.vector_load %arg5[%get3A_559] {strides = array<i32>} : memref<8192xf32, #tpu.memory_space<vmem>>, vector<16xf32>,
        %parallel_loop3A = arith.constant 0 : i32
        %parallel_loop3A_561 = arith.constant 1 : i32
        scf.for %parallel_loop3A_565 = %parallel_loop3A to %shift_right_arithmetic3A_556 step %parallel_loop3A_561  : i32 {
          %parallel_loop3A_566 = arith.constant 16 : i32
          %parallel_loop3A_567 = arith.muli %parallel_loop3A_565, %parallel_loop3A_566 : i32
          %parallel_loop3A_568 = arith.index_cast %scan3A_537 : i32 to index
          %parallel_loop3A_569 = arith.index_cast %parallel_loop3A_567 : i32 to index
          %parallel_loop3A_570 = tpu.vector_load %arg11[%parallel_loop3A_568, %parallel_loop3A_569] {strides = array<i32>} : memref<8x2048xf32, #tpu.memory_space<vmem>>, vector<16xf32>,
          %parallel_loop3A_571 = arith.addf %parallel_loop3A_570, %get3A_560 : vector<16xf32>
          %parallel_loop3A_572 = arith.index_cast %scan3A_537 : i32 to index
          %parallel_loop3A_573 = arith.index_cast %parallel_loop3A_567 : i32 to index
          %parallel_loop3A_574 = tpu.vector_load %arg11[%parallel_loop3A_572, %parallel_loop3A_573] {strides = array<i32>} : memref<8x2048xf32, #tpu.memory_space<vmem>>, vector<16xf32>,
          tpu.vector_store %arg11[%parallel_loop3A_572, %parallel_loop3A_573], %parallel_loop3A_571 {strides = array<i32>} : memref<8x2048xf32, #tpu.memory_space<vmem>>, vector<16xf32>,
        } {sc.loop_unroll_factor = 4 : i64, sc.parallel_access}
        %add3A_562 = arith.constant 1 : i32
        %add3A_563 = arith.addi %shift_right_logical3A_552, %add3A_562 : i32
        %parallel_loop3A_564 = arith.constant 1 : i32
        scf.for %parallel_loop3A_565 = %shift_right_arithmetic3A_556 to %add3A_563 step %parallel_loop3A_564  : i32 {
          %parallel_loop3A_566 = arith.constant 16 : i32
          %parallel_loop3A_567 = arith.muli %parallel_loop3A_565, %parallel_loop3A_566 : i32
          %parallel_loop3A_568 = arith.index_cast %scan3A_537 : i32 to index
          %parallel_loop3A_569 = arith.index_cast %parallel_loop3A_567 : i32 to index
          %parallel_loop3A_570 = tpu.vector_load %arg11[%parallel_loop3A_568, %parallel_loop3A_569] {strides = array<i32>} : memref<8x2048xf32, #tpu.memory_space<vmem>>, vector<16xf32>,
          %parallel_loop3A_571 = arith.addi %sub3A_550, %parallel_loop3A_567 : i32
          %parallel_loop3A_572 = arith.index_cast %parallel_loop3A_571 : i32 to index
          %parallel_loop3A_573 = tpu.vector_load %arg5[%parallel_loop3A_572] {strides = array<i32>} : memref<8192xf32, #tpu.memory_space<vmem>>, vector<16xf32>,
          %parallel_loop3A_574 = arith.addf %parallel_loop3A_570, %parallel_loop3A_573 : vector<16xf32>
          %parallel_loop3A_575 = arith.index_cast %scan3A_537 : i32 to index
          %parallel_loop3A_576 = arith.index_cast %parallel_loop3A_567 : i32 to index
          %parallel_loop3A_577 = tpu.vector_load %arg11[%parallel_loop3A_575, %parallel_loop3A_576] {strides = array<i32>} : memref<8x2048xf32, #tpu.memory_space<vmem>>, vector<16xf32>,
          tpu.vector_store %arg11[%parallel_loop3A_575, %parallel_loop3A_576], %parallel_loop3A_574 {strides = array<i32>} : memref<8x2048xf32, #tpu.memory_space<vmem>>, vector<16xf32>,
        } {sc.loop_unroll_factor = 4 : i64, sc.parallel_access}
      }
      %scan3A_352 = arith.constant 8 : i32
      %mul3A_353 = arith.constant 6 : i32
      %mul3A_354 = arith.muli %scan3A_260, %mul3A_353 : i32
      %add3A_355 = arith.constant 3 : i32
      %add3A_356 = arith.addi %add3A_355, %mul3A_354 : i32
      %add3A_357 = arith.constant 2 : i32
      %add3A_358 = arith.addi %add3A_356, %add3A_357 : i32
      %sub3A_359 = arith.constant 3 : i32
      %sub3A_360 = arith.subi %add3A_358, %sub3A_359 : i32
      %mul3A_361 = arith.constant 8 : i32
      %mul3A_362 = arith.muli %sub3A_360, %mul3A_361 : i32
      %add3A_363 = arith.addi %mul3A_2, %mul3A_362 : i32
      %dma_wait3A_364 = arith.constant 0 : i32
      %dma_wait3A_365 = tpu.memref_slice %arg4[%add3A_363, %dma_wait3A_364] : memref<24576x2048xf32, #tpu.memory_space<hbm>> -> memref<8x2048xf32, #tpu.memory_space<hbm>>
      %dma_wait3A_366 = arith.constant 0 : i32
      %dma_wait3A_367 = tpu.memref_slice %arg4[%add3A_363, %dma_wait3A_366] : memref<24576x2048xf32, #tpu.memory_space<hbm>> -> memref<8x2048xf32, #tpu.memory_space<hbm>>
      tpu.wait_dma2 semaphore(%arg21 : memref<!tpu.dma_semaphore, #tpu.memory_space<semaphore_mem>>) src(%arg9 : memref<8x2048xf32, #tpu.memory_space<vmem>>) dst(%dma_wait3A_367 : memref<8x2048xf32, #tpu.memory_space<hbm>>)
      %add3A_368 = arith.constant 3 : i32
      %add3A_369 = arith.addi %add3A_358, %add3A_368 : i32
      %mul3A_370 = arith.constant 8 : i32
      %mul3A_371 = arith.muli %add3A_369, %mul3A_370 : i32
      %add3A_372 = arith.addi %mul3A_2, %mul3A_371 : i32
      %dma_start3A_373 = arith.constant 0 : i32
      %dma_start3A_374 = tpu.memref_slice %arg2[%add3A_372, %dma_start3A_373] : memref<24576x2048xf32, #tpu.memory_space<hbm>> -> memref<8x2048xf32, #tpu.memory_space<hbm>>
      %dma_start3A_375 = arith.constant 0 : i32
      %dma_start3A_376 = tpu.memref_slice %arg2[%add3A_372, %dma_start3A_375] : memref<24576x2048xf32, #tpu.memory_space<hbm>> -> memref<8x2048xf32, #tpu.memory_space<hbm>>
      tpu.enqueue_dma source(%dma_start3A_376 : memref<8x2048xf32, #tpu.memory_space<hbm>>) target(%arg9 : memref<8x2048xf32, #tpu.memory_space<vmem>>) target_semaphore(%arg15 : memref<!tpu.dma_semaphore, #tpu.memory_space<semaphore_mem>>)
      %mul3A_377 = arith.constant 8 : i32
      %mul3A_378 = arith.muli %add3A_358, %mul3A_377 : i32
      %add3A_379 = arith.addi %mul3A_2, %mul3A_378 : i32
      %dma_wait3A_380 = arith.constant 0 : i32
      %dma_wait3A_381 = tpu.memref_slice %arg2[%add3A_379, %dma_wait3A_380] : memref<24576x2048xf32, #tpu.memory_space<hbm>> -> memref<8x2048xf32, #tpu.memory_space<hbm>>
      %dma_wait3A_382 = arith.constant 0 : i32
      %dma_wait3A_383 = tpu.memref_slice %arg2[%add3A_379, %dma_wait3A_382] : memref<24576x2048xf32, #tpu.memory_space<hbm>> -> memref<8x2048xf32, #tpu.memory_space<hbm>>
      tpu.wait_dma2 semaphore(%arg18 : memref<!tpu.dma_semaphore, #tpu.memory_space<semaphore_mem>>) src(%dma_wait3A_383 : memref<8x2048xf32, #tpu.memory_space<hbm>>) dst(%arg12 : memref<8x2048xf32, #tpu.memory_space<vmem>>)
      %sub3A_384 = arith.constant 1 : i32
      %sub3A_385 = arith.subi %add3A_358, %sub3A_384 : i32
      %mul3A_386 = arith.constant 8 : i32
      %mul3A_387 = arith.muli %sub3A_385, %mul3A_386 : i32
      %add3A_388 = arith.addi %mul3A_2, %mul3A_387 : i32
      %dma_start3A_389 = arith.constant 0 : i32
      %dma_start3A_390 = tpu.memref_slice %arg4[%add3A_388, %dma_start3A_389] : memref<24576x2048xf32, #tpu.memory_space<hbm>> -> memref<8x2048xf32, #tpu.memory_space<hbm>>
      %dma_start3A_391 = arith.constant 0 : i32
      %dma_start3A_392 = tpu.memref_slice %arg4[%add3A_388, %dma_start3A_391] : memref<24576x2048xf32, #tpu.memory_space<hbm>> -> memref<8x2048xf32, #tpu.memory_space<hbm>>
      tpu.enqueue_dma source(%arg11 : memref<8x2048xf32, #tpu.memory_space<vmem>>) target(%dma_start3A_392 : memref<8x2048xf32, #tpu.memory_space<hbm>>) target_semaphore(%arg23 : memref<!tpu.dma_semaphore, #tpu.memory_space<semaphore_mem>>)
      %scan3A_393 = arith.constant 0 : i32
      %scan3A_394 = arith.constant 0 : i32
      %scan3A_395 = arith.constant 8 : i32
      %scan3A_396 = arith.addi %scan3A_394, %scan3A_395 : i32
      %scan3A_397 = arith.constant 1 : i32
      scf.for %scan3A_537 = %scan3A_394 to %scan3A_396 step %scan3A_397  : i32 {
        %mul3A_538 = arith.constant 8 : i32
        %mul3A_539 = arith.muli %add3A_358, %mul3A_538 : i32
        %add3A_540 = arith.addi %mul3A_2, %mul3A_539 : i32
        %add3A_541 = arith.addi %add3A_540, %scan3A_537 : i32
        %and3A = arith.constant 2047 : i32
        %and3A_542 = arith.andi %add3A_541, %and3A : i32
        %shift_right_logical3A_543 = arith.constant 11 : i32
        %shift_right_logical3A_544 = arith.shrui %add3A_541, %shift_right_logical3A_543 : i32
        %sub3A_545 = arith.subi %shift_right_logical3A_544, %shift_right_logical3A_3 : i32
        %mul3A_546 = arith.constant 4096 : i32
        %mul3A_547 = arith.muli %sub3A_545, %mul3A_546 : i32
        %add3A_548 = arith.constant 2047 : i32
        %add3A_549 = arith.addi %mul3A_547, %add3A_548 : i32
        %sub3A_550 = arith.subi %add3A_549, %and3A_542 : i32
        %shift_right_logical3A_551 = arith.constant 4 : i32
        %shift_right_logical3A_552 = arith.shrui %and3A_542, %shift_right_logical3A_551 : i32
        %sub3A_553 = arith.constant 511 : i32
        %sub3A_554 = arith.subi %and3A_542, %sub3A_553 : i32
        %max3A = arith.constant 0 : i32
        %max3A_555 = arith.maxsi %sub3A_554, %max3A : i32
        %shift_right_arithmetic3A = arith.constant 4 : i32
        %shift_right_arithmetic3A_556 = arith.shrsi %max3A_555, %shift_right_arithmetic3A : i32
        %mul3A_557 = arith.constant 4096 : i32
        %mul3A_558 = arith.muli %sub3A_545, %mul3A_557 : i32
        %get3A_559 = arith.index_cast %mul3A_558 : i32 to index
        %get3A_560 = tpu.vector_load %arg5[%get3A_559] {strides = array<i32>} : memref<8192xf32, #tpu.memory_space<vmem>>, vector<16xf32>,
        %parallel_loop3A = arith.constant 0 : i32
        %parallel_loop3A_561 = arith.constant 1 : i32
        scf.for %parallel_loop3A_565 = %parallel_loop3A to %shift_right_arithmetic3A_556 step %parallel_loop3A_561  : i32 {
          %parallel_loop3A_566 = arith.constant 16 : i32
          %parallel_loop3A_567 = arith.muli %parallel_loop3A_565, %parallel_loop3A_566 : i32
          %parallel_loop3A_568 = arith.index_cast %scan3A_537 : i32 to index
          %parallel_loop3A_569 = arith.index_cast %parallel_loop3A_567 : i32 to index
          %parallel_loop3A_570 = tpu.vector_load %arg12[%parallel_loop3A_568, %parallel_loop3A_569] {strides = array<i32>} : memref<8x2048xf32, #tpu.memory_space<vmem>>, vector<16xf32>,
          %parallel_loop3A_571 = arith.addf %parallel_loop3A_570, %get3A_560 : vector<16xf32>
          %parallel_loop3A_572 = arith.index_cast %scan3A_537 : i32 to index
          %parallel_loop3A_573 = arith.index_cast %parallel_loop3A_567 : i32 to index
          %parallel_loop3A_574 = tpu.vector_load %arg12[%parallel_loop3A_572, %parallel_loop3A_573] {strides = array<i32>} : memref<8x2048xf32, #tpu.memory_space<vmem>>, vector<16xf32>,
          tpu.vector_store %arg12[%parallel_loop3A_572, %parallel_loop3A_573], %parallel_loop3A_571 {strides = array<i32>} : memref<8x2048xf32, #tpu.memory_space<vmem>>, vector<16xf32>,
        } {sc.loop_unroll_factor = 4 : i64, sc.parallel_access}
        %add3A_562 = arith.constant 1 : i32
        %add3A_563 = arith.addi %shift_right_logical3A_552, %add3A_562 : i32
        %parallel_loop3A_564 = arith.constant 1 : i32
        scf.for %parallel_loop3A_565 = %shift_right_arithmetic3A_556 to %add3A_563 step %parallel_loop3A_564  : i32 {
          %parallel_loop3A_566 = arith.constant 16 : i32
          %parallel_loop3A_567 = arith.muli %parallel_loop3A_565, %parallel_loop3A_566 : i32
          %parallel_loop3A_568 = arith.index_cast %scan3A_537 : i32 to index
          %parallel_loop3A_569 = arith.index_cast %parallel_loop3A_567 : i32 to index
          %parallel_loop3A_570 = tpu.vector_load %arg12[%parallel_loop3A_568, %parallel_loop3A_569] {strides = array<i32>} : memref<8x2048xf32, #tpu.memory_space<vmem>>, vector<16xf32>,
          %parallel_loop3A_571 = arith.addi %sub3A_550, %parallel_loop3A_567 : i32
          %parallel_loop3A_572 = arith.index_cast %parallel_loop3A_571 : i32 to index
          %parallel_loop3A_573 = tpu.vector_load %arg5[%parallel_loop3A_572] {strides = array<i32>} : memref<8192xf32, #tpu.memory_space<vmem>>, vector<16xf32>,
          %parallel_loop3A_574 = arith.addf %parallel_loop3A_570, %parallel_loop3A_573 : vector<16xf32>
          %parallel_loop3A_575 = arith.index_cast %scan3A_537 : i32 to index
          %parallel_loop3A_576 = arith.index_cast %parallel_loop3A_567 : i32 to index
          %parallel_loop3A_577 = tpu.vector_load %arg12[%parallel_loop3A_575, %parallel_loop3A_576] {strides = array<i32>} : memref<8x2048xf32, #tpu.memory_space<vmem>>, vector<16xf32>,
          tpu.vector_store %arg12[%parallel_loop3A_575, %parallel_loop3A_576], %parallel_loop3A_574 {strides = array<i32>} : memref<8x2048xf32, #tpu.memory_space<vmem>>, vector<16xf32>,
        } {sc.loop_unroll_factor = 4 : i64, sc.parallel_access}
      }
      %scan3A_398 = arith.constant 8 : i32
      %mul3A_399 = arith.constant 6 : i32
      %mul3A_400 = arith.muli %scan3A_260, %mul3A_399 : i32
      %add3A_401 = arith.constant 3 : i32
      %add3A_402 = arith.addi %add3A_401, %mul3A_400 : i32
      %add3A_403 = arith.constant 3 : i32
      %add3A_404 = arith.addi %add3A_402, %add3A_403 : i32
      %sub3A_405 = arith.constant 3 : i32
      %sub3A_406 = arith.subi %add3A_404, %sub3A_405 : i32
      %mul3A_407 = arith.constant 8 : i32
      %mul3A_408 = arith.muli %sub3A_406, %mul3A_407 : i32
      %add3A_409 = arith.addi %mul3A_2, %mul3A_408 : i32
      %dma_wait3A_410 = arith.constant 0 : i32
      %dma_wait3A_411 = tpu.memref_slice %arg4[%add3A_409, %dma_wait3A_410] : memref<24576x2048xf32, #tpu.memory_space<hbm>> -> memref<8x2048xf32, #tpu.memory_space<hbm>>
      %dma_wait3A_412 = arith.constant 0 : i32
      %dma_wait3A_413 = tpu.memref_slice %arg4[%add3A_409, %dma_wait3A_412] : memref<24576x2048xf32, #tpu.memory_space<hbm>> -> memref<8x2048xf32, #tpu.memory_space<hbm>>
      tpu.wait_dma2 semaphore(%arg22 : memref<!tpu.dma_semaphore, #tpu.memory_space<semaphore_mem>>) src(%arg10 : memref<8x2048xf32, #tpu.memory_space<vmem>>) dst(%dma_wait3A_413 : memref<8x2048xf32, #tpu.memory_space<hbm>>)
      %add3A_414 = arith.constant 3 : i32
      %add3A_415 = arith.addi %add3A_404, %add3A_414 : i32
      %mul3A_416 = arith.constant 8 : i32
      %mul3A_417 = arith.muli %add3A_415, %mul3A_416 : i32
      %add3A_418 = arith.addi %mul3A_2, %mul3A_417 : i32
      %dma_start3A_419 = arith.constant 0 : i32
      %dma_start3A_420 = tpu.memref_slice %arg2[%add3A_418, %dma_start3A_419] : memref<24576x2048xf32, #tpu.memory_space<hbm>> -> memref<8x2048xf32, #tpu.memory_space<hbm>>
      %dma_start3A_421 = arith.constant 0 : i32
      %dma_start3A_422 = tpu.memref_slice %arg2[%add3A_418, %dma_start3A_421] : memref<24576x2048xf32, #tpu.memory_space<hbm>> -> memref<8x2048xf32, #tpu.memory_space<hbm>>
      tpu.enqueue_dma source(%dma_start3A_422 : memref<8x2048xf32, #tpu.memory_space<hbm>>) target(%arg10 : memref<8x2048xf32, #tpu.memory_space<vmem>>) target_semaphore(%arg16 : memref<!tpu.dma_semaphore, #tpu.memory_space<semaphore_mem>>)
      %mul3A_423 = arith.constant 8 : i32
      %mul3A_424 = arith.muli %add3A_404, %mul3A_423 : i32
      %add3A_425 = arith.addi %mul3A_2, %mul3A_424 : i32
      %dma_wait3A_426 = arith.constant 0 : i32
      %dma_wait3A_427 = tpu.memref_slice %arg2[%add3A_425, %dma_wait3A_426] : memref<24576x2048xf32, #tpu.memory_space<hbm>> -> memref<8x2048xf32, #tpu.memory_space<hbm>>
      %dma_wait3A_428 = arith.constant 0 : i32
      %dma_wait3A_429 = tpu.memref_slice %arg2[%add3A_425, %dma_wait3A_428] : memref<24576x2048xf32, #tpu.memory_space<hbm>> -> memref<8x2048xf32, #tpu.memory_space<hbm>>
      tpu.wait_dma2 semaphore(%arg13 : memref<!tpu.dma_semaphore, #tpu.memory_space<semaphore_mem>>) src(%dma_wait3A_429 : memref<8x2048xf32, #tpu.memory_space<hbm>>) dst(%arg7 : memref<8x2048xf32, #tpu.memory_space<vmem>>)
      %sub3A_430 = arith.constant 1 : i32
      %sub3A_431 = arith.subi %add3A_404, %sub3A_430 : i32
      %mul3A_432 = arith.constant 8 : i32
      %mul3A_433 = arith.muli %sub3A_431, %mul3A_432 : i32
      %add3A_434 = arith.addi %mul3A_2, %mul3A_433 : i32
      %dma_start3A_435 = arith.constant 0 : i32
      %dma_start3A_436 = tpu.memref_slice %arg4[%add3A_434, %dma_start3A_435] : memref<24576x2048xf32, #tpu.memory_space<hbm>> -> memref<8x2048xf32, #tpu.memory_space<hbm>>
      %dma_start3A_437 = arith.constant 0 : i32
      %dma_start3A_438 = tpu.memref_slice %arg4[%add3A_434, %dma_start3A_437] : memref<24576x2048xf32, #tpu.memory_space<hbm>> -> memref<8x2048xf32, #tpu.memory_space<hbm>>
      tpu.enqueue_dma source(%arg12 : memref<8x2048xf32, #tpu.memory_space<vmem>>) target(%dma_start3A_438 : memref<8x2048xf32, #tpu.memory_space<hbm>>) target_semaphore(%arg24 : memref<!tpu.dma_semaphore, #tpu.memory_space<semaphore_mem>>)
      %scan3A_439 = arith.constant 0 : i32
      %scan3A_440 = arith.constant 0 : i32
      %scan3A_441 = arith.constant 8 : i32
      %scan3A_442 = arith.addi %scan3A_440, %scan3A_441 : i32
      %scan3A_443 = arith.constant 1 : i32
      scf.for %scan3A_537 = %scan3A_440 to %scan3A_442 step %scan3A_443  : i32 {
        %mul3A_538 = arith.constant 8 : i32
        %mul3A_539 = arith.muli %add3A_404, %mul3A_538 : i32
        %add3A_540 = arith.addi %mul3A_2, %mul3A_539 : i32
        %add3A_541 = arith.addi %add3A_540, %scan3A_537 : i32
        %and3A = arith.constant 2047 : i32
        %and3A_542 = arith.andi %add3A_541, %and3A : i32
        %shift_right_logical3A_543 = arith.constant 11 : i32
        %shift_right_logical3A_544 = arith.shrui %add3A_541, %shift_right_logical3A_543 : i32
        %sub3A_545 = arith.subi %shift_right_logical3A_544, %shift_right_logical3A_3 : i32
        %mul3A_546 = arith.constant 4096 : i32
        %mul3A_547 = arith.muli %sub3A_545, %mul3A_546 : i32
        %add3A_548 = arith.constant 2047 : i32
        %add3A_549 = arith.addi %mul3A_547, %add3A_548 : i32
        %sub3A_550 = arith.subi %add3A_549, %and3A_542 : i32
        %shift_right_logical3A_551 = arith.constant 4 : i32
        %shift_right_logical3A_552 = arith.shrui %and3A_542, %shift_right_logical3A_551 : i32
        %sub3A_553 = arith.constant 511 : i32
        %sub3A_554 = arith.subi %and3A_542, %sub3A_553 : i32
        %max3A = arith.constant 0 : i32
        %max3A_555 = arith.maxsi %sub3A_554, %max3A : i32
        %shift_right_arithmetic3A = arith.constant 4 : i32
        %shift_right_arithmetic3A_556 = arith.shrsi %max3A_555, %shift_right_arithmetic3A : i32
        %mul3A_557 = arith.constant 4096 : i32
        %mul3A_558 = arith.muli %sub3A_545, %mul3A_557 : i32
        %get3A_559 = arith.index_cast %mul3A_558 : i32 to index
        %get3A_560 = tpu.vector_load %arg5[%get3A_559] {strides = array<i32>} : memref<8192xf32, #tpu.memory_space<vmem>>, vector<16xf32>,
        %parallel_loop3A = arith.constant 0 : i32
        %parallel_loop3A_561 = arith.constant 1 : i32
        scf.for %parallel_loop3A_565 = %parallel_loop3A to %shift_right_arithmetic3A_556 step %parallel_loop3A_561  : i32 {
          %parallel_loop3A_566 = arith.constant 16 : i32
          %parallel_loop3A_567 = arith.muli %parallel_loop3A_565, %parallel_loop3A_566 : i32
          %parallel_loop3A_568 = arith.index_cast %scan3A_537 : i32 to index
          %parallel_loop3A_569 = arith.index_cast %parallel_loop3A_567 : i32 to index
          %parallel_loop3A_570 = tpu.vector_load %arg7[%parallel_loop3A_568, %parallel_loop3A_569] {strides = array<i32>} : memref<8x2048xf32, #tpu.memory_space<vmem>>, vector<16xf32>,
          %parallel_loop3A_571 = arith.addf %parallel_loop3A_570, %get3A_560 : vector<16xf32>
          %parallel_loop3A_572 = arith.index_cast %scan3A_537 : i32 to index
          %parallel_loop3A_573 = arith.index_cast %parallel_loop3A_567 : i32 to index
          %parallel_loop3A_574 = tpu.vector_load %arg7[%parallel_loop3A_572, %parallel_loop3A_573] {strides = array<i32>} : memref<8x2048xf32, #tpu.memory_space<vmem>>, vector<16xf32>,
          tpu.vector_store %arg7[%parallel_loop3A_572, %parallel_loop3A_573], %parallel_loop3A_571 {strides = array<i32>} : memref<8x2048xf32, #tpu.memory_space<vmem>>, vector<16xf32>,
        } {sc.loop_unroll_factor = 4 : i64, sc.parallel_access}
        %add3A_562 = arith.constant 1 : i32
        %add3A_563 = arith.addi %shift_right_logical3A_552, %add3A_562 : i32
        %parallel_loop3A_564 = arith.constant 1 : i32
        scf.for %parallel_loop3A_565 = %shift_right_arithmetic3A_556 to %add3A_563 step %parallel_loop3A_564  : i32 {
          %parallel_loop3A_566 = arith.constant 16 : i32
          %parallel_loop3A_567 = arith.muli %parallel_loop3A_565, %parallel_loop3A_566 : i32
          %parallel_loop3A_568 = arith.index_cast %scan3A_537 : i32 to index
          %parallel_loop3A_569 = arith.index_cast %parallel_loop3A_567 : i32 to index
          %parallel_loop3A_570 = tpu.vector_load %arg7[%parallel_loop3A_568, %parallel_loop3A_569] {strides = array<i32>} : memref<8x2048xf32, #tpu.memory_space<vmem>>, vector<16xf32>,
          %parallel_loop3A_571 = arith.addi %sub3A_550, %parallel_loop3A_567 : i32
          %parallel_loop3A_572 = arith.index_cast %parallel_loop3A_571 : i32 to index
          %parallel_loop3A_573 = tpu.vector_load %arg5[%parallel_loop3A_572] {strides = array<i32>} : memref<8192xf32, #tpu.memory_space<vmem>>, vector<16xf32>,
          %parallel_loop3A_574 = arith.addf %parallel_loop3A_570, %parallel_loop3A_573 : vector<16xf32>
          %parallel_loop3A_575 = arith.index_cast %scan3A_537 : i32 to index
          %parallel_loop3A_576 = arith.index_cast %parallel_loop3A_567 : i32 to index
          %parallel_loop3A_577 = tpu.vector_load %arg7[%parallel_loop3A_575, %parallel_loop3A_576] {strides = array<i32>} : memref<8x2048xf32, #tpu.memory_space<vmem>>, vector<16xf32>,
          tpu.vector_store %arg7[%parallel_loop3A_575, %parallel_loop3A_576], %parallel_loop3A_574 {strides = array<i32>} : memref<8x2048xf32, #tpu.memory_space<vmem>>, vector<16xf32>,
        } {sc.loop_unroll_factor = 4 : i64, sc.parallel_access}
      }
      %scan3A_444 = arith.constant 8 : i32
      %mul3A_445 = arith.constant 6 : i32
      %mul3A_446 = arith.muli %scan3A_260, %mul3A_445 : i32
      %add3A_447 = arith.constant 3 : i32
      %add3A_448 = arith.addi %add3A_447, %mul3A_446 : i32
      %add3A_449 = arith.constant 4 : i32
      %add3A_450 = arith.addi %add3A_448, %add3A_449 : i32
      %sub3A_451 = arith.constant 3 : i32
      %sub3A_452 = arith.subi %add3A_450, %sub3A_451 : i32
      %mul3A_453 = arith.constant 8 : i32
      %mul3A_454 = arith.muli %sub3A_452, %mul3A_453 : i32
      %add3A_455 = arith.addi %mul3A_2, %mul3A_454 : i32
      %dma_wait3A_456 = arith.constant 0 : i32
      %dma_wait3A_457 = tpu.memref_slice %arg4[%add3A_455, %dma_wait3A_456] : memref<24576x2048xf32, #tpu.memory_space<hbm>> -> memref<8x2048xf32, #tpu.memory_space<hbm>>
      %dma_wait3A_458 = arith.constant 0 : i32
      %dma_wait3A_459 = tpu.memref_slice %arg4[%add3A_455, %dma_wait3A_458] : memref<24576x2048xf32, #tpu.memory_space<hbm>> -> memref<8x2048xf32, #tpu.memory_space<hbm>>
      tpu.wait_dma2 semaphore(%arg23 : memref<!tpu.dma_semaphore, #tpu.memory_space<semaphore_mem>>) src(%arg11 : memref<8x2048xf32, #tpu.memory_space<vmem>>) dst(%dma_wait3A_459 : memref<8x2048xf32, #tpu.memory_space<hbm>>)
      %add3A_460 = arith.constant 3 : i32
      %add3A_461 = arith.addi %add3A_450, %add3A_460 : i32
      %mul3A_462 = arith.constant 8 : i32
      %mul3A_463 = arith.muli %add3A_461, %mul3A_462 : i32
      %add3A_464 = arith.addi %mul3A_2, %mul3A_463 : i32
      %dma_start3A_465 = arith.constant 0 : i32
      %dma_start3A_466 = tpu.memref_slice %arg2[%add3A_464, %dma_start3A_465] : memref<24576x2048xf32, #tpu.memory_space<hbm>> -> memref<8x2048xf32, #tpu.memory_space<hbm>>
      %dma_start3A_467 = arith.constant 0 : i32
      %dma_start3A_468 = tpu.memref_slice %arg2[%add3A_464, %dma_start3A_467] : memref<24576x2048xf32, #tpu.memory_space<hbm>> -> memref<8x2048xf32, #tpu.memory_space<hbm>>
      tpu.enqueue_dma source(%dma_start3A_468 : memref<8x2048xf32, #tpu.memory_space<hbm>>) target(%arg11 : memref<8x2048xf32, #tpu.memory_space<vmem>>) target_semaphore(%arg17 : memref<!tpu.dma_semaphore, #tpu.memory_space<semaphore_mem>>)
      %mul3A_469 = arith.constant 8 : i32
      %mul3A_470 = arith.muli %add3A_450, %mul3A_469 : i32
      %add3A_471 = arith.addi %mul3A_2, %mul3A_470 : i32
      %dma_wait3A_472 = arith.constant 0 : i32
      %dma_wait3A_473 = tpu.memref_slice %arg2[%add3A_471, %dma_wait3A_472] : memref<24576x2048xf32, #tpu.memory_space<hbm>> -> memref<8x2048xf32, #tpu.memory_space<hbm>>
      %dma_wait3A_474 = arith.constant 0 : i32
      %dma_wait3A_475 = tpu.memref_slice %arg2[%add3A_471, %dma_wait3A_474] : memref<24576x2048xf32, #tpu.memory_space<hbm>> -> memref<8x2048xf32, #tpu.memory_space<hbm>>
      tpu.wait_dma2 semaphore(%arg14 : memref<!tpu.dma_semaphore, #tpu.memory_space<semaphore_mem>>) src(%dma_wait3A_475 : memref<8x2048xf32, #tpu.memory_space<hbm>>) dst(%arg8 : memref<8x2048xf32, #tpu.memory_space<vmem>>)
      %sub3A_476 = arith.constant 1 : i32
      %sub3A_477 = arith.subi %add3A_450, %sub3A_476 : i32
      %mul3A_478 = arith.constant 8 : i32
      %mul3A_479 = arith.muli %sub3A_477, %mul3A_478 : i32
      %add3A_480 = arith.addi %mul3A_2, %mul3A_479 : i32
      %dma_start3A_481 = arith.constant 0 : i32
      %dma_start3A_482 = tpu.memref_slice %arg4[%add3A_480, %dma_start3A_481] : memref<24576x2048xf32, #tpu.memory_space<hbm>> -> memref<8x2048xf32, #tpu.memory_space<hbm>>
      %dma_start3A_483 = arith.constant 0 : i32
      %dma_start3A_484 = tpu.memref_slice %arg4[%add3A_480, %dma_start3A_483] : memref<24576x2048xf32, #tpu.memory_space<hbm>> -> memref<8x2048xf32, #tpu.memory_space<hbm>>
      tpu.enqueue_dma source(%arg7 : memref<8x2048xf32, #tpu.memory_space<vmem>>) target(%dma_start3A_484 : memref<8x2048xf32, #tpu.memory_space<hbm>>) target_semaphore(%arg19 : memref<!tpu.dma_semaphore, #tpu.memory_space<semaphore_mem>>)
      %scan3A_485 = arith.constant 0 : i32
      %scan3A_486 = arith.constant 0 : i32
      %scan3A_487 = arith.constant 8 : i32
      %scan3A_488 = arith.addi %scan3A_486, %scan3A_487 : i32
      %scan3A_489 = arith.constant 1 : i32
      scf.for %scan3A_537 = %scan3A_486 to %scan3A_488 step %scan3A_489  : i32 {
        %mul3A_538 = arith.constant 8 : i32
        %mul3A_539 = arith.muli %add3A_450, %mul3A_538 : i32
        %add3A_540 = arith.addi %mul3A_2, %mul3A_539 : i32
        %add3A_541 = arith.addi %add3A_540, %scan3A_537 : i32
        %and3A = arith.constant 2047 : i32
        %and3A_542 = arith.andi %add3A_541, %and3A : i32
        %shift_right_logical3A_543 = arith.constant 11 : i32
        %shift_right_logical3A_544 = arith.shrui %add3A_541, %shift_right_logical3A_543 : i32
        %sub3A_545 = arith.subi %shift_right_logical3A_544, %shift_right_logical3A_3 : i32
        %mul3A_546 = arith.constant 4096 : i32
        %mul3A_547 = arith.muli %sub3A_545, %mul3A_546 : i32
        %add3A_548 = arith.constant 2047 : i32
        %add3A_549 = arith.addi %mul3A_547, %add3A_548 : i32
        %sub3A_550 = arith.subi %add3A_549, %and3A_542 : i32
        %shift_right_logical3A_551 = arith.constant 4 : i32
        %shift_right_logical3A_552 = arith.shrui %and3A_542, %shift_right_logical3A_551 : i32
        %sub3A_553 = arith.constant 511 : i32
        %sub3A_554 = arith.subi %and3A_542, %sub3A_553 : i32
        %max3A = arith.constant 0 : i32
        %max3A_555 = arith.maxsi %sub3A_554, %max3A : i32
        %shift_right_arithmetic3A = arith.constant 4 : i32
        %shift_right_arithmetic3A_556 = arith.shrsi %max3A_555, %shift_right_arithmetic3A : i32
        %mul3A_557 = arith.constant 4096 : i32
        %mul3A_558 = arith.muli %sub3A_545, %mul3A_557 : i32
        %get3A_559 = arith.index_cast %mul3A_558 : i32 to index
        %get3A_560 = tpu.vector_load %arg5[%get3A_559] {strides = array<i32>} : memref<8192xf32, #tpu.memory_space<vmem>>, vector<16xf32>,
        %parallel_loop3A = arith.constant 0 : i32
        %parallel_loop3A_561 = arith.constant 1 : i32
        scf.for %parallel_loop3A_565 = %parallel_loop3A to %shift_right_arithmetic3A_556 step %parallel_loop3A_561  : i32 {
          %parallel_loop3A_566 = arith.constant 16 : i32
          %parallel_loop3A_567 = arith.muli %parallel_loop3A_565, %parallel_loop3A_566 : i32
          %parallel_loop3A_568 = arith.index_cast %scan3A_537 : i32 to index
          %parallel_loop3A_569 = arith.index_cast %parallel_loop3A_567 : i32 to index
          %parallel_loop3A_570 = tpu.vector_load %arg8[%parallel_loop3A_568, %parallel_loop3A_569] {strides = array<i32>} : memref<8x2048xf32, #tpu.memory_space<vmem>>, vector<16xf32>,
          %parallel_loop3A_571 = arith.addf %parallel_loop3A_570, %get3A_560 : vector<16xf32>
          %parallel_loop3A_572 = arith.index_cast %scan3A_537 : i32 to index
          %parallel_loop3A_573 = arith.index_cast %parallel_loop3A_567 : i32 to index
          %parallel_loop3A_574 = tpu.vector_load %arg8[%parallel_loop3A_572, %parallel_loop3A_573] {strides = array<i32>} : memref<8x2048xf32, #tpu.memory_space<vmem>>, vector<16xf32>,
          tpu.vector_store %arg8[%parallel_loop3A_572, %parallel_loop3A_573], %parallel_loop3A_571 {strides = array<i32>} : memref<8x2048xf32, #tpu.memory_space<vmem>>, vector<16xf32>,
        } {sc.loop_unroll_factor = 4 : i64, sc.parallel_access}
        %add3A_562 = arith.constant 1 : i32
        %add3A_563 = arith.addi %shift_right_logical3A_552, %add3A_562 : i32
        %parallel_loop3A_564 = arith.constant 1 : i32
        scf.for %parallel_loop3A_565 = %shift_right_arithmetic3A_556 to %add3A_563 step %parallel_loop3A_564  : i32 {
          %parallel_loop3A_566 = arith.constant 16 : i32
          %parallel_loop3A_567 = arith.muli %parallel_loop3A_565, %parallel_loop3A_566 : i32
          %parallel_loop3A_568 = arith.index_cast %scan3A_537 : i32 to index
          %parallel_loop3A_569 = arith.index_cast %parallel_loop3A_567 : i32 to index
          %parallel_loop3A_570 = tpu.vector_load %arg8[%parallel_loop3A_568, %parallel_loop3A_569] {strides = array<i32>} : memref<8x2048xf32, #tpu.memory_space<vmem>>, vector<16xf32>,
          %parallel_loop3A_571 = arith.addi %sub3A_550, %parallel_loop3A_567 : i32
          %parallel_loop3A_572 = arith.index_cast %parallel_loop3A_571 : i32 to index
          %parallel_loop3A_573 = tpu.vector_load %arg5[%parallel_loop3A_572] {strides = array<i32>} : memref<8192xf32, #tpu.memory_space<vmem>>, vector<16xf32>,
          %parallel_loop3A_574 = arith.addf %parallel_loop3A_570, %parallel_loop3A_573 : vector<16xf32>
          %parallel_loop3A_575 = arith.index_cast %scan3A_537 : i32 to index
          %parallel_loop3A_576 = arith.index_cast %parallel_loop3A_567 : i32 to index
          %parallel_loop3A_577 = tpu.vector_load %arg8[%parallel_loop3A_575, %parallel_loop3A_576] {strides = array<i32>} : memref<8x2048xf32, #tpu.memory_space<vmem>>, vector<16xf32>,
          tpu.vector_store %arg8[%parallel_loop3A_575, %parallel_loop3A_576], %parallel_loop3A_574 {strides = array<i32>} : memref<8x2048xf32, #tpu.memory_space<vmem>>, vector<16xf32>,
        } {sc.loop_unroll_factor = 4 : i64, sc.parallel_access}
      }
      %scan3A_490 = arith.constant 8 : i32
      %mul3A_491 = arith.constant 6 : i32
      %mul3A_492 = arith.muli %scan3A_260, %mul3A_491 : i32
      %add3A_493 = arith.constant 3 : i32
      %add3A_494 = arith.addi %add3A_493, %mul3A_492 : i32
      %add3A_495 = arith.constant 5 : i32
      %add3A_496 = arith.addi %add3A_494, %add3A_495 : i32
      %sub3A_497 = arith.constant 3 : i32
      %sub3A_498 = arith.subi %add3A_496, %sub3A_497 : i32
      %mul3A_499 = arith.constant 8 : i32
      %mul3A_500 = arith.muli %sub3A_498, %mul3A_499 : i32
      %add3A_501 = arith.addi %mul3A_2, %mul3A_500 : i32
      %dma_wait3A_502 = arith.constant 0 : i32
      %dma_wait3A_503 = tpu.memref_slice %arg4[%add3A_501, %dma_wait3A_502] : memref<24576x2048xf32, #tpu.memory_space<hbm>> -> memref<8x2048xf32, #tpu.memory_space<hbm>>
      %dma_wait3A_504 = arith.constant 0 : i32
      %dma_wait3A_505 = tpu.memref_slice %arg4[%add3A_501, %dma_wait3A_504] : memref<24576x2048xf32, #tpu.memory_space<hbm>> -> memref<8x2048xf32, #tpu.memory_space<hbm>>
      tpu.wait_dma2 semaphore(%arg24 : memref<!tpu.dma_semaphore, #tpu.memory_space<semaphore_mem>>) src(%arg12 : memref<8x2048xf32, #tpu.memory_space<vmem>>) dst(%dma_wait3A_505 : memref<8x2048xf32, #tpu.memory_space<hbm>>)
      %add3A_506 = arith.constant 3 : i32
      %add3A_507 = arith.addi %add3A_496, %add3A_506 : i32
      %mul3A_508 = arith.constant 8 : i32
      %mul3A_509 = arith.muli %add3A_507, %mul3A_508 : i32
      %add3A_510 = arith.addi %mul3A_2, %mul3A_509 : i32
      %dma_start3A_511 = arith.constant 0 : i32
      %dma_start3A_512 = tpu.memref_slice %arg2[%add3A_510, %dma_start3A_511] : memref<24576x2048xf32, #tpu.memory_space<hbm>> -> memref<8x2048xf32, #tpu.memory_space<hbm>>
      %dma_start3A_513 = arith.constant 0 : i32
      %dma_start3A_514 = tpu.memref_slice %arg2[%add3A_510, %dma_start3A_513] : memref<24576x2048xf32, #tpu.memory_space<hbm>> -> memref<8x2048xf32, #tpu.memory_space<hbm>>
      tpu.enqueue_dma source(%dma_start3A_514 : memref<8x2048xf32, #tpu.memory_space<hbm>>) target(%arg12 : memref<8x2048xf32, #tpu.memory_space<vmem>>) target_semaphore(%arg18 : memref<!tpu.dma_semaphore, #tpu.memory_space<semaphore_mem>>)
      %mul3A_515 = arith.constant 8 : i32
      %mul3A_516 = arith.muli %add3A_496, %mul3A_515 : i32
      %add3A_517 = arith.addi %mul3A_2, %mul3A_516 : i32
      %dma_wait3A_518 = arith.constant 0 : i32
      %dma_wait3A_519 = tpu.memref_slice %arg2[%add3A_517, %dma_wait3A_518] : memref<24576x2048xf32, #tpu.memory_space<hbm>> -> memref<8x2048xf32, #tpu.memory_space<hbm>>
      %dma_wait3A_520 = arith.constant 0 : i32
      %dma_wait3A_521 = tpu.memref_slice %arg2[%add3A_517, %dma_wait3A_520] : memref<24576x2048xf32, #tpu.memory_space<hbm>> -> memref<8x2048xf32, #tpu.memory_space<hbm>>
      tpu.wait_dma2 semaphore(%arg15 : memref<!tpu.dma_semaphore, #tpu.memory_space<semaphore_mem>>) src(%dma_wait3A_521 : memref<8x2048xf32, #tpu.memory_space<hbm>>) dst(%arg9 : memref<8x2048xf32, #tpu.memory_space<vmem>>)
      %sub3A_522 = arith.constant 1 : i32
      %sub3A_523 = arith.subi %add3A_496, %sub3A_522 : i32
      %mul3A_524 = arith.constant 8 : i32
      %mul3A_525 = arith.muli %sub3A_523, %mul3A_524 : i32
      %add3A_526 = arith.addi %mul3A_2, %mul3A_525 : i32
      %dma_start3A_527 = arith.constant 0 : i32
      %dma_start3A_528 = tpu.memref_slice %arg4[%add3A_526, %dma_start3A_527] : memref<24576x2048xf32, #tpu.memory_space<hbm>> -> memref<8x2048xf32, #tpu.memory_space<hbm>>
      %dma_start3A_529 = arith.constant 0 : i32
      %dma_start3A_530 = tpu.memref_slice %arg4[%add3A_526, %dma_start3A_529] : memref<24576x2048xf32, #tpu.memory_space<hbm>> -> memref<8x2048xf32, #tpu.memory_space<hbm>>
      tpu.enqueue_dma source(%arg8 : memref<8x2048xf32, #tpu.memory_space<vmem>>) target(%dma_start3A_530 : memref<8x2048xf32, #tpu.memory_space<hbm>>) target_semaphore(%arg20 : memref<!tpu.dma_semaphore, #tpu.memory_space<semaphore_mem>>)
      %scan3A_531 = arith.constant 0 : i32
      %scan3A_532 = arith.constant 0 : i32
      %scan3A_533 = arith.constant 8 : i32
      %scan3A_534 = arith.addi %scan3A_532, %scan3A_533 : i32
      %scan3A_535 = arith.constant 1 : i32
      scf.for %scan3A_537 = %scan3A_532 to %scan3A_534 step %scan3A_535  : i32 {
        %mul3A_538 = arith.constant 8 : i32
        %mul3A_539 = arith.muli %add3A_496, %mul3A_538 : i32
        %add3A_540 = arith.addi %mul3A_2, %mul3A_539 : i32
        %add3A_541 = arith.addi %add3A_540, %scan3A_537 : i32
        %and3A = arith.constant 2047 : i32
        %and3A_542 = arith.andi %add3A_541, %and3A : i32
        %shift_right_logical3A_543 = arith.constant 11 : i32
        %shift_right_logical3A_544 = arith.shrui %add3A_541, %shift_right_logical3A_543 : i32
        %sub3A_545 = arith.subi %shift_right_logical3A_544, %shift_right_logical3A_3 : i32
        %mul3A_546 = arith.constant 4096 : i32
        %mul3A_547 = arith.muli %sub3A_545, %mul3A_546 : i32
        %add3A_548 = arith.constant 2047 : i32
        %add3A_549 = arith.addi %mul3A_547, %add3A_548 : i32
        %sub3A_550 = arith.subi %add3A_549, %and3A_542 : i32
        %shift_right_logical3A_551 = arith.constant 4 : i32
        %shift_right_logical3A_552 = arith.shrui %and3A_542, %shift_right_logical3A_551 : i32
        %sub3A_553 = arith.constant 511 : i32
        %sub3A_554 = arith.subi %and3A_542, %sub3A_553 : i32
        %max3A = arith.constant 0 : i32
        %max3A_555 = arith.maxsi %sub3A_554, %max3A : i32
        %shift_right_arithmetic3A = arith.constant 4 : i32
        %shift_right_arithmetic3A_556 = arith.shrsi %max3A_555, %shift_right_arithmetic3A : i32
        %mul3A_557 = arith.constant 4096 : i32
        %mul3A_558 = arith.muli %sub3A_545, %mul3A_557 : i32
        %get3A_559 = arith.index_cast %mul3A_558 : i32 to index
        %get3A_560 = tpu.vector_load %arg5[%get3A_559] {strides = array<i32>} : memref<8192xf32, #tpu.memory_space<vmem>>, vector<16xf32>,
        %parallel_loop3A = arith.constant 0 : i32
        %parallel_loop3A_561 = arith.constant 1 : i32
        scf.for %parallel_loop3A_565 = %parallel_loop3A to %shift_right_arithmetic3A_556 step %parallel_loop3A_561  : i32 {
          %parallel_loop3A_566 = arith.constant 16 : i32
          %parallel_loop3A_567 = arith.muli %parallel_loop3A_565, %parallel_loop3A_566 : i32
          %parallel_loop3A_568 = arith.index_cast %scan3A_537 : i32 to index
          %parallel_loop3A_569 = arith.index_cast %parallel_loop3A_567 : i32 to index
          %parallel_loop3A_570 = tpu.vector_load %arg9[%parallel_loop3A_568, %parallel_loop3A_569] {strides = array<i32>} : memref<8x2048xf32, #tpu.memory_space<vmem>>, vector<16xf32>,
          %parallel_loop3A_571 = arith.addf %parallel_loop3A_570, %get3A_560 : vector<16xf32>
          %parallel_loop3A_572 = arith.index_cast %scan3A_537 : i32 to index
          %parallel_loop3A_573 = arith.index_cast %parallel_loop3A_567 : i32 to index
          %parallel_loop3A_574 = tpu.vector_load %arg9[%parallel_loop3A_572, %parallel_loop3A_573] {strides = array<i32>} : memref<8x2048xf32, #tpu.memory_space<vmem>>, vector<16xf32>,
          tpu.vector_store %arg9[%parallel_loop3A_572, %parallel_loop3A_573], %parallel_loop3A_571 {strides = array<i32>} : memref<8x2048xf32, #tpu.memory_space<vmem>>, vector<16xf32>,
        } {sc.loop_unroll_factor = 4 : i64, sc.parallel_access}
        %add3A_562 = arith.constant 1 : i32
        %add3A_563 = arith.addi %shift_right_logical3A_552, %add3A_562 : i32
        %parallel_loop3A_564 = arith.constant 1 : i32
        scf.for %parallel_loop3A_565 = %shift_right_arithmetic3A_556 to %add3A_563 step %parallel_loop3A_564  : i32 {
          %parallel_loop3A_566 = arith.constant 16 : i32
          %parallel_loop3A_567 = arith.muli %parallel_loop3A_565, %parallel_loop3A_566 : i32
          %parallel_loop3A_568 = arith.index_cast %scan3A_537 : i32 to index
          %parallel_loop3A_569 = arith.index_cast %parallel_loop3A_567 : i32 to index
          %parallel_loop3A_570 = tpu.vector_load %arg9[%parallel_loop3A_568, %parallel_loop3A_569] {strides = array<i32>} : memref<8x2048xf32, #tpu.memory_space<vmem>>, vector<16xf32>,
          %parallel_loop3A_571 = arith.addi %sub3A_550, %parallel_loop3A_567 : i32
          %parallel_loop3A_572 = arith.index_cast %parallel_loop3A_571 : i32 to index
          %parallel_loop3A_573 = tpu.vector_load %arg5[%parallel_loop3A_572] {strides = array<i32>} : memref<8192xf32, #tpu.memory_space<vmem>>, vector<16xf32>,
          %parallel_loop3A_574 = arith.addf %parallel_loop3A_570, %parallel_loop3A_573 : vector<16xf32>
          %parallel_loop3A_575 = arith.index_cast %scan3A_537 : i32 to index
          %parallel_loop3A_576 = arith.index_cast %parallel_loop3A_567 : i32 to index
          %parallel_loop3A_577 = tpu.vector_load %arg9[%parallel_loop3A_575, %parallel_loop3A_576] {strides = array<i32>} : memref<8x2048xf32, #tpu.memory_space<vmem>>, vector<16xf32>,
          tpu.vector_store %arg9[%parallel_loop3A_575, %parallel_loop3A_576], %parallel_loop3A_574 {strides = array<i32>} : memref<8x2048xf32, #tpu.memory_space<vmem>>, vector<16xf32>,
        } {sc.loop_unroll_factor = 4 : i64, sc.parallel_access}
      }
      %scan3A_536 = arith.constant 8 : i32
    }
    %scan3A_163 = arith.constant 15 : i32
    %add3A_164 = arith.constant 720 : i32
    %add3A_165 = arith.addi %mul3A_2, %add3A_164 : i32
    %dma_wait3A_166 = arith.constant 0 : i32
    %dma_wait3A_167 = tpu.memref_slice %arg4[%add3A_165, %dma_wait3A_166] : memref<24576x2048xf32, #tpu.memory_space<hbm>> -> memref<8x2048xf32, #tpu.memory_space<hbm>>
    %dma_wait3A_168 = arith.constant 0 : i32
    %dma_wait3A_169 = tpu.memref_slice %arg4[%add3A_165, %dma_wait3A_168] : memref<24576x2048xf32, #tpu.memory_space<hbm>> -> memref<8x2048xf32, #tpu.memory_space<hbm>>
    tpu.wait_dma2 semaphore(%arg19 : memref<!tpu.dma_semaphore, #tpu.memory_space<semaphore_mem>>) src(%arg7 : memref<8x2048xf32, #tpu.memory_space<vmem>>) dst(%dma_wait3A_169 : memref<8x2048xf32, #tpu.memory_space<hbm>>)
    %add3A_170 = arith.constant 744 : i32
    %add3A_171 = arith.addi %mul3A_2, %add3A_170 : i32
    %dma_wait3A_172 = arith.constant 0 : i32
    %dma_wait3A_173 = tpu.memref_slice %arg2[%add3A_171, %dma_wait3A_172] : memref<24576x2048xf32, #tpu.memory_space<hbm>> -> memref<8x2048xf32, #tpu.memory_space<hbm>>
    %dma_wait3A_174 = arith.constant 0 : i32
    %dma_wait3A_175 = tpu.memref_slice %arg2[%add3A_171, %dma_wait3A_174] : memref<24576x2048xf32, #tpu.memory_space<hbm>> -> memref<8x2048xf32, #tpu.memory_space<hbm>>
    tpu.wait_dma2 semaphore(%arg16 : memref<!tpu.dma_semaphore, #tpu.memory_space<semaphore_mem>>) src(%dma_wait3A_175 : memref<8x2048xf32, #tpu.memory_space<hbm>>) dst(%arg10 : memref<8x2048xf32, #tpu.memory_space<vmem>>)
    %add3A_176 = arith.constant 736 : i32
    %add3A_177 = arith.addi %mul3A_2, %add3A_176 : i32
    %dma_start3A_178 = arith.constant 0 : i32
    %dma_start3A_179 = tpu.memref_slice %arg4[%add3A_177, %dma_start3A_178] : memref<24576x2048xf32, #tpu.memory_space<hbm>> -> memref<8x2048xf32, #tpu.memory_space<hbm>>
    %dma_start3A_180 = arith.constant 0 : i32
    %dma_start3A_181 = tpu.memref_slice %arg4[%add3A_177, %dma_start3A_180] : memref<24576x2048xf32, #tpu.memory_space<hbm>> -> memref<8x2048xf32, #tpu.memory_space<hbm>>
    tpu.enqueue_dma source(%arg9 : memref<8x2048xf32, #tpu.memory_space<vmem>>) target(%dma_start3A_181 : memref<8x2048xf32, #tpu.memory_space<hbm>>) target_semaphore(%arg21 : memref<!tpu.dma_semaphore, #tpu.memory_space<semaphore_mem>>)
    %scan3A_182 = arith.constant 0 : i32
    %scan3A_183 = arith.constant 0 : i32
    %scan3A_184 = arith.constant 8 : i32
    %scan3A_185 = arith.addi %scan3A_183, %scan3A_184 : i32
    %scan3A_186 = arith.constant 1 : i32
    scf.for %scan3A_260 = %scan3A_183 to %scan3A_185 step %scan3A_186  : i32 {
      %add3A_261 = arith.constant 744 : i32
      %add3A_262 = arith.addi %mul3A_2, %add3A_261 : i32
      %add3A_263 = arith.addi %add3A_262, %scan3A_260 : i32
      %and3A = arith.constant 2047 : i32
      %and3A_264 = arith.andi %add3A_263, %and3A : i32
      %shift_right_logical3A_265 = arith.constant 11 : i32
      %shift_right_logical3A_266 = arith.shrui %add3A_263, %shift_right_logical3A_265 : i32
      %sub3A_267 = arith.subi %shift_right_logical3A_266, %shift_right_logical3A_3 : i32
      %mul3A_268 = arith.constant 4096 : i32
      %mul3A_269 = arith.muli %sub3A_267, %mul3A_268 : i32
      %add3A_270 = arith.constant 2047 : i32
      %add3A_271 = arith.addi %mul3A_269, %add3A_270 : i32
      %sub3A_272 = arith.subi %add3A_271, %and3A_264 : i32
      %shift_right_logical3A_273 = arith.constant 4 : i32
      %shift_right_logical3A_274 = arith.shrui %and3A_264, %shift_right_logical3A_273 : i32
      %sub3A_275 = arith.constant 511 : i32
      %sub3A_276 = arith.subi %and3A_264, %sub3A_275 : i32
      %max3A = arith.constant 0 : i32
      %max3A_277 = arith.maxsi %sub3A_276, %max3A : i32
      %shift_right_arithmetic3A = arith.constant 4 : i32
      %shift_right_arithmetic3A_278 = arith.shrsi %max3A_277, %shift_right_arithmetic3A : i32
      %mul3A_279 = arith.constant 4096 : i32
      %mul3A_280 = arith.muli %sub3A_267, %mul3A_279 : i32
      %get3A_281 = arith.index_cast %mul3A_280 : i32 to index
      %get3A_282 = tpu.vector_load %arg5[%get3A_281] {strides = array<i32>} : memref<8192xf32, #tpu.memory_space<vmem>>, vector<16xf32>,
      %parallel_loop3A = arith.constant 0 : i32
      %parallel_loop3A_283 = arith.constant 1 : i32
      scf.for %parallel_loop3A_287 = %parallel_loop3A to %shift_right_arithmetic3A_278 step %parallel_loop3A_283  : i32 {
        %parallel_loop3A_288 = arith.constant 16 : i32
        %parallel_loop3A_289 = arith.muli %parallel_loop3A_287, %parallel_loop3A_288 : i32
        %parallel_loop3A_290 = arith.index_cast %scan3A_260 : i32 to index
        %parallel_loop3A_291 = arith.index_cast %parallel_loop3A_289 : i32 to index
        %parallel_loop3A_292 = tpu.vector_load %arg10[%parallel_loop3A_290, %parallel_loop3A_291] {strides = array<i32>} : memref<8x2048xf32, #tpu.memory_space<vmem>>, vector<16xf32>,
        %parallel_loop3A_293 = arith.addf %parallel_loop3A_292, %get3A_282 : vector<16xf32>
        %parallel_loop3A_294 = arith.index_cast %scan3A_260 : i32 to index
        %parallel_loop3A_295 = arith.index_cast %parallel_loop3A_289 : i32 to index
        %parallel_loop3A_296 = tpu.vector_load %arg10[%parallel_loop3A_294, %parallel_loop3A_295] {strides = array<i32>} : memref<8x2048xf32, #tpu.memory_space<vmem>>, vector<16xf32>,
        tpu.vector_store %arg10[%parallel_loop3A_294, %parallel_loop3A_295], %parallel_loop3A_293 {strides = array<i32>} : memref<8x2048xf32, #tpu.memory_space<vmem>>, vector<16xf32>,
      } {sc.loop_unroll_factor = 4 : i64, sc.parallel_access}
      %add3A_284 = arith.constant 1 : i32
      %add3A_285 = arith.addi %shift_right_logical3A_274, %add3A_284 : i32
      %parallel_loop3A_286 = arith.constant 1 : i32
      scf.for %parallel_loop3A_287 = %shift_right_arithmetic3A_278 to %add3A_285 step %parallel_loop3A_286  : i32 {
        %parallel_loop3A_288 = arith.constant 16 : i32
        %parallel_loop3A_289 = arith.muli %parallel_loop3A_287, %parallel_loop3A_288 : i32
        %parallel_loop3A_290 = arith.index_cast %scan3A_260 : i32 to index
        %parallel_loop3A_291 = arith.index_cast %parallel_loop3A_289 : i32 to index
        %parallel_loop3A_292 = tpu.vector_load %arg10[%parallel_loop3A_290, %parallel_loop3A_291] {strides = array<i32>} : memref<8x2048xf32, #tpu.memory_space<vmem>>, vector<16xf32>,
        %parallel_loop3A_293 = arith.addi %sub3A_272, %parallel_loop3A_289 : i32
        %parallel_loop3A_294 = arith.index_cast %parallel_loop3A_293 : i32 to index
        %parallel_loop3A_295 = tpu.vector_load %arg5[%parallel_loop3A_294] {strides = array<i32>} : memref<8192xf32, #tpu.memory_space<vmem>>, vector<16xf32>,
        %parallel_loop3A_296 = arith.addf %parallel_loop3A_292, %parallel_loop3A_295 : vector<16xf32>
        %parallel_loop3A_297 = arith.index_cast %scan3A_260 : i32 to index
        %parallel_loop3A_298 = arith.index_cast %parallel_loop3A_289 : i32 to index
        %parallel_loop3A_299 = tpu.vector_load %arg10[%parallel_loop3A_297, %parallel_loop3A_298] {strides = array<i32>} : memref<8x2048xf32, #tpu.memory_space<vmem>>, vector<16xf32>,
        tpu.vector_store %arg10[%parallel_loop3A_297, %parallel_loop3A_298], %parallel_loop3A_296 {strides = array<i32>} : memref<8x2048xf32, #tpu.memory_space<vmem>>, vector<16xf32>,
      } {sc.loop_unroll_factor = 4 : i64, sc.parallel_access}
    }
    %scan3A_187 = arith.constant 8 : i32
    %add3A_188 = arith.constant 728 : i32
    %add3A_189 = arith.addi %mul3A_2, %add3A_188 : i32
    %dma_wait3A_190 = arith.constant 0 : i32
    %dma_wait3A_191 = tpu.memref_slice %arg4[%add3A_189, %dma_wait3A_190] : memref<24576x2048xf32, #tpu.memory_space<hbm>> -> memref<8x2048xf32, #tpu.memory_space<hbm>>
    %dma_wait3A_192 = arith.constant 0 : i32
    %dma_wait3A_193 = tpu.memref_slice %arg4[%add3A_189, %dma_wait3A_192] : memref<24576x2048xf32, #tpu.memory_space<hbm>> -> memref<8x2048xf32, #tpu.memory_space<hbm>>
    tpu.wait_dma2 semaphore(%arg20 : memref<!tpu.dma_semaphore, #tpu.memory_space<semaphore_mem>>) src(%arg8 : memref<8x2048xf32, #tpu.memory_space<vmem>>) dst(%dma_wait3A_193 : memref<8x2048xf32, #tpu.memory_space<hbm>>)
    %add3A_194 = arith.constant 752 : i32
    %add3A_195 = arith.addi %mul3A_2, %add3A_194 : i32
    %dma_wait3A_196 = arith.constant 0 : i32
    %dma_wait3A_197 = tpu.memref_slice %arg2[%add3A_195, %dma_wait3A_196] : memref<24576x2048xf32, #tpu.memory_space<hbm>> -> memref<8x2048xf32, #tpu.memory_space<hbm>>
    %dma_wait3A_198 = arith.constant 0 : i32
    %dma_wait3A_199 = tpu.memref_slice %arg2[%add3A_195, %dma_wait3A_198] : memref<24576x2048xf32, #tpu.memory_space<hbm>> -> memref<8x2048xf32, #tpu.memory_space<hbm>>
    tpu.wait_dma2 semaphore(%arg17 : memref<!tpu.dma_semaphore, #tpu.memory_space<semaphore_mem>>) src(%dma_wait3A_199 : memref<8x2048xf32, #tpu.memory_space<hbm>>) dst(%arg11 : memref<8x2048xf32, #tpu.memory_space<vmem>>)
    %add3A_200 = arith.constant 744 : i32
    %add3A_201 = arith.addi %mul3A_2, %add3A_200 : i32
    %dma_start3A_202 = arith.constant 0 : i32
    %dma_start3A_203 = tpu.memref_slice %arg4[%add3A_201, %dma_start3A_202] : memref<24576x2048xf32, #tpu.memory_space<hbm>> -> memref<8x2048xf32, #tpu.memory_space<hbm>>
    %dma_start3A_204 = arith.constant 0 : i32
    %dma_start3A_205 = tpu.memref_slice %arg4[%add3A_201, %dma_start3A_204] : memref<24576x2048xf32, #tpu.memory_space<hbm>> -> memref<8x2048xf32, #tpu.memory_space<hbm>>
    tpu.enqueue_dma source(%arg10 : memref<8x2048xf32, #tpu.memory_space<vmem>>) target(%dma_start3A_205 : memref<8x2048xf32, #tpu.memory_space<hbm>>) target_semaphore(%arg22 : memref<!tpu.dma_semaphore, #tpu.memory_space<semaphore_mem>>)
    %scan3A_206 = arith.constant 0 : i32
    %scan3A_207 = arith.constant 0 : i32
    %scan3A_208 = arith.constant 8 : i32
    %scan3A_209 = arith.addi %scan3A_207, %scan3A_208 : i32
    %scan3A_210 = arith.constant 1 : i32
    scf.for %scan3A_260 = %scan3A_207 to %scan3A_209 step %scan3A_210  : i32 {
      %add3A_261 = arith.constant 752 : i32
      %add3A_262 = arith.addi %mul3A_2, %add3A_261 : i32
      %add3A_263 = arith.addi %add3A_262, %scan3A_260 : i32
      %and3A = arith.constant 2047 : i32
      %and3A_264 = arith.andi %add3A_263, %and3A : i32
      %shift_right_logical3A_265 = arith.constant 11 : i32
      %shift_right_logical3A_266 = arith.shrui %add3A_263, %shift_right_logical3A_265 : i32
      %sub3A_267 = arith.subi %shift_right_logical3A_266, %shift_right_logical3A_3 : i32
      %mul3A_268 = arith.constant 4096 : i32
      %mul3A_269 = arith.muli %sub3A_267, %mul3A_268 : i32
      %add3A_270 = arith.constant 2047 : i32
      %add3A_271 = arith.addi %mul3A_269, %add3A_270 : i32
      %sub3A_272 = arith.subi %add3A_271, %and3A_264 : i32
      %shift_right_logical3A_273 = arith.constant 4 : i32
      %shift_right_logical3A_274 = arith.shrui %and3A_264, %shift_right_logical3A_273 : i32
      %sub3A_275 = arith.constant 511 : i32
      %sub3A_276 = arith.subi %and3A_264, %sub3A_275 : i32
      %max3A = arith.constant 0 : i32
      %max3A_277 = arith.maxsi %sub3A_276, %max3A : i32
      %shift_right_arithmetic3A = arith.constant 4 : i32
      %shift_right_arithmetic3A_278 = arith.shrsi %max3A_277, %shift_right_arithmetic3A : i32
      %mul3A_279 = arith.constant 4096 : i32
      %mul3A_280 = arith.muli %sub3A_267, %mul3A_279 : i32
      %get3A_281 = arith.index_cast %mul3A_280 : i32 to index
      %get3A_282 = tpu.vector_load %arg5[%get3A_281] {strides = array<i32>} : memref<8192xf32, #tpu.memory_space<vmem>>, vector<16xf32>,
      %parallel_loop3A = arith.constant 0 : i32
      %parallel_loop3A_283 = arith.constant 1 : i32
      scf.for %parallel_loop3A_287 = %parallel_loop3A to %shift_right_arithmetic3A_278 step %parallel_loop3A_283  : i32 {
        %parallel_loop3A_288 = arith.constant 16 : i32
        %parallel_loop3A_289 = arith.muli %parallel_loop3A_287, %parallel_loop3A_288 : i32
        %parallel_loop3A_290 = arith.index_cast %scan3A_260 : i32 to index
        %parallel_loop3A_291 = arith.index_cast %parallel_loop3A_289 : i32 to index
        %parallel_loop3A_292 = tpu.vector_load %arg11[%parallel_loop3A_290, %parallel_loop3A_291] {strides = array<i32>} : memref<8x2048xf32, #tpu.memory_space<vmem>>, vector<16xf32>,
        %parallel_loop3A_293 = arith.addf %parallel_loop3A_292, %get3A_282 : vector<16xf32>
        %parallel_loop3A_294 = arith.index_cast %scan3A_260 : i32 to index
        %parallel_loop3A_295 = arith.index_cast %parallel_loop3A_289 : i32 to index
        %parallel_loop3A_296 = tpu.vector_load %arg11[%parallel_loop3A_294, %parallel_loop3A_295] {strides = array<i32>} : memref<8x2048xf32, #tpu.memory_space<vmem>>, vector<16xf32>,
        tpu.vector_store %arg11[%parallel_loop3A_294, %parallel_loop3A_295], %parallel_loop3A_293 {strides = array<i32>} : memref<8x2048xf32, #tpu.memory_space<vmem>>, vector<16xf32>,
      } {sc.loop_unroll_factor = 4 : i64, sc.parallel_access}
      %add3A_284 = arith.constant 1 : i32
      %add3A_285 = arith.addi %shift_right_logical3A_274, %add3A_284 : i32
      %parallel_loop3A_286 = arith.constant 1 : i32
      scf.for %parallel_loop3A_287 = %shift_right_arithmetic3A_278 to %add3A_285 step %parallel_loop3A_286  : i32 {
        %parallel_loop3A_288 = arith.constant 16 : i32
        %parallel_loop3A_289 = arith.muli %parallel_loop3A_287, %parallel_loop3A_288 : i32
        %parallel_loop3A_290 = arith.index_cast %scan3A_260 : i32 to index
        %parallel_loop3A_291 = arith.index_cast %parallel_loop3A_289 : i32 to index
        %parallel_loop3A_292 = tpu.vector_load %arg11[%parallel_loop3A_290, %parallel_loop3A_291] {strides = array<i32>} : memref<8x2048xf32, #tpu.memory_space<vmem>>, vector<16xf32>,
        %parallel_loop3A_293 = arith.addi %sub3A_272, %parallel_loop3A_289 : i32
        %parallel_loop3A_294 = arith.index_cast %parallel_loop3A_293 : i32 to index
        %parallel_loop3A_295 = tpu.vector_load %arg5[%parallel_loop3A_294] {strides = array<i32>} : memref<8192xf32, #tpu.memory_space<vmem>>, vector<16xf32>,
        %parallel_loop3A_296 = arith.addf %parallel_loop3A_292, %parallel_loop3A_295 : vector<16xf32>
        %parallel_loop3A_297 = arith.index_cast %scan3A_260 : i32 to index
        %parallel_loop3A_298 = arith.index_cast %parallel_loop3A_289 : i32 to index
        %parallel_loop3A_299 = tpu.vector_load %arg11[%parallel_loop3A_297, %parallel_loop3A_298] {strides = array<i32>} : memref<8x2048xf32, #tpu.memory_space<vmem>>, vector<16xf32>,
        tpu.vector_store %arg11[%parallel_loop3A_297, %parallel_loop3A_298], %parallel_loop3A_296 {strides = array<i32>} : memref<8x2048xf32, #tpu.memory_space<vmem>>, vector<16xf32>,
      } {sc.loop_unroll_factor = 4 : i64, sc.parallel_access}
    }
    %scan3A_211 = arith.constant 8 : i32
    %add3A_212 = arith.constant 736 : i32
    %add3A_213 = arith.addi %mul3A_2, %add3A_212 : i32
    %dma_wait3A_214 = arith.constant 0 : i32
    %dma_wait3A_215 = tpu.memref_slice %arg4[%add3A_213, %dma_wait3A_214] : memref<24576x2048xf32, #tpu.memory_space<hbm>> -> memref<8x2048xf32, #tpu.memory_space<hbm>>
    %dma_wait3A_216 = arith.constant 0 : i32
    %dma_wait3A_217 = tpu.memref_slice %arg4[%add3A_213, %dma_wait3A_216] : memref<24576x2048xf32, #tpu.memory_space<hbm>> -> memref<8x2048xf32, #tpu.memory_space<hbm>>
    tpu.wait_dma2 semaphore(%arg21 : memref<!tpu.dma_semaphore, #tpu.memory_space<semaphore_mem>>) src(%arg9 : memref<8x2048xf32, #tpu.memory_space<vmem>>) dst(%dma_wait3A_217 : memref<8x2048xf32, #tpu.memory_space<hbm>>)
    %add3A_218 = arith.constant 760 : i32
    %add3A_219 = arith.addi %mul3A_2, %add3A_218 : i32
    %dma_wait3A_220 = arith.constant 0 : i32
    %dma_wait3A_221 = tpu.memref_slice %arg2[%add3A_219, %dma_wait3A_220] : memref<24576x2048xf32, #tpu.memory_space<hbm>> -> memref<8x2048xf32, #tpu.memory_space<hbm>>
    %dma_wait3A_222 = arith.constant 0 : i32
    %dma_wait3A_223 = tpu.memref_slice %arg2[%add3A_219, %dma_wait3A_222] : memref<24576x2048xf32, #tpu.memory_space<hbm>> -> memref<8x2048xf32, #tpu.memory_space<hbm>>
    tpu.wait_dma2 semaphore(%arg18 : memref<!tpu.dma_semaphore, #tpu.memory_space<semaphore_mem>>) src(%dma_wait3A_223 : memref<8x2048xf32, #tpu.memory_space<hbm>>) dst(%arg12 : memref<8x2048xf32, #tpu.memory_space<vmem>>)
    %add3A_224 = arith.constant 752 : i32
    %add3A_225 = arith.addi %mul3A_2, %add3A_224 : i32
    %dma_start3A_226 = arith.constant 0 : i32
    %dma_start3A_227 = tpu.memref_slice %arg4[%add3A_225, %dma_start3A_226] : memref<24576x2048xf32, #tpu.memory_space<hbm>> -> memref<8x2048xf32, #tpu.memory_space<hbm>>
    %dma_start3A_228 = arith.constant 0 : i32
    %dma_start3A_229 = tpu.memref_slice %arg4[%add3A_225, %dma_start3A_228] : memref<24576x2048xf32, #tpu.memory_space<hbm>> -> memref<8x2048xf32, #tpu.memory_space<hbm>>
    tpu.enqueue_dma source(%arg11 : memref<8x2048xf32, #tpu.memory_space<vmem>>) target(%dma_start3A_229 : memref<8x2048xf32, #tpu.memory_space<hbm>>) target_semaphore(%arg23 : memref<!tpu.dma_semaphore, #tpu.memory_space<semaphore_mem>>)
    %scan3A_230 = arith.constant 0 : i32
    %scan3A_231 = arith.constant 0 : i32
    %scan3A_232 = arith.constant 8 : i32
    %scan3A_233 = arith.addi %scan3A_231, %scan3A_232 : i32
    %scan3A_234 = arith.constant 1 : i32
    scf.for %scan3A_260 = %scan3A_231 to %scan3A_233 step %scan3A_234  : i32 {
      %add3A_261 = arith.constant 760 : i32
      %add3A_262 = arith.addi %mul3A_2, %add3A_261 : i32
      %add3A_263 = arith.addi %add3A_262, %scan3A_260 : i32
      %and3A = arith.constant 2047 : i32
      %and3A_264 = arith.andi %add3A_263, %and3A : i32
      %shift_right_logical3A_265 = arith.constant 11 : i32
      %shift_right_logical3A_266 = arith.shrui %add3A_263, %shift_right_logical3A_265 : i32
      %sub3A_267 = arith.subi %shift_right_logical3A_266, %shift_right_logical3A_3 : i32
      %mul3A_268 = arith.constant 4096 : i32
      %mul3A_269 = arith.muli %sub3A_267, %mul3A_268 : i32
      %add3A_270 = arith.constant 2047 : i32
      %add3A_271 = arith.addi %mul3A_269, %add3A_270 : i32
      %sub3A_272 = arith.subi %add3A_271, %and3A_264 : i32
      %shift_right_logical3A_273 = arith.constant 4 : i32
      %shift_right_logical3A_274 = arith.shrui %and3A_264, %shift_right_logical3A_273 : i32
      %sub3A_275 = arith.constant 511 : i32
      %sub3A_276 = arith.subi %and3A_264, %sub3A_275 : i32
      %max3A = arith.constant 0 : i32
      %max3A_277 = arith.maxsi %sub3A_276, %max3A : i32
      %shift_right_arithmetic3A = arith.constant 4 : i32
      %shift_right_arithmetic3A_278 = arith.shrsi %max3A_277, %shift_right_arithmetic3A : i32
      %mul3A_279 = arith.constant 4096 : i32
      %mul3A_280 = arith.muli %sub3A_267, %mul3A_279 : i32
      %get3A_281 = arith.index_cast %mul3A_280 : i32 to index
      %get3A_282 = tpu.vector_load %arg5[%get3A_281] {strides = array<i32>} : memref<8192xf32, #tpu.memory_space<vmem>>, vector<16xf32>,
      %parallel_loop3A = arith.constant 0 : i32
      %parallel_loop3A_283 = arith.constant 1 : i32
      scf.for %parallel_loop3A_287 = %parallel_loop3A to %shift_right_arithmetic3A_278 step %parallel_loop3A_283  : i32 {
        %parallel_loop3A_288 = arith.constant 16 : i32
        %parallel_loop3A_289 = arith.muli %parallel_loop3A_287, %parallel_loop3A_288 : i32
        %parallel_loop3A_290 = arith.index_cast %scan3A_260 : i32 to index
        %parallel_loop3A_291 = arith.index_cast %parallel_loop3A_289 : i32 to index
        %parallel_loop3A_292 = tpu.vector_load %arg12[%parallel_loop3A_290, %parallel_loop3A_291] {strides = array<i32>} : memref<8x2048xf32, #tpu.memory_space<vmem>>, vector<16xf32>,
        %parallel_loop3A_293 = arith.addf %parallel_loop3A_292, %get3A_282 : vector<16xf32>
        %parallel_loop3A_294 = arith.index_cast %scan3A_260 : i32 to index
        %parallel_loop3A_295 = arith.index_cast %parallel_loop3A_289 : i32 to index
        %parallel_loop3A_296 = tpu.vector_load %arg12[%parallel_loop3A_294, %parallel_loop3A_295] {strides = array<i32>} : memref<8x2048xf32, #tpu.memory_space<vmem>>, vector<16xf32>,
        tpu.vector_store %arg12[%parallel_loop3A_294, %parallel_loop3A_295], %parallel_loop3A_293 {strides = array<i32>} : memref<8x2048xf32, #tpu.memory_space<vmem>>, vector<16xf32>,
      } {sc.loop_unroll_factor = 4 : i64, sc.parallel_access}
      %add3A_284 = arith.constant 1 : i32
      %add3A_285 = arith.addi %shift_right_logical3A_274, %add3A_284 : i32
      %parallel_loop3A_286 = arith.constant 1 : i32
      scf.for %parallel_loop3A_287 = %shift_right_arithmetic3A_278 to %add3A_285 step %parallel_loop3A_286  : i32 {
        %parallel_loop3A_288 = arith.constant 16 : i32
        %parallel_loop3A_289 = arith.muli %parallel_loop3A_287, %parallel_loop3A_288 : i32
        %parallel_loop3A_290 = arith.index_cast %scan3A_260 : i32 to index
        %parallel_loop3A_291 = arith.index_cast %parallel_loop3A_289 : i32 to index
        %parallel_loop3A_292 = tpu.vector_load %arg12[%parallel_loop3A_290, %parallel_loop3A_291] {strides = array<i32>} : memref<8x2048xf32, #tpu.memory_space<vmem>>, vector<16xf32>,
        %parallel_loop3A_293 = arith.addi %sub3A_272, %parallel_loop3A_289 : i32
        %parallel_loop3A_294 = arith.index_cast %parallel_loop3A_293 : i32 to index
        %parallel_loop3A_295 = tpu.vector_load %arg5[%parallel_loop3A_294] {strides = array<i32>} : memref<8192xf32, #tpu.memory_space<vmem>>, vector<16xf32>,
        %parallel_loop3A_296 = arith.addf %parallel_loop3A_292, %parallel_loop3A_295 : vector<16xf32>
        %parallel_loop3A_297 = arith.index_cast %scan3A_260 : i32 to index
        %parallel_loop3A_298 = arith.index_cast %parallel_loop3A_289 : i32 to index
        %parallel_loop3A_299 = tpu.vector_load %arg12[%parallel_loop3A_297, %parallel_loop3A_298] {strides = array<i32>} : memref<8x2048xf32, #tpu.memory_space<vmem>>, vector<16xf32>,
        tpu.vector_store %arg12[%parallel_loop3A_297, %parallel_loop3A_298], %parallel_loop3A_296 {strides = array<i32>} : memref<8x2048xf32, #tpu.memory_space<vmem>>, vector<16xf32>,
      } {sc.loop_unroll_factor = 4 : i64, sc.parallel_access}
    }
    %scan3A_235 = arith.constant 8 : i32
    %add3A_236 = arith.constant 760 : i32
    %add3A_237 = arith.addi %mul3A_2, %add3A_236 : i32
    %dma_start3A_238 = arith.constant 0 : i32
    %dma_start3A_239 = tpu.memref_slice %arg4[%add3A_237, %dma_start3A_238] : memref<24576x2048xf32, #tpu.memory_space<hbm>> -> memref<8x2048xf32, #tpu.memory_space<hbm>>
    %dma_start3A_240 = arith.constant 0 : i32
    %dma_start3A_241 = tpu.memref_slice %arg4[%add3A_237, %dma_start3A_240] : memref<24576x2048xf32, #tpu.memory_space<hbm>> -> memref<8x2048xf32, #tpu.memory_space<hbm>>
    tpu.enqueue_dma source(%arg12 : memref<8x2048xf32, #tpu.memory_space<vmem>>) target(%dma_start3A_241 : memref<8x2048xf32, #tpu.memory_space<hbm>>) target_semaphore(%arg24 : memref<!tpu.dma_semaphore, #tpu.memory_space<semaphore_mem>>)
    %add3A_242 = arith.constant 744 : i32
    %add3A_243 = arith.addi %mul3A_2, %add3A_242 : i32
    %dma_wait3A_244 = arith.constant 0 : i32
    %dma_wait3A_245 = tpu.memref_slice %arg4[%add3A_243, %dma_wait3A_244] : memref<24576x2048xf32, #tpu.memory_space<hbm>> -> memref<8x2048xf32, #tpu.memory_space<hbm>>
    %dma_wait3A_246 = arith.constant 0 : i32
    %dma_wait3A_247 = tpu.memref_slice %arg4[%add3A_243, %dma_wait3A_246] : memref<24576x2048xf32, #tpu.memory_space<hbm>> -> memref<8x2048xf32, #tpu.memory_space<hbm>>
    tpu.wait_dma2 semaphore(%arg22 : memref<!tpu.dma_semaphore, #tpu.memory_space<semaphore_mem>>) src(%arg10 : memref<8x2048xf32, #tpu.memory_space<vmem>>) dst(%dma_wait3A_247 : memref<8x2048xf32, #tpu.memory_space<hbm>>)
    %add3A_248 = arith.constant 752 : i32
    %add3A_249 = arith.addi %mul3A_2, %add3A_248 : i32
    %dma_wait3A_250 = arith.constant 0 : i32
    %dma_wait3A_251 = tpu.memref_slice %arg4[%add3A_249, %dma_wait3A_250] : memref<24576x2048xf32, #tpu.memory_space<hbm>> -> memref<8x2048xf32, #tpu.memory_space<hbm>>
    %dma_wait3A_252 = arith.constant 0 : i32
    %dma_wait3A_253 = tpu.memref_slice %arg4[%add3A_249, %dma_wait3A_252] : memref<24576x2048xf32, #tpu.memory_space<hbm>> -> memref<8x2048xf32, #tpu.memory_space<hbm>>
    tpu.wait_dma2 semaphore(%arg23 : memref<!tpu.dma_semaphore, #tpu.memory_space<semaphore_mem>>) src(%arg11 : memref<8x2048xf32, #tpu.memory_space<vmem>>) dst(%dma_wait3A_253 : memref<8x2048xf32, #tpu.memory_space<hbm>>)
    %add3A_254 = arith.constant 760 : i32
    %add3A_255 = arith.addi %mul3A_2, %add3A_254 : i32
    %dma_wait3A_256 = arith.constant 0 : i32
    %dma_wait3A_257 = tpu.memref_slice %arg4[%add3A_255, %dma_wait3A_256] : memref<24576x2048xf32, #tpu.memory_space<hbm>> -> memref<8x2048xf32, #tpu.memory_space<hbm>>
    %dma_wait3A_258 = arith.constant 0 : i32
    %dma_wait3A_259 = tpu.memref_slice %arg4[%add3A_255, %dma_wait3A_258] : memref<24576x2048xf32, #tpu.memory_space<hbm>> -> memref<8x2048xf32, #tpu.memory_space<hbm>>
    tpu.wait_dma2 semaphore(%arg24 : memref<!tpu.dma_semaphore, #tpu.memory_space<semaphore_mem>>) src(%arg12 : memref<8x2048xf32, #tpu.memory_space<vmem>>) dst(%dma_wait3A_259 : memref<8x2048xf32, #tpu.memory_space<hbm>>)
    return
  }
}

</mosaic_0001>

<sc_bundles>
// kernel: kernel.3.cloned.1.call-start
scs
__scs_entry_jumppad:
0x0: {  	(pc) =	sbr.rel $0x88, $3  }
0x1: {  	(tag) =	ssettag $0x0;
	lr =	simm.s32 $0x1  }
0x2: {  	[smem:$0x3F9F] =	sst lr;
	_ =	strace $0xD0000000  }
0x3: {  	_ = 	snop  }
0x4: {  	_ = 	snop  }
0x5: {  	_ = 	snop  }
0x6: {  	_ = 	snop  }
0x7: {  	_ = 	snop  }
__scs_overlays_trampoline_lowered:
0x8: {  	[smem:$0x3FAE] =	sst s0  }
0x9: {  	[smem:$0x3FAF] =	sst s1  }
0xa: {  	[smem:$0x3FB0] =	sst s2  }
0xb: {  	[smem:$0x3FB1] =	sst s3  }
0xc: {  	[smem:$0x3FB2] =	sst s4  }
0xd: {  	[smem:$0x3FB3] =	sst s5  }
0xe: {  	[smem:$0x3FB4] =	sst s6  }
0xf: {  	[smem:$0x3FB5] =	sst s7  }
0x10: {  	[smem:$0x3FB6] =	sst s8  }
0x11: {  	[smem:$0x3FB7] =	sst s9;
	s0 =	simm.s32 @!p0 $0x0  }
0x12: {  	s1 =	sld [smem:$0x3F9D];
	s0 =	simm.s32 @p0 $0x1  }
0x13: {  	[smem:$0x3FB8] =	sst s0;
	s0 =	simm.s32 @!p1 $0x0  }
0x14: {  	s2 =	sld [smem:$0x3F9C];
	s0 =	simm.s32 @p1 $0x1  }
0x15: {  	[smem:$0x3FB9] =	sst s0;
	s0 =	simm.s32 @!p2 $0x0  }
0x16: {  	s3 =	sld [smem:$0x3FDB];
	s0 =	simm.s32 @p2 $0x1  }
0x17: {  	s4 =	simm.s32 $0x1BF5;
	[smem:$0x3FBB] =	sst s0  }
0x18: {  	s0 =	sld [smem:$0x3F9E];
	_ =	swait.ge [sflag:s4], $0x0  }
0x19: {  	s7 =	sld [smem:$0x3F9F]  }
0x1a: {  	s8 =	sadd.s32 $0xFFFFE003, lr  }
0x1b: {  	s9 =	sadd.s32 $0xFFFFFEF7, lr;
	s5 =	simm.s32 $0xFFFFFFFF;
	p2 =	slt.u32 s8, $0xFFFFF086  }
0x1c: {  	p1 =	slt.u32 s9, $0xF7A;
	s5 =	simm.s32 @!p2 $0x0  }
0x1d: {  	s5 =	simm.s32 @p1 $0x1;
	p0 =	seq.s32 s7, s2  }
0x1e: {  	s7 =	smul.u32 @!p0 $0xF7A, s2;
	p2 =	seq.s32 @!p0 s5, $0x0  }
0x1f: {  	s9 =	smul.u32 $0xF7A, s1;
	s8 =	simm.s32 @!p0 $0x1BF5;
	p2 =	por !p2, p0  }
0x20: {  	[sflag:s8] =	ssyncset.s32 @!p0 $0xFFFFF086;
	s6 =	sadd.s32 @!p0 s3, s7;
	s7 =	simm.s32 @!p0 $0x108  }
0x21: {  	s3 =	sadd.s32 s3, s9;
	s6 =	sadd.s32 @!p0 $0x88, s6;
	s7 =	simm.s32 @p2 $0x1082  }
0x22: {  	[simem:s7], [sflag:s8] =	dma.local @!p0 [hbm:s6], $0xF7A  }
0x23: {  	s9 =	sor.u32 $0xD0000000, s2;
	s6 =	simm.s32 $0x108;
	_ =	swait.ge @!p0 [sflag:s8], $0x0  }
0x24: {  	s3 =	sadd.s32 $0x88, s3;
	s6 =	simm.s32 @!p1 $0x1082;
	[sflag:s4] =	ssyncset.s32 $0xFFFFF086  }
0x25: {  	[simem:s6], [sflag:s4] =	dma.local [hbm:s3], $0xF7A  }
0x26: {  	[smem:$0x3F9F] =	sst s1;
	(tag) =	ssettag s2;
	_ =	strace s9  }
0x27: {  	s1 =	sld [smem:$0x3FAF]  }
0x28: {  	s2 =	sld [smem:$0x3FB0]  }
0x29: {  	s4 =	sld [smem:$0x3FB2]  }
0x2a: {  	p0 =	seq.s32 s5, $0x0;
	s5 =	sld [smem:$0x3FB3]  }
0x2b: {  	s6 =	sld [smem:$0x3FB4]  }
0x2c: {  	s7 =	sld [smem:$0x3FB5]  }
0x2d: {  	s3 =	simm.s32 $0x108;
	s8 =	sld [smem:$0x3FB6]  }
0x2e: {  	s3 =	simm.s32 @!p0 $0x1082;
	s9 =	sld [smem:$0x3FB7]  }
0x2f: {  	lr =	sadd.s32 s0, s3;
	s0 =	sld [smem:$0x3FAE]  }
0x30: {  	s3 =	sld [smem:$0x3FB1]  }
0x31: {  	[smem:$0x3FBA] =	sst s10  }
0x32: {  	s10 =	sld [smem:$0x3FB8];
	_ =	sdelay $0x3  }
0x33: {  	p0 =	seq.s32 s10, $0x1;
	s10 =	sld [smem:$0x3FBA];
	_ =	sdelay $0x3  }
0x34: {  	[smem:$0x3FBA] =	sst s10  }
0x35: {  	s10 =	sld [smem:$0x3FB9];
	_ =	sdelay $0x3  }
0x36: {  	p1 =	seq.s32 s10, $0x1;
	s10 =	sld [smem:$0x3FBA];
	_ =	sdelay $0x3  }
0x37: {  	[smem:$0x3FBA] =	sst s10  }
0x38: {  	s10 =	sld [smem:$0x3FBB]  }
0x39: {  	_ = 	snop;
	(pc) =	sbr.ind lr, $3  }
0x3a: {  	_ = 	snop  }
0x3b: {  	_ = 	snop  }
0x3c: {  	p2 =	seq.s32 s10, $0x1;
	s10 =	sld [smem:$0x3FBA]  }
0x3d: {  	_ =	shalt  }
0x3e: {  	_ =	shalt  }
0x3f: {  	_ =	shalt  }
0x40: {  	_ =	shalt  }
0x41: {  	_ =	shalt  }
0x42: {  	_ =	shalt  }
0x43: {  	_ =	shalt  }
0x44: {  	_ =	shalt  }
0x45: {  	_ =	shalt  }
0x46: {  	_ =	shalt  }
0x47: {  	_ =	shalt  }
0x48: {  	_ =	shalt  }
0x49: {  	_ =	shalt  }
0x4a: {  	_ =	shalt  }
0x4b: {  	_ =	shalt  }
0x4c: {  	_ =	shalt  }
0x4d: {  	_ =	shalt  }
0x4e: {  	_ =	shalt  }
0x4f: {  	_ =	shalt  }
0x50: {  	_ =	shalt  }
0x51: {  	_ =	shalt  }
0x52: {  	_ =	shalt  }
0x53: {  	_ =	shalt  }
0x54: {  	_ =	shalt  }
0x55: {  	_ =	shalt  }
0x56: {  	_ =	shalt  }
0x57: {  	_ =	shalt  }
0x58: {  	_ =	shalt  }
0x59: {  	_ =	shalt  }
0x5a: {  	_ =	shalt  }
0x5b: {  	_ =	shalt  }
0x5c: {  	_ =	shalt  }
0x5d: {  	_ =	shalt  }
0x5e: {  	_ =	shalt  }
0x5f: {  	_ =	shalt  }
0x60: {  	_ =	shalt  }
0x61: {  	_ =	shalt  }
0x62: {  	_ =	shalt  }
0x63: {  	_ =	shalt  }
0x64: {  	_ =	shalt  }
0x65: {  	_ =	shalt  }
0x66: {  	_ =	shalt  }
0x67: {  	_ =	shalt  }
0x68: {  	_ =	shalt  }
0x69: {  	_ =	shalt  }
0x6a: {  	_ =	shalt  }
0x6b: {  	_ =	shalt  }
0x6c: {  	_ =	shalt  }
0x6d: {  	_ =	shalt  }
0x6e: {  	_ =	shalt  }
0x6f: {  	_ =	shalt  }
0x70: {  	_ =	shalt  }
0x71: {  	_ =	shalt  }
0x72: {  	_ =	shalt  }
0x73: {  	_ =	shalt  }
0x74: {  	_ =	shalt  }
0x75: {  	_ =	shalt  }
0x76: {  	_ =	shalt  }
0x77: {  	_ =	shalt  }
0x78: {  	_ =	shalt  }
0x79: {  	_ =	shalt  }
0x7a: {  	_ =	shalt  }
0x7b: {  	_ =	shalt  }
0x7c: {  	_ =	shalt  }
0x7d: {  	_ =	shalt  }
0x7e: {  	_ =	shalt  }
0x7f: {  	_ =	shalt  }
0x80: {  	_ =	shalt  }
0x81: {  	_ =	shalt  }
0x82: {  	_ =	shalt  }
0x83: {  	_ =	shalt  }
0x84: {  	_ =	shalt  }
0x85: {  	_ =	shalt  }
0x86: {  	_ =	shalt  }
0x87: {  	_ =	shalt  }
.Lfunc_end0:
.L_simem_size_0:
called_computation_lowered:
.L_overlay_start_0:
0x88: {  	s2 =	sld [smem:$0x3FD9]  }
0x89: {  	s3 =	sld [smem:$0x3FFE];
	_ =	sdelay $0x1  }
0x8a: {  	s1 =	srdreg.scid  }
0x8b: {  	s0 =	sand.u32 $0x1, s1  }
0x8c: {  	s18 =	sshll.u32 s0, $0xA;
	s2 =	sadd.s32 s3, s2  }
0x8d: {  	s2 =	sadd.s32 s2, s18  }
0x8e: {  	[smem:$0x3FC6] =	sst s2  }
0x8f: {  	_ = 	snop  }
0x90: {  	s2 =	sld [smem:$0x3FC9]  }
0x91: {  	s19 =	sld [smem:$0x3FC8]  }
0x92: {  	s4 =	sld [smem:$0x3FD0];
	(tm) =	ssettm $0x1  }
0x93: {  	s5 =	sld [smem:$0x3FFB];
	_ =	sdelay $0x3  }
0x94: {  	_ =	strace s5  }
0x95: {  	s5 =	sld [smem:$0x3FFC];
	_ =	sdelay $0x3  }
0x96: {  	_ =	strace s5  }
0x97: {  	s5 =	sld [smem:$0x3FFD];
	_ =	sdelay $0x3  }
0x98: {  	_ =	strace s5  }
0x99: {  	_ =	strace $0x8FFFFFFF  }
0x9a: {  	s20 =	sld [smem:$0x3FDB];
	_ =	sdelay $0x1  }
0x9b: {  	s6 =	simm.s32 $_scs_section_size  }
0x9c: {  	s7 =	simm.s32 $_size__tile_overlayer_lowered;
	s8 =	simm.s32 $_tile_overlayer_lowered  }
0x9d: {  	s23 =	simm.s32 $0x1BFF;
	s22 =	sshll.u32 s8, $0x1;
	s5 =	sadd.s32 s6, s20  }
0x9e: {  	s9 =	simm.s32 $0x0;
	s21 =	sshll.u32 s7, $0x1;
	s7 =	sadd.s32 s22, s5  }
0x9f: {  	[timem:s9], [sflag:s23] =	dma.local [hbm:s7], s21  }
0xa0: {  	_ =	swait.ge [sflag:s23], s21  }
0xa1: {  	s6 =	ssub.s32 $0x0, s21;
	[sflag:s23] =	ssyncset.done $0x0  }
0xa2: {  	[sflag:s23] =	ssyncadd.s32 s6;
	_ =	sdelay $0x1  }
0xa3: {  	s24 =	simm.s32 $0x1B8B  }
0xa4: {  	_ =	swait.ge [sflag:s24], $0x1  }
0xa5: {  	[sflag:s24] =	ssyncset.done $0x0  }
0xa6: {  	s25 =	simm.s32 $0x1B8E;
	[sflag:s24] =	ssyncadd.s32 $0xFFFFFFFF  }
0xa7: {  	s26 =	simm.s32 $execute0_lowered;
	[smem:$0x3FD2] =	sst s25  }
0xa8: {  	s6 =	sshll.u32 s26, $0x1;
	_ =	strace $0x80000046;
	[dreg:$0x1] =	wrdreg $0xFFFFFFFF  }
0xa9: {  	s28 =	simm.s32 $_size_execute0_lowered;
	s5 =	sadd.s32 s5, s6;
	[dreg:$0x0] =	wrdreg $0x0  }
0xaa: {  	s6 =	sshll.u32 s28, $0x1;
	[dreg:$0x2] =	wrdreg s5  }
0xab: {  	[dreg:$0x3] =	wrdreg s6  }
0xac: {  	[dreg:$0x4] =	wrdreg $0xC0  }
0xad: {  	_ =	task [dreg:s9], $0x5FFFF  }
0xae: {  	[dreg:$0x1] =	wrdreg $0xFFFFFFFF  }
0xaf: {  	[dreg:$0x0] =	wrdreg $0x60  }
0xb0: {  	[dreg:$0x2] =	wrdreg s2  }
0xb1: {  	[dreg:$0x3] =	wrdreg s19  }
0xb2: {  	[dreg:$0x4] =	wrdreg s4  }
0xb3: {  	[dreg:$0x5] =	wrdreg $0x9  }
0xb4: {  	_ =	task.clear_ibuf [dreg:s9], $0x6FFFF;
	_ =	strace $0x90000046  }
0xb5: {  	s29 =	simm.s32 $0x9;
	_ =	strace $0x80000048  }
0xb6: {  	_ =	swait.ge [sflag:s29], $0x1  }
0xb7: {  	[sflag:s29] =	ssyncadd.s32 $0xFFFFFFFF  }
0xb8: {  	_ =	strace $0x90000048  }
0xb9: {  	_ =	sfence  }
0xba: {  	s30 =	sld [smem:$0x0];
	_ =	sdelay $0x2  }
0xbb: {  	s31 =	sshll.u32 s1, $0xD;
	s1 =	sshrl.u32 s1, $0x2  }
0xbc: {  	s3 =	sand.u32 $0x4000, s31;
	s1 =	sadd.s32 s1, s30  }
0xbd: {  	s0 =	sor.u32 s3, s0;
	s1 =	sshll.u32 s1, $0x11  }
0xbe: {  	s0 =	sor.u32 s1, s0  }
0xbf: {  	s0 =	sadd.s32 $0x8F2B, s0  }
0xc0: {  	[sflag:s0] =	ssyncadd.remote.s32 $0x1  }
0xc1: {  	_ =	sfence.sel $0xFFFF  }
0xc2: {  	[dreg:$0x0] =	wrdreg $0xFFFFFFFF;
	(pc) =	sbr.abs _section_cstart, $3  }
0xc3: {  	[dreg:$0x1] =	wrdreg $0xFFFFFFFF  }
0xc4: {  	_ =	task.clear_ibuf [dreg:s9], $0x2FFFF;
	_ =	strace $0x9FFFFFFF  }
0xc5: {  	(tm) =	ssettm $0x7FFFFFFF  }
tec
execute0_lowered:
.L_overlay_start_1:
0x0: {  	(tag) =	ssettag $0x1  }
0x1: {  	s16 =	rddreg [dreg:$0x0]  }
0x2: {  	s0 =	srdreg.scid;
	s3 =	stileid.u32  }
0x3: {  	s0 =	sand.u32 $0x1, s0;
	s1 =	sshll.u32 s3, $0x1;
	s3 =	smul.u32 $0x600, s3  }
0x4: {  	s17 =	rddreg [dreg:$0x2];
	s11 =	sor.u32 s0, s1;
	s5 =	smul.u32 $0x300, s0  }
0x5: {  	s4 =	simm.s32 $0x0;
	s2 =	ssub.s32 $0x2, s0;
	s10 =	smul.u32 $0x300, s11  }
0x6: {  	[smem:$0x7FF] =	sst s4;
	s13 =	sshrl.u32 s2, $0x1;
	s12 =	smul.u32 $0x30000, s11  }
0x7: {  	_ =	strace $0x80000047;
	s11 =	smul.u32 $0x180000, s11;
	s6 =	ssub.s32 s2, s13  }
0x8: {  	s14 =	sadd.s32 $0x200, s10;
	s15 =	sshrl.u32 s10, $0x2;
	s18 =	sshrl.u32 s10, $0x4  }
0x9: {  	s26 =	sor.u32 $0x8, s10;
	s11 =	sshrl.u32 s11, $0x3;
	s30 =	sadd.s32 $0x2E8, s10  }
0xa: {  	s6 =	smax.u32 s6, $0x1;
	s2 =	sand.u32 $0x1000, s15;
	s0 =	sand.u32 $0x380, s18  }
0xb: {  	s19 =	sshrl.u32 s14, $0x2;
	s1 =	sshrl.u32 s14, $0x4;
	s29 =	sshll.u32 s26, $0x8  }
0xc: {  	s11 =	sadd.s32 s17, s11;
	[smem:$0x7C8] =	sst s6;
	s18 =	sor.u32 $0x2000, s2  }
0xd: {  	s20 =	sand.u32 $0x3000, s19;
	s2 =	sadd.s32 s5, s3;
	s19 =	sor.u32 $0x10, s10  }
0xe: {  	s11 =	sadd.s32 $0x2E000, s11;
	s22 =	sadd.s32 $0x2000, s20;
	s3 =	sadd.s32 $0x2E8, s2  }
0xf: {  	s7 =	sadd.s32 $0x2F8, s2;
	s15 =	sshll.u32 s19, $0x8;
	[dreg:$0x10] =	wrdreg s11  }
0x10: {  	s20 =	sshrl.u32 s10, $0xB;
	s11 =	sadd.s32 $0x2F0, s10;
	[dreg:$0x6] =	wrdreg s19  }
0x11: {  	s21 =	sshrl.u32 s3, $0x3;
	s3 =	sshll.u32 s3, $0x3;
	[dreg:$0xd] =	wrdreg s20  }
0x12: {  	s23 =	sshrl.u32 s7, $0x3;
	s28 =	sadd.s32 s16, s15;
	[dreg:$0x5] =	wrdreg s22  }
0x13: {  	s15 =	sadd.s32 s16, s12;
	s12 =	sadd.s32 s17, s12;
	[dreg:$0x9] =	wrdreg s28  }
0x14: {  	s7 =	sshll.u32 s7, $0x3;
	s16 =	sadd.s32 s16, s29;
	[dreg:$0xb] =	wrdreg s12  }
0x15: {  	s4 =	sand.u32 $0xFD, s21;
	s8 =	sand.u32 $0xFC000, s3;
	[dreg:$0xe] =	wrdreg s16  }
0x16: {  	s3 =	sand.u32 $0xFF, s23;
	s12 =	sadd.s32 s17, s29;
	[dreg:$0xa] =	wrdreg s15  }
0x17: {  	s24 =	sand.u32 $0xFC000, s7;
	s28 =	sor.u32 $0x30, s10;
	[dreg:$0xf] =	wrdreg s12  }
0x18: {  	s23 =	sand.u32 $0x708, s26;
	s29 =	sor.u32 $0x18, s10;
	[dreg:$0x14] =	wrdreg s28  }
0x19: {  	s21 =	sshrl.u32 s30, $0xB;
	s26 =	sshrl.u32 s11, $0xB;
	[dreg:$0x15] =	wrdreg s29  }
0x1a: {  	s9 =	sshll.u32 s4, $0x5;
	s13 =	sshrl.u32 s4, $0x1;
	[dreg:$0xc] =	wrdreg s23  }
0x1b: {  	s14 =	sshrl.u32 s3, $0x1;
	s25 =	sshll.u32 s3, $0x5;
	[dreg:$0x7] =	wrdreg s13  }
0x1c: {  	s12 =	sshll.u32 s30, $0x8;
	s28 =	sor.u32 $0x48, s10;
	[dreg:$0x8] =	wrdreg s14  }
0x1d: {  	s29 =	sor.u32 $0x50, s10;
	s4 =	sshll.u32 s4, $0x3;
	[dreg:$0x1a] =	wrdreg s28  }
0x1e: {  	s3 =	sshll.u32 s3, $0x3;
	s5 =	ssub.s32 s8, s9;
	[dreg:$0x1b] =	wrdreg s29  }
0x1f: {  	s13 =	sshll.u32 s13, $0x6;
	s14 =	sshll.u32 s14, $0x6;
	[smem:$0x7D1] =	sst s4  }
0x20: {  	s12 =	sadd.s32 s17, s12;
	[smem:$0x7D6] =	sst s3;
	s3 =	sor.u32 s0, s18  }
0x21: {  	s8 =	sor.u32 s13, s8;
	s14 =	sor.u32 s14, s24;
	[dreg:$0x1d] =	wrdreg s12  }
0x22: {  	s13 =	ssub.s32 s26, s20;
	s26 =	sor.u32 $0x28, s10;
	[smem:$0x7D9] =	sst s3  }
0x23: {  	s7 =	ssub.s32 s8, s9;
	s8 =	ssub.s32 s24, s25;
	s9 =	ssub.s32 s14, s25  }
0x24: {  	s14 =	sand.u32 $0x7E8, s30;
	s30 =	sor.u32 $0x38, s10;
	[dreg:$0x19] =	wrdreg s26  }
0x25: {  	s24 =	ssub.s32 s21, s20;
	s21 =	sor.u32 $0x20, s10;
	[dreg:$0x16] =	wrdreg s30  }
0x26: {  	s13 =	sshll.u32 s13, $0xC;
	[dreg:$0x17] =	wrdreg s21  }
0x27: {  	s26 =	sor.u32 $0x8, s2;
	[dreg:$0x1e] =	wrdreg s13  }
0x28: {  	s25 =	sshll.u32 s24, $0xC;
	s24 =	sand.u32 $0x700, s10;
	[dreg:$0x12] =	wrdreg s14  }
0x29: {  	s30 =	sor.u32 $0x58, s10;
	s13 =	sand.u32 $0x7F0, s11;
	[dreg:$0x11] =	wrdreg s25  }
0x2a: {  	s11 =	sshll.u32 s11, $0x8;
	s21 =	sshrl.u32 s2, $0x8;
	[dreg:$0x1c] =	wrdreg s30  }
0x2b: {  	s29 =	sshrl.u32 s26, $0x3;
	s25 =	sor.u32 $0x40, s10;
	[dreg:$0x1f] =	wrdreg s13  }
0x2c: {  	s10 =	sadd.s32 $0x2F8, s10;
	s11 =	sadd.s32 s17, s11;
	[dreg:$0x13] =	wrdreg s24  }
0x2d: {  	s30 =	sand.u32 $0xE1, s29;
	s31 =	sshrl.u32 s24, $0x4;
	[dreg:$0x18] =	wrdreg s25  }
0x2e: {  	s16 =	sshrl.u32 s10, $0xB;
	[smem:$0x7C5] =	sst s11;
	s11 =	sand.u32 $0x7, s21  }
0x2f: {  	s26 =	sshrl.u32 s30, $0x1;
	s21 =	sor.u32 $0x10, s2;
	[smem:$0x7FB] =	sst s31  }
0x30: {  	s12 =	ssub.s32 s16, s20;
	s16 =	sand.u32 $0x7F8, s10;
	[smem:$0x7FA] =	sst s26  }
0x31: {  	s10 =	sshll.u32 s10, $0x8;
	s20 =	sshll.u32 s12, $0xC;
	[smem:$0x7E6] =	sst s16  }
0x32: {  	s25 =	sshll.u32 s11, $0xA;
	s10 =	sadd.s32 s17, s10;
	[smem:$0x7C6] =	sst s20  }
0x33: {  	s28 =	ssub.s32 $0x20BC, s25;
	s25 =	sshll.u32 s11, $0x4;
	[smem:$0x7C7] =	sst s10  }
0x34: {  	s29 =	sshll.u32 s26, $0x6;
	s6 =	sshrl.u32 s28, $0x2;
	[smem:$0x7F9] =	sst s25  }
0x35: {  	s20 =	sshll.u32 s11, $0x8;
	s28 =	sshll.u32 s30, $0x5;
	[smem:$0x7C9] =	sst s6  }
0x36: {  	s10 =	sshrl.u32 s21, $0x4;
	[smem:$0x7CA] =	sst s20;
	s12 =	ssub.s32 s29, s28  }
0x37: {  	s11 =	ssub.s32 $0x20BC, s28;
	s17 =	sand.u32 $0x71, s10;
	s6 =	sshll.u32 s30, $0x3  }
0x38: {  	s28 =	sshll.u32 s2, $0x3;
	[smem:$0x7CB] =	sst s6;
	s30 =	sshrl.u32 s11, $0x2  }
0x39: {  	s10 =	sshll.u32 s17, $0x6;
	s11 =	sadd.s32 $0x203C, s12;
	[smem:$0x7E9] =	sst s17  }
0x3a: {  	s12 =	sadd.s32 $0x2F0, s2;
	[smem:$0x7CC] =	sst s30;
	s6 =	ssub.s32 $0x20BC, s10  }
0x3b: {  	s10 =	sshrl.u32 s11, $0x2;
	s20 =	sshrl.u32 s12, $0x4;
	s21 =	sshll.u32 s12, $0x3  }
0x3c: {  	[smem:$0x7CD] =	sst s10;
	s6 =	sshrl.u32 s6, $0x2;
	s20 =	sand.u32 $0x7F, s20  }
0x3d: {  	s10 =	sand.u32 $0x7C000, s28;
	s28 =	sor.u32 $0x30, s2;
	[smem:$0x7CE] =	sst s6  }
0x3e: {  	s6 =	sand.u32 $0xFC000, s21;
	s29 =	sshll.u32 s20, $0x6;
	s5 =	ssub.s32 s5, s10  }
0x3f: {  	s7 =	ssub.s32 s7, s10;
	s8 =	ssub.s32 s8, s10;
	s9 =	ssub.s32 s9, s10  }
0x40: {  	s30 =	ssub.s32 $0x20BC, s10;
	s21 =	sor.u32 $0x28, s2;
	[smem:$0x7F1] =	sst s28  }
0x41: {  	[smem:$0x7F7] =	sst s20;
	s11 =	ssub.s32 s6, s29;
	s6 =	ssub.s32 s6, s10  }
0x42: {  	s12 =	sshra.s32 s30, $0x2;
	s29 =	sor.u32 $0x38, s2;
	[smem:$0x7EF] =	sst s21  }
0x43: {  	s30 =	sor.u32 $0x40, s2;
	s5 =	sadd.s32 $0x20BC, s5;
	[smem:$0x7CF] =	sst s12  }
0x44: {  	s11 =	ssub.s32 s11, s10;
	s10 =	ssub.s32 $0x203C, s10;
	[smem:$0x7F3] =	sst s29  }
0x45: {  	s12 =	sor.u32 $0x20, s2;
	[smem:$0x7F5] =	sst s30;
	s10 =	sshra.s32 s10, $0x2  }
0x46: {  	s4 =	sadd.s32 $0x20BC, s11;
	s11 =	sadd.s32 $0x203C, s9;
	[smem:$0x7ED] =	sst s12  }
0x47: {  	s9 =	sshrl.u32 s23, $0x4;
	[smem:$0x7D0] =	sst s10;
	s10 =	sor.u32 $0x18, s2  }
0x48: {  	s2 =	sshra.s32 s5, $0x2;
	s5 =	sadd.s32 $0x203C, s7;
	[smem:$0x7DE] =	sst s9  }
0x49: {  	s7 =	smov.u32 s18;
	s18 =	sadd.s32 $0x2800, s15;
	[smem:$0x7D2] =	sst s2  }
0x4a: {  	[smem:$0x7E0] =	sst s18  }
0x4b: {  	[smem:$0x7EB] =	sst s10  }
0x4c: {  	s2 =	sshra.s32 s5, $0x2;
	[dreg:$0x4] =	wrdreg s7  }
0x4d: {  	s18 =	sshrl.u32 s29, $0x3;
	[smem:$0x7D3] =	sst s2  }
0x4e: {  	s5 =	sor.u32 $0x203C, s6;
	s2 =	sshra.s32 s4, $0x2;
	[smem:$0x7F4] =	sst s18  }
0x4f: {  	s1 =	sand.u32 $0x380, s1;
	s6 =	sshra.s32 s5, $0x2;
	[smem:$0x7D4] =	sst s2  }
0x50: {  	s4 =	sor.u32 s1, s22;
	[smem:$0x7D5] =	sst s6  }
0x51: {  	s8 =	sadd.s32 $0x20BC, s8;
	s5 =	sadd.s32 $0x1800, s15;
	[smem:$0x7DA] =	sst s4  }
0x52: {  	s2 =	sshra.s32 s8, $0x2;
	[smem:$0x7DB] =	sst s5  }
0x53: {  	s6 =	sor.u32 $0x1, s31;
	[smem:$0x7D7] =	sst s2  }
0x54: {  	s8 =	sadd.s32 $0x2000, s15;
	[smem:$0x7DC] =	sst s6  }
0x55: {  	s15 =	sshrl.u32 s21, $0x3;
	[smem:$0x7DD] =	sst s8  }
0x56: {  	s21 =	sshrl.u32 s30, $0x4;
	[smem:$0x7F0] =	sst s15  }
0x57: {  	s30 =	sshll.u32 s20, $0x4;
	[smem:$0x7F6] =	sst s21  }
0x58: {  	s2 =	sshra.s32 s11, $0x2;
	[smem:$0x7F8] =	sst s30  }
0x59: {  	s11 =	sand.u32 $0x710, s19;
	[smem:$0x7D8] =	sst s2  }
0x5a: {  	s6 =	sshrl.u32 s13, $0x4;
	[smem:$0x7E1] =	sst s11  }
0x5b: {  	s13 =	sshrl.u32 s10, $0x3;
	[smem:$0x7E3] =	sst s6  }
0x5c: {  	s19 =	sshrl.u32 s14, $0x4;
	s14 =	sshrl.u32 s12, $0x4;
	[smem:$0x7EC] =	sst s13  }
0x5d: {  	s2 =	sor.u32 $0x1, s9;
	[smem:$0x7EE] =	sst s14  }
0x5e: {  	s8 =	sor.u32 $0x1, s19;
	[smem:$0x7DF] =	sst s2  }
0x5f: {  	s4 =	sadd.s32 $0x1, s6;
	[smem:$0x7E4] =	sst s8  }
0x60: {  	s9 =	sshrl.u32 s16, $0x4;
	[smem:$0x7E5] =	sst s4  }
0x61: {  	s16 =	sshrl.u32 s28, $0x4;
	[smem:$0x7E7] =	sst s9  }
0x62: {  	s2 =	sshrl.u32 s11, $0x4;
	s4 =	sadd.s32 $0x1, s9;
	[smem:$0x7F2] =	sst s16  }
.Ltmp0:
0x63: {  	s11 =	sshll.u32 s17, $0x4;
	[smem:$0x7E8] =	sst s4;
	(pc) =	sbr.rel .LBB2_1-.Ltmp0, $4  }
0x64: {  	v0 =	vlaneseq.u32;
	s17 =	smov.u32 s19;
	[smem:$0x7EA] =	sst s11  }
0x65: {  	v2 =	vmul.u32 $0xFFFFFFFF, v0;
	v0 =	vmov s0;
	v1 =	vmov s1;
	s3 =	sadd.s32 $0x1, s2;
	[smem:$0x7FD] =	sst s17  }
0x66: {  	s19 =	smov.u32 s2;
	[smem:$0x7E2] =	sst s3  }
0x67: {  	vm0 =	vmmov $0x7fff;
	v3 =	vimm.f32 $0.0e+00;
	v2 =	vadd.s32 $0xF, v2;
	s1 =	simm.s32 $0x0;
	s3 =	simm.s32 $0x0;
	[smem:$0x7FC] =	sst s19  }
.LBB2_251:
0x68: {  	s0 =	sld [smem:$0x7C7];
	_ =	sdelay $0x1  }
0x69: {  	s1 =	simm.s32 $0x0;
	s2 =	simm.s32 $0x18000;
	s21 =	simm.s32 $0xA  }
0x6a: {  	[hbm4b:s0+s1] =	stream.linear.scatter [tilespmem:s2], [sflag:$0xC], $0x4000, $0x38;
	[tilespmem:$0x1C000] =	vst v63  }
0x6b: {  	_ =	swait.ge [sflag:s21], $0x4000  }
0x6c: {  	[sflag:s21] =	ssyncset.done $0x0  }
0x6d: {  	s28 =	simm.s32 $0xB;
	[sflag:s21] =	ssyncadd.s32 $0xFFFFC000  }
0x6e: {  	_ =	swait.ge [sflag:s28], $0x4000  }
0x6f: {  	[sflag:s28] =	ssyncset.done $0x0  }
0x70: {  	s29 =	simm.s32 $0xC;
	[sflag:s28] =	ssyncadd.s32 $0xFFFFC000  }
0x71: {  	_ =	swait.ge [sflag:s29], $0x4000  }
0x72: {  	s3 =	sld [smem:$0x7C4]  }
0x73: {  	s30 =	sld [smem:$0x7C8];
	_ =	sdelay $0x1  }
0x74: {  	s3 =	sadd.s32 $0x1, s3  }
0x75: {  	p0 =	sne.s32 s3, s30  }
.Ltmp1:
0x76: {  	_ = 	snop;
	(pc) =	sbr.rel @!p0 .LBB2_252-.Ltmp1, $3  }
0x77: {  	_ =	sdelay $0x1  }
0x78: {  	[sflag:s29] =	ssyncset.done $0x0  }
0x79: {  	s7 =	rddreg [dreg:$0x4];
	[sflag:s29] =	ssyncadd.s32 $0xFFFFC000  }
.LBB2_1:
0x7a: {  	[smem:$0x7C4] =	sst s3  }
0x7b: {  	s0 =	rddreg [dreg:$0x1];
	s2 =	simm.s32 $0x2000;
	s29 =	simm.s32 $0xD  }
0x7c: {  	[tilespmem:s2], [sflag:$0xD] =	stream.linear.gather [hbm4b:s0+s1], $0x2000, $0x38;
	[tilespmem:$0x1C000] =	vst v63  }
0x7d: {  	_ =	swait.ge [sflag:s29], $0x2000  }
0x7e: {  	s30 =	sld [smem:$0x7D9]  }
0x7f: {  	[sflag:s29] =	ssyncset.done $0x0  }
0x80: {  	[sflag:s29] =	ssyncadd.s32 $0xFFFFE000  }
0x81: {  	v4 =	vld [tilespmem:s30+$0xC70];
	_ =	sdelay $0x4  }
0x82: {  	v4 =	vsel vm0, $0xFF800000, v4  }
0x83: {  	(xrf0) =	vmax.scan.msk.f32 $0xffff, v4;
	_ =	sdelay $0x5  }
0x84: {  	v4, _, _ =	vpop (xrf0)  }
0x85: {  	v4 =	vadd.f32 $0.0e+00, v4;
	_ =	sdelay $0x1  }
0x86: {  	s0 =	simm.s32 $0x0;
	v4 =	vbroadcast v4, $0xF  }
.LBB2_2:
0x87: {  	p0 =	sne.s32 s0, $0x17C0  }
.Ltmp2:
0x88: {  	_ = 	snop;
	(pc) =	sbr.rel @p0 .LBB2_2-.Ltmp2, $3  }
0x89: {  	_ =	sdelay $0x1  }
0x8a: {  	s1 =	sshra.s32 s0, $0x2  }
0x8b: {  	s0 =	sadd.s32 $0x40, s0;
	[tilespmem:s1+$0x0] =	vst v4  }
0x8c: {  	s0 =	simm.s32 $0xF80  }
0x8d: {  	s1 =	simm.s32 $0x1F0;
	s0 =	sand.u32 $0xC00, s0  }
0x8e: {  	s1 =	sand.u32 $0x70, s1;
	s0 =	sadd.s32 s0, s7  }
0x8f: {  	s0 =	sadd.s32 s1, s0  }
0x90: {  	v4 =	vld.idx.msk [tilespmem:v0+s0+$0x0 ss:$0x1], $0xffff;
	_ =	sdelay $0x2  }
0x91: {  	s30 =	simm.s32 $0x1E0;
	s2 =	simm.s32 $0xF00;
	s28 =	sld [smem:$0x7DC]  }
0x92: {  	s3 =	simm.s32 $0x1D0;
	s29 =	sld [smem:$0x7DF];
	s4 =	sand.u32 $0x70, s30  }
0x93: {  	s5 =	sand.u32 $0xC00, s2;
	s1 =	simm.s32 $0x0;
	s0 =	simm.s32 $0x0;
	v4 =	vperm.xlane v4, v2  }
.LBB2_4:
0x94: {  	p0 =	sne.s32 s3, $0x0;
	s5 =	sadd.s32 s5, s7;
	s6 =	sand.u32 $0x1F0, s1  }
0x95: {  	s4 =	sadd.s32 s4, s5;
	[tilespmem:s6+$0x600] =	vst v4  }
0x96: {  	v4 =	vld.idx.msk [tilespmem:v0+s4+$0x0 ss:$0x1], $0xffff;
	_ =	sdelay $0x1  }
.Ltmp3:
0x97: {  	(pc) =	sbr.rel @p0 .LBB2_4-.Ltmp3, $3  }
0x98: {  	_ =	sdelay $0x1  }
0x99: {  	s2 =	sadd.s32 $0xFFFFFF80, s2;
	s1 =	sadd.s32 $0x10, s1  }
0x9a: {  	s5 =	sand.u32 $0xC00, s2;
	s4 =	sand.u32 $0x70, s3;
	s3 =	sadd.s32 $0xFFFFFFF0, s3;
	v4 =	vperm.xlane v4, v2  }
0x9b: {  	_ =	sdelay $0x1  }
0x9c: {  	s2 =	sadd.s32 s5, s7;
	s3 =	sand.u32 $0x1F0, s1  }
0x9d: {  	s2 =	sadd.s32 s4, s2;
	[tilespmem:s3+$0x600] =	vst v4  }
0x9e: {  	v4 =	vld.idx.msk [tilespmem:v0+s2+$0x0 ss:$0x1], $0xffff;
	_ =	sdelay $0x4  }
0x9f: {  	s30 =	sadd.s32 $0x10, s1;
	v4 =	vperm.xlane v4, v2  }
0xa0: {  	s1 =	sand.u32 $0x1F0, s30  }
0xa1: {  	s0 =	sand.u32 $0x7F0, s0;
	[tilespmem:s1+$0x600] =	vst v4;
	s1 =	simm.s32 $0x10  }
.LBB2_6:
0xa2: {  	p0 =	sne.s32 s1, $0x7F0;
	[tilespmem:s0+$0x800] =	vst v3;
	s0 =	smov.u32 s1;
	s1 =	sadd.s32 $0x10, s1  }
.Ltmp4:
0xa3: {  	(pc) =	sbr.rel @p0 .LBB2_6-.Ltmp4, $2  }
0xa4: {  	_ =	sdelay $0x2  }
0xa5: {  	s0 =	sand.u32 $0x7F0, s0  }
0xa6: {  	s30 =	sld [smem:$0x7DA];
	_ =	sdelay $0x1  }
0xa7: {  	[tilespmem:s0+$0x800] =	vst v3  }
0xa8: {  	v4 =	vld [tilespmem:s30+$0xC70];
	_ =	sdelay $0x4  }
0xa9: {  	v4 =	vsel vm0, $0xFF800000, v4  }
0xaa: {  	(xrf0) =	vmax.scan.msk.f32 $0xffff, v4;
	_ =	sdelay $0x5  }
0xab: {  	v4, _, _ =	vpop (xrf0)  }
0xac: {  	v4 =	vadd.f32 $0.0e+00, v4;
	_ =	sdelay $0x1  }
0xad: {  	s0 =	simm.s32 $0x0;
	s1 =	simm.s32 $0x0;
	v4 =	vbroadcast v4, $0xF  }
.LBB2_8:
0xae: {  	p0 =	sne.s32 s1, $0x5F0  }
.Ltmp5:
0xaf: {  	_ = 	snop;
	(pc) =	sbr.rel @p0 .LBB2_8-.Ltmp5, $3  }
0xb0: {  	_ =	sdelay $0x1  }
0xb1: {  	s2 =	sand.u32 $0x7F0, s1  }
0xb2: {  	s1 =	sadd.s32 $0x10, s1;
	[tilespmem:s2+$0x1000] =	vst v4  }
0xb3: {  	s1 =	simm.s32 $0xF80  }
0xb4: {  	s2 =	simm.s32 $0x1F0;
	s1 =	sand.u32 $0xC00, s1  }
0xb5: {  	s2 =	sand.u32 $0x70, s2;
	s1 =	sadd.s32 s1, s22  }
0xb6: {  	s1 =	sadd.s32 s2, s1  }
0xb7: {  	v4 =	vld.idx.msk [tilespmem:v1+s1+$0x0 ss:$0x1], $0xffff;
	_ =	sdelay $0x3  }
0xb8: {  	s30 =	simm.s32 $0x1E0;
	s1 =	simm.s32 $0xF00  }
0xb9: {  	s3 =	sand.u32 $0x70, s30;
	s2 =	simm.s32 $0x1D0;
	s4 =	sand.u32 $0xC00, s1;
	v4 =	vperm.xlane v4, v2  }
.LBB2_10:
0xba: {  	p0 =	sne.s32 s2, $0x0;
	s4 =	sadd.s32 s4, s22;
	s5 =	sand.u32 $0x1F0, s0  }
0xbb: {  	s3 =	sadd.s32 s3, s4;
	[tilespmem:s5+$0x1600] =	vst v4  }
0xbc: {  	v4 =	vld.idx.msk [tilespmem:v1+s3+$0x0 ss:$0x1], $0xffff;
	_ =	sdelay $0x1  }
.Ltmp6:
0xbd: {  	(pc) =	sbr.rel @p0 .LBB2_10-.Ltmp6, $3  }
0xbe: {  	_ =	sdelay $0x1  }
0xbf: {  	s1 =	sadd.s32 $0xFFFFFF80, s1;
	s0 =	sadd.s32 $0x10, s0  }
0xc0: {  	s4 =	sand.u32 $0xC00, s1;
	s3 =	sand.u32 $0x70, s2;
	s2 =	sadd.s32 $0xFFFFFFF0, s2;
	v4 =	vperm.xlane v4, v2  }
0xc1: {  	_ =	sdelay $0x1  }
0xc2: {  	s1 =	sadd.s32 s4, s22;
	s2 =	sand.u32 $0x1F0, s0  }
0xc3: {  	s1 =	sadd.s32 s3, s1;
	[tilespmem:s2+$0x1600] =	vst v4  }
0xc4: {  	v4 =	vld.idx.msk [tilespmem:v1+s1+$0x0 ss:$0x1], $0xffff;
	_ =	sdelay $0x4  }
0xc5: {  	s22 =	sadd.s32 $0x10, s0;
	v4 =	vperm.xlane v4, v2  }
0xc6: {  	s30 =	simm.s32 $0x0;
	s0 =	sand.u32 $0x1F0, s22  }
0xc7: {  	s1 =	sand.u32 $0x7F0, s30;
	[tilespmem:s0+$0x1600] =	vst v4;
	s0 =	simm.s32 $0x10  }
.LBB2_12:
0xc8: {  	p0 =	sne.s32 s0, $0x7F0;
	[tilespmem:s1+$0x1800] =	vst v3;
	s1 =	smov.u32 s0;
	s0 =	sadd.s32 $0x10, s0  }
.Ltmp7:
0xc9: {  	(pc) =	sbr.rel @p0 .LBB2_12-.Ltmp7, $2  }
0xca: {  	_ =	sdelay $0x2  }
0xcb: {  	s1 =	sand.u32 $0x7F0, s1  }
0xcc: {  	s16 =	rddreg [dreg:$0xa]  }
0xcd: {  	[tilespmem:s1+$0x1800] =	vst v3;
	s0 =	simm.s32 $0x0;
	s2 =	simm.s32 $0x4000;
	s17 =	rddreg [dreg:$0xe]  }
0xce: {  	[tilespmem:s2], [sflag:$0x1] =	stream.linear.gather [hbm4b:s16+s0], $0x4000, $0x38;
	[tilespmem:$0x1C000] =	vst v63  }
0xcf: {  	s18 =	simm.s32 $0x8000;
	s19 =	rddreg [dreg:$0x9]  }
0xd0: {  	[tilespmem:s18], [sflag:$0x2] =	stream.linear.gather [hbm4b:s17+s0], $0x4000, $0x38;
	[tilespmem:$0x1C000] =	vst v63  }
0xd1: {  	s20 =	simm.s32 $0xC000;
	s21 =	sld [smem:$0x7DB]  }
0xd2: {  	[tilespmem:s20], [sflag:$0x3] =	stream.linear.gather [hbm4b:s19+s0], $0x4000, $0x38;
	[tilespmem:$0x1C000] =	vst v63  }
.Ltmp8:
0xd3: {  	s22 =	simm.s32 $0x10000;
	s30 =	simm.s32 $0x1;
	(pc) =	sbr.rel .LBB2_14-.Ltmp8, $4  }
0xd4: {  	[tilespmem:s22], [sflag:$0x4] =	stream.linear.gather [hbm4b:s21+s0], $0x4000, $0x38;
	[tilespmem:$0x1C000] =	vst v63  }
0xd5: {  	_ =	swait.ge [sflag:s30], $0x4000  }
0xd6: {  	[sflag:s30] =	ssyncset.done $0x0;
	s2 =	sld [smem:$0x7C9]  }
0xd7: {  	s1 =	simm.s32 $0x80F;
	s3 =	sld [smem:$0x7CA];
	[sflag:s30] =	ssyncadd.s32 $0xFFFFC000  }
.LBB2_28:
0xd8: {  	s0 =	sadd.s32 $0x1, s0  }
0xd9: {  	p0 =	sne.s32 s0, $0x8  }
.Ltmp9:
0xda: {  	_ = 	snop;
	(pc) =	sbr.rel @!p0 .LBB2_29-.Ltmp9, $2  }
0xdb: {  	_ =	sdelay $0x2  }
0xdc: {  	s3 =	sadd.s32 $0x1, s3;
	s2 =	sadd.s32 $0xFFFFFFFF, s2;
	s1 =	sadd.s32 $0xFFFFFFFF, s1  }
.LBB2_14:
0xdd: {  	s4 =	sor.u32 s24, s0  }
0xde: {  	s4 =	smax.u32 s4, $0x1FF  }
0xdf: {  	s4 =	sadd.s32 $0xFFFFFE01, s4  }
0xe0: {  	s7 =	sshrl.u32 s4, $0x4  }
0xe1: {  	p0 =	seq.s32 s7, $0x0  }
.Ltmp10:
0xe2: {  	_ = 	snop;
	(pc) =	sbr.rel @p0 .LBB2_22-.Ltmp10, $1  }
0xe3: {  	_ =	sdelay $0x3  }
0xe4: {  	s5 =	sshll.u32 s0, $0x7  }
0xe5: {  	v4 =	vmov s5  }
0xe6: {  	p1 =	sgt.u32 s7, $0x4  }
.Ltmp11:
0xe7: {  	s4 =	simm.s32 $0x0;
	(pc) =	sbr.rel @!p1 .LBB2_16-.Ltmp11, $4  }
0xe8: {  	v5 =	vld [tilespmem:$0x0];
	s30 =	sand.u32 $0x40, s4;
	s4 =	sand.u32 $0xFFFFFC00, s4  }
0xe9: {  	s4 =	sor.u32 s30, s4  }
0xea: {  	v10 =	vld.idx.msk [tilespmem:v4+s4+$0x4020 ss:$0x1], $0xffff  }
0xeb: {  	p0 =	por $0x0, $0x0;
	v8 =	vld.idx.msk [tilespmem:v4+s4+$0x4010 ss:$0x1], $0xffff  }
0xec: {  	_ =	sdelay $0x1  }
0xed: {  	p1 =	sgt.u32 s7, $0x8  }
.Ltmp12:
0xee: {  	s6 =	simm.s32 $0x200;
	s8 =	simm.s32 $0x40;
	(pc) =	sbr.rel @!p1 .LBB2_18-.Ltmp12, $4  }
0xef: {  	v6 =	vld.idx.msk [tilespmem:v4+s4+$0x4030 ss:$0x1], $0xffff;
	s5 =	sand.u32 $0x40, s8;
	s9 =	sand.u32 $0xFFFFFC00, s6  }
0xf0: {  	v7 =	vld.idx.msk [tilespmem:v4+s4+$0x4000 ss:$0x1], $0xffff;
	s5 =	sor.u32 s5, s9  }
0xf1: {  	v9 =	vld.idx.msk [tilespmem:v4+s5+$0x4020 ss:$0x1], $0xffff  }
0xf2: {  	p0 =	por $0x1, $0x1;
	s9 =	simm.s32 $0x8;
	v13 =	vadd.f32 v10, v5;
	v11 =	vld.idx.msk [tilespmem:v4+s5+$0x4010 ss:$0x1], $0xffff;
	v12 =	vadd.f32 v8, v5  }
.LBB2_19:
0xf3: {  	s9 =	sadd.s32 $0x4, s9  }
0xf4: {  	[tilespmem:v4+s4+$0x4020 ss:$0x1] =	vst.idx.msk $0xffff, v13;
	v8 =	vadd.f32 v6, v5;
	v6 =	vld.idx.msk [tilespmem:v4+s5+$0x4030 ss:$0x1], $0xffff;
	p1 =	slt.u32 s9, s7  }
.Ltmp13:
0xf5: {  	s6 =	sadd.s32 $0x200, s6;
	s8 =	sadd.s32 $0x40, s8;
	v10 =	vadd.f32 v7, v5;
	v7 =	vld.idx.msk [tilespmem:v4+s5+$0x4000 ss:$0x1], $0xffff;
	[tilespmem:v4+s4+$0x4010 ss:$0x1] =	vst.idx.msk $0xffff, v12;
	(pc) =	sbr.rel @p1 .LBB2_19-.Ltmp13, $4  }
0xf6: {  	s10 =	sand.u32 $0x40, s8;
	s11 =	sand.u32 $0xFFFFFC00, s6;
	[tilespmem:v4+s4+$0x4030 ss:$0x1] =	vst.idx.msk $0xffff, v8  }
0xf7: {  	[tilespmem:v4+s4+$0x4000 ss:$0x1] =	vst.idx.msk $0xffff, v10;
	s4 =	smov.u32 s5;
	s5 =	sor.u32 s10, s11  }
0xf8: {  	v13 =	vadd.f32 v9, v5;
	v9 =	vld.idx.msk [tilespmem:v4+s5+$0x4020 ss:$0x1], $0xffff  }
0xf9: {  	v12 =	vadd.f32 v11, v5;
	v11 =	vld.idx.msk [tilespmem:v4+s5+$0x4010 ss:$0x1], $0xffff  }
0xfa: {  	_ =	sdelay $0x3  }
0xfb: {  	v10 =	vmov v9;
	v8 =	vmov v11  }
.LBB2_21:
0xfc: {  	_ =	sdelay $0x3  }
0xfd: {  	v9 =	vld.idx.msk [tilespmem:v4+s5+$0x4030 ss:$0x1], $0xffff  }
0xfe: {  	[tilespmem:v4+s4+$0x4020 ss:$0x1] =	vst.idx.msk @p0 $0xffff, v13;
	v6 =	vadd.f32 @p0 v6, v5;
	v11 =	vld.idx.msk [tilespmem:v4+s5+$0x4000 ss:$0x1], $0xffff  }
0xff: {  	v7 =	vadd.f32 @p0 v7, v5;
	[tilespmem:v4+s4+$0x4010 ss:$0x1] =	vst.idx.msk @p0 $0xffff, v12  }
0x100: {  	v61 =	vadd.f32 v10, v5;
	[tilespmem:v4+s4+$0x4030 ss:$0x1] =	vst.idx.msk @p0 $0xffff, v6  }
0x101: {  	v62 =	vadd.f32 v8, v5;
	[tilespmem:v4+s4+$0x4000 ss:$0x1] =	vst.idx.msk @p0 $0xffff, v7  }
0x102: {  	[tilespmem:v4+s5+$0x4020 ss:$0x1] =	vst.idx.msk $0xffff, v61;
	v63 =	vadd.f32 v9, v5  }
0x103: {  	[tilespmem:v4+s5+$0x4010 ss:$0x1] =	vst.idx.msk $0xffff, v62;
	v5 =	vadd.f32 v11, v5  }
0x104: {  	[tilespmem:v4+s5+$0x4030 ss:$0x1] =	vst.idx.msk $0xffff, v63  }
0x105: {  	[tilespmem:v4+s5+$0x4000 ss:$0x1] =	vst.idx.msk $0xffff, v5  }
.LBB2_22:
0x106: {  	s5 =	ssub.s32 s28, s7  }
0x107: {  	s4 =	sshrl.u32 s5, $0x1E  }
0x108: {  	s4 =	sadd.s32 s4, s5  }
0x109: {  	s6 =	sand.u32 $0xFFFFFFFC, s4  }
0x10a: {  	p0 =	sgt.s32 s6, $0x0  }
.Ltmp14:
0x10b: {  	_ = 	snop;
	(pc) =	sbr.rel @!p0 .LBB2_25-.Ltmp14, $2  }
0x10c: {  	_ =	sdelay $0x2  }
0x10d: {  	s4 =	sadd.s32 s7, s6  }
0x10e: {  	s8 =	smax.u32 s3, $0x1FF  }
0x10f: {  	s12 =	sshll.u32 s0, $0x7;
	s8 =	sadd.s32 $0xFFFFFE01, s8  }
0x110: {  	v4 =	vmov s12;
	s9 =	sshrl.u32 s8, $0x4;
	s8 =	sand.u32 $0xFFFFFFF0, s8  }
0x111: {  	s10 =	sshll.u32 s9, $0x6;
	s9 =	sshll.u32 s9, $0x7;
	s11 =	sadd.s32 $0x30, s8  }
0x112: {  	s10 =	sshra.s32 s10, $0x2;
	s19 =	sand.u32 $0xFFFFFC00, s9;
	s20 =	sand.u32 $0x70, s11  }
0x113: {  	s21 =	sadd.s32 $0xFFFFFFE0, s11;
	s22 =	sadd.s32 $0xFFFFFFD0, s11;
	s8 =	sadd.s32 $0x4000, s19  }
0x114: {  	s13 =	sadd.s32 $0xFFFFFFF0, s11;
	v5 =	vmov s10;
	s12 =	sand.u32 $0x70, s21;
	s14 =	sor.u32 s20, s8  }
0x115: {  	s16 =	sand.u32 $0x70, s22;
	s10 =	sadd.s32 $0x4, s7;
	s15 =	sor.u32 s12, s8;
	v9 =	vld.idx.msk [tilespmem:v4+s14+$0x0 ss:$0x1], $0xffff  }
0x116: {  	s30 =	sand.u32 $0x70, s13;
	s16 =	sor.u32 s16, s8;
	p1 =	slt.s32 s10, s4;
	v11 =	vld.idx.msk [tilespmem:v4+s15+$0x0 ss:$0x1], $0xffff  }
.Ltmp15:
0x117: {  	s8 =	sor.u32 s30, s8;
	v10 =	vld.idx.msk [tilespmem:v4+s16+$0x0 ss:$0x1], $0xffff;
	(pc) =	sbr.rel @!p1 .LBB2_24-.Ltmp15, $4  }
0x118: {  	v8 =	vld.idx.msk [tilespmem:v4+s8+$0x0 ss:$0x1], $0xffff  }
0x119: {  	v13 =	vld.idx.msk [tilespmem:v5+s2+$0xFFFFFFD0 ss:$0x1], $0xffff  }
0x11a: {  	v6 =	vld.idx.msk [tilespmem:v5+s2+$0x0 ss:$0x1], $0xffff  }
0x11b: {  	p0 =	por $0x0, $0x0;
	s17 =	sadd.s32 $0x200, s9;
	s18 =	sadd.s32 $0x40, s11;
	v7 =	vld.idx.msk [tilespmem:v5+s2+$0xFFFFFFE0 ss:$0x1], $0xffff  }
0x11c: {  	_ =	sdelay $0x3  }
0x11d: {  	s9 =	sand.u32 $0xFFFFFC00, s17;
	v14 =	vld.idx.msk [tilespmem:v5+s2+$0xFFFFFFF0 ss:$0x1], $0xffff;
	s7 =	sadd.s32 $0x40, s2  }
0x11e: {  	s21 =	sand.u32 $0x70, s18;
	s13 =	sadd.s32 $0x4, s10;
	s19 =	sadd.s32 $0x4000, s9;
	v12 =	vld.idx.msk [tilespmem:v5+s7+$0xFFFFFFD0 ss:$0x1], $0xffff  }
0x11f: {  	s12 =	sadd.s32 $0xFFFFFFE0, s18;
	p1 =	slt.s32 s13, s4;
	s11 =	sor.u32 s21, s19;
	v15 =	vadd.f32 v6, v9;
	v6 =	vld.idx.msk [tilespmem:v5+s7+$0x0 ss:$0x1], $0xffff  }
.Ltmp16:
0x120: {  	s22 =	sadd.s32 $0xFFFFFFD0, s18;
	s12 =	sand.u32 $0x70, s12;
	v13 =	vadd.f32 v13, v10;
	v9 =	vld.idx.msk [tilespmem:v4+s11+$0x0 ss:$0x1], $0xffff;
	(pc) =	sbr.rel @!p1 .LBB2_34-.Ltmp16, $4  }
0x121: {  	s20 =	sadd.s32 $0xFFFFFFF0, s18;
	s21 =	sand.u32 $0x70, s22;
	s9 =	sor.u32 s12, s19;
	v16 =	vadd.f32 v7, v11;
	v7 =	vld.idx.msk [tilespmem:v5+s7+$0xFFFFFFE0 ss:$0x1], $0xffff  }
0x122: {  	s30 =	sand.u32 $0x70, s20;
	s12 =	sor.u32 s21, s19;
	v11 =	vld.idx.msk [tilespmem:v4+s9+$0x0 ss:$0x1], $0xffff;
	[tilespmem:v4+s16+$0x0 ss:$0x1] =	vst.idx.msk $0xffff, v13  }
0x123: {  	s10 =	sor.u32 s30, s19;
	v10 =	vld.idx.msk [tilespmem:v4+s12+$0x0 ss:$0x1], $0xffff;
	[tilespmem:v4+s14+$0x0 ss:$0x1] =	vst.idx.msk $0xffff, v15  }
0x124: {  	p0 =	por $0x1, $0x1;
	v14 =	vadd.f32 v14, v8;
	v8 =	vld.idx.msk [tilespmem:v4+s10+$0x0 ss:$0x1], $0xffff;
	s14 =	sadd.s32 $0x200, s17;
	[tilespmem:v4+s15+$0x0 ss:$0x1] =	vst.idx.msk $0xffff, v16;
	s15 =	sadd.s32 $0x40, s18  }
.LBB2_35:
0x125: {  	s16 =	sand.u32 $0xFFFFFC00, s14  }
0x126: {  	s13 =	sadd.s32 $0x4, s13;
	v13 =	vld.idx.msk [tilespmem:v5+s7+$0xFFFFFFF0 ss:$0x1], $0xffff;
	s7 =	sadd.s32 $0x40, s7;
	[tilespmem:v4+s8+$0x0 ss:$0x1] =	vst.idx.msk $0xffff, v14;
	s17 =	sadd.s32 $0xFFFFFFE0, s15  }
0x127: {  	v14 =	vadd.f32 v6, v9;
	s8 =	sadd.s32 $0x4000, s16;
	v15 =	vld.idx.msk [tilespmem:v5+s7+$0xFFFFFFD0 ss:$0x1], $0xffff;
	s16 =	sand.u32 $0x70, s15;
	p1 =	slt.s32 s13, s4  }
0x128: {  	s18 =	sadd.s32 $0xFFFFFFF0, s15;
	s19 =	sadd.s32 $0xFFFFFFD0, s15;
	s16 =	sor.u32 s16, s8;
	v6 =	vld.idx.msk [tilespmem:v5+s7+$0x0 ss:$0x1], $0xffff  }
.Ltmp17:
0x129: {  	s17 =	sand.u32 $0x70, s17;
	s18 =	sand.u32 $0x70, s18;
	v16 =	vadd.f32 v7, v11;
	v9 =	vld.idx.msk [tilespmem:v4+s16+$0x0 ss:$0x1], $0xffff;
	[tilespmem:v4+s11+$0x0 ss:$0x1] =	vst.idx.msk $0xffff, v14;
	(pc) =	sbr.rel @p1 .LBB2_35-.Ltmp17, $4  }
0x12a: {  	s17 =	sor.u32 s17, s8;
	s18 =	sor.u32 s18, s8;
	s11 =	sand.u32 $0x70, s19;
	v17 =	vadd.f32 v12, v10;
	v7 =	vld.idx.msk [tilespmem:v5+s7+$0xFFFFFFE0 ss:$0x1], $0xffff  }
0x12b: {  	s19 =	sor.u32 s11, s8;
	s11 =	smov.u32 s16;
	v11 =	vld.idx.msk [tilespmem:v4+s17+$0x0 ss:$0x1], $0xffff;
	[tilespmem:v4+s9+$0x0 ss:$0x1] =	vst.idx.msk $0xffff, v16;
	s9 =	smov.u32 s17  }
0x12c: {  	s8 =	smov.u32 s10;
	s10 =	smov.u32 s18;
	v14 =	vadd.f32 v13, v8;
	v10 =	vld.idx.msk [tilespmem:v4+s19+$0x0 ss:$0x1], $0xffff;
	[tilespmem:v4+s12+$0x0 ss:$0x1] =	vst.idx.msk $0xffff, v17;
	s12 =	smov.u32 s19  }
0x12d: {  	s14 =	sadd.s32 $0x200, s14;
	s15 =	sadd.s32 $0x40, s15;
	v12 =	vmov v15;
	v8 =	vld.idx.msk [tilespmem:v4+s10+$0x0 ss:$0x1], $0xffff  }
0x12e: {  	s13 =	smov.u32 s8;
	s14 =	smov.u32 s11  }
0x12f: {  	v13 =	vmov v12;
	s15 =	smov.u32 s9;
	s16 =	smov.u32 s12;
	s8 =	smov.u32 s10  }
.LBB2_37:
0x130: {  	_ =	sdelay $0x3  }
0x131: {  	v5 =	vld.idx.msk [tilespmem:v5+s7+$0xFFFFFFF0 ss:$0x1], $0xffff;
	_ =	sdelay $0x1  }
0x132: {  	v6 =	vadd.f32 v6, v9  }
0x133: {  	[tilespmem:v4+s13+$0x0 ss:$0x1] =	vst.idx.msk @p0 $0xffff, v14;
	v7 =	vadd.f32 v7, v11  }
0x134: {  	v63 =	vadd.f32 v13, v10;
	[tilespmem:v4+s14+$0x0 ss:$0x1] =	vst.idx.msk $0xffff, v6  }
0x135: {  	[tilespmem:v4+s15+$0x0 ss:$0x1] =	vst.idx.msk $0xffff, v7;
	v5 =	vadd.f32 v5, v8  }
0x136: {  	[tilespmem:v4+s16+$0x0 ss:$0x1] =	vst.idx.msk $0xffff, v63  }
0x137: {  	[tilespmem:v4+s8+$0x0 ss:$0x1] =	vst.idx.msk $0xffff, v5  }
.LBB2_25:
0x138: {  	p0 =	sgt.s32 s4, s31  }
.Ltmp18:
0x139: {  	_ = 	snop;
	(pc) =	sbr.rel @p0 .LBB2_28-.Ltmp18, $1  }
0x13a: {  	_ =	sdelay $0x3  }
0x13b: {  	s6 =	ssub.s32 s5, s6  }
0x13c: {  	s30 =	sshll.u32 s0, $0x7;
	s7 =	sshll.u32 s6, $0x6  }
0x13d: {  	s5 =	sand.u32 $0x3FFFFF80, s30;
	s7 =	ssub.s32 $0x0, s7  }
0x13e: {  	s6 =	ssub.s32 s25, s6;
	s5 =	sadd.s32 $0x4000, s5;
	s8 =	sshra.s32 s7, $0x2  }
0x13f: {  	s7 =	sshll.u32 s4, $0x7;
	s4 =	sshll.u32 s4, $0x4;
	s8 =	sadd.s32 s8, s1  }
.LBB2_27:
0x140: {  	s9 =	sand.u32 $0xFFFFFC00, s7  }
0x141: {  	s10 =	sand.u32 $0x70, s4;
	s9 =	sadd.s32 s9, s5  }
0x142: {  	v5 =	vld [tilespmem:s8+$0x0];
	s9 =	sadd.s32 s10, s9  }
0x143: {  	v4 =	vld [tilespmem:s9+$0x0]  }
0x144: {  	s6 =	sadd.s32 $0x1, s6  }
0x145: {  	p0 =	slt.s32 s6, s31  }
.Ltmp19:
0x146: {  	_ = 	snop;
	(pc) =	sbr.rel @p0 .LBB2_27-.Ltmp19, $3  }
0x147: {  	_ = 	snop  }
0x148: {  	v4 =	vadd.f32 v5, v4;
	_ =	sdelay $0x1  }
0x149: {  	s7 =	sadd.s32 $0x80, s7;
	s8 =	sadd.s32 $0x10, s8;
	s4 =	sadd.s32 $0x10, s4;
	[tilespmem:s9+$0x0] =	vst v4  }
.Ltmp20:
0x14a: {  	_ = 	snop;
	(pc) =	sbr.rel .LBB2_28-.Ltmp20, $1  }
0x14b: {  	_ =	sdelay $0x3  }
.LBB2_16:
.Ltmp21:
0x14c: {  	(pc) =	sbr.rel .LBB2_21-.Ltmp21, $2  }
0x14d: {  	_ =	sdelay $0x2  }
0x14e: {  	s5 =	smov.u32 s4  }
.LBB2_24:
.Ltmp22:
0x14f: {  	(pc) =	sbr.rel .LBB2_37-.Ltmp22, $2  }
0x150: {  	_ =	sdelay $0x2  }
0x151: {  	s7 =	smov.u32 s2  }
.LBB2_18:
.Ltmp23:
0x152: {  	_ = 	snop;
	(pc) =	sbr.rel .LBB2_21-.Ltmp23, $2  }
0x153: {  	_ =	sdelay $0x2  }
0x154: {  	v10 =	vmov v9;
	v8 =	vmov v11  }
.LBB2_34:
.Ltmp24:
0x155: {  	(pc) =	sbr.rel .LBB2_37-.Ltmp24, $3  }
0x156: {  	_ =	sdelay $0x1  }
0x157: {  	s13 =	smov.u32 s8;
	s14 =	smov.u32 s11  }
0x158: {  	v13 =	vmov v12;
	s15 =	smov.u32 s9;
	s16 =	smov.u32 s12;
	s8 =	smov.u32 s10  }
.LBB2_29:
0x159: {  	s1 =	sld [smem:$0x7DD];
	_ =	sdelay $0x1  }
0x15a: {  	s0 =	simm.s32 $0x0;
	s2 =	simm.s32 $0x14000;
	s25 =	simm.s32 $0x2  }
0x15b: {  	[tilespmem:s2], [sflag:$0x5] =	stream.linear.gather [hbm4b:s1+s0], $0x4000, $0x38;
	[tilespmem:$0x1C000] =	vst v63  }
0x15c: {  	_ =	swait.ge [sflag:s25], $0x4000  }
0x15d: {  	s30 =	rddreg [dreg:$0xb]  }
0x15e: {  	s1 =	sld [smem:$0x7CD]  }
.Ltmp25:
0x15f: {  	s2 =	sld [smem:$0x7CC];
	(pc) =	sbr.rel .LBB2_30-.Ltmp25, $4  }
0x160: {  	s3 =	sld [smem:$0x7CB]  }
0x161: {  	[sflag:s25] =	ssyncset.done $0x0;
	s21 =	sld [smem:$0x7DE]  }
0x162: {  	s31 =	simm.s32 $0x4000;
	s28 =	sld [smem:$0x7E1];
	[sflag:s25] =	ssyncadd.s32 $0xFFFFC000  }
0x163: {  	[hbm4b:s30+s0] =	stream.linear.scatter [tilespmem:s31], [sflag:$0x7], $0x4000, $0x38;
	[tilespmem:$0x1C000] =	vst v63  }
.LBB2_48:
0x164: {  	s0 =	sadd.s32 $0x1, s0  }
0x165: {  	p0 =	sne.s32 s0, $0x8  }
.Ltmp26:
0x166: {  	_ = 	snop;
	(pc) =	sbr.rel @!p0 .LBB2_49-.Ltmp26, $2  }
0x167: {  	_ =	sdelay $0x2  }
0x168: {  	s3 =	sadd.s32 $0x1, s3;
	s2 =	sadd.s32 $0xFFFFFFFF, s2;
	s1 =	sadd.s32 $0xFFFFFFFF, s1  }
.LBB2_30:
0x169: {  	s4 =	sor.u32 s23, s0  }
0x16a: {  	s4 =	smax.u32 s4, $0x1FF  }
0x16b: {  	s4 =	sadd.s32 $0xFFFFFE01, s4  }
0x16c: {  	s4 =	sshrl.u32 s4, $0x4  }
0x16d: {  	s5 =	sand.u32 $0x70, s4  }
0x16e: {  	p0 =	seq.s32 s5, $0x0  }
.Ltmp27:
0x16f: {  	_ = 	snop;
	(pc) =	sbr.rel @p0 .LBB2_38-.Ltmp27, $1  }
0x170: {  	v4 =	vld [tilespmem:$0x0];
	_ =	sdelay $0x3  }
0x171: {  	s7 =	sshll.u32 s0, $0x7  }
0x172: {  	v5 =	vmov s7  }
0x173: {  	p1 =	sgt.u32 s5, $0x4  }
.Ltmp28:
0x174: {  	s6 =	simm.s32 $0x0;
	(pc) =	sbr.rel @!p1 .LBB2_32-.Ltmp28, $4  }
0x175: {  	s31 =	sand.u32 $0x40, s6;
	s6 =	sand.u32 $0x7FFFFC00, s6  }
0x176: {  	s6 =	sor.u32 s31, s6  }
0x177: {  	v10 =	vld.idx.msk [tilespmem:v5+s6+$0x8020 ss:$0x1], $0xffff  }
0x178: {  	p0 =	por $0x0, $0x0;
	v8 =	vld.idx.msk [tilespmem:v5+s6+$0x8010 ss:$0x1], $0xffff  }
0x179: {  	_ =	sdelay $0x1  }
0x17a: {  	p1 =	sgt.u32 s5, $0x8  }
.Ltmp29:
0x17b: {  	s8 =	simm.s32 $0x200;
	s9 =	simm.s32 $0x40;
	(pc) =	sbr.rel @!p1 .LBB2_54-.Ltmp29, $4  }
0x17c: {  	v6 =	vld.idx.msk [tilespmem:v5+s6+$0x8030 ss:$0x1], $0xffff;
	s7 =	sand.u32 $0x40, s9;
	s10 =	sand.u32 $0x7FFFFC00, s8  }
0x17d: {  	v7 =	vld.idx.msk [tilespmem:v5+s6+$0x8000 ss:$0x1], $0xffff;
	s7 =	sor.u32 s7, s10  }
0x17e: {  	v9 =	vld.idx.msk [tilespmem:v5+s7+$0x8020 ss:$0x1], $0xffff  }
0x17f: {  	p0 =	por $0x1, $0x1;
	s10 =	simm.s32 $0x8;
	v13 =	vadd.f32 v10, v4;
	v11 =	vld.idx.msk [tilespmem:v5+s7+$0x8010 ss:$0x1], $0xffff;
	v12 =	vadd.f32 v8, v4  }
.LBB2_55:
0x180: {  	s10 =	sadd.s32 $0x4, s10  }
0x181: {  	[tilespmem:v5+s6+$0x8020 ss:$0x1] =	vst.idx.msk $0xffff, v13;
	v8 =	vadd.f32 v6, v4;
	v6 =	vld.idx.msk [tilespmem:v5+s7+$0x8030 ss:$0x1], $0xffff;
	p1 =	slt.u32 s10, s5  }
.Ltmp30:
0x182: {  	s8 =	sadd.s32 $0x200, s8;
	s9 =	sadd.s32 $0x40, s9;
	v10 =	vadd.f32 v7, v4;
	v7 =	vld.idx.msk [tilespmem:v5+s7+$0x8000 ss:$0x1], $0xffff;
	[tilespmem:v5+s6+$0x8010 ss:$0x1] =	vst.idx.msk $0xffff, v12;
	(pc) =	sbr.rel @p1 .LBB2_55-.Ltmp30, $4  }
0x183: {  	s11 =	sand.u32 $0x40, s9;
	s12 =	sand.u32 $0x7FFFFC00, s8;
	[tilespmem:v5+s6+$0x8030 ss:$0x1] =	vst.idx.msk $0xffff, v8  }
0x184: {  	[tilespmem:v5+s6+$0x8000 ss:$0x1] =	vst.idx.msk $0xffff, v10;
	s6 =	smov.u32 s7;
	s7 =	sor.u32 s11, s12  }
0x185: {  	v13 =	vadd.f32 v9, v4;
	v9 =	vld.idx.msk [tilespmem:v5+s7+$0x8020 ss:$0x1], $0xffff  }
0x186: {  	v12 =	vadd.f32 v11, v4;
	v11 =	vld.idx.msk [tilespmem:v5+s7+$0x8010 ss:$0x1], $0xffff  }
0x187: {  	_ =	sdelay $0x3  }
0x188: {  	v10 =	vmov v9;
	v8 =	vmov v11  }
.LBB2_57:
0x189: {  	_ =	sdelay $0x3  }
0x18a: {  	v9 =	vld.idx.msk [tilespmem:v5+s7+$0x8030 ss:$0x1], $0xffff  }
0x18b: {  	[tilespmem:v5+s6+$0x8020 ss:$0x1] =	vst.idx.msk @p0 $0xffff, v13;
	v6 =	vadd.f32 @p0 v6, v4;
	v11 =	vld.idx.msk [tilespmem:v5+s7+$0x8000 ss:$0x1], $0xffff  }
0x18c: {  	v7 =	vadd.f32 @p0 v7, v4;
	[tilespmem:v5+s6+$0x8010 ss:$0x1] =	vst.idx.msk @p0 $0xffff, v12  }
0x18d: {  	[tilespmem:v5+s6+$0x8030 ss:$0x1] =	vst.idx.msk @p0 $0xffff, v6;
	v6 =	vadd.f32 v10, v4  }
0x18e: {  	[tilespmem:v5+s6+$0x8000 ss:$0x1] =	vst.idx.msk @p0 $0xffff, v7;
	v7 =	vadd.f32 v8, v4  }
0x18f: {  	[tilespmem:v5+s7+$0x8020 ss:$0x1] =	vst.idx.msk $0xffff, v6;
	v6 =	vadd.f32 v9, v4  }
0x190: {  	[tilespmem:v5+s7+$0x8010 ss:$0x1] =	vst.idx.msk $0xffff, v7;
	v63 =	vadd.f32 v11, v4  }
0x191: {  	[tilespmem:v5+s7+$0x8030 ss:$0x1] =	vst.idx.msk $0xffff, v6  }
0x192: {  	[tilespmem:v5+s7+$0x8000 ss:$0x1] =	vst.idx.msk $0xffff, v63  }
.LBB2_38:
0x193: {  	p0 =	seq.s32 s5, s4  }
.Ltmp31:
0x194: {  	_ = 	snop;
	(pc) =	sbr.rel @p0 .LBB2_41-.Ltmp31, $3  }
0x195: {  	_ =	sdelay $0x1  }
0x196: {  	s6 =	smax.u32 s3, $0x1FF  }
0x197: {  	s8 =	sadd.s32 $0xFFFFFE01, s6  }
0x198: {  	s6 =	sshrl.u32 s8, $0x8;
	s7 =	sshll.u32 s0, $0x7  }
0x199: {  	s9 =	sand.u32 $0x7, s6;
	s10 =	sand.u32 $0x3FFFFF80, s7  }
0x19a: {  	s6 =	sshll.u32 s9, $0xB;
	s7 =	sshll.u32 s9, $0x8;
	s9 =	sadd.s32 $0x8000, s10  }
.LBB2_40:
0x19b: {  	s10 =	sand.u32 $0x7FFFFC00, s6  }
0x19c: {  	s11 =	sand.u32 $0x70, s7;
	s10 =	sadd.s32 s10, s9  }
0x19d: {  	s10 =	sadd.s32 s11, s10  }
0x19e: {  	v5 =	vld [tilespmem:s10+$0x0]  }
0x19f: {  	s5 =	sadd.s32 $0x1, s5  }
0x1a0: {  	p0 =	slt.u32 s5, s4  }
.Ltmp32:
0x1a1: {  	_ = 	snop;
	(pc) =	sbr.rel @p0 .LBB2_40-.Ltmp32, $3  }
0x1a2: {  	_ = 	snop  }
0x1a3: {  	v5 =	vadd.f32 v5, v4;
	_ =	sdelay $0x1  }
0x1a4: {  	s6 =	sadd.s32 $0x80, s6;
	s7 =	sadd.s32 $0x10, s7;
	[tilespmem:s10+$0x0] =	vst v5  }
.LBB2_41:
0x1a5: {  	s6 =	ssub.s32 s29, s4  }
0x1a6: {  	s5 =	sshrl.u32 s6, $0x1E  }
0x1a7: {  	s5 =	sadd.s32 s5, s6  }
0x1a8: {  	s7 =	sand.u32 $0xFFFFFFFC, s5  }
0x1a9: {  	p0 =	slt.s32 s7, $0x1  }
.Ltmp33:
0x1aa: {  	_ = 	snop;
	(pc) =	sbr.rel @p0 .LBB2_45-.Ltmp33, $2  }
0x1ab: {  	_ =	sdelay $0x2  }
0x1ac: {  	s5 =	sadd.s32 s4, s7  }
0x1ad: {  	s9 =	sshrl.u32 s8, $0x4;
	s11 =	sshll.u32 s0, $0x7  }
0x1ae: {  	s24 =	sand.u32 $0xFFFFFFF0, s8;
	s4 =	sadd.s32 $0x4, s4;
	s10 =	sshll.u32 s9, $0x6;
	v4 =	vmov s11  }
0x1af: {  	s13 =	sshll.u32 s9, $0x7;
	s8 =	sadd.s32 $0x30, s24;
	s10 =	sshra.s32 s10, $0x2  }
0x1b0: {  	s9 =	sadd.s32 $0x180, s13;
	s25 =	sand.u32 $0x70, s8;
	s30 =	sadd.s32 $0xFFFFFFE0, s8  }
0x1b1: {  	s31 =	sadd.s32 $0x80, s13;
	s12 =	sadd.s32 $0xFFFFFFD0, s8;
	v5 =	vmov s10;
	s9 =	sand.u32 $0xFFFFFC00, s9  }
0x1b2: {  	s16 =	sand.u32 $0xFFFFFC00, s13;
	s12 =	sand.u32 $0x70, s12;
	s9 =	sor.u32 s25, s9  }
0x1b3: {  	s11 =	sand.u32 $0x70, s30;
	s17 =	sand.u32 $0xFFFFFC00, s31;
	s10 =	sor.u32 s12, s16;
	v10 =	vld.idx.msk [tilespmem:v4+s9+$0x8000 ss:$0x1], $0xffff  }
0x1b4: {  	p0 =	slt.s32 s4, s5;
	s12 =	sor.u32 s11, s17;
	v12 =	vld.idx.msk [tilespmem:v4+s10+$0x8000 ss:$0x1], $0xffff  }
.Ltmp34:
0x1b5: {  	v11 =	vld.idx.msk [tilespmem:v4+s12+$0x8000 ss:$0x1], $0xffff;
	(pc) =	sbr.rel @!p0 .LBB2_44-.Ltmp34, $4  }
0x1b6: {  	v7 =	vld.idx.msk [tilespmem:v5+s2+$0x0 ss:$0x1], $0xffff  }
0x1b7: {  	s14 =	sadd.s32 $0xFFFFFFF0, s8;
	s15 =	sadd.s32 $0x100, s13;
	v8 =	vld.idx.msk [tilespmem:v5+s2+$0xFFFFFFE0 ss:$0x1], $0xffff  }
0x1b8: {  	s14 =	sand.u32 $0x70, s14;
	s15 =	sand.u32 $0xFFFFFC00, s15;
	v9 =	vld.idx.msk [tilespmem:v5+s2+$0xFFFFFFF0 ss:$0x1], $0xffff  }
0x1b9: {  	s13 =	sadd.s32 $0x200, s13;
	s11 =	sor.u32 s14, s15;
	s14 =	sadd.s32 $0x40, s2;
	v6 =	vld.idx.msk [tilespmem:v5+s2+$0xFFFFFFD0 ss:$0x1], $0xffff  }
.LBB2_43:
0x1ba: {  	s15 =	sadd.s32 $0x180, s13  }
0x1bb: {  	s4 =	sadd.s32 $0x4, s4;
	v13 =	vld.idx.msk [tilespmem:v4+s11+$0x8000 ss:$0x1], $0xffff;
	v10 =	vadd.f32 v7, v10;
	s8 =	sadd.s32 $0x40, s8;
	s18 =	sadd.s32 $0x80, s13  }
0x1bc: {  	v15 =	vmov v8;
	v14 =	vld.idx.msk [tilespmem:v5+s14+$0xFFFFFFD0 ss:$0x1], $0xffff;
	s16 =	sand.u32 $0x70, s8;
	s15 =	sand.u32 $0xFFFFFC00, s15;
	p0 =	slt.s32 s4, s5  }
0x1bd: {  	s19 =	sadd.s32 $0x100, s13;
	s17 =	sadd.s32 $0xFFFFFFE0, s8;
	v16 =	vmov v9;
	v7 =	vld.idx.msk [tilespmem:v5+s14+$0x0 ss:$0x1], $0xffff;
	[tilespmem:v4+s9+$0x8000 ss:$0x1] =	vst.idx.msk $0xffff, v10;
	s9 =	sor.u32 s16, s15  }
0x1be: {  	s18 =	sand.u32 $0xFFFFFC00, s18;
	s15 =	sadd.s32 $0xFFFFFFD0, s8;
	s16 =	sadd.s32 $0xFFFFFFF0, s8;
	v10 =	vld.idx.msk [tilespmem:v4+s9+$0x8000 ss:$0x1], $0xffff  }
.Ltmp35:
0x1bf: {  	s17 =	sand.u32 $0x70, s17;
	s15 =	sand.u32 $0x70, s15;
	v17 =	vadd.f32 v6, v12;
	v8 =	vld.idx.msk [tilespmem:v5+s14+$0xFFFFFFE0 ss:$0x1], $0xffff;
	(pc) =	sbr.rel @p0 .LBB2_43-.Ltmp35, $4  }
0x1c0: {  	s20 =	sand.u32 $0xFFFFFC00, s13;
	s19 =	sand.u32 $0xFFFFFC00, s19;
	s16 =	sand.u32 $0x70, s16;
	v11 =	vadd.f32 v15, v11;
	v9 =	vld.idx.msk [tilespmem:v5+s14+$0xFFFFFFF0 ss:$0x1], $0xffff  }
0x1c1: {  	s17 =	sor.u32 s17, s18;
	s16 =	sor.u32 s16, s19;
	v13 =	vadd.f32 v16, v13;
	[tilespmem:v4+s10+$0x8000 ss:$0x1] =	vst.idx.msk $0xffff, v17;
	s10 =	sor.u32 s15, s20  }
0x1c2: {  	v6 =	vmov v14;
	v12 =	vld.idx.msk [tilespmem:v4+s10+$0x8000 ss:$0x1], $0xffff;
	[tilespmem:v4+s12+$0x8000 ss:$0x1] =	vst.idx.msk $0xffff, v11;
	s12 =	smov.u32 s17  }
0x1c3: {  	s13 =	sadd.s32 $0x200, s13;
	s14 =	sadd.s32 $0x40, s14;
	v11 =	vld.idx.msk [tilespmem:v4+s12+$0x8000 ss:$0x1], $0xffff;
	[tilespmem:v4+s11+$0x8000 ss:$0x1] =	vst.idx.msk $0xffff, v13;
	s11 =	smov.u32 s16  }
.LBB2_44:
0x1c4: {  	_ =	sdelay $0x3  }
0x1c5: {  	v5 =	vld.idx.msk [tilespmem:v4+s11+$0x8000 ss:$0x1], $0xffff;
	_ =	sdelay $0x1  }
0x1c6: {  	v7 =	vadd.f32 v7, v10  }
0x1c7: {  	v6 =	vadd.f32 v6, v12  }
0x1c8: {  	[tilespmem:v4+s9+$0x8000 ss:$0x1] =	vst.idx.msk $0xffff, v7;
	v63 =	vadd.f32 v8, v11  }
0x1c9: {  	v5 =	vadd.f32 v9, v5;
	[tilespmem:v4+s10+$0x8000 ss:$0x1] =	vst.idx.msk $0xffff, v6  }
0x1ca: {  	[tilespmem:v4+s12+$0x8000 ss:$0x1] =	vst.idx.msk $0xffff, v63  }
0x1cb: {  	[tilespmem:v4+s11+$0x8000 ss:$0x1] =	vst.idx.msk $0xffff, v5  }
.LBB2_45:
0x1cc: {  	p0 =	sgt.s32 s5, s21  }
.Ltmp36:
0x1cd: {  	_ = 	snop;
	(pc) =	sbr.rel @p0 .LBB2_48-.Ltmp36, $1  }
0x1ce: {  	_ =	sdelay $0x3  }
0x1cf: {  	s6 =	ssub.s32 s6, s7  }
0x1d0: {  	s4 =	sshll.u32 s0, $0x7;
	s7 =	sshll.u32 s6, $0x6  }
0x1d1: {  	s4 =	sand.u32 $0x3FFFFF80, s4;
	s7 =	ssub.s32 $0x0, s7  }
0x1d2: {  	s6 =	ssub.s32 s26, s6;
	s4 =	sadd.s32 $0x8000, s4;
	s8 =	sshra.s32 s7, $0x2  }
0x1d3: {  	s7 =	sshll.u32 s5, $0x7;
	s5 =	sshll.u32 s5, $0x4;
	s8 =	sadd.s32 s8, s1  }
.LBB2_47:
0x1d4: {  	s9 =	sand.u32 $0xFFFFFC00, s7  }
0x1d5: {  	s10 =	sand.u32 $0x70, s5;
	s9 =	sadd.s32 s9, s4  }
0x1d6: {  	v5 =	vld [tilespmem:s8+$0x0];
	s9 =	sadd.s32 s10, s9  }
0x1d7: {  	v4 =	vld [tilespmem:s9+$0x0]  }
0x1d8: {  	s6 =	sadd.s32 $0x1, s6  }
0x1d9: {  	p0 =	slt.s32 s6, s21  }
.Ltmp37:
0x1da: {  	_ = 	snop;
	(pc) =	sbr.rel @p0 .LBB2_47-.Ltmp37, $3  }
0x1db: {  	_ = 	snop  }
0x1dc: {  	v4 =	vadd.f32 v5, v4;
	_ =	sdelay $0x1  }
0x1dd: {  	s7 =	sadd.s32 $0x80, s7;
	s8 =	sadd.s32 $0x10, s8;
	s5 =	sadd.s32 $0x10, s5;
	[tilespmem:s9+$0x0] =	vst v4  }
.Ltmp38:
0x1de: {  	_ = 	snop;
	(pc) =	sbr.rel .LBB2_48-.Ltmp38, $1  }
0x1df: {  	_ =	sdelay $0x3  }
.LBB2_32:
.Ltmp39:
0x1e0: {  	(pc) =	sbr.rel .LBB2_57-.Ltmp39, $2  }
0x1e1: {  	_ =	sdelay $0x2  }
0x1e2: {  	s7 =	smov.u32 s6  }
.LBB2_54:
.Ltmp40:
0x1e3: {  	_ = 	snop;
	(pc) =	sbr.rel .LBB2_57-.Ltmp40, $2  }
0x1e4: {  	_ =	sdelay $0x2  }
0x1e5: {  	v10 =	vmov v9;
	v8 =	vmov v11  }
.LBB2_49:
0x1e6: {  	s1 =	sld [smem:$0x7E0];
	_ =	sdelay $0x1  }
0x1e7: {  	s0 =	simm.s32 $0x0;
	s2 =	simm.s32 $0x18000;
	s26 =	simm.s32 $0x3  }
0x1e8: {  	[tilespmem:s2], [sflag:$0x6] =	stream.linear.gather [hbm4b:s1+s0], $0x4000, $0x38;
	[tilespmem:$0x1C000] =	vst v63  }
0x1e9: {  	_ =	swait.ge [sflag:s26], $0x4000  }
0x1ea: {  	s30 =	rddreg [dreg:$0xf]  }
.Ltmp41:
0x1eb: {  	s2 =	sld [smem:$0x7CE];
	(pc) =	sbr.rel .LBB2_50-.Ltmp41, $4  }
0x1ec: {  	s3 =	sld [smem:$0x7EA]  }
0x1ed: {  	s31 =	simm.s32 $0x8000;
	[sflag:s26] =	ssyncset.done $0x0;
	s21 =	sld [smem:$0x7FC]  }
0x1ee: {  	s1 =	simm.s32 $0x80F;
	s29 =	sld [smem:$0x7E2];
	[sflag:s26] =	ssyncadd.s32 $0xFFFFC000  }
0x1ef: {  	[hbm4b:s30+s0] =	stream.linear.scatter [tilespmem:s31], [sflag:$0x8], $0x4000, $0x38;
	[tilespmem:$0x1C000] =	vst v63  }
.LBB2_68:
0x1f0: {  	s0 =	sadd.s32 $0x1, s0  }
0x1f1: {  	p0 =	sne.s32 s0, $0x8  }
.Ltmp42:
0x1f2: {  	_ = 	snop;
	(pc) =	sbr.rel @!p0 .LBB2_69-.Ltmp42, $2  }
0x1f3: {  	_ =	sdelay $0x2  }
0x1f4: {  	s3 =	sadd.s32 $0x1, s3;
	s2 =	sadd.s32 $0xFFFFFFFF, s2;
	s1 =	sadd.s32 $0xFFFFFFFF, s1  }
.LBB2_50:
0x1f5: {  	s4 =	sor.u32 s28, s0  }
0x1f6: {  	s4 =	smax.u32 s4, $0x1FF  }
0x1f7: {  	s4 =	sadd.s32 $0xFFFFFE01, s4  }
0x1f8: {  	s4 =	sshrl.u32 s4, $0x4  }
0x1f9: {  	s5 =	sand.u32 $0x70, s4  }
0x1fa: {  	p0 =	seq.s32 s5, $0x0  }
.Ltmp43:
0x1fb: {  	_ = 	snop;
	(pc) =	sbr.rel @p0 .LBB2_58-.Ltmp43, $1  }
0x1fc: {  	v4 =	vld [tilespmem:$0x0];
	_ =	sdelay $0x3  }
0x1fd: {  	s7 =	sshll.u32 s0, $0x7  }
0x1fe: {  	v5 =	vmov s7  }
0x1ff: {  	p1 =	sgt.u32 s5, $0x4  }
.Ltmp44:
0x200: {  	s6 =	simm.s32 $0x0;
	(pc) =	sbr.rel @!p1 .LBB2_52-.Ltmp44, $4  }
0x201: {  	s31 =	sand.u32 $0x40, s6;
	s6 =	sand.u32 $0x7FFFFC00, s6  }
0x202: {  	s6 =	sor.u32 s31, s6  }
0x203: {  	v10 =	vld.idx.msk [tilespmem:v5+s6+$0xC020 ss:$0x1], $0xffff  }
0x204: {  	p0 =	por $0x0, $0x0;
	v8 =	vld.idx.msk [tilespmem:v5+s6+$0xC010 ss:$0x1], $0xffff  }
0x205: {  	_ =	sdelay $0x1  }
0x206: {  	p1 =	sgt.u32 s5, $0x8  }
.Ltmp45:
0x207: {  	s8 =	simm.s32 $0x200;
	s9 =	simm.s32 $0x40;
	(pc) =	sbr.rel @!p1 .LBB2_75-.Ltmp45, $4  }
0x208: {  	v6 =	vld.idx.msk [tilespmem:v5+s6+$0xC030 ss:$0x1], $0xffff;
	s7 =	sand.u32 $0x40, s9;
	s10 =	sand.u32 $0x7FFFFC00, s8  }
0x209: {  	v7 =	vld.idx.msk [tilespmem:v5+s6+$0xC000 ss:$0x1], $0xffff;
	s7 =	sor.u32 s7, s10  }
0x20a: {  	v9 =	vld.idx.msk [tilespmem:v5+s7+$0xC020 ss:$0x1], $0xffff  }
0x20b: {  	p0 =	por $0x1, $0x1;
	s10 =	simm.s32 $0x8;
	v13 =	vadd.f32 v10, v4;
	v11 =	vld.idx.msk [tilespmem:v5+s7+$0xC010 ss:$0x1], $0xffff;
	v12 =	vadd.f32 v8, v4  }
.LBB2_76:
0x20c: {  	s10 =	sadd.s32 $0x4, s10  }
0x20d: {  	[tilespmem:v5+s6+$0xC020 ss:$0x1] =	vst.idx.msk $0xffff, v13;
	v8 =	vadd.f32 v6, v4;
	v6 =	vld.idx.msk [tilespmem:v5+s7+$0xC030 ss:$0x1], $0xffff;
	p1 =	slt.u32 s10, s5  }
.Ltmp46:
0x20e: {  	s8 =	sadd.s32 $0x200, s8;
	s9 =	sadd.s32 $0x40, s9;
	v10 =	vadd.f32 v7, v4;
	v7 =	vld.idx.msk [tilespmem:v5+s7+$0xC000 ss:$0x1], $0xffff;
	[tilespmem:v5+s6+$0xC010 ss:$0x1] =	vst.idx.msk $0xffff, v12;
	(pc) =	sbr.rel @p1 .LBB2_76-.Ltmp46, $4  }
0x20f: {  	s11 =	sand.u32 $0x40, s9;
	s12 =	sand.u32 $0x7FFFFC00, s8;
	[tilespmem:v5+s6+$0xC030 ss:$0x1] =	vst.idx.msk $0xffff, v8  }
0x210: {  	[tilespmem:v5+s6+$0xC000 ss:$0x1] =	vst.idx.msk $0xffff, v10;
	s6 =	smov.u32 s7;
	s7 =	sor.u32 s11, s12  }
0x211: {  	v13 =	vadd.f32 v9, v4;
	v9 =	vld.idx.msk [tilespmem:v5+s7+$0xC020 ss:$0x1], $0xffff  }
0x212: {  	v12 =	vadd.f32 v11, v4;
	v11 =	vld.idx.msk [tilespmem:v5+s7+$0xC010 ss:$0x1], $0xffff  }
0x213: {  	_ =	sdelay $0x3  }
0x214: {  	v10 =	vmov v9;
	v8 =	vmov v11  }
.LBB2_78:
0x215: {  	_ =	sdelay $0x3  }
0x216: {  	v9 =	vld.idx.msk [tilespmem:v5+s7+$0xC030 ss:$0x1], $0xffff  }
0x217: {  	[tilespmem:v5+s6+$0xC020 ss:$0x1] =	vst.idx.msk @p0 $0xffff, v13;
	v6 =	vadd.f32 @p0 v6, v4;
	v11 =	vld.idx.msk [tilespmem:v5+s7+$0xC000 ss:$0x1], $0xffff  }
0x218: {  	v7 =	vadd.f32 @p0 v7, v4;
	[tilespmem:v5+s6+$0xC010 ss:$0x1] =	vst.idx.msk @p0 $0xffff, v12  }
0x219: {  	[tilespmem:v5+s6+$0xC030 ss:$0x1] =	vst.idx.msk @p0 $0xffff, v6;
	v6 =	vadd.f32 v10, v4  }
0x21a: {  	[tilespmem:v5+s6+$0xC000 ss:$0x1] =	vst.idx.msk @p0 $0xffff, v7;
	v7 =	vadd.f32 v8, v4  }
0x21b: {  	[tilespmem:v5+s7+$0xC020 ss:$0x1] =	vst.idx.msk $0xffff, v6;
	v6 =	vadd.f32 v9, v4  }
0x21c: {  	[tilespmem:v5+s7+$0xC010 ss:$0x1] =	vst.idx.msk $0xffff, v7;
	v63 =	vadd.f32 v11, v4  }
0x21d: {  	[tilespmem:v5+s7+$0xC030 ss:$0x1] =	vst.idx.msk $0xffff, v6  }
0x21e: {  	[tilespmem:v5+s7+$0xC000 ss:$0x1] =	vst.idx.msk $0xffff, v63  }
.LBB2_58:
0x21f: {  	p0 =	seq.s32 s5, s4  }
.Ltmp47:
0x220: {  	_ = 	snop;
	(pc) =	sbr.rel @p0 .LBB2_61-.Ltmp47, $3  }
0x221: {  	_ =	sdelay $0x1  }
0x222: {  	s6 =	smax.u32 s3, $0x1FF  }
0x223: {  	s8 =	sadd.s32 $0xFFFFFE01, s6  }
0x224: {  	s6 =	sshrl.u32 s8, $0x8;
	s7 =	sshll.u32 s0, $0x7  }
0x225: {  	s9 =	sand.u32 $0x7, s6;
	s10 =	sand.u32 $0x3FFFFF80, s7  }
0x226: {  	s6 =	sshll.u32 s9, $0xB;
	s7 =	sshll.u32 s9, $0x8;
	s9 =	sadd.s32 $0xC000, s10  }
.LBB2_60:
0x227: {  	s10 =	sand.u32 $0x7FFFFC00, s6  }
0x228: {  	s11 =	sand.u32 $0x70, s7;
	s10 =	sadd.s32 s10, s9  }
0x229: {  	s10 =	sadd.s32 s11, s10  }
0x22a: {  	v5 =	vld [tilespmem:s10+$0x0]  }
0x22b: {  	s5 =	sadd.s32 $0x1, s5  }
0x22c: {  	p0 =	slt.u32 s5, s4  }
.Ltmp48:
0x22d: {  	_ = 	snop;
	(pc) =	sbr.rel @p0 .LBB2_60-.Ltmp48, $3  }
0x22e: {  	_ = 	snop  }
0x22f: {  	v5 =	vadd.f32 v5, v4;
	_ =	sdelay $0x1  }
0x230: {  	s6 =	sadd.s32 $0x80, s6;
	s7 =	sadd.s32 $0x10, s7;
	[tilespmem:s10+$0x0] =	vst v5  }
.LBB2_61:
0x231: {  	s6 =	ssub.s32 s29, s4  }
0x232: {  	s5 =	sshrl.u32 s6, $0x1E  }
0x233: {  	s5 =	sadd.s32 s5, s6  }
0x234: {  	s7 =	sand.u32 $0xFFFFFFFC, s5  }
0x235: {  	p0 =	slt.s32 s7, $0x1  }
.Ltmp49:
0x236: {  	_ = 	snop;
	(pc) =	sbr.rel @p0 .LBB2_65-.Ltmp49, $2  }
0x237: {  	_ =	sdelay $0x2  }
0x238: {  	s5 =	sadd.s32 s4, s7  }
0x239: {  	s9 =	sshrl.u32 s8, $0x4;
	s11 =	sshll.u32 s0, $0x7  }
0x23a: {  	s25 =	sand.u32 $0xFFFFFFF0, s8;
	s4 =	sadd.s32 $0x4, s4;
	s10 =	sshll.u32 s9, $0x6;
	v4 =	vmov s11  }
0x23b: {  	s13 =	sshll.u32 s9, $0x7;
	s8 =	sadd.s32 $0x30, s25;
	s10 =	sshra.s32 s10, $0x2  }
0x23c: {  	s9 =	sadd.s32 $0x180, s13;
	s26 =	sand.u32 $0x70, s8;
	s30 =	sadd.s32 $0xFFFFFFE0, s8  }
0x23d: {  	s31 =	sadd.s32 $0x80, s13;
	s12 =	sadd.s32 $0xFFFFFFD0, s8;
	v5 =	vmov s10;
	s9 =	sand.u32 $0xFFFFFC00, s9  }
0x23e: {  	s16 =	sand.u32 $0xFFFFFC00, s13;
	s12 =	sand.u32 $0x70, s12;
	s9 =	sor.u32 s26, s9  }
0x23f: {  	s11 =	sand.u32 $0x70, s30;
	s17 =	sand.u32 $0xFFFFFC00, s31;
	s10 =	sor.u32 s12, s16;
	v10 =	vld.idx.msk [tilespmem:v4+s9+$0xC000 ss:$0x1], $0xffff  }
0x240: {  	p0 =	slt.s32 s4, s5;
	s12 =	sor.u32 s11, s17;
	v12 =	vld.idx.msk [tilespmem:v4+s10+$0xC000 ss:$0x1], $0xffff  }
.Ltmp50:
0x241: {  	v11 =	vld.idx.msk [tilespmem:v4+s12+$0xC000 ss:$0x1], $0xffff;
	(pc) =	sbr.rel @!p0 .LBB2_64-.Ltmp50, $4  }
0x242: {  	v7 =	vld.idx.msk [tilespmem:v5+s2+$0x0 ss:$0x1], $0xffff  }
0x243: {  	s14 =	sadd.s32 $0xFFFFFFF0, s8;
	s15 =	sadd.s32 $0x100, s13;
	v8 =	vld.idx.msk [tilespmem:v5+s2+$0xFFFFFFE0 ss:$0x1], $0xffff  }
0x244: {  	s14 =	sand.u32 $0x70, s14;
	s15 =	sand.u32 $0xFFFFFC00, s15;
	v9 =	vld.idx.msk [tilespmem:v5+s2+$0xFFFFFFF0 ss:$0x1], $0xffff  }
0x245: {  	s13 =	sadd.s32 $0x200, s13;
	s11 =	sor.u32 s14, s15;
	s14 =	sadd.s32 $0x40, s2;
	v6 =	vld.idx.msk [tilespmem:v5+s2+$0xFFFFFFD0 ss:$0x1], $0xffff  }
.LBB2_63:
0x246: {  	s15 =	sadd.s32 $0x180, s13  }
0x247: {  	s4 =	sadd.s32 $0x4, s4;
	v13 =	vld.idx.msk [tilespmem:v4+s11+$0xC000 ss:$0x1], $0xffff;
	v10 =	vadd.f32 v7, v10;
	s8 =	sadd.s32 $0x40, s8;
	s18 =	sadd.s32 $0x80, s13  }
0x248: {  	v15 =	vmov v8;
	v14 =	vld.idx.msk [tilespmem:v5+s14+$0xFFFFFFD0 ss:$0x1], $0xffff;
	s16 =	sand.u32 $0x70, s8;
	s15 =	sand.u32 $0xFFFFFC00, s15;
	p0 =	slt.s32 s4, s5  }
0x249: {  	s19 =	sadd.s32 $0x100, s13;
	s17 =	sadd.s32 $0xFFFFFFE0, s8;
	v16 =	vmov v9;
	v7 =	vld.idx.msk [tilespmem:v5+s14+$0x0 ss:$0x1], $0xffff;
	[tilespmem:v4+s9+$0xC000 ss:$0x1] =	vst.idx.msk $0xffff, v10;
	s9 =	sor.u32 s16, s15  }
0x24a: {  	s18 =	sand.u32 $0xFFFFFC00, s18;
	s15 =	sadd.s32 $0xFFFFFFD0, s8;
	s16 =	sadd.s32 $0xFFFFFFF0, s8;
	v10 =	vld.idx.msk [tilespmem:v4+s9+$0xC000 ss:$0x1], $0xffff  }
.Ltmp51:
0x24b: {  	s17 =	sand.u32 $0x70, s17;
	s15 =	sand.u32 $0x70, s15;
	v17 =	vadd.f32 v6, v12;
	v8 =	vld.idx.msk [tilespmem:v5+s14+$0xFFFFFFE0 ss:$0x1], $0xffff;
	(pc) =	sbr.rel @p0 .LBB2_63-.Ltmp51, $4  }
0x24c: {  	s20 =	sand.u32 $0xFFFFFC00, s13;
	s19 =	sand.u32 $0xFFFFFC00, s19;
	s16 =	sand.u32 $0x70, s16;
	v11 =	vadd.f32 v15, v11;
	v9 =	vld.idx.msk [tilespmem:v5+s14+$0xFFFFFFF0 ss:$0x1], $0xffff  }
0x24d: {  	s17 =	sor.u32 s17, s18;
	s16 =	sor.u32 s16, s19;
	v13 =	vadd.f32 v16, v13;
	[tilespmem:v4+s10+$0xC000 ss:$0x1] =	vst.idx.msk $0xffff, v17;
	s10 =	sor.u32 s15, s20  }
0x24e: {  	v6 =	vmov v14;
	v12 =	vld.idx.msk [tilespmem:v4+s10+$0xC000 ss:$0x1], $0xffff;
	[tilespmem:v4+s12+$0xC000 ss:$0x1] =	vst.idx.msk $0xffff, v11;
	s12 =	smov.u32 s17  }
0x24f: {  	s13 =	sadd.s32 $0x200, s13;
	s14 =	sadd.s32 $0x40, s14;
	v11 =	vld.idx.msk [tilespmem:v4+s12+$0xC000 ss:$0x1], $0xffff;
	[tilespmem:v4+s11+$0xC000 ss:$0x1] =	vst.idx.msk $0xffff, v13;
	s11 =	smov.u32 s16  }
.LBB2_64:
0x250: {  	_ =	sdelay $0x3  }
0x251: {  	v5 =	vld.idx.msk [tilespmem:v4+s11+$0xC000 ss:$0x1], $0xffff;
	_ =	sdelay $0x1  }
0x252: {  	v7 =	vadd.f32 v7, v10  }
0x253: {  	v6 =	vadd.f32 v6, v12  }
0x254: {  	[tilespmem:v4+s9+$0xC000 ss:$0x1] =	vst.idx.msk $0xffff, v7;
	v63 =	vadd.f32 v8, v11  }
0x255: {  	v5 =	vadd.f32 v9, v5;
	[tilespmem:v4+s10+$0xC000 ss:$0x1] =	vst.idx.msk $0xffff, v6  }
0x256: {  	[tilespmem:v4+s12+$0xC000 ss:$0x1] =	vst.idx.msk $0xffff, v63  }
0x257: {  	[tilespmem:v4+s11+$0xC000 ss:$0x1] =	vst.idx.msk $0xffff, v5  }
.LBB2_65:
0x258: {  	p0 =	sgt.s32 s5, s21  }
.Ltmp52:
0x259: {  	_ = 	snop;
	(pc) =	sbr.rel @p0 .LBB2_68-.Ltmp52, $1  }
0x25a: {  	_ =	sdelay $0x3  }
0x25b: {  	s6 =	ssub.s32 s6, s7;
	s8 =	sld [smem:$0x7E9]  }
0x25c: {  	s4 =	sshll.u32 s0, $0x7;
	s7 =	sshll.u32 s6, $0x6  }
0x25d: {  	s4 =	sand.u32 $0x3FFFFF80, s4;
	s7 =	ssub.s32 $0x0, s7  }
0x25e: {  	s4 =	sadd.s32 $0xC000, s4;
	s6 =	ssub.s32 s8, s6;
	s31 =	sshra.s32 s7, $0x2  }
0x25f: {  	s7 =	sshll.u32 s5, $0x7;
	s5 =	sshll.u32 s5, $0x4;
	s8 =	sadd.s32 s31, s1  }
.LBB2_67:
0x260: {  	s9 =	sand.u32 $0xFFFFFC00, s7  }
0x261: {  	s10 =	sand.u32 $0x70, s5;
	s9 =	sadd.s32 s9, s4  }
0x262: {  	v5 =	vld [tilespmem:s8+$0x0];
	s9 =	sadd.s32 s10, s9  }
0x263: {  	v4 =	vld [tilespmem:s9+$0x0]  }
0x264: {  	s6 =	sadd.s32 $0x1, s6  }
0x265: {  	p0 =	slt.s32 s6, s21  }
.Ltmp53:
0x266: {  	_ = 	snop;
	(pc) =	sbr.rel @p0 .LBB2_67-.Ltmp53, $3  }
0x267: {  	_ = 	snop  }
0x268: {  	v4 =	vadd.f32 v5, v4;
	_ =	sdelay $0x1  }
0x269: {  	s7 =	sadd.s32 $0x80, s7;
	s8 =	sadd.s32 $0x10, s8;
	s5 =	sadd.s32 $0x10, s5;
	[tilespmem:s9+$0x0] =	vst v4  }
.Ltmp54:
0x26a: {  	_ = 	snop;
	(pc) =	sbr.rel .LBB2_68-.Ltmp54, $1  }
0x26b: {  	_ =	sdelay $0x3  }
.LBB2_52:
.Ltmp55:
0x26c: {  	(pc) =	sbr.rel .LBB2_78-.Ltmp55, $2  }
0x26d: {  	_ =	sdelay $0x2  }
0x26e: {  	s7 =	smov.u32 s6  }
.LBB2_75:
.Ltmp56:
0x26f: {  	_ = 	snop;
	(pc) =	sbr.rel .LBB2_78-.Ltmp56, $2  }
0x270: {  	_ =	sdelay $0x2  }
0x271: {  	v10 =	vmov v9;
	v8 =	vmov v11  }
.LBB2_69:
0x272: {  	s0 =	sld [smem:$0x7F5]  }
0x273: {  	s1 =	sld [smem:$0x7F6]  }
0x274: {  	s3 =	sld [smem:$0x7F3]  }
0x275: {  	s2 =	sld [smem:$0x7F4]  }
0x276: {  	s6 =	sld [smem:$0x7F1]  }
0x277: {  	s7 =	sld [smem:$0x7F2]  }
0x278: {  	s8 =	sld [smem:$0x7EF]  }
.Ltmp57:
0x279: {  	s25 =	sld [smem:$0x7F0];
	(pc) =	sbr.rel .LBB2_70-.Ltmp57, $4  }
0x27a: {  	s28 =	sld [smem:$0x7ED]  }
0x27b: {  	s4 =	sld [smem:$0x7EE]  }
0x27c: {  	s5 =	sld [smem:$0x7EB]  }
0x27d: {  	s9 =	sld [smem:$0x7EC];
	s26 =	simm.s32 $0x0  }
.LBB2_190:
0x27e: {  	s9 =	sld [smem:$0x7B4]  }
0x27f: {  	s5 =	sld [smem:$0x7B5]  }
0x280: {  	s4 =	sld [smem:$0x7B2]  }
0x281: {  	s8 =	sld [smem:$0x7AF]  }
0x282: {  	s7 =	sld [smem:$0x7AC]  }
0x283: {  	s6 =	sld [smem:$0x7AE]  }
0x284: {  	s26 =	sadd.s32 $0x1, s26;
	s2 =	sld [smem:$0x7A5]  }
0x285: {  	s3 =	sld [smem:$0x7A6];
	p0 =	sne.s32 s26, $0xF  }
.Ltmp58:
0x286: {  	s28 =	sadd.s32 $0x30, s28;
	s1 =	sld [smem:$0x7A4];
	(pc) =	sbr.rel @!p0 .LBB2_191-.Ltmp58, $4  }
0x287: {  	s25 =	sadd.s32 $0x6, s25;
	s0 =	sld [smem:$0x7A3];
	s9 =	sadd.s32 $0x6, s9  }
0x288: {  	s5 =	sadd.s32 $0x30, s5;
	s4 =	sadd.s32 $0x3, s4;
	s8 =	sadd.s32 $0x30, s8  }
0x289: {  	s7 =	sadd.s32 $0x3, s7;
	s6 =	sadd.s32 $0x30, s6;
	s2 =	sadd.s32 $0x6, s2  }
0x28a: {  	s3 =	sadd.s32 $0x30, s3;
	s1 =	sadd.s32 $0x3, s1;
	s0 =	sadd.s32 $0x30, s0  }
.LBB2_70:
0x28b: {  	[smem:$0x7A3] =	sst s0  }
0x28c: {  	[smem:$0x7A4] =	sst s1  }
0x28d: {  	[smem:$0x7A5] =	sst s2  }
0x28e: {  	[smem:$0x7A6] =	sst s3  }
0x28f: {  	[smem:$0x7AC] =	sst s7  }
0x290: {  	[smem:$0x7AD] =	sst s25  }
0x291: {  	s21 =	sshll.u32 s0, $0x3;
	s15 =	sand.u32 $0x7F, s1;
	[smem:$0x7AE] =	sst s6  }
0x292: {  	s22 =	sand.u32 $0xFF, s2;
	s24 =	sshll.u32 s3, $0x3;
	[smem:$0x7AF] =	sst s8  }
0x293: {  	s20 =	sand.u32 $0xFF, s25;
	[smem:$0x7B3] =	sst s28;
	s0 =	sand.u32 $0xFFFFC000, s21  }
0x294: {  	s10 =	sshrl.u32 s22, $0x1;
	s30 =	sand.u32 $0xFFFFC000, s24;
	s12 =	sshll.u32 s15, $0x6  }
0x295: {  	s13 =	smov.u32 s5;
	s16 =	sshll.u32 s22, $0x5;
	s19 =	sshll.u32 s22, $0x3  }
0x296: {  	s21 =	sshll.u32 s6, $0x3;
	s14 =	smov.u32 s9;
	s9 =	sld [smem:$0x7D0]  }
0x297: {  	s22 =	sshrl.u32 s20, $0x1;
	s23 =	sshrl.u32 s0, $0x2;
	[smem:$0x7A8] =	sst s10  }
0x298: {  	s11 =	sshll.u32 s10, $0x6;
	s0 =	ssub.s32 s0, s12;
	s12 =	sld [smem:$0x7CF]  }
0x299: {  	s10 =	smov.u32 s4;
	[smem:$0x7AB] =	sst s19;
	s1 =	sand.u32 $0xFFFFC000, s21  }
0x29a: {  	[smem:$0x7B0] =	sst s22;
	s24 =	sshll.u32 s22, $0x6;
	s21 =	sshll.u32 s28, $0x3  }
0x29b: {  	[smem:$0x7B5] =	sst s13;
	s3 =	sor.u32 s11, s30;
	s0 =	sshra.s32 s0, $0x2  }
0x29c: {  	s11 =	sshrl.u32 s1, $0x2;
	[smem:$0x7B2] =	sst s10;
	s19 =	sand.u32 $0x7F, s10  }
0x29d: {  	s22 =	sand.u32 $0xFFFFC000, s21;
	[smem:$0x7B4] =	sst s14;
	s3 =	ssub.s32 s3, s16  }
0x29e: {  	s21 =	simm.s32 $0x4000;
	s2 =	sadd.s32 s23, s9;
	s3 =	sshra.s32 s3, $0x2  }
0x29f: {  	s0 =	sadd.s32 s0, s12;
	s23 =	sshll.u32 s8, $0x3;
	[smem:$0x7A7] =	sst s2  }
0x2a0: {  	s2 =	ssub.s32 s30, s16;
	[smem:$0x7A9] =	sst s0;
	s18 =	sadd.s32 s3, s9  }
0x2a1: {  	s16 =	sand.u32 $0x7F, s7;
	s3 =	sand.u32 $0xFFFFC000, s23;
	s30 =	sshll.u32 s20, $0x5  }
0x2a2: {  	s23 =	sshll.u32 s19, $0x6;
	s17 =	sshra.s32 s2, $0x2;
	[smem:$0x7AA] =	sst s18  }
0x2a3: {  	s25 =	sshll.u32 s16, $0x6;
	s5 =	sor.u32 s24, s3;
	s18 =	smov.u32 s26  }
0x2a4: {  	s3 =	ssub.s32 s3, s30;
	s24 =	sshrl.u32 s22, $0x2;
	s4 =	sadd.s32 s17, s12  }
0x2a5: {  	s1 =	ssub.s32 s1, s25;
	s5 =	ssub.s32 s5, s30;
	s17 =	sadd.s32 s11, s9  }
0x2a6: {  	s3 =	sshra.s32 s3, $0x2;
	s11 =	sshll.u32 s20, $0x3;
	s10 =	sadd.s32 s24, s9  }
0x2a7: {  	s30 =	sshll.u32 s13, $0x3;
	[smem:$0x7B6] =	sst s18;
	s24 =	simm.s32 $0x7  }
0x2a8: {  	[smem:$0x7B1] =	sst s17;
	s1 =	sshra.s32 s1, $0x2;
	s5 =	sshra.s32 s5, $0x2  }
0x2a9: {  	s29 =	sadd.s32 s3, s12;
	s3 =	ssub.s32 s22, s23;
	s6 =	sand.u32 $0xFFFFC000, s30  }
0x2aa: {  	s22 =	simm.s32 $0x0;
	s26 =	sadd.s32 s1, s12;
	s25 =	sshra.s32 s3, $0x2  }
0x2ab: {  	s3 =	sand.u32 $0xFF, s14;
	s14 =	smul.u32 $0x30, s18;
	_ =	swait.ge [sflag:s24], $0x4000  }
0x2ac: {  	s1 =	sadd.s32 s5, s9;
	s17 =	sadd.s32 s25, s12;
	s25 =	rddreg [dreg:$0x14]  }
0x2ad: {  	s20 =	sshrl.u32 s3, $0x1;
	[sflag:s24] =	ssyncset.done $0x0;
	s2 =	sadd.s32 s14, s25  }
0x2ae: {  	s23 =	sshll.u32 s20, $0x6;
	[sflag:s24] =	ssyncadd.s32 $0xFFFFC000;
	[smem:$0x7B7] =	sst s2  }
0x2af: {  	s5 =	sor.u32 s23, s6;
	s2 =	sshll.u32 s2, $0x8;
	s13 =	rddreg [dreg:$0x0]  }
0x2b0: {  	s23 =	simm.s32 $0x4;
	[smem:$0x7B8] =	sst s2;
	s18 =	sadd.s32 s13, s2  }
0x2b1: {  	[tilespmem:s21], [sflag:$0x1] =	stream.linear.gather [hbm4b:s18+s22], $0x4000, $0x38;
	[tilespmem:$0x1C000] =	vst v63  }
0x2b2: {  	_ =	swait.ge [sflag:s23], $0x4000  }
0x2b3: {  	s24 =	rddreg [dreg:$0x6]  }
0x2b4: {  	s7 =	rddreg [dreg:$0x15]  }
0x2b5: {  	[smem:$0x7B9] =	sst s14  }
0x2b6: {  	s31 =	sshll.u32 s19, $0x4;
	s30 =	sshll.u32 s3, $0x5;
	[smem:$0x7BB] =	sst s15  }
0x2b7: {  	s0 =	ssub.s32 s6, s30;
	s5 =	ssub.s32 s5, s30;
	[smem:$0x7BE] =	sst s16  }
0x2b8: {  	s0 =	sshra.s32 s0, $0x2;
	s5 =	sshra.s32 s5, $0x2;
	[smem:$0x7BF] =	sst s19  }
0x2b9: {  	s21 =	simm.s32 $0xC000;
	[sflag:s23] =	ssyncset.done $0x0;
	[smem:$0x7C2] =	sst s20  }
0x2ba: {  	s9 =	sadd.s32 s5, s9;
	[sflag:s23] =	ssyncadd.s32 $0xFFFFC000;
	s23 =	rddreg [dreg:$0xd]  }
0x2bb: {  	s25 =	sadd.s32 s14, s24;
	s24 =	sshll.u32 s15, $0x4;
	s18 =	rddreg [dreg:$0x2]  }
0x2bc: {  	s14 =	sadd.s32 s14, s7;
	s30 =	sshll.u32 s25, $0x8;
	[smem:$0x7BC] =	sst s24  }
0x2bd: {  	s5 =	sadd.s32 s0, s12;
	[smem:$0x7BD] =	sst s14;
	s6 =	sadd.s32 s18, s30  }
0x2be: {  	[hbm4b:s6+s22] =	stream.linear.scatter [tilespmem:s21], [sflag:$0x9], $0x4000, $0x38;
	[tilespmem:$0x1C000] =	vst v63  }
.Ltmp59:
0x2bf: {  	s25 =	sand.u32 $0x7F8, s14;
	s22 =	sshrl.u32 s14, $0xB;
	(pc) =	sbr.rel .LBB2_71-.Ltmp59, $4  }
0x2c0: {  	[smem:$0x7C0] =	sst s25;
	s30 =	sadd.s32 $0x1, s20;
	s0 =	ssub.s32 s22, s23  }
0x2c1: {  	[smem:$0x7C3] =	sst s30;
	s23 =	sshrl.u32 s25, $0x4;
	s0 =	sshll.u32 s0, $0xC  }
0x2c2: {  	s28 =	sshll.u32 s16, $0x4;
	[smem:$0x7BA] =	sst s0;
	s0 =	sadd.s32 $0x1, s23  }
0x2c3: {  	s7 =	simm.s32 $0x0;
	s18 =	sshll.u32 s3, $0x3;
	[smem:$0x7C1] =	sst s0  }
.LBB2_89:
0x2c4: {  	s7 =	sadd.s32 $0x1, s7  }
0x2c5: {  	p0 =	sne.s32 s7, $0x8  }
.Ltmp60:
0x2c6: {  	_ = 	snop;
	(pc) =	sbr.rel @!p0 .LBB2_90-.Ltmp60, $2  }
0x2c7: {  	_ =	sdelay $0x2  }
0x2c8: {  	s18 =	sadd.s32 $0x1, s18;
	s5 =	sadd.s32 $0xFFFFFFFF, s5;
	s9 =	sadd.s32 $0xFFFFFFFF, s9  }
.LBB2_71:
0x2c9: {  	s0 =	sld [smem:$0x7C0];
	_ =	sdelay $0x2  }
0x2ca: {  	s0 =	sor.u32 s0, s7  }
0x2cb: {  	s0 =	smax.u32 s0, $0x1FF  }
0x2cc: {  	s0 =	sadd.s32 $0xFFFFFE01, s0  }
0x2cd: {  	s8 =	sshrl.u32 s0, $0x4  }
0x2ce: {  	s30 =	sld [smem:$0x7BA];
	s25 =	sand.u32 $0x7C, s8  }
0x2cf: {  	p0 =	seq.s32 s25, $0x0  }
.Ltmp61:
0x2d0: {  	_ = 	snop;
	(pc) =	sbr.rel @p0 .LBB2_79-.Ltmp61, $1  }
0x2d1: {  	v4 =	vld [tilespmem:s30+$0x0];
	_ =	sdelay $0x3  }
0x2d2: {  	s3 =	sshll.u32 s7, $0x7;
	s0 =	simm.s32 $0x0  }
0x2d3: {  	p1 =	sgt.u32 s25, $0x4;
	v5 =	vmov s3;
	s6 =	sand.u32 $0x40, s0;
	s0 =	sand.u32 $0x7FFFFC00, s0  }
.Ltmp62:
0x2d4: {  	s16 =	sor.u32 s6, s0;
	(pc) =	sbr.rel @!p1 .LBB2_73-.Ltmp62, $4  }
0x2d5: {  	s0 =	sadd.s32 s3, s16  }
0x2d6: {  	s12 =	sadd.s32 $0x10000, s0  }
0x2d7: {  	v6 =	vld [tilespmem:s12+$0x20]  }
0x2d8: {  	p0 =	por $0x0, $0x0;
	v8 =	vld.idx.msk [tilespmem:v5+s16+$0x10000 ss:$0x1], $0xffff  }
0x2d9: {  	_ = 	snop  }
0x2da: {  	v10 =	vld [tilespmem:s12+$0x30];
	s0 =	simm.s32 $0x200;
	s13 =	simm.s32 $0x40;
	p1 =	sgt.u32 s25, $0x8  }
.Ltmp63:
0x2db: {  	s6 =	sand.u32 $0x40, s13;
	s14 =	sand.u32 $0x7FFFFC00, s0;
	(pc) =	sbr.rel @!p1 .LBB2_95-.Ltmp63, $4  }
0x2dc: {  	v7 =	vld [tilespmem:s12+$0x10];
	s14 =	sor.u32 s6, s14  }
0x2dd: {  	s6 =	sadd.s32 s3, s14;
	v11 =	vadd.f32 v8, v4  }
0x2de: {  	v8 =	vld.idx.msk [tilespmem:v5+s14+$0x10000 ss:$0x1], $0xffff;
	s6 =	sadd.s32 $0x10000, s6  }
0x2df: {  	s19 =	simm.s32 $0x8;
	p0 =	por $0x1, $0x1;
	v9 =	vadd.f32 v6, v4;
	v6 =	vld [tilespmem:s6+$0x20];
	v10 =	vadd.f32 v10, v4;
	[tilespmem:v5+s16+$0x10000 ss:$0x1] =	vst.idx.msk $0xffff, v11  }
.LBB2_96:
0x2e0: {  	s19 =	sadd.s32 $0x4, s19  }
0x2e1: {  	v11 =	vld [tilespmem:s6+$0x30];
	s0 =	sadd.s32 $0x200, s0;
	s13 =	sadd.s32 $0x40, s13;
	v12 =	vadd.f32 v7, v4;
	[tilespmem:s12+$0x20] =	vst v9;
	p1 =	slt.u32 s19, s25  }
.Ltmp64:
0x2e2: {  	s16 =	sand.u32 $0x40, s13;
	s30 =	sand.u32 $0x7FFFFC00, s0;
	v7 =	vld [tilespmem:s6+$0x10];
	[tilespmem:s12+$0x30] =	vst v10;
	(pc) =	sbr.rel @p1 .LBB2_96-.Ltmp64, $4  }
0x2e3: {  	s16 =	sor.u32 s16, s30;
	[tilespmem:s12+$0x10] =	vst v12;
	s12 =	smov.u32 s6  }
0x2e4: {  	v10 =	vadd.f32 v8, v4;
	s6 =	sadd.s32 s3, s16;
	v8 =	vld.idx.msk [tilespmem:v5+s16+$0x10000 ss:$0x1], $0xffff  }
0x2e5: {  	s6 =	sadd.s32 $0x10000, s6;
	v9 =	vadd.f32 v6, v4  }
0x2e6: {  	v6 =	vld [tilespmem:s6+$0x20];
	[tilespmem:v5+s14+$0x10000 ss:$0x1] =	vst.idx.msk $0xffff, v10;
	v10 =	vadd.f32 v11, v4;
	s14 =	smov.u32 s16  }
0x2e7: {  	s16 =	smov.u32 s14  }
.LBB2_98:
0x2e8: {  	v11 =	vld [tilespmem:s6+$0x30]  }
0x2e9: {  	v12 =	vld [tilespmem:s6+$0x10]  }
0x2ea: {  	v7 =	vadd.f32 @p0 v7, v4;
	[tilespmem:s12+$0x20] =	vst @p0 v9  }
0x2eb: {  	[tilespmem:s12+$0x30] =	vst @p0 v10;
	v8 =	vadd.f32 v8, v4  }
0x2ec: {  	[tilespmem:s12+$0x10] =	vst @p0 v7;
	v6 =	vadd.f32 v6, v4  }
0x2ed: {  	[tilespmem:v5+s16+$0x10000 ss:$0x1] =	vst.idx.msk $0xffff, v8;
	v5 =	vadd.f32 v11, v4  }
0x2ee: {  	v7 =	vadd.f32 v12, v4;
	[tilespmem:s6+$0x20] =	vst v6  }
0x2ef: {  	[tilespmem:s6+$0x30] =	vst v5  }
0x2f0: {  	[tilespmem:s6+$0x10] =	vst v7  }
.LBB2_79:
0x2f1: {  	p0 =	seq.s32 s25, s8  }
.Ltmp65:
0x2f2: {  	_ = 	snop;
	(pc) =	sbr.rel @p0 .LBB2_82-.Ltmp65, $3  }
0x2f3: {  	_ =	sdelay $0x1  }
0x2f4: {  	s0 =	smax.u32 s18, $0x1FF  }
0x2f5: {  	s0 =	sadd.s32 $0xFFFFFE01, s0  }
0x2f6: {  	s3 =	sshrl.u32 s0, $0x6;
	s6 =	sshll.u32 s7, $0x7  }
0x2f7: {  	s12 =	sand.u32 $0x1F, s3;
	s13 =	sand.u32 $0x3FFFFF80, s6  }
0x2f8: {  	s3 =	sshll.u32 s12, $0x9;
	s6 =	sshll.u32 s12, $0x6;
	s12 =	sadd.s32 $0x10000, s13  }
.LBB2_81:
0x2f9: {  	s13 =	sand.u32 $0x7FFFFC00, s3  }
0x2fa: {  	s14 =	sand.u32 $0x70, s6;
	s13 =	sadd.s32 s13, s12  }
0x2fb: {  	s13 =	sadd.s32 s14, s13  }
0x2fc: {  	v5 =	vld [tilespmem:s13+$0x0]  }
0x2fd: {  	s25 =	sadd.s32 $0x1, s25  }
0x2fe: {  	p0 =	slt.u32 s25, s8  }
.Ltmp66:
0x2ff: {  	_ = 	snop;
	(pc) =	sbr.rel @p0 .LBB2_81-.Ltmp66, $3  }
0x300: {  	_ = 	snop  }
0x301: {  	v5 =	vadd.f32 v5, v4;
	_ =	sdelay $0x1  }
0x302: {  	s3 =	sadd.s32 $0x80, s3;
	s6 =	sadd.s32 $0x10, s6;
	[tilespmem:s13+$0x0] =	vst v5  }
.LBB2_82:
0x303: {  	s2 =	sld [smem:$0x7C1];
	_ =	sdelay $0x2  }
0x304: {  	s25 =	ssub.s32 s2, s8  }
0x305: {  	s3 =	sshrl.u32 s25, $0x1E  }
0x306: {  	s3 =	sadd.s32 s3, s25  }
0x307: {  	s16 =	sand.u32 $0xFFFFFFFC, s3  }
0x308: {  	p0 =	slt.s32 s16, $0x1  }
.Ltmp67:
0x309: {  	_ = 	snop;
	(pc) =	sbr.rel @p0 .LBB2_86-.Ltmp67, $2  }
0x30a: {  	_ =	sdelay $0x2  }
0x30b: {  	s12 =	sadd.s32 s8, s16  }
0x30c: {  	s3 =	sshrl.u32 s0, $0x4;
	s14 =	sshll.u32 s7, $0x7  }
0x30d: {  	s13 =	sand.u32 $0xFFFFFFF0, s0;
	s8 =	sadd.s32 $0x4, s8;
	s6 =	sshll.u32 s3, $0x6;
	v4 =	vmov s14  }
0x30e: {  	s0 =	sshll.u32 s3, $0x7;
	s30 =	sadd.s32 $0x30, s13;
	s6 =	sshra.s32 s6, $0x2  }
0x30f: {  	s3 =	sadd.s32 $0x180, s0;
	s24 =	sand.u32 $0x70, s30;
	s2 =	sadd.s32 $0xFFFFFFE0, s30  }
0x310: {  	s15 =	sadd.s32 $0x80, s0;
	s21 =	sadd.s32 $0xFFFFFFD0, s30;
	v5 =	vmov s6;
	s3 =	sand.u32 $0xFFFFFC00, s3  }
0x311: {  	s6 =	sand.u32 $0x70, s21;
	s13 =	sor.u32 s24, s3;
	s24 =	sand.u32 $0xFFFFFC00, s0  }
0x312: {  	s14 =	sand.u32 $0x70, s2;
	s2 =	sand.u32 $0xFFFFFC00, s15;
	s3 =	sor.u32 s6, s24;
	v10 =	vld.idx.msk [tilespmem:v4+s13+$0x10000 ss:$0x1], $0xffff  }
0x313: {  	p0 =	slt.s32 s8, s12;
	s14 =	sor.u32 s14, s2;
	v12 =	vld.idx.msk [tilespmem:v4+s3+$0x10000 ss:$0x1], $0xffff  }
.Ltmp68:
0x314: {  	v11 =	vld.idx.msk [tilespmem:v4+s14+$0x10000 ss:$0x1], $0xffff;
	(pc) =	sbr.rel @!p0 .LBB2_85-.Ltmp68, $4  }
0x315: {  	v7 =	vld.idx.msk [tilespmem:v5+s5+$0x0 ss:$0x1], $0xffff  }
0x316: {  	s19 =	sadd.s32 $0xFFFFFFF0, s30;
	s20 =	sadd.s32 $0x100, s0;
	v8 =	vld.idx.msk [tilespmem:v5+s5+$0xFFFFFFE0 ss:$0x1], $0xffff  }
0x317: {  	s22 =	sand.u32 $0x70, s19;
	s24 =	sand.u32 $0xFFFFFC00, s20;
	v9 =	vld.idx.msk [tilespmem:v5+s5+$0xFFFFFFF0 ss:$0x1], $0xffff  }
0x318: {  	s19 =	sadd.s32 $0x40, s5;
	s0 =	sadd.s32 $0x200, s0;
	s6 =	sor.u32 s22, s24;
	v6 =	vld.idx.msk [tilespmem:v5+s5+$0xFFFFFFD0 ss:$0x1], $0xffff  }
.LBB2_84:
0x319: {  	s2 =	sadd.s32 $0x180, s0  }
0x31a: {  	s8 =	sadd.s32 $0x4, s8;
	v13 =	vld.idx.msk [tilespmem:v4+s6+$0x10000 ss:$0x1], $0xffff;
	v10 =	vadd.f32 v7, v10;
	s30 =	sadd.s32 $0x40, s30;
	s15 =	sadd.s32 $0x80, s0  }
0x31b: {  	v15 =	vmov v8;
	v14 =	vld.idx.msk [tilespmem:v5+s19+$0xFFFFFFD0 ss:$0x1], $0xffff;
	s20 =	sand.u32 $0x70, s30;
	s2 =	sand.u32 $0xFFFFFC00, s2;
	p0 =	slt.s32 s8, s12  }
0x31c: {  	s22 =	sadd.s32 $0x100, s0;
	s24 =	sadd.s32 $0xFFFFFFE0, s30;
	v16 =	vmov v9;
	v7 =	vld.idx.msk [tilespmem:v5+s19+$0x0 ss:$0x1], $0xffff;
	[tilespmem:v4+s13+$0x10000 ss:$0x1] =	vst.idx.msk $0xffff, v10;
	s13 =	sor.u32 s20, s2  }
0x31d: {  	s15 =	sand.u32 $0xFFFFFC00, s15;
	s2 =	sadd.s32 $0xFFFFFFD0, s30;
	s20 =	sadd.s32 $0xFFFFFFF0, s30;
	v10 =	vld.idx.msk [tilespmem:v4+s13+$0x10000 ss:$0x1], $0xffff  }
.Ltmp69:
0x31e: {  	s24 =	sand.u32 $0x70, s24;
	s2 =	sand.u32 $0x70, s2;
	v17 =	vadd.f32 v6, v12;
	v8 =	vld.idx.msk [tilespmem:v5+s19+$0xFFFFFFE0 ss:$0x1], $0xffff;
	(pc) =	sbr.rel @p0 .LBB2_84-.Ltmp69, $4  }
0x31f: {  	s21 =	sand.u32 $0xFFFFFC00, s0;
	s22 =	sand.u32 $0xFFFFFC00, s22;
	s20 =	sand.u32 $0x70, s20;
	v11 =	vadd.f32 v15, v11;
	v9 =	vld.idx.msk [tilespmem:v5+s19+$0xFFFFFFF0 ss:$0x1], $0xffff  }
0x320: {  	s15 =	sor.u32 s24, s15;
	s20 =	sor.u32 s20, s22;
	v13 =	vadd.f32 v16, v13;
	[tilespmem:v4+s3+$0x10000 ss:$0x1] =	vst.idx.msk $0xffff, v17;
	s3 =	sor.u32 s2, s21  }
0x321: {  	v6 =	vmov v14;
	v12 =	vld.idx.msk [tilespmem:v4+s3+$0x10000 ss:$0x1], $0xffff;
	[tilespmem:v4+s14+$0x10000 ss:$0x1] =	vst.idx.msk $0xffff, v11;
	s14 =	smov.u32 s15  }
0x322: {  	s0 =	sadd.s32 $0x200, s0;
	s19 =	sadd.s32 $0x40, s19;
	v11 =	vld.idx.msk [tilespmem:v4+s14+$0x10000 ss:$0x1], $0xffff;
	[tilespmem:v4+s6+$0x10000 ss:$0x1] =	vst.idx.msk $0xffff, v13;
	s6 =	smov.u32 s20  }
.LBB2_85:
0x323: {  	_ =	sdelay $0x3  }
0x324: {  	v5 =	vld.idx.msk [tilespmem:v4+s6+$0x10000 ss:$0x1], $0xffff;
	_ =	sdelay $0x1  }
0x325: {  	v7 =	vadd.f32 v7, v10  }
0x326: {  	v6 =	vadd.f32 v6, v12  }
0x327: {  	[tilespmem:v4+s13+$0x10000 ss:$0x1] =	vst.idx.msk $0xffff, v7;
	v63 =	vadd.f32 v8, v11  }
0x328: {  	v5 =	vadd.f32 v9, v5;
	[tilespmem:v4+s3+$0x10000 ss:$0x1] =	vst.idx.msk $0xffff, v6  }
0x329: {  	[tilespmem:v4+s14+$0x10000 ss:$0x1] =	vst.idx.msk $0xffff, v63  }
0x32a: {  	[tilespmem:v4+s6+$0x10000 ss:$0x1] =	vst.idx.msk $0xffff, v5  }
.LBB2_86:
0x32b: {  	p0 =	sgt.s32 s12, s23  }
.Ltmp70:
0x32c: {  	_ = 	snop;
	(pc) =	sbr.rel @p0 .LBB2_89-.Ltmp70, $1  }
0x32d: {  	_ =	sdelay $0x3  }
0x32e: {  	s2 =	sld [smem:$0x7C2]  }
0x32f: {  	s6 =	ssub.s32 s25, s16;
	s0 =	sshll.u32 s7, $0x7;
	s30 =	sld [smem:$0x7C3]  }
0x330: {  	s0 =	sand.u32 $0x3FFFFF80, s0;
	s3 =	sshll.u32 s6, $0x6  }
0x331: {  	s0 =	sadd.s32 $0x10000, s0;
	s8 =	ssub.s32 $0x0, s3  }
0x332: {  	s3 =	ssub.s32 s2, s6;
	s12 =	ssub.s32 s30, s6;
	s8 =	sshra.s32 s8, $0x2  }
0x333: {  	s6 =	sshll.u32 s12, $0x7;
	s8 =	sadd.s32 s8, s9;
	s12 =	sshll.u32 s12, $0x4  }
.LBB2_88:
0x334: {  	s2 =	sand.u32 $0xFFFFFC00, s6  }
0x335: {  	s13 =	sand.u32 $0x70, s12;
	s2 =	sadd.s32 s2, s0  }
0x336: {  	v5 =	vld [tilespmem:s8+$0x0];
	s2 =	sadd.s32 s13, s2  }
0x337: {  	v4 =	vld [tilespmem:s2+$0x0]  }
0x338: {  	s3 =	sadd.s32 $0x1, s3  }
0x339: {  	p0 =	slt.s32 s3, s23  }
.Ltmp71:
0x33a: {  	_ = 	snop;
	(pc) =	sbr.rel @p0 .LBB2_88-.Ltmp71, $3  }
0x33b: {  	_ = 	snop  }
0x33c: {  	v4 =	vadd.f32 v5, v4;
	_ =	sdelay $0x1  }
0x33d: {  	s6 =	sadd.s32 $0x80, s6;
	s8 =	sadd.s32 $0x10, s8;
	s12 =	sadd.s32 $0x10, s12;
	[tilespmem:s2+$0x0] =	vst v4  }
.Ltmp72:
0x33e: {  	_ = 	snop;
	(pc) =	sbr.rel .LBB2_89-.Ltmp72, $1  }
0x33f: {  	_ =	sdelay $0x3  }
.LBB2_73:
.Ltmp73:
0x340: {  	(pc) =	sbr.rel .LBB2_98-.Ltmp73, $2  }
0x341: {  	_ =	sdelay $0x2  }
0x342: {  	s6 =	smov.u32 s12  }
.LBB2_95:
.Ltmp74:
0x343: {  	(pc) =	sbr.rel .LBB2_98-.Ltmp74, $2  }
0x344: {  	_ =	sdelay $0x2  }
0x345: {  	s16 =	smov.u32 s14  }
.LBB2_90:
0x346: {  	s2 =	simm.s32 $0x8  }
0x347: {  	_ =	swait.ge [sflag:s2], $0x4000  }
0x348: {  	s6 =	sld [smem:$0x7B9]  }
0x349: {  	[sflag:s2] =	ssyncset.done $0x0  }
0x34a: {  	s0 =	rddreg [dreg:$0x16];
	[sflag:s2] =	ssyncadd.s32 $0xFFFFC000  }
0x34b: {  	s19 =	simm.s32 $0x8000;
	s18 =	rddreg [dreg:$0x0];
	s0 =	sadd.s32 s6, s0  }
0x34c: {  	s5 =	simm.s32 $0x5;
	[smem:$0x79F] =	sst s0;
	s3 =	sshll.u32 s0, $0x8  }
0x34d: {  	[smem:$0x7A0] =	sst s3;
	s0 =	sadd.s32 s18, s3;
	s3 =	simm.s32 $0x0  }
0x34e: {  	[tilespmem:s19], [sflag:$0x2] =	stream.linear.gather [hbm4b:s0+s3], $0x4000, $0x38;
	[tilespmem:$0x1C000] =	vst v63  }
0x34f: {  	_ =	swait.ge [sflag:s5], $0x4000  }
0x350: {  	s20 =	sld [smem:$0x7BD]  }
0x351: {  	s21 =	rddreg [dreg:$0x17]  }
0x352: {  	[sflag:s5] =	ssyncset.done $0x0;
	s25 =	rddreg [dreg:$0xd]  }
0x353: {  	s30 =	sld [smem:$0x7BF];
	[sflag:s5] =	ssyncadd.s32 $0xFFFFC000  }
0x354: {  	s23 =	simm.s32 $0x10000;
	s6 =	sadd.s32 s6, s21;
	s22 =	rddreg [dreg:$0x2]  }
.Ltmp75:
0x355: {  	s5 =	sand.u32 $0x7F0, s6;
	s0 =	sshll.u32 s20, $0x8;
	(pc) =	sbr.rel .LBB2_91-.Ltmp75, $4  }
0x356: {  	[smem:$0x7A1] =	sst s6;
	s24 =	sshrl.u32 s6, $0xB;
	s0 =	sadd.s32 s22, s0  }
0x357: {  	[hbm4b:s0+s3] =	stream.linear.scatter [tilespmem:s23], [sflag:$0xA], $0x4000, $0x38;
	[tilespmem:$0x1C000] =	vst v63  }
0x358: {  	s9 =	sshrl.u32 s5, $0x4;
	s2 =	sadd.s32 $0x1, s30;
	s0 =	ssub.s32 s24, s25  }
0x359: {  	s6 =	sadd.s32 $0x1, s9;
	[smem:$0x7A2] =	sst s2;
	s0 =	sshll.u32 s0, $0xC  }
.LBB2_109:
0x35a: {  	s3 =	sadd.s32 $0x1, s3  }
0x35b: {  	p0 =	sne.s32 s3, $0x8  }
.Ltmp76:
0x35c: {  	_ = 	snop;
	(pc) =	sbr.rel @!p0 .LBB2_110-.Ltmp76, $2  }
0x35d: {  	_ =	sdelay $0x2  }
0x35e: {  	s31 =	sadd.s32 $0x1, s31;
	s17 =	sadd.s32 $0xFFFFFFFF, s17;
	s10 =	sadd.s32 $0xFFFFFFFF, s10  }
.LBB2_91:
0x35f: {  	s2 =	sor.u32 s5, s3  }
0x360: {  	s2 =	smax.u32 s2, $0x1FF  }
0x361: {  	s2 =	sadd.s32 $0xFFFFFE01, s2  }
0x362: {  	s7 =	sshrl.u32 s2, $0x4  }
0x363: {  	s8 =	sand.u32 $0x7C, s7  }
0x364: {  	p0 =	seq.s32 s8, $0x0  }
.Ltmp77:
0x365: {  	_ = 	snop;
	(pc) =	sbr.rel @p0 .LBB2_99-.Ltmp77, $1  }
0x366: {  	v4 =	vld [tilespmem:s0+$0x0];
	_ =	sdelay $0x3  }
0x367: {  	s13 =	sshll.u32 s3, $0x7;
	s12 =	simm.s32 $0x0  }
0x368: {  	p1 =	sgt.u32 s8, $0x4;
	v5 =	vmov s13;
	s2 =	sand.u32 $0x40, s12;
	s12 =	sand.u32 $0x7FFFFC00, s12  }
.Ltmp78:
0x369: {  	s23 =	sor.u32 s2, s12;
	(pc) =	sbr.rel @!p1 .LBB2_93-.Ltmp78, $4  }
0x36a: {  	s2 =	sadd.s32 s13, s23  }
0x36b: {  	s12 =	sadd.s32 $0x14000, s2  }
0x36c: {  	v6 =	vld [tilespmem:s12+$0x20]  }
0x36d: {  	p0 =	por $0x0, $0x0;
	v8 =	vld.idx.msk [tilespmem:v5+s23+$0x14000 ss:$0x1], $0xffff  }
0x36e: {  	_ = 	snop  }
0x36f: {  	v10 =	vld [tilespmem:s12+$0x30];
	s14 =	simm.s32 $0x200;
	s16 =	simm.s32 $0x40;
	p1 =	sgt.u32 s8, $0x8  }
.Ltmp79:
0x370: {  	s2 =	sand.u32 $0x40, s16;
	s15 =	sand.u32 $0x7FFFFC00, s14;
	(pc) =	sbr.rel @!p1 .LBB2_115-.Ltmp79, $4  }
0x371: {  	v7 =	vld [tilespmem:s12+$0x10];
	s19 =	sor.u32 s2, s15  }
0x372: {  	s2 =	sadd.s32 s13, s19;
	v11 =	vadd.f32 v8, v4  }
0x373: {  	v8 =	vld.idx.msk [tilespmem:v5+s19+$0x14000 ss:$0x1], $0xffff;
	s18 =	sadd.s32 $0x14000, s2  }
0x374: {  	s25 =	simm.s32 $0x8;
	p0 =	por $0x1, $0x1;
	v9 =	vadd.f32 v6, v4;
	v6 =	vld [tilespmem:s18+$0x20];
	v10 =	vadd.f32 v10, v4;
	[tilespmem:v5+s23+$0x14000 ss:$0x1] =	vst.idx.msk $0xffff, v11  }
.LBB2_116:
0x375: {  	s25 =	sadd.s32 $0x4, s25  }
0x376: {  	v11 =	vld [tilespmem:s18+$0x30];
	s14 =	sadd.s32 $0x200, s14;
	s16 =	sadd.s32 $0x40, s16;
	v12 =	vadd.f32 v7, v4;
	[tilespmem:s12+$0x20] =	vst v9;
	p1 =	slt.u32 s25, s8  }
.Ltmp80:
0x377: {  	s2 =	sand.u32 $0x40, s16;
	s15 =	sand.u32 $0x7FFFFC00, s14;
	v7 =	vld [tilespmem:s18+$0x10];
	[tilespmem:s12+$0x30] =	vst v10;
	(pc) =	sbr.rel @p1 .LBB2_116-.Ltmp80, $4  }
0x378: {  	s2 =	sor.u32 s2, s15;
	[tilespmem:s12+$0x10] =	vst v12;
	s12 =	smov.u32 s18  }
0x379: {  	v10 =	vadd.f32 v8, v4;
	s15 =	sadd.s32 s13, s2;
	v8 =	vld.idx.msk [tilespmem:v5+s2+$0x14000 ss:$0x1], $0xffff  }
0x37a: {  	s18 =	sadd.s32 $0x14000, s15;
	v9 =	vadd.f32 v6, v4  }
0x37b: {  	v6 =	vld [tilespmem:s18+$0x20];
	[tilespmem:v5+s19+$0x14000 ss:$0x1] =	vst.idx.msk $0xffff, v10;
	v10 =	vadd.f32 v11, v4;
	s19 =	smov.u32 s2  }
0x37c: {  	s23 =	smov.u32 s19  }
.LBB2_118:
0x37d: {  	v11 =	vld [tilespmem:s18+$0x30]  }
0x37e: {  	v12 =	vld [tilespmem:s18+$0x10]  }
0x37f: {  	v7 =	vadd.f32 @p0 v7, v4;
	[tilespmem:s12+$0x20] =	vst @p0 v9  }
0x380: {  	[tilespmem:s12+$0x30] =	vst @p0 v10;
	v8 =	vadd.f32 v8, v4  }
0x381: {  	[tilespmem:s12+$0x10] =	vst @p0 v7;
	v6 =	vadd.f32 v6, v4  }
0x382: {  	[tilespmem:v5+s23+$0x14000 ss:$0x1] =	vst.idx.msk $0xffff, v8;
	v5 =	vadd.f32 v11, v4  }
0x383: {  	v7 =	vadd.f32 v12, v4;
	[tilespmem:s18+$0x20] =	vst v6  }
0x384: {  	[tilespmem:s18+$0x30] =	vst v5  }
0x385: {  	[tilespmem:s18+$0x10] =	vst v7  }
.LBB2_99:
0x386: {  	p0 =	seq.s32 s8, s7  }
.Ltmp81:
0x387: {  	_ = 	snop;
	(pc) =	sbr.rel @p0 .LBB2_102-.Ltmp81, $3  }
0x388: {  	_ =	sdelay $0x1  }
0x389: {  	s2 =	smax.u32 s31, $0x1FF  }
0x38a: {  	s13 =	sadd.s32 $0xFFFFFE01, s2  }
0x38b: {  	s2 =	sshrl.u32 s13, $0x6;
	s12 =	sshll.u32 s3, $0x7  }
0x38c: {  	s2 =	sand.u32 $0x1F, s2;
	s15 =	sand.u32 $0x3FFFFF80, s12  }
0x38d: {  	s12 =	sshll.u32 s2, $0x9;
	s14 =	sshll.u32 s2, $0x6;
	s16 =	sadd.s32 $0x14000, s15  }
.LBB2_101:
0x38e: {  	s2 =	sand.u32 $0x7FFFFC00, s12  }
0x38f: {  	s15 =	sand.u32 $0x70, s14;
	s2 =	sadd.s32 s2, s16  }
0x390: {  	s2 =	sadd.s32 s15, s2  }
0x391: {  	v5 =	vld [tilespmem:s2+$0x0]  }
0x392: {  	s8 =	sadd.s32 $0x1, s8  }
0x393: {  	p0 =	slt.u32 s8, s7  }
.Ltmp82:
0x394: {  	_ = 	snop;
	(pc) =	sbr.rel @p0 .LBB2_101-.Ltmp82, $3  }
0x395: {  	_ = 	snop  }
0x396: {  	v5 =	vadd.f32 v5, v4;
	_ =	sdelay $0x1  }
0x397: {  	s12 =	sadd.s32 $0x80, s12;
	s14 =	sadd.s32 $0x10, s14;
	[tilespmem:s2+$0x0] =	vst v5  }
.LBB2_102:
0x398: {  	s8 =	ssub.s32 s6, s7  }
0x399: {  	s2 =	sshrl.u32 s8, $0x1E  }
0x39a: {  	s2 =	sadd.s32 s2, s8  }
0x39b: {  	s18 =	sand.u32 $0xFFFFFFFC, s2  }
0x39c: {  	p0 =	slt.s32 s18, $0x1  }
.Ltmp83:
0x39d: {  	_ = 	snop;
	(pc) =	sbr.rel @p0 .LBB2_106-.Ltmp83, $2  }
0x39e: {  	_ =	sdelay $0x2  }
0x39f: {  	s12 =	sadd.s32 s7, s18  }
0x3a0: {  	s2 =	sshrl.u32 s13, $0x4;
	s15 =	sshll.u32 s3, $0x7  }
0x3a1: {  	s23 =	sand.u32 $0xFFFFFFF0, s13;
	s7 =	sadd.s32 $0x4, s7;
	s14 =	sshll.u32 s2, $0x6;
	v4 =	vmov s15  }
0x3a2: {  	s19 =	sadd.s32 $0x30, s23;
	s16 =	sshra.s32 s14, $0x2;
	s14 =	sshll.u32 s2, $0x7  }
0x3a3: {  	s13 =	sand.u32 $0x70, s19;
	s24 =	sadd.s32 $0xFFFFFFE0, s19;
	s2 =	sadd.s32 $0x180, s14  }
0x3a4: {  	s23 =	sadd.s32 $0xFFFFFFD0, s19;
	v5 =	vmov s16;
	s25 =	sadd.s32 $0x80, s14;
	s2 =	sand.u32 $0xFFFFFC00, s2  }
0x3a5: {  	s16 =	sand.u32 $0x70, s23;
	s22 =	sand.u32 $0xFFFFFC00, s14;
	s13 =	sor.u32 s13, s2  }
0x3a6: {  	s15 =	sand.u32 $0x70, s24;
	s23 =	sor.u32 s16, s22;
	s2 =	sand.u32 $0xFFFFFC00, s25;
	v10 =	vld.idx.msk [tilespmem:v4+s13+$0x14000 ss:$0x1], $0xffff  }
0x3a7: {  	p0 =	slt.s32 s7, s12;
	s30 =	sor.u32 s15, s2;
	v12 =	vld.idx.msk [tilespmem:v4+s23+$0x14000 ss:$0x1], $0xffff  }
.Ltmp84:
0x3a8: {  	v11 =	vld.idx.msk [tilespmem:v4+s30+$0x14000 ss:$0x1], $0xffff;
	(pc) =	sbr.rel @!p0 .LBB2_105-.Ltmp84, $4  }
0x3a9: {  	v7 =	vld.idx.msk [tilespmem:v5+s17+$0x0 ss:$0x1], $0xffff  }
0x3aa: {  	s20 =	sadd.s32 $0xFFFFFFF0, s19;
	s21 =	sadd.s32 $0x100, s14;
	v8 =	vld.idx.msk [tilespmem:v5+s17+$0xFFFFFFE0 ss:$0x1], $0xffff  }
0x3ab: {  	s24 =	sand.u32 $0x70, s20;
	s25 =	sand.u32 $0xFFFFFC00, s21;
	v9 =	vld.idx.msk [tilespmem:v5+s17+$0xFFFFFFF0 ss:$0x1], $0xffff  }
0x3ac: {  	s16 =	sadd.s32 $0x200, s14;
	s14 =	sadd.s32 $0x40, s17;
	s25 =	sor.u32 s24, s25;
	v6 =	vld.idx.msk [tilespmem:v5+s17+$0xFFFFFFD0 ss:$0x1], $0xffff  }
.LBB2_104:
0x3ad: {  	s2 =	sadd.s32 $0x180, s16  }
0x3ae: {  	s7 =	sadd.s32 $0x4, s7;
	v13 =	vld.idx.msk [tilespmem:v4+s25+$0x14000 ss:$0x1], $0xffff;
	v10 =	vadd.f32 v7, v10;
	s19 =	sadd.s32 $0x40, s19;
	s21 =	sadd.s32 $0x80, s16  }
0x3af: {  	v15 =	vmov v8;
	v14 =	vld.idx.msk [tilespmem:v5+s14+$0xFFFFFFD0 ss:$0x1], $0xffff;
	s15 =	sand.u32 $0x70, s19;
	s2 =	sand.u32 $0xFFFFFC00, s2;
	p0 =	slt.s32 s7, s12  }
0x3b0: {  	s22 =	sadd.s32 $0x100, s16;
	s20 =	sadd.s32 $0xFFFFFFE0, s19;
	v16 =	vmov v9;
	v7 =	vld.idx.msk [tilespmem:v5+s14+$0x0 ss:$0x1], $0xffff;
	[tilespmem:v4+s13+$0x14000 ss:$0x1] =	vst.idx.msk $0xffff, v10;
	s13 =	sor.u32 s15, s2  }
0x3b1: {  	s21 =	sand.u32 $0xFFFFFC00, s21;
	s2 =	sadd.s32 $0xFFFFFFD0, s19;
	s15 =	sadd.s32 $0xFFFFFFF0, s19;
	v10 =	vld.idx.msk [tilespmem:v4+s13+$0x14000 ss:$0x1], $0xffff  }
.Ltmp85:
0x3b2: {  	s20 =	sand.u32 $0x70, s20;
	s2 =	sand.u32 $0x70, s2;
	v17 =	vadd.f32 v6, v12;
	v8 =	vld.idx.msk [tilespmem:v5+s14+$0xFFFFFFE0 ss:$0x1], $0xffff;
	(pc) =	sbr.rel @p0 .LBB2_104-.Ltmp85, $4  }
0x3b3: {  	s24 =	sand.u32 $0xFFFFFC00, s16;
	s22 =	sand.u32 $0xFFFFFC00, s22;
	s15 =	sand.u32 $0x70, s15;
	v11 =	vadd.f32 v15, v11;
	v9 =	vld.idx.msk [tilespmem:v5+s14+$0xFFFFFFF0 ss:$0x1], $0xffff  }
0x3b4: {  	s20 =	sor.u32 s20, s21;
	s15 =	sor.u32 s15, s22;
	v13 =	vadd.f32 v16, v13;
	[tilespmem:v4+s23+$0x14000 ss:$0x1] =	vst.idx.msk $0xffff, v17;
	s23 =	sor.u32 s2, s24  }
0x3b5: {  	v6 =	vmov v14;
	v12 =	vld.idx.msk [tilespmem:v4+s23+$0x14000 ss:$0x1], $0xffff;
	[tilespmem:v4+s30+$0x14000 ss:$0x1] =	vst.idx.msk $0xffff, v11;
	s30 =	smov.u32 s20  }
0x3b6: {  	s16 =	sadd.s32 $0x200, s16;
	s14 =	sadd.s32 $0x40, s14;
	v11 =	vld.idx.msk [tilespmem:v4+s30+$0x14000 ss:$0x1], $0xffff;
	[tilespmem:v4+s25+$0x14000 ss:$0x1] =	vst.idx.msk $0xffff, v13;
	s25 =	smov.u32 s15  }
.LBB2_105:
0x3b7: {  	_ =	sdelay $0x3  }
0x3b8: {  	v5 =	vld.idx.msk [tilespmem:v4+s25+$0x14000 ss:$0x1], $0xffff;
	_ =	sdelay $0x1  }
0x3b9: {  	v7 =	vadd.f32 v7, v10  }
0x3ba: {  	v6 =	vadd.f32 v6, v12  }
0x3bb: {  	[tilespmem:v4+s13+$0x14000 ss:$0x1] =	vst.idx.msk $0xffff, v7;
	v63 =	vadd.f32 v8, v11  }
0x3bc: {  	v5 =	vadd.f32 v9, v5;
	[tilespmem:v4+s23+$0x14000 ss:$0x1] =	vst.idx.msk $0xffff, v6  }
0x3bd: {  	[tilespmem:v4+s30+$0x14000 ss:$0x1] =	vst.idx.msk $0xffff, v63  }
0x3be: {  	[tilespmem:v4+s25+$0x14000 ss:$0x1] =	vst.idx.msk $0xffff, v5  }
.LBB2_106:
0x3bf: {  	p0 =	sgt.s32 s12, s9  }
.Ltmp86:
0x3c0: {  	_ = 	snop;
	(pc) =	sbr.rel @p0 .LBB2_109-.Ltmp86, $1  }
0x3c1: {  	_ =	sdelay $0x3  }
0x3c2: {  	s25 =	sld [smem:$0x7BF]  }
0x3c3: {  	s2 =	ssub.s32 s8, s18;
	s7 =	sshll.u32 s3, $0x7;
	s13 =	sld [smem:$0x7A2]  }
0x3c4: {  	s7 =	sand.u32 $0x3FFFFF80, s7;
	s8 =	sshll.u32 s2, $0x6  }
0x3c5: {  	s7 =	sadd.s32 $0x14000, s7;
	s12 =	ssub.s32 $0x0, s8  }
0x3c6: {  	s8 =	ssub.s32 s25, s2;
	s2 =	ssub.s32 s13, s2;
	s30 =	sshra.s32 s12, $0x2  }
0x3c7: {  	s12 =	sshll.u32 s2, $0x7;
	s13 =	sadd.s32 s30, s10;
	s14 =	sshll.u32 s2, $0x4  }
.LBB2_108:
0x3c8: {  	s2 =	sand.u32 $0xFFFFFC00, s12  }
0x3c9: {  	s15 =	sand.u32 $0x70, s14;
	s2 =	sadd.s32 s2, s7  }
0x3ca: {  	v5 =	vld [tilespmem:s13+$0x0];
	s2 =	sadd.s32 s15, s2  }
0x3cb: {  	v4 =	vld [tilespmem:s2+$0x0]  }
0x3cc: {  	s8 =	sadd.s32 $0x1, s8  }
0x3cd: {  	p0 =	slt.s32 s8, s9  }
.Ltmp87:
0x3ce: {  	_ = 	snop;
	(pc) =	sbr.rel @p0 .LBB2_108-.Ltmp87, $3  }
0x3cf: {  	_ = 	snop  }
0x3d0: {  	v4 =	vadd.f32 v5, v4;
	_ =	sdelay $0x1  }
0x3d1: {  	s12 =	sadd.s32 $0x80, s12;
	s13 =	sadd.s32 $0x10, s13;
	s14 =	sadd.s32 $0x10, s14;
	[tilespmem:s2+$0x0] =	vst v4  }
.Ltmp88:
0x3d2: {  	_ = 	snop;
	(pc) =	sbr.rel .LBB2_109-.Ltmp88, $1  }
0x3d3: {  	_ =	sdelay $0x3  }
.LBB2_93:
.Ltmp89:
0x3d4: {  	(pc) =	sbr.rel .LBB2_118-.Ltmp89, $2  }
0x3d5: {  	_ =	sdelay $0x2  }
0x3d6: {  	s18 =	smov.u32 s12  }
.LBB2_115:
.Ltmp90:
0x3d7: {  	(pc) =	sbr.rel .LBB2_118-.Ltmp90, $2  }
0x3d8: {  	_ =	sdelay $0x2  }
0x3d9: {  	s23 =	smov.u32 s19  }
.LBB2_110:
0x3da: {  	s2 =	simm.s32 $0x9  }
0x3db: {  	_ =	swait.ge [sflag:s2], $0x4000  }
0x3dc: {  	s6 =	sld [smem:$0x7B9];
	_ =	sdelay $0x1  }
0x3dd: {  	s0 =	rddreg [dreg:$0x18];
	[sflag:s2] =	ssyncset.done $0x0  }
0x3de: {  	[sflag:s2] =	ssyncadd.s32 $0xFFFFC000;
	s13 =	sadd.s32 s6, s0  }
0x3df: {  	s3 =	simm.s32 $0x0;
	s2 =	rddreg [dreg:$0x0];
	s0 =	sshll.u32 s13, $0x8  }
0x3e0: {  	s19 =	simm.s32 $0xC000;
	s5 =	simm.s32 $0x6;
	s0 =	sadd.s32 s2, s0  }
0x3e1: {  	[tilespmem:s19], [sflag:$0x3] =	stream.linear.gather [hbm4b:s0+s3], $0x4000, $0x38;
	[tilespmem:$0x1C000] =	vst v63  }
0x3e2: {  	_ =	swait.ge [sflag:s5], $0x4000  }
0x3e3: {  	s20 =	sld [smem:$0x7A1]  }
0x3e4: {  	s21 =	rddreg [dreg:$0x19]  }
0x3e5: {  	s23 =	simm.s32 $0x14000;
	[sflag:s5] =	ssyncset.done $0x0;
	s25 =	rddreg [dreg:$0xd]  }
0x3e6: {  	s30 =	sld [smem:$0x7B0];
	s10 =	sadd.s32 s6, s21;
	[sflag:s5] =	ssyncadd.s32 $0xFFFFC000  }
.Ltmp91:
0x3e7: {  	s22 =	rddreg [dreg:$0x2];
	s0 =	sshll.u32 s20, $0x8;
	(pc) =	sbr.rel .LBB2_111-.Ltmp91, $4  }
0x3e8: {  	s5 =	sand.u32 $0x7F8, s10;
	s24 =	sshrl.u32 s10, $0xB;
	s0 =	sadd.s32 s22, s0  }
0x3e9: {  	[hbm4b:s0+s3] =	stream.linear.scatter [tilespmem:s23], [sflag:$0xB], $0x4000, $0x38;
	[tilespmem:$0x1C000] =	vst v63  }
0x3ea: {  	s31 =	sld [smem:$0x7A7];
	s9 =	sshrl.u32 s5, $0x4;
	s0 =	ssub.s32 s24, s25  }
0x3eb: {  	s14 =	sadd.s32 $0x1, s30;
	s6 =	sadd.s32 $0x1, s9;
	s0 =	sshll.u32 s0, $0xC  }
.LBB2_129:
0x3ec: {  	s3 =	sadd.s32 $0x1, s3  }
0x3ed: {  	p0 =	sne.s32 s3, $0x8  }
.Ltmp92:
0x3ee: {  	_ = 	snop;
	(pc) =	sbr.rel @!p0 .LBB2_130-.Ltmp92, $2  }
0x3ef: {  	_ =	sdelay $0x2  }
0x3f0: {  	s11 =	sadd.s32 $0x1, s11;
	s29 =	sadd.s32 $0xFFFFFFFF, s29;
	s1 =	sadd.s32 $0xFFFFFFFF, s1  }
.LBB2_111:
0x3f1: {  	s2 =	sor.u32 s5, s3  }
0x3f2: {  	s2 =	smax.u32 s2, $0x1FF  }
0x3f3: {  	s2 =	sadd.s32 $0xFFFFFE01, s2  }
0x3f4: {  	s7 =	sshrl.u32 s2, $0x4  }
0x3f5: {  	s8 =	sand.u32 $0x7C, s7  }
0x3f6: {  	p0 =	seq.s32 s8, $0x0  }
.Ltmp93:
0x3f7: {  	_ = 	snop;
	(pc) =	sbr.rel @p0 .LBB2_119-.Ltmp93, $1  }
0x3f8: {  	v4 =	vld [tilespmem:s0+$0x0];
	_ =	sdelay $0x3  }
0x3f9: {  	s16 =	sshll.u32 s3, $0x7;
	s12 =	simm.s32 $0x0  }
0x3fa: {  	p1 =	sgt.u32 s8, $0x4;
	v5 =	vmov s16;
	s2 =	sand.u32 $0x40, s12;
	s12 =	sand.u32 $0x7FFFFC00, s12  }
.Ltmp94:
0x3fb: {  	s25 =	sor.u32 s2, s12;
	(pc) =	sbr.rel @!p1 .LBB2_113-.Ltmp94, $4  }
0x3fc: {  	s2 =	sadd.s32 s16, s25  }
0x3fd: {  	s12 =	sadd.s32 $0x18000, s2  }
0x3fe: {  	v6 =	vld [tilespmem:s12+$0x20]  }
0x3ff: {  	p0 =	por $0x0, $0x0;
	v8 =	vld.idx.msk [tilespmem:v5+s25+$0x18000 ss:$0x1], $0xffff  }
0x400: {  	_ = 	snop  }
0x401: {  	v10 =	vld [tilespmem:s12+$0x30];
	s18 =	simm.s32 $0x200;
	s19 =	simm.s32 $0x40;
	p1 =	sgt.u32 s8, $0x8  }
.Ltmp95:
0x402: {  	s2 =	sand.u32 $0x40, s19;
	s15 =	sand.u32 $0x7FFFFC00, s18;
	(pc) =	sbr.rel @!p1 .LBB2_135-.Ltmp95, $4  }
0x403: {  	v7 =	vld [tilespmem:s12+$0x10];
	s23 =	sor.u32 s2, s15  }
0x404: {  	s2 =	sadd.s32 s16, s23;
	v11 =	vadd.f32 v8, v4  }
0x405: {  	v8 =	vld.idx.msk [tilespmem:v5+s23+$0x18000 ss:$0x1], $0xffff;
	s17 =	sadd.s32 $0x18000, s2  }
0x406: {  	s30 =	simm.s32 $0x8;
	p0 =	por $0x1, $0x1;
	v9 =	vadd.f32 v6, v4;
	v6 =	vld [tilespmem:s17+$0x20];
	v10 =	vadd.f32 v10, v4;
	[tilespmem:v5+s25+$0x18000 ss:$0x1] =	vst.idx.msk $0xffff, v11  }
.LBB2_136:
0x407: {  	s30 =	sadd.s32 $0x4, s30  }
0x408: {  	v11 =	vld [tilespmem:s17+$0x30];
	s18 =	sadd.s32 $0x200, s18;
	s19 =	sadd.s32 $0x40, s19;
	v12 =	vadd.f32 v7, v4;
	[tilespmem:s12+$0x20] =	vst v9;
	p1 =	slt.u32 s30, s8  }
.Ltmp96:
0x409: {  	s2 =	sand.u32 $0x40, s19;
	s15 =	sand.u32 $0x7FFFFC00, s18;
	v7 =	vld [tilespmem:s17+$0x10];
	[tilespmem:s12+$0x30] =	vst v10;
	(pc) =	sbr.rel @p1 .LBB2_136-.Ltmp96, $4  }
0x40a: {  	s2 =	sor.u32 s2, s15;
	[tilespmem:s12+$0x10] =	vst v12;
	s12 =	smov.u32 s17  }
0x40b: {  	v10 =	vadd.f32 v8, v4;
	s15 =	sadd.s32 s16, s2;
	v8 =	vld.idx.msk [tilespmem:v5+s2+$0x18000 ss:$0x1], $0xffff  }
0x40c: {  	s17 =	sadd.s32 $0x18000, s15;
	v9 =	vadd.f32 v6, v4  }
0x40d: {  	v6 =	vld [tilespmem:s17+$0x20];
	[tilespmem:v5+s23+$0x18000 ss:$0x1] =	vst.idx.msk $0xffff, v10;
	v10 =	vadd.f32 v11, v4;
	s23 =	smov.u32 s2  }
0x40e: {  	s25 =	smov.u32 s23  }
.LBB2_138:
0x40f: {  	v11 =	vld [tilespmem:s17+$0x30]  }
0x410: {  	v12 =	vld [tilespmem:s17+$0x10]  }
0x411: {  	v7 =	vadd.f32 @p0 v7, v4;
	[tilespmem:s12+$0x20] =	vst @p0 v9  }
0x412: {  	[tilespmem:s12+$0x30] =	vst @p0 v10;
	v8 =	vadd.f32 v8, v4  }
0x413: {  	[tilespmem:s12+$0x10] =	vst @p0 v7;
	v6 =	vadd.f32 v6, v4  }
0x414: {  	[tilespmem:v5+s25+$0x18000 ss:$0x1] =	vst.idx.msk $0xffff, v8;
	v5 =	vadd.f32 v11, v4  }
0x415: {  	v7 =	vadd.f32 v12, v4;
	[tilespmem:s17+$0x20] =	vst v6  }
0x416: {  	[tilespmem:s17+$0x30] =	vst v5  }
0x417: {  	[tilespmem:s17+$0x10] =	vst v7  }
.LBB2_119:
0x418: {  	p0 =	seq.s32 s8, s7  }
.Ltmp97:
0x419: {  	_ = 	snop;
	(pc) =	sbr.rel @p0 .LBB2_122-.Ltmp97, $3  }
0x41a: {  	_ =	sdelay $0x1  }
0x41b: {  	s2 =	smax.u32 s11, $0x1FF  }
0x41c: {  	s17 =	sadd.s32 $0xFFFFFE01, s2  }
0x41d: {  	s2 =	sshrl.u32 s17, $0x6;
	s12 =	sshll.u32 s3, $0x7  }
0x41e: {  	s2 =	sand.u32 $0x1F, s2;
	s15 =	sand.u32 $0x3FFFFF80, s12  }
0x41f: {  	s12 =	sshll.u32 s2, $0x9;
	s16 =	sshll.u32 s2, $0x6;
	s18 =	sadd.s32 $0x18000, s15  }
.LBB2_121:
0x420: {  	s2 =	sand.u32 $0x7FFFFC00, s12  }
0x421: {  	s15 =	sand.u32 $0x70, s16;
	s2 =	sadd.s32 s2, s18  }
0x422: {  	s2 =	sadd.s32 s15, s2  }
0x423: {  	v5 =	vld [tilespmem:s2+$0x0]  }
0x424: {  	s8 =	sadd.s32 $0x1, s8  }
0x425: {  	p0 =	slt.u32 s8, s7  }
.Ltmp98:
0x426: {  	_ = 	snop;
	(pc) =	sbr.rel @p0 .LBB2_121-.Ltmp98, $3  }
0x427: {  	_ = 	snop  }
0x428: {  	v5 =	vadd.f32 v5, v4;
	_ =	sdelay $0x1  }
0x429: {  	s12 =	sadd.s32 $0x80, s12;
	s16 =	sadd.s32 $0x10, s16;
	[tilespmem:s2+$0x0] =	vst v5  }
.LBB2_122:
0x42a: {  	s8 =	ssub.s32 s6, s7  }
0x42b: {  	s2 =	sshrl.u32 s8, $0x1E  }
0x42c: {  	s2 =	sadd.s32 s2, s8  }
0x42d: {  	s16 =	sand.u32 $0xFFFFFFFC, s2  }
0x42e: {  	p0 =	slt.s32 s16, $0x1  }
.Ltmp99:
0x42f: {  	_ = 	snop;
	(pc) =	sbr.rel @p0 .LBB2_126-.Ltmp99, $2  }
0x430: {  	_ =	sdelay $0x2  }
0x431: {  	s12 =	sadd.s32 s7, s16  }
0x432: {  	s2 =	sshrl.u32 s17, $0x4;
	s18 =	sshll.u32 s3, $0x7  }
0x433: {  	s22 =	sand.u32 $0xFFFFFFF0, s17;
	s7 =	sadd.s32 $0x4, s7;
	s15 =	sshll.u32 s2, $0x6;
	v4 =	vmov s18  }
0x434: {  	s30 =	sshll.u32 s2, $0x7;
	s17 =	sadd.s32 $0x30, s22;
	s15 =	sshra.s32 s15, $0x2  }
0x435: {  	s2 =	sadd.s32 $0x180, s30;
	s23 =	sand.u32 $0x70, s17;
	s19 =	sadd.s32 $0xFFFFFFE0, s17  }
0x436: {  	s24 =	sadd.s32 $0x80, s30;
	s25 =	sadd.s32 $0xFFFFFFD0, s17;
	v5 =	vmov s15;
	s2 =	sand.u32 $0xFFFFFC00, s2  }
0x437: {  	s22 =	sand.u32 $0xFFFFFC00, s30;
	s15 =	sand.u32 $0x70, s25;
	s18 =	sor.u32 s23, s2  }
0x438: {  	s23 =	sand.u32 $0x70, s19;
	s2 =	sand.u32 $0xFFFFFC00, s24;
	s19 =	sor.u32 s15, s22;
	v10 =	vld.idx.msk [tilespmem:v4+s18+$0x18000 ss:$0x1], $0xffff  }
0x439: {  	p0 =	slt.s32 s7, s12;
	s25 =	sor.u32 s23, s2;
	v12 =	vld.idx.msk [tilespmem:v4+s19+$0x18000 ss:$0x1], $0xffff  }
.Ltmp100:
0x43a: {  	v11 =	vld.idx.msk [tilespmem:v4+s25+$0x18000 ss:$0x1], $0xffff;
	(pc) =	sbr.rel @!p0 .LBB2_125-.Ltmp100, $4  }
0x43b: {  	v7 =	vld.idx.msk [tilespmem:v5+s29+$0x0 ss:$0x1], $0xffff  }
0x43c: {  	s20 =	sadd.s32 $0xFFFFFFF0, s17;
	s21 =	sadd.s32 $0x100, s30;
	v8 =	vld.idx.msk [tilespmem:v5+s29+$0xFFFFFFE0 ss:$0x1], $0xffff  }
0x43d: {  	s22 =	sand.u32 $0x70, s20;
	s24 =	sand.u32 $0xFFFFFC00, s21;
	v9 =	vld.idx.msk [tilespmem:v5+s29+$0xFFFFFFF0 ss:$0x1], $0xffff  }
0x43e: {  	s31 =	sadd.s32 $0x40, s29;
	s30 =	sadd.s32 $0x200, s30;
	s23 =	sor.u32 s22, s24;
	v6 =	vld.idx.msk [tilespmem:v5+s29+$0xFFFFFFD0 ss:$0x1], $0xffff  }
.LBB2_124:
0x43f: {  	s2 =	sadd.s32 $0x180, s30  }
0x440: {  	s7 =	sadd.s32 $0x4, s7;
	v13 =	vld.idx.msk [tilespmem:v4+s23+$0x18000 ss:$0x1], $0xffff;
	v10 =	vadd.f32 v7, v10;
	s17 =	sadd.s32 $0x40, s17;
	s21 =	sadd.s32 $0x80, s30  }
0x441: {  	v15 =	vmov v8;
	v14 =	vld.idx.msk [tilespmem:v5+s31+$0xFFFFFFD0 ss:$0x1], $0xffff;
	s15 =	sand.u32 $0x70, s17;
	s2 =	sand.u32 $0xFFFFFC00, s2;
	p0 =	slt.s32 s7, s12  }
0x442: {  	s22 =	sadd.s32 $0x100, s30;
	s20 =	sadd.s32 $0xFFFFFFE0, s17;
	v16 =	vmov v9;
	v7 =	vld.idx.msk [tilespmem:v5+s31+$0x0 ss:$0x1], $0xffff;
	[tilespmem:v4+s18+$0x18000 ss:$0x1] =	vst.idx.msk $0xffff, v10;
	s18 =	sor.u32 s15, s2  }
0x443: {  	s21 =	sand.u32 $0xFFFFFC00, s21;
	s2 =	sadd.s32 $0xFFFFFFD0, s17;
	s15 =	sadd.s32 $0xFFFFFFF0, s17;
	v10 =	vld.idx.msk [tilespmem:v4+s18+$0x18000 ss:$0x1], $0xffff  }
.Ltmp101:
0x444: {  	s20 =	sand.u32 $0x70, s20;
	s2 =	sand.u32 $0x70, s2;
	v17 =	vadd.f32 v6, v12;
	v8 =	vld.idx.msk [tilespmem:v5+s31+$0xFFFFFFE0 ss:$0x1], $0xffff;
	(pc) =	sbr.rel @p0 .LBB2_124-.Ltmp101, $4  }
0x445: {  	s24 =	sand.u32 $0xFFFFFC00, s30;
	s22 =	sand.u32 $0xFFFFFC00, s22;
	s15 =	sand.u32 $0x70, s15;
	v11 =	vadd.f32 v15, v11;
	v9 =	vld.idx.msk [tilespmem:v5+s31+$0xFFFFFFF0 ss:$0x1], $0xffff  }
0x446: {  	s20 =	sor.u32 s20, s21;
	s15 =	sor.u32 s15, s22;
	v13 =	vadd.f32 v16, v13;
	[tilespmem:v4+s19+$0x18000 ss:$0x1] =	vst.idx.msk $0xffff, v17;
	s19 =	sor.u32 s2, s24  }
0x447: {  	v6 =	vmov v14;
	v12 =	vld.idx.msk [tilespmem:v4+s19+$0x18000 ss:$0x1], $0xffff;
	[tilespmem:v4+s25+$0x18000 ss:$0x1] =	vst.idx.msk $0xffff, v11;
	s25 =	smov.u32 s20  }
0x448: {  	s30 =	sadd.s32 $0x200, s30;
	s31 =	sadd.s32 $0x40, s31;
	v11 =	vld.idx.msk [tilespmem:v4+s25+$0x18000 ss:$0x1], $0xffff;
	[tilespmem:v4+s23+$0x18000 ss:$0x1] =	vst.idx.msk $0xffff, v13;
	s23 =	smov.u32 s15  }
.LBB2_125:
0x449: {  	_ =	sdelay $0x3  }
0x44a: {  	v5 =	vld.idx.msk [tilespmem:v4+s23+$0x18000 ss:$0x1], $0xffff;
	_ =	sdelay $0x1  }
0x44b: {  	v7 =	vadd.f32 v7, v10  }
0x44c: {  	v6 =	vadd.f32 v6, v12  }
0x44d: {  	[tilespmem:v4+s18+$0x18000 ss:$0x1] =	vst.idx.msk $0xffff, v7;
	v63 =	vadd.f32 v8, v11  }
0x44e: {  	v5 =	vadd.f32 v9, v5;
	[tilespmem:v4+s19+$0x18000 ss:$0x1] =	vst.idx.msk $0xffff, v6  }
0x44f: {  	[tilespmem:v4+s25+$0x18000 ss:$0x1] =	vst.idx.msk $0xffff, v63  }
0x450: {  	[tilespmem:v4+s23+$0x18000 ss:$0x1] =	vst.idx.msk $0xffff, v5  }
0x451: {  	s31 =	sld [smem:$0x7A7]  }
.LBB2_126:
0x452: {  	p0 =	sgt.s32 s12, s9  }
.Ltmp102:
0x453: {  	_ = 	snop;
	(pc) =	sbr.rel @p0 .LBB2_129-.Ltmp102, $1  }
0x454: {  	_ =	sdelay $0x3  }
0x455: {  	s2 =	ssub.s32 s8, s16;
	s7 =	sshll.u32 s3, $0x7;
	s30 =	sld [smem:$0x7B0]  }
0x456: {  	s7 =	sand.u32 $0x3FFFFF80, s7;
	s8 =	sshll.u32 s2, $0x6  }
0x457: {  	s7 =	sadd.s32 $0x18000, s7;
	s12 =	ssub.s32 $0x0, s8  }
0x458: {  	s8 =	ssub.s32 s30, s2;
	s2 =	ssub.s32 s14, s2;
	s15 =	sshra.s32 s12, $0x2  }
0x459: {  	s12 =	sshll.u32 s2, $0x7;
	s16 =	sadd.s32 s15, s1;
	s17 =	sshll.u32 s2, $0x4  }
.LBB2_128:
0x45a: {  	s2 =	sand.u32 $0xFFFFFC00, s12  }
0x45b: {  	s15 =	sand.u32 $0x70, s17;
	s2 =	sadd.s32 s2, s7  }
0x45c: {  	v5 =	vld [tilespmem:s16+$0x0];
	s2 =	sadd.s32 s15, s2  }
0x45d: {  	v4 =	vld [tilespmem:s2+$0x0]  }
0x45e: {  	s8 =	sadd.s32 $0x1, s8  }
0x45f: {  	p0 =	slt.s32 s8, s9  }
.Ltmp103:
0x460: {  	_ = 	snop;
	(pc) =	sbr.rel @p0 .LBB2_128-.Ltmp103, $3  }
0x461: {  	_ = 	snop  }
0x462: {  	v4 =	vadd.f32 v5, v4;
	_ =	sdelay $0x1  }
0x463: {  	s12 =	sadd.s32 $0x80, s12;
	s16 =	sadd.s32 $0x10, s16;
	s17 =	sadd.s32 $0x10, s17;
	[tilespmem:s2+$0x0] =	vst v4  }
.Ltmp104:
0x464: {  	_ = 	snop;
	(pc) =	sbr.rel .LBB2_129-.Ltmp104, $1  }
0x465: {  	_ =	sdelay $0x3  }
.LBB2_113:
.Ltmp105:
0x466: {  	(pc) =	sbr.rel .LBB2_138-.Ltmp105, $2  }
0x467: {  	_ =	sdelay $0x2  }
0x468: {  	s17 =	smov.u32 s12  }
.LBB2_135:
.Ltmp106:
0x469: {  	(pc) =	sbr.rel .LBB2_138-.Ltmp106, $2  }
0x46a: {  	_ =	sdelay $0x2  }
0x46b: {  	s25 =	smov.u32 s23  }
.LBB2_130:
0x46c: {  	s1 =	simm.s32 $0xA  }
0x46d: {  	_ =	swait.ge [sflag:s1], $0x4000  }
0x46e: {  	s2 =	sld [smem:$0x7B9];
	_ =	sdelay $0x1  }
0x46f: {  	s0 =	rddreg [dreg:$0x1a];
	[sflag:s1] =	ssyncset.done $0x0  }
0x470: {  	[sflag:s1] =	ssyncadd.s32 $0xFFFFC000;
	s0 =	sadd.s32 s2, s0  }
0x471: {  	s22 =	simm.s32 $0x10000;
	s1 =	rddreg [dreg:$0x0];
	s0 =	sshll.u32 s0, $0x8  }
0x472: {  	s23 =	simm.s32 $0x1;
	s0 =	sadd.s32 s1, s0;
	s1 =	simm.s32 $0x0  }
0x473: {  	[tilespmem:s22], [sflag:$0x4] =	stream.linear.gather [hbm4b:s0+s1], $0x4000, $0x38;
	[tilespmem:$0x1C000] =	vst v63  }
0x474: {  	_ =	swait.ge [sflag:s23], $0x4000  }
0x475: {  	[sflag:s23] =	ssyncset.done $0x0  }
0x476: {  	s29 =	sld [smem:$0x7B7];
	[sflag:s23] =	ssyncadd.s32 $0xFFFFC000  }
0x477: {  	s24 =	sshll.u32 s10, $0x8;
	s25 =	simm.s32 $0x18000;
	s2 =	rddreg [dreg:$0x2]  }
.Ltmp107:
0x478: {  	s30 =	sld [smem:$0x7BE];
	s0 =	sadd.s32 s2, s24;
	(pc) =	sbr.rel .LBB2_131-.Ltmp107, $4  }
0x479: {  	[hbm4b:s0+s1] =	stream.linear.scatter [tilespmem:s25], [sflag:$0xC], $0x4000, $0x38;
	[tilespmem:$0x1C000] =	vst v63  }
0x47a: {  	s3 =	rddreg [dreg:$0xd];
	s2 =	sshrl.u32 s29, $0xB;
	s0 =	sand.u32 $0x7F0, s29  }
0x47b: {  	s17 =	sld [smem:$0x7AB];
	s2 =	ssub.s32 s2, s3;
	s3 =	sshrl.u32 s0, $0x4  }
0x47c: {  	s7 =	sadd.s32 $0x1, s30;
	s5 =	sshll.u32 s2, $0xC;
	s6 =	sadd.s32 $0x1, s3  }
.LBB2_149:
0x47d: {  	s1 =	sadd.s32 $0x1, s1  }
0x47e: {  	p0 =	sne.s32 s1, $0x8  }
.Ltmp108:
0x47f: {  	s2 =	sld [smem:$0x7B1];
	(pc) =	sbr.rel @!p0 .LBB2_150-.Ltmp108, $3  }
0x480: {  	_ =	sdelay $0x1  }
0x481: {  	s2 =	sadd.s32 $0xFFFFFFFF, s2  }
0x482: {  	s28 =	sadd.s32 $0x1, s28;
	s26 =	sadd.s32 $0xFFFFFFFF, s26;
	[smem:$0x7B1] =	sst s2  }
.LBB2_131:
0x483: {  	s2 =	sor.u32 s0, s1  }
0x484: {  	s2 =	smax.u32 s2, $0x1FF  }
0x485: {  	s2 =	sadd.s32 $0xFFFFFE01, s2  }
0x486: {  	s8 =	sshrl.u32 s2, $0x4  }
0x487: {  	s9 =	sand.u32 $0x7C, s8  }
0x488: {  	p0 =	seq.s32 s9, $0x0  }
.Ltmp109:
0x489: {  	_ = 	snop;
	(pc) =	sbr.rel @p0 .LBB2_139-.Ltmp109, $1  }
0x48a: {  	v4 =	vld [tilespmem:s5+$0x0];
	_ =	sdelay $0x3  }
0x48b: {  	s2 =	sshll.u32 s1, $0x7  }
0x48c: {  	v5 =	vmov s2  }
0x48d: {  	p1 =	sgt.u32 s9, $0x4  }
.Ltmp110:
0x48e: {  	s10 =	simm.s32 $0x0;
	(pc) =	sbr.rel @!p1 .LBB2_133-.Ltmp110, $4  }
0x48f: {  	s30 =	sand.u32 $0x40, s10;
	s10 =	sand.u32 $0x7FFFFC00, s10  }
0x490: {  	s10 =	sor.u32 s30, s10  }
0x491: {  	v10 =	vld.idx.msk [tilespmem:v5+s10+$0x4020 ss:$0x1], $0xffff  }
0x492: {  	p0 =	por $0x0, $0x0;
	v8 =	vld.idx.msk [tilespmem:v5+s10+$0x4010 ss:$0x1], $0xffff  }
0x493: {  	_ =	sdelay $0x1  }
0x494: {  	p1 =	sgt.u32 s9, $0x8  }
.Ltmp111:
0x495: {  	s12 =	simm.s32 $0x200;
	s14 =	simm.s32 $0x40;
	(pc) =	sbr.rel @!p1 .LBB2_155-.Ltmp111, $4  }
0x496: {  	v6 =	vld.idx.msk [tilespmem:v5+s10+$0x4030 ss:$0x1], $0xffff;
	s2 =	sand.u32 $0x40, s14;
	s11 =	sand.u32 $0x7FFFFC00, s12  }
0x497: {  	v7 =	vld.idx.msk [tilespmem:v5+s10+$0x4000 ss:$0x1], $0xffff;
	s11 =	sor.u32 s2, s11  }
0x498: {  	v9 =	vld.idx.msk [tilespmem:v5+s11+$0x4020 ss:$0x1], $0xffff  }
0x499: {  	s16 =	simm.s32 $0x8;
	p0 =	por $0x1, $0x1;
	v13 =	vadd.f32 v10, v4;
	v11 =	vld.idx.msk [tilespmem:v5+s11+$0x4010 ss:$0x1], $0xffff;
	v12 =	vadd.f32 v8, v4  }
.LBB2_156:
0x49a: {  	s16 =	sadd.s32 $0x4, s16  }
0x49b: {  	[tilespmem:v5+s10+$0x4020 ss:$0x1] =	vst.idx.msk $0xffff, v13;
	v8 =	vadd.f32 v6, v4;
	v6 =	vld.idx.msk [tilespmem:v5+s11+$0x4030 ss:$0x1], $0xffff;
	p1 =	slt.u32 s16, s9  }
.Ltmp112:
0x49c: {  	s12 =	sadd.s32 $0x200, s12;
	s14 =	sadd.s32 $0x40, s14;
	v10 =	vadd.f32 v7, v4;
	v7 =	vld.idx.msk [tilespmem:v5+s11+$0x4000 ss:$0x1], $0xffff;
	[tilespmem:v5+s10+$0x4010 ss:$0x1] =	vst.idx.msk $0xffff, v12;
	(pc) =	sbr.rel @p1 .LBB2_156-.Ltmp112, $4  }
0x49d: {  	s2 =	sand.u32 $0x40, s14;
	s15 =	sand.u32 $0x7FFFFC00, s12;
	[tilespmem:v5+s10+$0x4030 ss:$0x1] =	vst.idx.msk $0xffff, v8  }
0x49e: {  	[tilespmem:v5+s10+$0x4000 ss:$0x1] =	vst.idx.msk $0xffff, v10;
	s10 =	smov.u32 s11;
	s11 =	sor.u32 s2, s15  }
0x49f: {  	v13 =	vadd.f32 v9, v4;
	v9 =	vld.idx.msk [tilespmem:v5+s11+$0x4020 ss:$0x1], $0xffff  }
0x4a0: {  	v12 =	vadd.f32 v11, v4;
	v11 =	vld.idx.msk [tilespmem:v5+s11+$0x4010 ss:$0x1], $0xffff  }
0x4a1: {  	_ =	sdelay $0x3  }
0x4a2: {  	v10 =	vmov v9;
	v8 =	vmov v11  }
.LBB2_158:
0x4a3: {  	_ =	sdelay $0x3  }
0x4a4: {  	v9 =	vld.idx.msk [tilespmem:v5+s11+$0x4030 ss:$0x1], $0xffff  }
0x4a5: {  	[tilespmem:v5+s10+$0x4020 ss:$0x1] =	vst.idx.msk @p0 $0xffff, v13;
	v6 =	vadd.f32 @p0 v6, v4;
	v11 =	vld.idx.msk [tilespmem:v5+s11+$0x4000 ss:$0x1], $0xffff  }
0x4a6: {  	v7 =	vadd.f32 @p0 v7, v4;
	[tilespmem:v5+s10+$0x4010 ss:$0x1] =	vst.idx.msk @p0 $0xffff, v12  }
0x4a7: {  	[tilespmem:v5+s10+$0x4030 ss:$0x1] =	vst.idx.msk @p0 $0xffff, v6;
	v6 =	vadd.f32 v10, v4  }
0x4a8: {  	[tilespmem:v5+s10+$0x4000 ss:$0x1] =	vst.idx.msk @p0 $0xffff, v7;
	v7 =	vadd.f32 v8, v4  }
0x4a9: {  	[tilespmem:v5+s11+$0x4020 ss:$0x1] =	vst.idx.msk $0xffff, v6;
	v6 =	vadd.f32 v9, v4  }
0x4aa: {  	[tilespmem:v5+s11+$0x4010 ss:$0x1] =	vst.idx.msk $0xffff, v7;
	v63 =	vadd.f32 v11, v4  }
0x4ab: {  	[tilespmem:v5+s11+$0x4030 ss:$0x1] =	vst.idx.msk $0xffff, v6  }
0x4ac: {  	[tilespmem:v5+s11+$0x4000 ss:$0x1] =	vst.idx.msk $0xffff, v63  }
.LBB2_139:
0x4ad: {  	p0 =	seq.s32 s9, s8  }
.Ltmp113:
0x4ae: {  	_ = 	snop;
	(pc) =	sbr.rel @p0 .LBB2_142-.Ltmp113, $3  }
0x4af: {  	_ =	sdelay $0x1  }
0x4b0: {  	s2 =	smax.u32 s28, $0x1FF  }
0x4b1: {  	s12 =	sadd.s32 $0xFFFFFE01, s2  }
0x4b2: {  	s2 =	sshrl.u32 s12, $0x6;
	s10 =	sshll.u32 s1, $0x7  }
0x4b3: {  	s2 =	sand.u32 $0x1F, s2;
	s14 =	sand.u32 $0x3FFFFF80, s10  }
0x4b4: {  	s10 =	sshll.u32 s2, $0x9;
	s11 =	sshll.u32 s2, $0x6;
	s14 =	sadd.s32 $0x4000, s14  }
.LBB2_141:
0x4b5: {  	s2 =	sand.u32 $0x7FFFFC00, s10  }
0x4b6: {  	s15 =	sand.u32 $0x70, s11;
	s2 =	sadd.s32 s2, s14  }
0x4b7: {  	s2 =	sadd.s32 s15, s2  }
0x4b8: {  	v5 =	vld [tilespmem:s2+$0x0]  }
0x4b9: {  	s9 =	sadd.s32 $0x1, s9  }
0x4ba: {  	p0 =	slt.u32 s9, s8  }
.Ltmp114:
0x4bb: {  	_ = 	snop;
	(pc) =	sbr.rel @p0 .LBB2_141-.Ltmp114, $3  }
0x4bc: {  	_ = 	snop  }
0x4bd: {  	v5 =	vadd.f32 v5, v4;
	_ =	sdelay $0x1  }
0x4be: {  	s10 =	sadd.s32 $0x80, s10;
	s11 =	sadd.s32 $0x10, s11;
	[tilespmem:s2+$0x0] =	vst v5  }
.LBB2_142:
0x4bf: {  	s9 =	ssub.s32 s6, s8  }
0x4c0: {  	s2 =	sshrl.u32 s9, $0x1E  }
0x4c1: {  	s2 =	sadd.s32 s2, s9  }
0x4c2: {  	s10 =	sand.u32 $0xFFFFFFFC, s2  }
0x4c3: {  	p0 =	slt.s32 s10, $0x1  }
.Ltmp115:
0x4c4: {  	_ = 	snop;
	(pc) =	sbr.rel @p0 .LBB2_146-.Ltmp115, $2  }
0x4c5: {  	_ =	sdelay $0x2  }
0x4c6: {  	s11 =	sadd.s32 s8, s10  }
0x4c7: {  	s2 =	sshrl.u32 s12, $0x4;
	s23 =	sand.u32 $0xFFFFFFF0, s12;
	s15 =	sshll.u32 s1, $0x7  }
0x4c8: {  	s8 =	sadd.s32 $0x4, s8;
	s14 =	sshll.u32 s2, $0x6;
	s19 =	sshll.u32 s2, $0x7;
	v4 =	vmov s15  }
0x4c9: {  	s12 =	sadd.s32 $0x30, s23;
	s14 =	sshra.s32 s14, $0x2;
	s2 =	sadd.s32 $0x180, s19  }
0x4ca: {  	s24 =	sand.u32 $0x70, s12;
	s25 =	sadd.s32 $0xFFFFFFE0, s12;
	s29 =	sadd.s32 $0x80, s19  }
0x4cb: {  	s16 =	sadd.s32 $0xFFFFFFD0, s12;
	s18 =	sadd.s32 $0x100, s19;
	v5 =	vmov s14;
	s2 =	sand.u32 $0xFFFFFC00, s2  }
0x4cc: {  	s20 =	sand.u32 $0xFFFFFC00, s19;
	s16 =	sand.u32 $0x70, s16;
	s14 =	sor.u32 s24, s2  }
0x4cd: {  	s15 =	sand.u32 $0x70, s25;
	s2 =	sand.u32 $0xFFFFFC00, s29;
	s16 =	sor.u32 s16, s20;
	v10 =	vld.idx.msk [tilespmem:v4+s14+$0x4000 ss:$0x1], $0xffff  }
0x4ce: {  	p0 =	slt.s32 s8, s11;
	s30 =	sand.u32 $0xFFFFFC00, s18;
	s18 =	sor.u32 s15, s2;
	v12 =	vld.idx.msk [tilespmem:v4+s16+$0x4000 ss:$0x1], $0xffff  }
.Ltmp116:
0x4cf: {  	v11 =	vld.idx.msk [tilespmem:v4+s18+$0x4000 ss:$0x1], $0xffff;
	(pc) =	sbr.rel @!p0 .LBB2_145-.Ltmp116, $4  }
0x4d0: {  	v7 =	vld.idx.msk [tilespmem:v5+s26+$0x0 ss:$0x1], $0xffff  }
0x4d1: {  	s17 =	sadd.s32 $0xFFFFFFF0, s12;
	v8 =	vld.idx.msk [tilespmem:v5+s26+$0xFFFFFFE0 ss:$0x1], $0xffff  }
0x4d2: {  	s17 =	sand.u32 $0x70, s17;
	v9 =	vld.idx.msk [tilespmem:v5+s26+$0xFFFFFFF0 ss:$0x1], $0xffff  }
0x4d3: {  	s23 =	sadd.s32 $0x40, s26;
	s19 =	sadd.s32 $0x200, s19;
	s17 =	sor.u32 s17, s30;
	v6 =	vld.idx.msk [tilespmem:v5+s26+$0xFFFFFFD0 ss:$0x1], $0xffff  }
.LBB2_144:
0x4d4: {  	s2 =	sadd.s32 $0x180, s19  }
0x4d5: {  	s8 =	sadd.s32 $0x4, s8;
	v13 =	vld.idx.msk [tilespmem:v4+s17+$0x4000 ss:$0x1], $0xffff;
	v10 =	vadd.f32 v7, v10;
	s12 =	sadd.s32 $0x40, s12;
	s21 =	sadd.s32 $0x80, s19  }
0x4d6: {  	v15 =	vmov v8;
	v14 =	vld.idx.msk [tilespmem:v5+s23+$0xFFFFFFD0 ss:$0x1], $0xffff;
	s15 =	sand.u32 $0x70, s12;
	s2 =	sand.u32 $0xFFFFFC00, s2;
	p0 =	slt.s32 s8, s11  }
0x4d7: {  	s22 =	sadd.s32 $0x100, s19;
	s20 =	sadd.s32 $0xFFFFFFE0, s12;
	v16 =	vmov v9;
	v7 =	vld.idx.msk [tilespmem:v5+s23+$0x0 ss:$0x1], $0xffff;
	[tilespmem:v4+s14+$0x4000 ss:$0x1] =	vst.idx.msk $0xffff, v10;
	s14 =	sor.u32 s15, s2  }
0x4d8: {  	s21 =	sand.u32 $0xFFFFFC00, s21;
	s2 =	sadd.s32 $0xFFFFFFD0, s12;
	s15 =	sadd.s32 $0xFFFFFFF0, s12;
	v10 =	vld.idx.msk [tilespmem:v4+s14+$0x4000 ss:$0x1], $0xffff  }
.Ltmp117:
0x4d9: {  	s20 =	sand.u32 $0x70, s20;
	s2 =	sand.u32 $0x70, s2;
	v17 =	vadd.f32 v6, v12;
	v8 =	vld.idx.msk [tilespmem:v5+s23+$0xFFFFFFE0 ss:$0x1], $0xffff;
	(pc) =	sbr.rel @p0 .LBB2_144-.Ltmp117, $4  }
0x4da: {  	s24 =	sand.u32 $0xFFFFFC00, s19;
	s22 =	sand.u32 $0xFFFFFC00, s22;
	s15 =	sand.u32 $0x70, s15;
	v11 =	vadd.f32 v15, v11;
	v9 =	vld.idx.msk [tilespmem:v5+s23+$0xFFFFFFF0 ss:$0x1], $0xffff  }
0x4db: {  	s20 =	sor.u32 s20, s21;
	s15 =	sor.u32 s15, s22;
	v13 =	vadd.f32 v16, v13;
	[tilespmem:v4+s16+$0x4000 ss:$0x1] =	vst.idx.msk $0xffff, v17;
	s16 =	sor.u32 s2, s24  }
0x4dc: {  	v6 =	vmov v14;
	v12 =	vld.idx.msk [tilespmem:v4+s16+$0x4000 ss:$0x1], $0xffff;
	[tilespmem:v4+s18+$0x4000 ss:$0x1] =	vst.idx.msk $0xffff, v11;
	s18 =	smov.u32 s20  }
0x4dd: {  	s19 =	sadd.s32 $0x200, s19;
	s23 =	sadd.s32 $0x40, s23;
	v11 =	vld.idx.msk [tilespmem:v4+s18+$0x4000 ss:$0x1], $0xffff;
	[tilespmem:v4+s17+$0x4000 ss:$0x1] =	vst.idx.msk $0xffff, v13;
	s17 =	smov.u32 s15  }
.LBB2_145:
0x4de: {  	_ =	sdelay $0x3  }
0x4df: {  	v5 =	vld.idx.msk [tilespmem:v4+s17+$0x4000 ss:$0x1], $0xffff;
	_ =	sdelay $0x1  }
0x4e0: {  	v7 =	vadd.f32 v7, v10  }
0x4e1: {  	v6 =	vadd.f32 v6, v12  }
0x4e2: {  	[tilespmem:v4+s14+$0x4000 ss:$0x1] =	vst.idx.msk $0xffff, v7;
	v63 =	vadd.f32 v8, v11  }
0x4e3: {  	v5 =	vadd.f32 v9, v5;
	[tilespmem:v4+s16+$0x4000 ss:$0x1] =	vst.idx.msk $0xffff, v6  }
0x4e4: {  	[tilespmem:v4+s18+$0x4000 ss:$0x1] =	vst.idx.msk $0xffff, v63  }
0x4e5: {  	[tilespmem:v4+s17+$0x4000 ss:$0x1] =	vst.idx.msk $0xffff, v5  }
0x4e6: {  	s17 =	sld [smem:$0x7AB]  }
.LBB2_146:
0x4e7: {  	p0 =	sgt.s32 s11, s3  }
.Ltmp118:
0x4e8: {  	_ = 	snop;
	(pc) =	sbr.rel @p0 .LBB2_149-.Ltmp118, $1  }
0x4e9: {  	_ =	sdelay $0x3  }
0x4ea: {  	s2 =	ssub.s32 s9, s10;
	s8 =	sshll.u32 s1, $0x7;
	s30 =	sld [smem:$0x7BE]  }
0x4eb: {  	s12 =	sld [smem:$0x7B1];
	s8 =	sand.u32 $0x3FFFFF80, s8;
	s9 =	sshll.u32 s2, $0x6  }
0x4ec: {  	s8 =	sadd.s32 $0x4000, s8;
	s29 =	ssub.s32 $0x0, s9  }
0x4ed: {  	s9 =	ssub.s32 s30, s2;
	s2 =	ssub.s32 s7, s2;
	s11 =	sshra.s32 s29, $0x2  }
0x4ee: {  	s10 =	sshll.u32 s2, $0x7;
	s11 =	sadd.s32 s11, s12;
	s12 =	sshll.u32 s2, $0x4  }
.LBB2_148:
0x4ef: {  	s2 =	sand.u32 $0xFFFFFC00, s10  }
0x4f0: {  	s14 =	sand.u32 $0x70, s12;
	s2 =	sadd.s32 s2, s8  }
0x4f1: {  	v5 =	vld [tilespmem:s11+$0x0];
	s2 =	sadd.s32 s14, s2  }
0x4f2: {  	v4 =	vld [tilespmem:s2+$0x0]  }
0x4f3: {  	s9 =	sadd.s32 $0x1, s9  }
0x4f4: {  	p0 =	slt.s32 s9, s3  }
.Ltmp119:
0x4f5: {  	_ = 	snop;
	(pc) =	sbr.rel @p0 .LBB2_148-.Ltmp119, $3  }
0x4f6: {  	_ = 	snop  }
0x4f7: {  	v4 =	vadd.f32 v5, v4;
	_ =	sdelay $0x1  }
0x4f8: {  	s10 =	sadd.s32 $0x80, s10;
	s11 =	sadd.s32 $0x10, s11;
	s12 =	sadd.s32 $0x10, s12;
	[tilespmem:s2+$0x0] =	vst v4  }
.Ltmp120:
0x4f9: {  	_ = 	snop;
	(pc) =	sbr.rel .LBB2_149-.Ltmp120, $1  }
0x4fa: {  	_ =	sdelay $0x3  }
.LBB2_133:
.Ltmp121:
0x4fb: {  	(pc) =	sbr.rel .LBB2_158-.Ltmp121, $2  }
0x4fc: {  	_ =	sdelay $0x2  }
0x4fd: {  	s11 =	smov.u32 s10  }
.LBB2_155:
.Ltmp122:
0x4fe: {  	_ = 	snop;
	(pc) =	sbr.rel .LBB2_158-.Ltmp122, $2  }
0x4ff: {  	_ =	sdelay $0x2  }
0x500: {  	v10 =	vmov v9;
	v8 =	vmov v11  }
.LBB2_150:
0x501: {  	s1 =	simm.s32 $0xB  }
0x502: {  	_ =	swait.ge [sflag:s1], $0x4000  }
0x503: {  	s2 =	sld [smem:$0x7B9];
	_ =	sdelay $0x1  }
0x504: {  	s0 =	rddreg [dreg:$0x1b];
	[sflag:s1] =	ssyncset.done $0x0  }
0x505: {  	[sflag:s1] =	ssyncadd.s32 $0xFFFFC000;
	s0 =	sadd.s32 s2, s0  }
0x506: {  	s23 =	simm.s32 $0x14000;
	s1 =	rddreg [dreg:$0x0];
	s0 =	sshll.u32 s0, $0x8  }
0x507: {  	s24 =	simm.s32 $0x2;
	s0 =	sadd.s32 s1, s0;
	s1 =	simm.s32 $0x0  }
0x508: {  	[tilespmem:s23], [sflag:$0x5] =	stream.linear.gather [hbm4b:s0+s1], $0x4000, $0x38;
	[tilespmem:$0x1C000] =	vst v63  }
0x509: {  	_ =	swait.ge [sflag:s24], $0x4000  }
0x50a: {  	s25 =	sld [smem:$0x7B8]  }
0x50b: {  	s29 =	sld [smem:$0x79F]  }
0x50c: {  	[sflag:s24] =	ssyncset.done $0x0;
	s3 =	rddreg [dreg:$0xd]  }
0x50d: {  	s30 =	sld [smem:$0x7A8];
	[sflag:s24] =	ssyncadd.s32 $0xFFFFC000  }
0x50e: {  	s26 =	simm.s32 $0x4000;
	s0 =	rddreg [dreg:$0x2]  }
.Ltmp123:
0x50f: {  	s28 =	sld [smem:$0x7B3];
	s0 =	sadd.s32 s0, s25;
	(pc) =	sbr.rel .LBB2_151-.Ltmp123, $4  }
0x510: {  	[hbm4b:s0+s1] =	stream.linear.scatter [tilespmem:s26], [sflag:$0x7], $0x4000, $0x38;
	[tilespmem:$0x1C000] =	vst v63  }
0x511: {  	s2 =	sshrl.u32 s29, $0xB;
	s7 =	sadd.s32 $0x1, s30;
	s0 =	sand.u32 $0x7F8, s29  }
0x512: {  	s25 =	sld [smem:$0x7AD];
	s2 =	ssub.s32 s2, s3;
	s3 =	sshrl.u32 s0, $0x4  }
0x513: {  	s26 =	sld [smem:$0x7B6];
	s5 =	sshll.u32 s2, $0xC;
	s6 =	sadd.s32 $0x1, s3  }
.LBB2_169:
0x514: {  	s1 =	sadd.s32 $0x1, s1  }
0x515: {  	p0 =	sne.s32 s1, $0x8  }
.Ltmp124:
0x516: {  	s2 =	sld [smem:$0x7AA];
	(pc) =	sbr.rel @!p0 .LBB2_170-.Ltmp124, $3  }
0x517: {  	_ =	sdelay $0x1  }
0x518: {  	s2 =	sadd.s32 $0xFFFFFFFF, s2  }
0x519: {  	s17 =	sadd.s32 $0x1, s17;
	s4 =	sadd.s32 $0xFFFFFFFF, s4;
	[smem:$0x7AA] =	sst s2  }
.LBB2_151:
0x51a: {  	s2 =	sor.u32 s0, s1  }
0x51b: {  	s2 =	smax.u32 s2, $0x1FF  }
0x51c: {  	s2 =	sadd.s32 $0xFFFFFE01, s2  }
0x51d: {  	s8 =	sshrl.u32 s2, $0x4  }
0x51e: {  	s9 =	sand.u32 $0x7C, s8  }
0x51f: {  	p0 =	seq.s32 s9, $0x0  }
.Ltmp125:
0x520: {  	_ = 	snop;
	(pc) =	sbr.rel @p0 .LBB2_159-.Ltmp125, $1  }
0x521: {  	v4 =	vld [tilespmem:s5+$0x0];
	_ =	sdelay $0x3  }
0x522: {  	s2 =	sshll.u32 s1, $0x7  }
0x523: {  	v5 =	vmov s2  }
0x524: {  	p1 =	sgt.u32 s9, $0x4  }
.Ltmp126:
0x525: {  	s10 =	simm.s32 $0x0;
	(pc) =	sbr.rel @!p1 .LBB2_153-.Ltmp126, $4  }
0x526: {  	s30 =	sand.u32 $0x40, s10;
	s10 =	sand.u32 $0x7FFFFC00, s10  }
0x527: {  	s10 =	sor.u32 s30, s10  }
0x528: {  	v10 =	vld.idx.msk [tilespmem:v5+s10+$0x8020 ss:$0x1], $0xffff  }
0x529: {  	p0 =	por $0x0, $0x0;
	v8 =	vld.idx.msk [tilespmem:v5+s10+$0x8010 ss:$0x1], $0xffff  }
0x52a: {  	_ =	sdelay $0x1  }
0x52b: {  	p1 =	sgt.u32 s9, $0x8  }
.Ltmp127:
0x52c: {  	s12 =	simm.s32 $0x200;
	s14 =	simm.s32 $0x40;
	(pc) =	sbr.rel @!p1 .LBB2_175-.Ltmp127, $4  }
0x52d: {  	v6 =	vld.idx.msk [tilespmem:v5+s10+$0x8030 ss:$0x1], $0xffff;
	s2 =	sand.u32 $0x40, s14;
	s11 =	sand.u32 $0x7FFFFC00, s12  }
0x52e: {  	v7 =	vld.idx.msk [tilespmem:v5+s10+$0x8000 ss:$0x1], $0xffff;
	s11 =	sor.u32 s2, s11  }
0x52f: {  	v9 =	vld.idx.msk [tilespmem:v5+s11+$0x8020 ss:$0x1], $0xffff  }
0x530: {  	s16 =	simm.s32 $0x8;
	p0 =	por $0x1, $0x1;
	v13 =	vadd.f32 v10, v4;
	v11 =	vld.idx.msk [tilespmem:v5+s11+$0x8010 ss:$0x1], $0xffff;
	v12 =	vadd.f32 v8, v4  }
.LBB2_176:
0x531: {  	s16 =	sadd.s32 $0x4, s16  }
0x532: {  	[tilespmem:v5+s10+$0x8020 ss:$0x1] =	vst.idx.msk $0xffff, v13;
	v8 =	vadd.f32 v6, v4;
	v6 =	vld.idx.msk [tilespmem:v5+s11+$0x8030 ss:$0x1], $0xffff;
	p1 =	slt.u32 s16, s9  }
.Ltmp128:
0x533: {  	s12 =	sadd.s32 $0x200, s12;
	s14 =	sadd.s32 $0x40, s14;
	v10 =	vadd.f32 v7, v4;
	v7 =	vld.idx.msk [tilespmem:v5+s11+$0x8000 ss:$0x1], $0xffff;
	[tilespmem:v5+s10+$0x8010 ss:$0x1] =	vst.idx.msk $0xffff, v12;
	(pc) =	sbr.rel @p1 .LBB2_176-.Ltmp128, $4  }
0x534: {  	s2 =	sand.u32 $0x40, s14;
	s15 =	sand.u32 $0x7FFFFC00, s12;
	[tilespmem:v5+s10+$0x8030 ss:$0x1] =	vst.idx.msk $0xffff, v8  }
0x535: {  	[tilespmem:v5+s10+$0x8000 ss:$0x1] =	vst.idx.msk $0xffff, v10;
	s10 =	smov.u32 s11;
	s11 =	sor.u32 s2, s15  }
0x536: {  	v13 =	vadd.f32 v9, v4;
	v9 =	vld.idx.msk [tilespmem:v5+s11+$0x8020 ss:$0x1], $0xffff  }
0x537: {  	v12 =	vadd.f32 v11, v4;
	v11 =	vld.idx.msk [tilespmem:v5+s11+$0x8010 ss:$0x1], $0xffff  }
0x538: {  	_ =	sdelay $0x3  }
0x539: {  	v10 =	vmov v9;
	v8 =	vmov v11  }
.LBB2_178:
0x53a: {  	_ =	sdelay $0x3  }
0x53b: {  	v9 =	vld.idx.msk [tilespmem:v5+s11+$0x8030 ss:$0x1], $0xffff  }
0x53c: {  	[tilespmem:v5+s10+$0x8020 ss:$0x1] =	vst.idx.msk @p0 $0xffff, v13;
	v6 =	vadd.f32 @p0 v6, v4;
	v11 =	vld.idx.msk [tilespmem:v5+s11+$0x8000 ss:$0x1], $0xffff  }
0x53d: {  	v7 =	vadd.f32 @p0 v7, v4;
	[tilespmem:v5+s10+$0x8010 ss:$0x1] =	vst.idx.msk @p0 $0xffff, v12  }
0x53e: {  	[tilespmem:v5+s10+$0x8030 ss:$0x1] =	vst.idx.msk @p0 $0xffff, v6;
	v6 =	vadd.f32 v10, v4  }
0x53f: {  	[tilespmem:v5+s10+$0x8000 ss:$0x1] =	vst.idx.msk @p0 $0xffff, v7;
	v7 =	vadd.f32 v8, v4  }
0x540: {  	[tilespmem:v5+s11+$0x8020 ss:$0x1] =	vst.idx.msk $0xffff, v6;
	v6 =	vadd.f32 v9, v4  }
0x541: {  	[tilespmem:v5+s11+$0x8010 ss:$0x1] =	vst.idx.msk $0xffff, v7;
	v63 =	vadd.f32 v11, v4  }
0x542: {  	[tilespmem:v5+s11+$0x8030 ss:$0x1] =	vst.idx.msk $0xffff, v6  }
0x543: {  	[tilespmem:v5+s11+$0x8000 ss:$0x1] =	vst.idx.msk $0xffff, v63  }
.LBB2_159:
0x544: {  	p0 =	seq.s32 s9, s8  }
.Ltmp129:
0x545: {  	_ = 	snop;
	(pc) =	sbr.rel @p0 .LBB2_162-.Ltmp129, $3  }
0x546: {  	_ =	sdelay $0x1  }
0x547: {  	s2 =	smax.u32 s17, $0x1FF  }
0x548: {  	s12 =	sadd.s32 $0xFFFFFE01, s2  }
0x549: {  	s2 =	sshrl.u32 s12, $0x6;
	s10 =	sshll.u32 s1, $0x7  }
0x54a: {  	s2 =	sand.u32 $0x1F, s2;
	s14 =	sand.u32 $0x3FFFFF80, s10  }
0x54b: {  	s10 =	sshll.u32 s2, $0x9;
	s11 =	sshll.u32 s2, $0x6;
	s14 =	sadd.s32 $0x8000, s14  }
.LBB2_161:
0x54c: {  	s2 =	sand.u32 $0x7FFFFC00, s10  }
0x54d: {  	s15 =	sand.u32 $0x70, s11;
	s2 =	sadd.s32 s2, s14  }
0x54e: {  	s2 =	sadd.s32 s15, s2  }
0x54f: {  	v5 =	vld [tilespmem:s2+$0x0]  }
0x550: {  	s9 =	sadd.s32 $0x1, s9  }
0x551: {  	p0 =	slt.u32 s9, s8  }
.Ltmp130:
0x552: {  	_ = 	snop;
	(pc) =	sbr.rel @p0 .LBB2_161-.Ltmp130, $3  }
0x553: {  	_ = 	snop  }
0x554: {  	v5 =	vadd.f32 v5, v4;
	_ =	sdelay $0x1  }
0x555: {  	s10 =	sadd.s32 $0x80, s10;
	s11 =	sadd.s32 $0x10, s11;
	[tilespmem:s2+$0x0] =	vst v5  }
.LBB2_162:
0x556: {  	s9 =	ssub.s32 s6, s8  }
0x557: {  	s2 =	sshrl.u32 s9, $0x1E  }
0x558: {  	s2 =	sadd.s32 s2, s9  }
0x559: {  	s10 =	sand.u32 $0xFFFFFFFC, s2  }
0x55a: {  	p0 =	slt.s32 s10, $0x1  }
.Ltmp131:
0x55b: {  	_ = 	snop;
	(pc) =	sbr.rel @p0 .LBB2_166-.Ltmp131, $2  }
0x55c: {  	_ =	sdelay $0x2  }
0x55d: {  	s11 =	sadd.s32 s8, s10  }
0x55e: {  	s2 =	sshrl.u32 s12, $0x4;
	s20 =	sand.u32 $0xFFFFFFF0, s12;
	s15 =	sshll.u32 s1, $0x7  }
0x55f: {  	s8 =	sadd.s32 $0x4, s8;
	s14 =	sshll.u32 s2, $0x6;
	s19 =	sshll.u32 s2, $0x7;
	v4 =	vmov s15  }
0x560: {  	s12 =	sadd.s32 $0x30, s20;
	s14 =	sshra.s32 s14, $0x2;
	s2 =	sadd.s32 $0x180, s19  }
0x561: {  	s21 =	sand.u32 $0x70, s12;
	s22 =	sadd.s32 $0xFFFFFFE0, s12;
	s23 =	sadd.s32 $0x80, s19  }
0x562: {  	s16 =	sadd.s32 $0xFFFFFFD0, s12;
	s18 =	sadd.s32 $0x100, s19;
	v5 =	vmov s14;
	s2 =	sand.u32 $0xFFFFFC00, s2  }
0x563: {  	s20 =	sand.u32 $0xFFFFFC00, s19;
	s16 =	sand.u32 $0x70, s16;
	s14 =	sor.u32 s21, s2  }
0x564: {  	s15 =	sand.u32 $0x70, s22;
	s2 =	sand.u32 $0xFFFFFC00, s23;
	s16 =	sor.u32 s16, s20;
	v10 =	vld.idx.msk [tilespmem:v4+s14+$0x8000 ss:$0x1], $0xffff  }
0x565: {  	p0 =	slt.s32 s8, s11;
	s29 =	sand.u32 $0xFFFFFC00, s18;
	s18 =	sor.u32 s15, s2;
	v12 =	vld.idx.msk [tilespmem:v4+s16+$0x8000 ss:$0x1], $0xffff  }
.Ltmp132:
0x566: {  	v11 =	vld.idx.msk [tilespmem:v4+s18+$0x8000 ss:$0x1], $0xffff;
	(pc) =	sbr.rel @!p0 .LBB2_165-.Ltmp132, $4  }
0x567: {  	v7 =	vld.idx.msk [tilespmem:v5+s4+$0x0 ss:$0x1], $0xffff  }
0x568: {  	s24 =	sadd.s32 $0xFFFFFFF0, s12;
	v8 =	vld.idx.msk [tilespmem:v5+s4+$0xFFFFFFE0 ss:$0x1], $0xffff  }
0x569: {  	s30 =	smov.u32 s17;
	s17 =	sand.u32 $0x70, s24;
	v9 =	vld.idx.msk [tilespmem:v5+s4+$0xFFFFFFF0 ss:$0x1], $0xffff  }
0x56a: {  	s19 =	sadd.s32 $0x200, s19;
	s17 =	sor.u32 s17, s29;
	s21 =	sadd.s32 $0x40, s4;
	v6 =	vld.idx.msk [tilespmem:v5+s4+$0xFFFFFFD0 ss:$0x1], $0xffff  }
.LBB2_164:
0x56b: {  	s2 =	sadd.s32 $0x180, s19  }
0x56c: {  	s8 =	sadd.s32 $0x4, s8;
	v13 =	vld.idx.msk [tilespmem:v4+s17+$0x8000 ss:$0x1], $0xffff;
	v10 =	vadd.f32 v7, v10;
	s12 =	sadd.s32 $0x40, s12;
	s22 =	sadd.s32 $0x80, s19  }
0x56d: {  	v15 =	vmov v8;
	v14 =	vld.idx.msk [tilespmem:v5+s21+$0xFFFFFFD0 ss:$0x1], $0xffff;
	s15 =	sand.u32 $0x70, s12;
	s2 =	sand.u32 $0xFFFFFC00, s2;
	p0 =	slt.s32 s8, s11  }
0x56e: {  	s23 =	sadd.s32 $0x100, s19;
	s20 =	sadd.s32 $0xFFFFFFE0, s12;
	v16 =	vmov v9;
	v7 =	vld.idx.msk [tilespmem:v5+s21+$0x0 ss:$0x1], $0xffff;
	[tilespmem:v4+s14+$0x8000 ss:$0x1] =	vst.idx.msk $0xffff, v10;
	s14 =	sor.u32 s15, s2  }
0x56f: {  	s22 =	sand.u32 $0xFFFFFC00, s22;
	s2 =	sadd.s32 $0xFFFFFFD0, s12;
	s15 =	sadd.s32 $0xFFFFFFF0, s12;
	v10 =	vld.idx.msk [tilespmem:v4+s14+$0x8000 ss:$0x1], $0xffff  }
.Ltmp133:
0x570: {  	s20 =	sand.u32 $0x70, s20;
	s2 =	sand.u32 $0x70, s2;
	v17 =	vadd.f32 v6, v12;
	v8 =	vld.idx.msk [tilespmem:v5+s21+$0xFFFFFFE0 ss:$0x1], $0xffff;
	(pc) =	sbr.rel @p0 .LBB2_164-.Ltmp133, $4  }
0x571: {  	s24 =	sand.u32 $0xFFFFFC00, s19;
	s23 =	sand.u32 $0xFFFFFC00, s23;
	s15 =	sand.u32 $0x70, s15;
	v11 =	vadd.f32 v15, v11;
	v9 =	vld.idx.msk [tilespmem:v5+s21+$0xFFFFFFF0 ss:$0x1], $0xffff  }
0x572: {  	s20 =	sor.u32 s20, s22;
	s15 =	sor.u32 s15, s23;
	v13 =	vadd.f32 v16, v13;
	[tilespmem:v4+s16+$0x8000 ss:$0x1] =	vst.idx.msk $0xffff, v17;
	s16 =	sor.u32 s2, s24  }
0x573: {  	v6 =	vmov v14;
	v12 =	vld.idx.msk [tilespmem:v4+s16+$0x8000 ss:$0x1], $0xffff;
	[tilespmem:v4+s18+$0x8000 ss:$0x1] =	vst.idx.msk $0xffff, v11;
	s18 =	smov.u32 s20  }
0x574: {  	s19 =	sadd.s32 $0x200, s19;
	s21 =	sadd.s32 $0x40, s21;
	v11 =	vld.idx.msk [tilespmem:v4+s18+$0x8000 ss:$0x1], $0xffff;
	[tilespmem:v4+s17+$0x8000 ss:$0x1] =	vst.idx.msk $0xffff, v13;
	s17 =	smov.u32 s15  }
.LBB2_165:
0x575: {  	_ =	sdelay $0x3  }
0x576: {  	v5 =	vld.idx.msk [tilespmem:v4+s17+$0x8000 ss:$0x1], $0xffff;
	_ =	sdelay $0x1  }
0x577: {  	v7 =	vadd.f32 v7, v10  }
0x578: {  	v6 =	vadd.f32 v6, v12  }
0x579: {  	[tilespmem:v4+s14+$0x8000 ss:$0x1] =	vst.idx.msk $0xffff, v7;
	v63 =	vadd.f32 v8, v11  }
0x57a: {  	v5 =	vadd.f32 v9, v5;
	[tilespmem:v4+s16+$0x8000 ss:$0x1] =	vst.idx.msk $0xffff, v6  }
0x57b: {  	[tilespmem:v4+s18+$0x8000 ss:$0x1] =	vst.idx.msk $0xffff, v63  }
0x57c: {  	[tilespmem:v4+s17+$0x8000 ss:$0x1] =	vst.idx.msk $0xffff, v5;
	s17 =	smov.u32 s30  }
.LBB2_166:
0x57d: {  	p0 =	sgt.s32 s11, s3  }
.Ltmp134:
0x57e: {  	_ = 	snop;
	(pc) =	sbr.rel @p0 .LBB2_169-.Ltmp134, $1  }
0x57f: {  	_ =	sdelay $0x3  }
0x580: {  	s2 =	ssub.s32 s9, s10;
	s8 =	sshll.u32 s1, $0x7;
	s30 =	sld [smem:$0x7A8]  }
0x581: {  	s12 =	sld [smem:$0x7AA];
	s8 =	sand.u32 $0x3FFFFF80, s8;
	s9 =	sshll.u32 s2, $0x6  }
0x582: {  	s8 =	sadd.s32 $0x8000, s8;
	s29 =	ssub.s32 $0x0, s9  }
0x583: {  	s9 =	ssub.s32 s30, s2;
	s2 =	ssub.s32 s7, s2;
	s11 =	sshra.s32 s29, $0x2  }
0x584: {  	s10 =	sshll.u32 s2, $0x7;
	s11 =	sadd.s32 s11, s12;
	s12 =	sshll.u32 s2, $0x4  }
.LBB2_168:
0x585: {  	s2 =	sand.u32 $0xFFFFFC00, s10  }
0x586: {  	s14 =	sand.u32 $0x70, s12;
	s2 =	sadd.s32 s2, s8  }
0x587: {  	v5 =	vld [tilespmem:s11+$0x0];
	s2 =	sadd.s32 s14, s2  }
0x588: {  	v4 =	vld [tilespmem:s2+$0x0]  }
0x589: {  	s9 =	sadd.s32 $0x1, s9  }
0x58a: {  	p0 =	slt.s32 s9, s3  }
.Ltmp135:
0x58b: {  	_ = 	snop;
	(pc) =	sbr.rel @p0 .LBB2_168-.Ltmp135, $3  }
0x58c: {  	_ = 	snop  }
0x58d: {  	v4 =	vadd.f32 v5, v4;
	_ =	sdelay $0x1  }
0x58e: {  	s10 =	sadd.s32 $0x80, s10;
	s11 =	sadd.s32 $0x10, s11;
	s12 =	sadd.s32 $0x10, s12;
	[tilespmem:s2+$0x0] =	vst v4  }
.Ltmp136:
0x58f: {  	_ = 	snop;
	(pc) =	sbr.rel .LBB2_169-.Ltmp136, $1  }
0x590: {  	_ =	sdelay $0x3  }
.LBB2_153:
.Ltmp137:
0x591: {  	(pc) =	sbr.rel .LBB2_178-.Ltmp137, $2  }
0x592: {  	_ =	sdelay $0x2  }
0x593: {  	s11 =	smov.u32 s10  }
.LBB2_175:
.Ltmp138:
0x594: {  	_ = 	snop;
	(pc) =	sbr.rel .LBB2_178-.Ltmp138, $2  }
0x595: {  	_ =	sdelay $0x2  }
0x596: {  	v10 =	vmov v9;
	v8 =	vmov v11  }
.LBB2_170:
0x597: {  	s1 =	simm.s32 $0xC  }
0x598: {  	_ =	swait.ge [sflag:s1], $0x4000  }
0x599: {  	s2 =	sld [smem:$0x7B9];
	_ =	sdelay $0x1  }
0x59a: {  	s0 =	rddreg [dreg:$0x1c];
	[sflag:s1] =	ssyncset.done $0x0  }
0x59b: {  	[sflag:s1] =	ssyncadd.s32 $0xFFFFC000;
	s0 =	sadd.s32 s2, s0  }
0x59c: {  	s22 =	simm.s32 $0x18000;
	s1 =	rddreg [dreg:$0x0];
	s0 =	sshll.u32 s0, $0x8  }
0x59d: {  	s23 =	simm.s32 $0x3;
	s1 =	sadd.s32 s1, s0;
	s0 =	simm.s32 $0x0  }
0x59e: {  	[tilespmem:s22], [sflag:$0x6] =	stream.linear.gather [hbm4b:s1+s0], $0x4000, $0x38;
	[tilespmem:$0x1C000] =	vst v63  }
0x59f: {  	_ =	swait.ge [sflag:s23], $0x4000  }
0x5a0: {  	[sflag:s23] =	ssyncset.done $0x0;
	s24 =	sld [smem:$0x7A0]  }
0x5a1: {  	[sflag:s23] =	ssyncadd.s32 $0xFFFFC000  }
0x5a2: {  	s29 =	simm.s32 $0x8000;
	s1 =	rddreg [dreg:$0x2]  }
.Ltmp139:
0x5a3: {  	s5 =	sld [smem:$0x7BB];
	s1 =	sadd.s32 s1, s24;
	(pc) =	sbr.rel .LBB2_171-.Ltmp139, $4  }
0x5a4: {  	[hbm4b:s1+s0] =	stream.linear.scatter [tilespmem:s29], [sflag:$0x8], $0x4000, $0x38;
	[tilespmem:$0x1C000] =	vst v63  }
0x5a5: {  	s30 =	sshrl.u32 s13, $0xB;
	s3 =	rddreg [dreg:$0xd];
	s1 =	sand.u32 $0x7F0, s13  }
0x5a6: {  	s3 =	ssub.s32 s30, s3;
	s2 =	sshrl.u32 s1, $0x4  }
0x5a7: {  	s3 =	sshll.u32 s3, $0xC;
	s5 =	sadd.s32 $0x1, s5;
	s4 =	sadd.s32 $0x1, s2  }
.LBB2_189:
0x5a8: {  	s0 =	sadd.s32 $0x1, s0  }
0x5a9: {  	s6 =	sld [smem:$0x7BC];
	p0 =	sne.s32 s0, $0x8  }
.Ltmp140:
0x5aa: {  	s30 =	sld [smem:$0x7A9];
	(pc) =	sbr.rel @!p0 .LBB2_190-.Ltmp140, $4  }
0x5ab: {  	_ = 	snop  }
0x5ac: {  	s6 =	sadd.s32 $0x1, s6  }
0x5ad: {  	[smem:$0x7BC] =	sst s6;
	s6 =	sadd.s32 $0xFFFFFFFF, s30  }
0x5ae: {  	s31 =	sadd.s32 $0xFFFFFFFF, s31;
	[smem:$0x7A9] =	sst s6  }
.LBB2_171:
0x5af: {  	s6 =	sor.u32 s1, s0  }
0x5b0: {  	s6 =	smax.u32 s6, $0x1FF  }
0x5b1: {  	s6 =	sadd.s32 $0xFFFFFE01, s6  }
0x5b2: {  	s6 =	sshrl.u32 s6, $0x4  }
0x5b3: {  	s7 =	sand.u32 $0x7C, s6  }
0x5b4: {  	p0 =	seq.s32 s7, $0x0  }
.Ltmp141:
0x5b5: {  	_ = 	snop;
	(pc) =	sbr.rel @p0 .LBB2_179-.Ltmp141, $1  }
0x5b6: {  	v4 =	vld [tilespmem:s3+$0x0];
	_ =	sdelay $0x3  }
0x5b7: {  	s9 =	sshll.u32 s0, $0x7  }
0x5b8: {  	v5 =	vmov s9  }
0x5b9: {  	p1 =	sgt.u32 s7, $0x4  }
.Ltmp142:
0x5ba: {  	s8 =	simm.s32 $0x0;
	(pc) =	sbr.rel @!p1 .LBB2_173-.Ltmp142, $4  }
0x5bb: {  	s30 =	sand.u32 $0x40, s8;
	s8 =	sand.u32 $0x7FFFFC00, s8  }
0x5bc: {  	s8 =	sor.u32 s30, s8  }
0x5bd: {  	v10 =	vld.idx.msk [tilespmem:v5+s8+$0xC020 ss:$0x1], $0xffff  }
0x5be: {  	p0 =	por $0x0, $0x0;
	v8 =	vld.idx.msk [tilespmem:v5+s8+$0xC010 ss:$0x1], $0xffff  }
0x5bf: {  	_ =	sdelay $0x1  }
0x5c0: {  	p1 =	sgt.u32 s7, $0x8  }
.Ltmp143:
0x5c1: {  	s10 =	simm.s32 $0x200;
	s11 =	simm.s32 $0x40;
	(pc) =	sbr.rel @!p1 .LBB2_196-.Ltmp143, $4  }
0x5c2: {  	v6 =	vld.idx.msk [tilespmem:v5+s8+$0xC030 ss:$0x1], $0xffff;
	s9 =	sand.u32 $0x40, s11;
	s12 =	sand.u32 $0x7FFFFC00, s10  }
0x5c3: {  	v7 =	vld.idx.msk [tilespmem:v5+s8+$0xC000 ss:$0x1], $0xffff;
	s9 =	sor.u32 s9, s12  }
0x5c4: {  	v9 =	vld.idx.msk [tilespmem:v5+s9+$0xC020 ss:$0x1], $0xffff  }
0x5c5: {  	p0 =	por $0x1, $0x1;
	s12 =	simm.s32 $0x8;
	v13 =	vadd.f32 v10, v4;
	v11 =	vld.idx.msk [tilespmem:v5+s9+$0xC010 ss:$0x1], $0xffff;
	v12 =	vadd.f32 v8, v4  }
.LBB2_197:
0x5c6: {  	s12 =	sadd.s32 $0x4, s12  }
0x5c7: {  	[tilespmem:v5+s8+$0xC020 ss:$0x1] =	vst.idx.msk $0xffff, v13;
	v8 =	vadd.f32 v6, v4;
	v6 =	vld.idx.msk [tilespmem:v5+s9+$0xC030 ss:$0x1], $0xffff;
	p1 =	slt.u32 s12, s7  }
.Ltmp144:
0x5c8: {  	s10 =	sadd.s32 $0x200, s10;
	s11 =	sadd.s32 $0x40, s11;
	v10 =	vadd.f32 v7, v4;
	v7 =	vld.idx.msk [tilespmem:v5+s9+$0xC000 ss:$0x1], $0xffff;
	[tilespmem:v5+s8+$0xC010 ss:$0x1] =	vst.idx.msk $0xffff, v12;
	(pc) =	sbr.rel @p1 .LBB2_197-.Ltmp144, $4  }
0x5c9: {  	s13 =	sand.u32 $0x40, s11;
	s14 =	sand.u32 $0x7FFFFC00, s10;
	[tilespmem:v5+s8+$0xC030 ss:$0x1] =	vst.idx.msk $0xffff, v8  }
0x5ca: {  	[tilespmem:v5+s8+$0xC000 ss:$0x1] =	vst.idx.msk $0xffff, v10;
	s8 =	smov.u32 s9;
	s9 =	sor.u32 s13, s14  }
0x5cb: {  	v13 =	vadd.f32 v9, v4;
	v9 =	vld.idx.msk [tilespmem:v5+s9+$0xC020 ss:$0x1], $0xffff  }
0x5cc: {  	v12 =	vadd.f32 v11, v4;
	v11 =	vld.idx.msk [tilespmem:v5+s9+$0xC010 ss:$0x1], $0xffff  }
0x5cd: {  	_ =	sdelay $0x3  }
0x5ce: {  	v10 =	vmov v9;
	v8 =	vmov v11  }
.LBB2_199:
0x5cf: {  	_ =	sdelay $0x3  }
0x5d0: {  	v9 =	vld.idx.msk [tilespmem:v5+s9+$0xC030 ss:$0x1], $0xffff  }
0x5d1: {  	[tilespmem:v5+s8+$0xC020 ss:$0x1] =	vst.idx.msk @p0 $0xffff, v13;
	v6 =	vadd.f32 @p0 v6, v4;
	v11 =	vld.idx.msk [tilespmem:v5+s9+$0xC000 ss:$0x1], $0xffff  }
0x5d2: {  	v7 =	vadd.f32 @p0 v7, v4;
	[tilespmem:v5+s8+$0xC010 ss:$0x1] =	vst.idx.msk @p0 $0xffff, v12  }
0x5d3: {  	[tilespmem:v5+s8+$0xC030 ss:$0x1] =	vst.idx.msk @p0 $0xffff, v6;
	v6 =	vadd.f32 v10, v4  }
0x5d4: {  	[tilespmem:v5+s8+$0xC000 ss:$0x1] =	vst.idx.msk @p0 $0xffff, v7;
	v7 =	vadd.f32 v8, v4  }
0x5d5: {  	[tilespmem:v5+s9+$0xC020 ss:$0x1] =	vst.idx.msk $0xffff, v6;
	v6 =	vadd.f32 v9, v4  }
0x5d6: {  	[tilespmem:v5+s9+$0xC010 ss:$0x1] =	vst.idx.msk $0xffff, v7;
	v63 =	vadd.f32 v11, v4  }
0x5d7: {  	[tilespmem:v5+s9+$0xC030 ss:$0x1] =	vst.idx.msk $0xffff, v6  }
0x5d8: {  	[tilespmem:v5+s9+$0xC000 ss:$0x1] =	vst.idx.msk $0xffff, v63  }
.LBB2_179:
0x5d9: {  	p0 =	seq.s32 s7, s6  }
.Ltmp145:
0x5da: {  	s8 =	sld [smem:$0x7BC];
	(pc) =	sbr.rel @p0 .LBB2_182-.Ltmp145, $3  }
0x5db: {  	_ =	sdelay $0x1  }
0x5dc: {  	s8 =	smax.u32 s8, $0x1FF  }
0x5dd: {  	s10 =	sadd.s32 $0xFFFFFE01, s8  }
0x5de: {  	s8 =	sshrl.u32 s10, $0x6;
	s9 =	sshll.u32 s0, $0x7  }
0x5df: {  	s11 =	sand.u32 $0x1F, s8;
	s12 =	sand.u32 $0x3FFFFF80, s9  }
0x5e0: {  	s8 =	sshll.u32 s11, $0x9;
	s9 =	sshll.u32 s11, $0x6;
	s11 =	sadd.s32 $0xC000, s12  }
.LBB2_181:
0x5e1: {  	s12 =	sand.u32 $0x7FFFFC00, s8  }
0x5e2: {  	s13 =	sand.u32 $0x70, s9;
	s12 =	sadd.s32 s12, s11  }
0x5e3: {  	s12 =	sadd.s32 s13, s12  }
0x5e4: {  	v5 =	vld [tilespmem:s12+$0x0]  }
0x5e5: {  	s7 =	sadd.s32 $0x1, s7  }
0x5e6: {  	p0 =	slt.u32 s7, s6  }
.Ltmp146:
0x5e7: {  	_ = 	snop;
	(pc) =	sbr.rel @p0 .LBB2_181-.Ltmp146, $3  }
0x5e8: {  	_ = 	snop  }
0x5e9: {  	v5 =	vadd.f32 v5, v4;
	_ =	sdelay $0x1  }
0x5ea: {  	s8 =	sadd.s32 $0x80, s8;
	s9 =	sadd.s32 $0x10, s9;
	[tilespmem:s12+$0x0] =	vst v5  }
.LBB2_182:
0x5eb: {  	s7 =	ssub.s32 s4, s6  }
0x5ec: {  	s8 =	sshrl.u32 s7, $0x1E  }
0x5ed: {  	s8 =	sadd.s32 s8, s7  }
0x5ee: {  	s8 =	sand.u32 $0xFFFFFFFC, s8  }
0x5ef: {  	p0 =	slt.s32 s8, $0x1  }
.Ltmp147:
0x5f0: {  	_ = 	snop;
	(pc) =	sbr.rel @p0 .LBB2_186-.Ltmp147, $2  }
0x5f1: {  	_ =	sdelay $0x2  }
0x5f2: {  	s9 =	sadd.s32 s6, s8  }
0x5f3: {  	s11 =	sshrl.u32 s10, $0x4;
	s23 =	sand.u32 $0xFFFFFFF0, s10;
	s13 =	sshll.u32 s0, $0x7  }
0x5f4: {  	s6 =	sadd.s32 $0x4, s6;
	s20 =	sld [smem:$0x7A9];
	s12 =	sshll.u32 s11, $0x6;
	v4 =	vmov s13  }
0x5f5: {  	s15 =	sshll.u32 s11, $0x7;
	s10 =	sadd.s32 $0x30, s23;
	s12 =	sshra.s32 s12, $0x2  }
0x5f6: {  	s11 =	sadd.s32 $0x180, s15;
	s24 =	sand.u32 $0x70, s10;
	s29 =	sadd.s32 $0xFFFFFFE0, s10  }
0x5f7: {  	s30 =	sadd.s32 $0x80, s15;
	s14 =	sadd.s32 $0xFFFFFFD0, s10;
	v5 =	vmov s12;
	s11 =	sand.u32 $0xFFFFFC00, s11  }
0x5f8: {  	s18 =	sand.u32 $0xFFFFFC00, s15;
	s14 =	sand.u32 $0x70, s14;
	s11 =	sor.u32 s24, s11  }
0x5f9: {  	s13 =	sand.u32 $0x70, s29;
	s19 =	sand.u32 $0xFFFFFC00, s30;
	s12 =	sor.u32 s14, s18;
	v10 =	vld.idx.msk [tilespmem:v4+s11+$0xC000 ss:$0x1], $0xffff  }
0x5fa: {  	p0 =	slt.s32 s6, s9;
	s14 =	sor.u32 s13, s19;
	v12 =	vld.idx.msk [tilespmem:v4+s12+$0xC000 ss:$0x1], $0xffff  }
.Ltmp148:
0x5fb: {  	v11 =	vld.idx.msk [tilespmem:v4+s14+$0xC000 ss:$0x1], $0xffff;
	(pc) =	sbr.rel @!p0 .LBB2_185-.Ltmp148, $4  }
0x5fc: {  	v7 =	vld.idx.msk [tilespmem:v5+s20+$0x0 ss:$0x1], $0xffff  }
0x5fd: {  	s16 =	sadd.s32 $0xFFFFFFF0, s10;
	s17 =	sadd.s32 $0x100, s15;
	v8 =	vld.idx.msk [tilespmem:v5+s20+$0xFFFFFFE0 ss:$0x1], $0xffff  }
0x5fe: {  	s16 =	sand.u32 $0x70, s16;
	s17 =	sand.u32 $0xFFFFFC00, s17;
	v9 =	vld.idx.msk [tilespmem:v5+s20+$0xFFFFFFF0 ss:$0x1], $0xffff  }
0x5ff: {  	s15 =	sadd.s32 $0x200, s15;
	s13 =	sor.u32 s16, s17;
	s16 =	sadd.s32 $0x40, s20;
	v6 =	vld.idx.msk [tilespmem:v5+s20+$0xFFFFFFD0 ss:$0x1], $0xffff  }
.LBB2_184:
0x600: {  	s17 =	sadd.s32 $0x180, s15  }
0x601: {  	s6 =	sadd.s32 $0x4, s6;
	v13 =	vld.idx.msk [tilespmem:v4+s13+$0xC000 ss:$0x1], $0xffff;
	v10 =	vadd.f32 v7, v10;
	s10 =	sadd.s32 $0x40, s10;
	s20 =	sadd.s32 $0x80, s15  }
0x602: {  	v15 =	vmov v8;
	v14 =	vld.idx.msk [tilespmem:v5+s16+$0xFFFFFFD0 ss:$0x1], $0xffff;
	s18 =	sand.u32 $0x70, s10;
	s17 =	sand.u32 $0xFFFFFC00, s17;
	p0 =	slt.s32 s6, s9  }
0x603: {  	s21 =	sadd.s32 $0x100, s15;
	s19 =	sadd.s32 $0xFFFFFFE0, s10;
	v16 =	vmov v9;
	v7 =	vld.idx.msk [tilespmem:v5+s16+$0x0 ss:$0x1], $0xffff;
	[tilespmem:v4+s11+$0xC000 ss:$0x1] =	vst.idx.msk $0xffff, v10;
	s11 =	sor.u32 s18, s17  }
0x604: {  	s20 =	sand.u32 $0xFFFFFC00, s20;
	s17 =	sadd.s32 $0xFFFFFFD0, s10;
	s18 =	sadd.s32 $0xFFFFFFF0, s10;
	v10 =	vld.idx.msk [tilespmem:v4+s11+$0xC000 ss:$0x1], $0xffff  }
.Ltmp149:
0x605: {  	s19 =	sand.u32 $0x70, s19;
	s17 =	sand.u32 $0x70, s17;
	v17 =	vadd.f32 v6, v12;
	v8 =	vld.idx.msk [tilespmem:v5+s16+$0xFFFFFFE0 ss:$0x1], $0xffff;
	(pc) =	sbr.rel @p0 .LBB2_184-.Ltmp149, $4  }
0x606: {  	s22 =	sand.u32 $0xFFFFFC00, s15;
	s21 =	sand.u32 $0xFFFFFC00, s21;
	s18 =	sand.u32 $0x70, s18;
	v11 =	vadd.f32 v15, v11;
	v9 =	vld.idx.msk [tilespmem:v5+s16+$0xFFFFFFF0 ss:$0x1], $0xffff  }
0x607: {  	s19 =	sor.u32 s19, s20;
	s18 =	sor.u32 s18, s21;
	v13 =	vadd.f32 v16, v13;
	[tilespmem:v4+s12+$0xC000 ss:$0x1] =	vst.idx.msk $0xffff, v17;
	s12 =	sor.u32 s17, s22  }
0x608: {  	v6 =	vmov v14;
	v12 =	vld.idx.msk [tilespmem:v4+s12+$0xC000 ss:$0x1], $0xffff;
	[tilespmem:v4+s14+$0xC000 ss:$0x1] =	vst.idx.msk $0xffff, v11;
	s14 =	smov.u32 s19  }
0x609: {  	s15 =	sadd.s32 $0x200, s15;
	s16 =	sadd.s32 $0x40, s16;
	v11 =	vld.idx.msk [tilespmem:v4+s14+$0xC000 ss:$0x1], $0xffff;
	[tilespmem:v4+s13+$0xC000 ss:$0x1] =	vst.idx.msk $0xffff, v13;
	s13 =	smov.u32 s18  }
.LBB2_185:
0x60a: {  	_ =	sdelay $0x3  }
0x60b: {  	v5 =	vld.idx.msk [tilespmem:v4+s13+$0xC000 ss:$0x1], $0xffff;
	_ =	sdelay $0x1  }
0x60c: {  	v7 =	vadd.f32 v7, v10  }
0x60d: {  	v6 =	vadd.f32 v6, v12  }
0x60e: {  	[tilespmem:v4+s11+$0xC000 ss:$0x1] =	vst.idx.msk $0xffff, v7;
	v63 =	vadd.f32 v8, v11  }
0x60f: {  	v5 =	vadd.f32 v9, v5;
	[tilespmem:v4+s12+$0xC000 ss:$0x1] =	vst.idx.msk $0xffff, v6  }
0x610: {  	[tilespmem:v4+s14+$0xC000 ss:$0x1] =	vst.idx.msk $0xffff, v63  }
0x611: {  	[tilespmem:v4+s13+$0xC000 ss:$0x1] =	vst.idx.msk $0xffff, v5  }
.LBB2_186:
0x612: {  	p0 =	sgt.s32 s9, s2  }
.Ltmp150:
0x613: {  	_ = 	snop;
	(pc) =	sbr.rel @p0 .LBB2_189-.Ltmp150, $1  }
0x614: {  	_ =	sdelay $0x3  }
0x615: {  	s8 =	ssub.s32 s7, s8;
	s30 =	sld [smem:$0x7BB]  }
0x616: {  	s6 =	sshll.u32 s0, $0x7;
	s7 =	sshll.u32 s8, $0x6  }
0x617: {  	s6 =	sand.u32 $0x3FFFFF80, s6;
	s10 =	ssub.s32 s5, s8;
	s9 =	ssub.s32 $0x0, s7  }
0x618: {  	s6 =	sadd.s32 $0xC000, s6;
	s7 =	ssub.s32 s30, s8;
	s9 =	sshra.s32 s9, $0x2  }
0x619: {  	s8 =	sshll.u32 s10, $0x7;
	s10 =	sshll.u32 s10, $0x4;
	s9 =	sadd.s32 s9, s31  }
.LBB2_188:
0x61a: {  	s11 =	sand.u32 $0xFFFFFC00, s8  }
0x61b: {  	s12 =	sand.u32 $0x70, s10;
	s11 =	sadd.s32 s11, s6  }
0x61c: {  	v5 =	vld [tilespmem:s9+$0x0];
	s11 =	sadd.s32 s12, s11  }
0x61d: {  	v4 =	vld [tilespmem:s11+$0x0]  }
0x61e: {  	s7 =	sadd.s32 $0x1, s7  }
0x61f: {  	p0 =	slt.s32 s7, s2  }
.Ltmp151:
0x620: {  	_ = 	snop;
	(pc) =	sbr.rel @p0 .LBB2_188-.Ltmp151, $3  }
0x621: {  	_ = 	snop  }
0x622: {  	v4 =	vadd.f32 v5, v4;
	_ =	sdelay $0x1  }
0x623: {  	s8 =	sadd.s32 $0x80, s8;
	s9 =	sadd.s32 $0x10, s9;
	s10 =	sadd.s32 $0x10, s10;
	[tilespmem:s11+$0x0] =	vst v4  }
.Ltmp152:
0x624: {  	_ = 	snop;
	(pc) =	sbr.rel .LBB2_189-.Ltmp152, $1  }
0x625: {  	_ =	sdelay $0x3  }
.LBB2_173:
.Ltmp153:
0x626: {  	(pc) =	sbr.rel .LBB2_199-.Ltmp153, $2  }
0x627: {  	_ =	sdelay $0x2  }
0x628: {  	s9 =	smov.u32 s8  }
.LBB2_196:
.Ltmp154:
0x629: {  	_ = 	snop;
	(pc) =	sbr.rel .LBB2_199-.Ltmp154, $2  }
0x62a: {  	_ =	sdelay $0x2  }
0x62b: {  	v10 =	vmov v9;
	v8 =	vmov v11  }
.LBB2_191:
0x62c: {  	s0 =	simm.s32 $0x7  }
0x62d: {  	_ =	swait.ge [sflag:s0], $0x4000  }
0x62e: {  	[sflag:s0] =	ssyncset.done $0x0  }
0x62f: {  	s30 =	simm.s32 $0x4;
	[sflag:s0] =	ssyncadd.s32 $0xFFFFC000  }
0x630: {  	_ =	swait.ge [sflag:s30], $0x4000  }
0x631: {  	s1 =	rddreg [dreg:$0x10]  }
0x632: {  	s3 =	sld [smem:$0x7D1]  }
0x633: {  	s22 =	rddreg [dreg:$0x5]  }
0x634: {  	s21 =	rddreg [dreg:$0x11]  }
0x635: {  	s23 =	rddreg [dreg:$0x12]  }
0x636: {  	s24 =	rddreg [dreg:$0x13]  }
0x637: {  	s25 =	sld [smem:$0x7F9]  }
0x638: {  	s2 =	simm.s32 $0xC000;
	s26 =	sld [smem:$0x7FA]  }
.Ltmp155:
0x639: {  	[sflag:s30] =	ssyncset.done $0x0;
	s31 =	sld [smem:$0x7FB];
	(pc) =	sbr.rel .LBB2_192-.Ltmp155, $4  }
0x63a: {  	s0 =	simm.s32 $0x0;
	s28 =	sld [smem:$0x7FD];
	[sflag:s30] =	ssyncadd.s32 $0xFFFFC000  }
0x63b: {  	[hbm4b:s1+s0] =	stream.linear.scatter [tilespmem:s2], [sflag:$0x9], $0x4000, $0x38;
	[tilespmem:$0x1C000] =	vst v63  }
0x63c: {  	s1 =	sld [smem:$0x7D3]  }
0x63d: {  	s2 =	sld [smem:$0x7D2]  }
.LBB2_210:
0x63e: {  	s0 =	sadd.s32 $0x1, s0  }
0x63f: {  	p0 =	sne.s32 s0, $0x8  }
.Ltmp156:
0x640: {  	_ = 	snop;
	(pc) =	sbr.rel @!p0 .LBB2_211-.Ltmp156, $2  }
0x641: {  	_ =	sdelay $0x2  }
0x642: {  	s3 =	sadd.s32 $0x1, s3;
	s2 =	sadd.s32 $0xFFFFFFFF, s2;
	s1 =	sadd.s32 $0xFFFFFFFF, s1  }
.LBB2_192:
0x643: {  	s4 =	sor.u32 s23, s0  }
0x644: {  	s4 =	smax.u32 s4, $0x1FF  }
0x645: {  	s4 =	sadd.s32 $0xFFFFFE01, s4  }
0x646: {  	s4 =	sshrl.u32 s4, $0x4  }
0x647: {  	s5 =	sand.u32 $0x7C, s4  }
0x648: {  	p0 =	seq.s32 s5, $0x0  }
.Ltmp157:
0x649: {  	_ = 	snop;
	(pc) =	sbr.rel @p0 .LBB2_200-.Ltmp157, $1  }
0x64a: {  	v4 =	vld [tilespmem:s21+$0x0];
	_ =	sdelay $0x3  }
0x64b: {  	s7 =	sshll.u32 s0, $0x7;
	s6 =	simm.s32 $0x0  }
0x64c: {  	p1 =	sgt.u32 s5, $0x4;
	v5 =	vmov s7;
	s8 =	sand.u32 $0x40, s6;
	s6 =	sand.u32 $0x7FFFFC00, s6  }
.Ltmp158:
0x64d: {  	s12 =	sor.u32 s8, s6;
	(pc) =	sbr.rel @!p1 .LBB2_194-.Ltmp158, $4  }
0x64e: {  	s6 =	sadd.s32 s7, s12  }
0x64f: {  	s6 =	sadd.s32 $0x10000, s6  }
0x650: {  	v6 =	vld [tilespmem:s6+$0x20]  }
0x651: {  	p0 =	por $0x0, $0x0;
	v8 =	vld.idx.msk [tilespmem:v5+s12+$0x10000 ss:$0x1], $0xffff  }
0x652: {  	_ = 	snop  }
0x653: {  	v10 =	vld [tilespmem:s6+$0x30];
	s9 =	simm.s32 $0x200;
	s10 =	simm.s32 $0x40;
	p1 =	sgt.u32 s5, $0x8  }
.Ltmp159:
0x654: {  	s8 =	sand.u32 $0x40, s10;
	s11 =	sand.u32 $0x7FFFFC00, s9;
	(pc) =	sbr.rel @!p1 .LBB2_216-.Ltmp159, $4  }
0x655: {  	v7 =	vld [tilespmem:s6+$0x10];
	s11 =	sor.u32 s8, s11  }
0x656: {  	s8 =	sadd.s32 s7, s11;
	v11 =	vadd.f32 v8, v4  }
0x657: {  	v8 =	vld.idx.msk [tilespmem:v5+s11+$0x10000 ss:$0x1], $0xffff;
	s8 =	sadd.s32 $0x10000, s8  }
0x658: {  	s13 =	simm.s32 $0x8;
	p0 =	por $0x1, $0x1;
	v9 =	vadd.f32 v6, v4;
	v6 =	vld [tilespmem:s8+$0x20];
	v10 =	vadd.f32 v10, v4;
	[tilespmem:v5+s12+$0x10000 ss:$0x1] =	vst.idx.msk $0xffff, v11  }
.LBB2_217:
0x659: {  	s13 =	sadd.s32 $0x4, s13  }
0x65a: {  	v11 =	vld [tilespmem:s8+$0x30];
	s9 =	sadd.s32 $0x200, s9;
	s10 =	sadd.s32 $0x40, s10;
	v12 =	vadd.f32 v7, v4;
	[tilespmem:s6+$0x20] =	vst v9;
	p1 =	slt.u32 s13, s5  }
.Ltmp160:
0x65b: {  	s12 =	sand.u32 $0x40, s10;
	s14 =	sand.u32 $0x7FFFFC00, s9;
	v7 =	vld [tilespmem:s8+$0x10];
	[tilespmem:s6+$0x30] =	vst v10;
	(pc) =	sbr.rel @p1 .LBB2_217-.Ltmp160, $4  }
0x65c: {  	s12 =	sor.u32 s12, s14;
	[tilespmem:s6+$0x10] =	vst v12;
	s6 =	smov.u32 s8  }
0x65d: {  	v10 =	vadd.f32 v8, v4;
	s8 =	sadd.s32 s7, s12;
	v8 =	vld.idx.msk [tilespmem:v5+s12+$0x10000 ss:$0x1], $0xffff  }
0x65e: {  	s8 =	sadd.s32 $0x10000, s8;
	v9 =	vadd.f32 v6, v4  }
0x65f: {  	v6 =	vld [tilespmem:s8+$0x20];
	[tilespmem:v5+s11+$0x10000 ss:$0x1] =	vst.idx.msk $0xffff, v10;
	v10 =	vadd.f32 v11, v4;
	s11 =	smov.u32 s12  }
0x660: {  	s12 =	smov.u32 s11  }
.LBB2_219:
0x661: {  	v11 =	vld [tilespmem:s8+$0x30]  }
0x662: {  	v12 =	vld [tilespmem:s8+$0x10]  }
0x663: {  	v7 =	vadd.f32 @p0 v7, v4;
	[tilespmem:s6+$0x20] =	vst @p0 v9  }
0x664: {  	[tilespmem:s6+$0x30] =	vst @p0 v10;
	v8 =	vadd.f32 v8, v4  }
0x665: {  	[tilespmem:s6+$0x10] =	vst @p0 v7;
	v6 =	vadd.f32 v6, v4  }
0x666: {  	[tilespmem:v5+s12+$0x10000 ss:$0x1] =	vst.idx.msk $0xffff, v8;
	v5 =	vadd.f32 v11, v4  }
0x667: {  	v7 =	vadd.f32 v12, v4;
	[tilespmem:s8+$0x20] =	vst v6  }
0x668: {  	[tilespmem:s8+$0x30] =	vst v5  }
0x669: {  	[tilespmem:s8+$0x10] =	vst v7  }
.LBB2_200:
0x66a: {  	p0 =	seq.s32 s5, s4  }
.Ltmp161:
0x66b: {  	_ = 	snop;
	(pc) =	sbr.rel @p0 .LBB2_203-.Ltmp161, $3  }
0x66c: {  	_ =	sdelay $0x1  }
0x66d: {  	s6 =	smax.u32 s3, $0x1FF  }
0x66e: {  	s8 =	sadd.s32 $0xFFFFFE01, s6  }
0x66f: {  	s6 =	sshrl.u32 s8, $0x6;
	s7 =	sshll.u32 s0, $0x7  }
0x670: {  	s9 =	sand.u32 $0x1F, s6;
	s10 =	sand.u32 $0x3FFFFF80, s7  }
0x671: {  	s6 =	sshll.u32 s9, $0x9;
	s7 =	sshll.u32 s9, $0x6;
	s9 =	sadd.s32 $0x10000, s10  }
.LBB2_202:
0x672: {  	s10 =	sand.u32 $0x7FFFFC00, s6  }
0x673: {  	s11 =	sand.u32 $0x70, s7;
	s10 =	sadd.s32 s10, s9  }
0x674: {  	s10 =	sadd.s32 s11, s10  }
0x675: {  	v5 =	vld [tilespmem:s10+$0x0]  }
0x676: {  	s5 =	sadd.s32 $0x1, s5  }
0x677: {  	p0 =	slt.u32 s5, s4  }
.Ltmp162:
0x678: {  	_ = 	snop;
	(pc) =	sbr.rel @p0 .LBB2_202-.Ltmp162, $3  }
0x679: {  	_ = 	snop  }
0x67a: {  	v5 =	vadd.f32 v5, v4;
	_ =	sdelay $0x1  }
0x67b: {  	s6 =	sadd.s32 $0x80, s6;
	s7 =	sadd.s32 $0x10, s7;
	[tilespmem:s10+$0x0] =	vst v5  }
.LBB2_203:
0x67c: {  	s5 =	sld [smem:$0x7E4];
	_ =	sdelay $0x2  }
0x67d: {  	s6 =	ssub.s32 s5, s4  }
0x67e: {  	s5 =	sshrl.u32 s6, $0x1E  }
0x67f: {  	s5 =	sadd.s32 s5, s6  }
0x680: {  	s7 =	sand.u32 $0xFFFFFFFC, s5  }
0x681: {  	p0 =	slt.s32 s7, $0x1  }
.Ltmp163:
0x682: {  	_ = 	snop;
	(pc) =	sbr.rel @p0 .LBB2_207-.Ltmp163, $2  }
0x683: {  	_ =	sdelay $0x2  }
0x684: {  	s5 =	sadd.s32 s4, s7  }
0x685: {  	s9 =	sshrl.u32 s8, $0x4;
	s11 =	sshll.u32 s0, $0x7  }
0x686: {  	s19 =	sand.u32 $0xFFFFFFF0, s8;
	s4 =	sadd.s32 $0x4, s4;
	s10 =	sshll.u32 s9, $0x6;
	v4 =	vmov s11  }
0x687: {  	s13 =	sshll.u32 s9, $0x7;
	s8 =	sadd.s32 $0x30, s19;
	s10 =	sshra.s32 s10, $0x2  }
0x688: {  	s9 =	sadd.s32 $0x180, s13;
	s20 =	sand.u32 $0x70, s8;
	s29 =	sadd.s32 $0xFFFFFFE0, s8  }
0x689: {  	s30 =	sadd.s32 $0x80, s13;
	s12 =	sadd.s32 $0xFFFFFFD0, s8;
	v5 =	vmov s10;
	s9 =	sand.u32 $0xFFFFFC00, s9  }
0x68a: {  	s16 =	sand.u32 $0xFFFFFC00, s13;
	s12 =	sand.u32 $0x70, s12;
	s9 =	sor.u32 s20, s9  }
0x68b: {  	s11 =	sand.u32 $0x70, s29;
	s17 =	sand.u32 $0xFFFFFC00, s30;
	s10 =	sor.u32 s12, s16;
	v10 =	vld.idx.msk [tilespmem:v4+s9+$0x10000 ss:$0x1], $0xffff  }
0x68c: {  	p0 =	slt.s32 s4, s5;
	s12 =	sor.u32 s11, s17;
	v12 =	vld.idx.msk [tilespmem:v4+s10+$0x10000 ss:$0x1], $0xffff  }
.Ltmp164:
0x68d: {  	v11 =	vld.idx.msk [tilespmem:v4+s12+$0x10000 ss:$0x1], $0xffff;
	(pc) =	sbr.rel @!p0 .LBB2_206-.Ltmp164, $4  }
0x68e: {  	v7 =	vld.idx.msk [tilespmem:v5+s2+$0x0 ss:$0x1], $0xffff  }
0x68f: {  	s14 =	sadd.s32 $0xFFFFFFF0, s8;
	s15 =	sadd.s32 $0x100, s13;
	v8 =	vld.idx.msk [tilespmem:v5+s2+$0xFFFFFFE0 ss:$0x1], $0xffff  }
0x690: {  	s14 =	sand.u32 $0x70, s14;
	s15 =	sand.u32 $0xFFFFFC00, s15;
	v9 =	vld.idx.msk [tilespmem:v5+s2+$0xFFFFFFF0 ss:$0x1], $0xffff  }
0x691: {  	s13 =	sadd.s32 $0x200, s13;
	s11 =	sor.u32 s14, s15;
	s14 =	sadd.s32 $0x40, s2;
	v6 =	vld.idx.msk [tilespmem:v5+s2+$0xFFFFFFD0 ss:$0x1], $0xffff  }
.LBB2_205:
0x692: {  	s15 =	sadd.s32 $0x180, s13  }
0x693: {  	s4 =	sadd.s32 $0x4, s4;
	v13 =	vld.idx.msk [tilespmem:v4+s11+$0x10000 ss:$0x1], $0xffff;
	v10 =	vadd.f32 v7, v10;
	s8 =	sadd.s32 $0x40, s8;
	s18 =	sadd.s32 $0x80, s13  }
0x694: {  	v15 =	vmov v8;
	v14 =	vld.idx.msk [tilespmem:v5+s14+$0xFFFFFFD0 ss:$0x1], $0xffff;
	s16 =	sand.u32 $0x70, s8;
	s15 =	sand.u32 $0xFFFFFC00, s15;
	p0 =	slt.s32 s4, s5  }
0x695: {  	s19 =	sadd.s32 $0x100, s13;
	s17 =	sadd.s32 $0xFFFFFFE0, s8;
	v16 =	vmov v9;
	v7 =	vld.idx.msk [tilespmem:v5+s14+$0x0 ss:$0x1], $0xffff;
	[tilespmem:v4+s9+$0x10000 ss:$0x1] =	vst.idx.msk $0xffff, v10;
	s9 =	sor.u32 s16, s15  }
0x696: {  	s18 =	sand.u32 $0xFFFFFC00, s18;
	s15 =	sadd.s32 $0xFFFFFFD0, s8;
	s16 =	sadd.s32 $0xFFFFFFF0, s8;
	v10 =	vld.idx.msk [tilespmem:v4+s9+$0x10000 ss:$0x1], $0xffff  }
.Ltmp165:
0x697: {  	s17 =	sand.u32 $0x70, s17;
	s15 =	sand.u32 $0x70, s15;
	v17 =	vadd.f32 v6, v12;
	v8 =	vld.idx.msk [tilespmem:v5+s14+$0xFFFFFFE0 ss:$0x1], $0xffff;
	(pc) =	sbr.rel @p0 .LBB2_205-.Ltmp165, $4  }
0x698: {  	s20 =	sand.u32 $0xFFFFFC00, s13;
	s19 =	sand.u32 $0xFFFFFC00, s19;
	s16 =	sand.u32 $0x70, s16;
	v11 =	vadd.f32 v15, v11;
	v9 =	vld.idx.msk [tilespmem:v5+s14+$0xFFFFFFF0 ss:$0x1], $0xffff  }
0x699: {  	s17 =	sor.u32 s17, s18;
	s16 =	sor.u32 s16, s19;
	v13 =	vadd.f32 v16, v13;
	[tilespmem:v4+s10+$0x10000 ss:$0x1] =	vst.idx.msk $0xffff, v17;
	s10 =	sor.u32 s15, s20  }
0x69a: {  	v6 =	vmov v14;
	v12 =	vld.idx.msk [tilespmem:v4+s10+$0x10000 ss:$0x1], $0xffff;
	[tilespmem:v4+s12+$0x10000 ss:$0x1] =	vst.idx.msk $0xffff, v11;
	s12 =	smov.u32 s17  }
0x69b: {  	s13 =	sadd.s32 $0x200, s13;
	s14 =	sadd.s32 $0x40, s14;
	v11 =	vld.idx.msk [tilespmem:v4+s12+$0x10000 ss:$0x1], $0xffff;
	[tilespmem:v4+s11+$0x10000 ss:$0x1] =	vst.idx.msk $0xffff, v13;
	s11 =	smov.u32 s16  }
.LBB2_206:
0x69c: {  	_ =	sdelay $0x3  }
0x69d: {  	v5 =	vld.idx.msk [tilespmem:v4+s11+$0x10000 ss:$0x1], $0xffff;
	_ =	sdelay $0x1  }
0x69e: {  	v7 =	vadd.f32 v7, v10  }
0x69f: {  	v6 =	vadd.f32 v6, v12  }
0x6a0: {  	[tilespmem:v4+s9+$0x10000 ss:$0x1] =	vst.idx.msk $0xffff, v7;
	v63 =	vadd.f32 v8, v11  }
0x6a1: {  	v5 =	vadd.f32 v9, v5;
	[tilespmem:v4+s10+$0x10000 ss:$0x1] =	vst.idx.msk $0xffff, v6  }
0x6a2: {  	[tilespmem:v4+s12+$0x10000 ss:$0x1] =	vst.idx.msk $0xffff, v63  }
0x6a3: {  	[tilespmem:v4+s11+$0x10000 ss:$0x1] =	vst.idx.msk $0xffff, v5  }
.LBB2_207:
0x6a4: {  	p0 =	sgt.s32 s5, s28  }
.Ltmp166:
0x6a5: {  	_ = 	snop;
	(pc) =	sbr.rel @p0 .LBB2_210-.Ltmp166, $1  }
0x6a6: {  	_ =	sdelay $0x3  }
0x6a7: {  	s6 =	ssub.s32 s6, s7  }
0x6a8: {  	s4 =	sshll.u32 s0, $0x7;
	s7 =	sshll.u32 s6, $0x6  }
0x6a9: {  	s8 =	rddreg [dreg:$0x7];
	s4 =	sand.u32 $0x3FFFFF80, s4;
	s7 =	ssub.s32 $0x0, s7  }
0x6aa: {  	s6 =	ssub.s32 s8, s6;
	s4 =	sadd.s32 $0x10000, s4;
	s30 =	sshra.s32 s7, $0x2  }
0x6ab: {  	s7 =	sshll.u32 s5, $0x7;
	s5 =	sshll.u32 s5, $0x4;
	s8 =	sadd.s32 s30, s1  }
.LBB2_209:
0x6ac: {  	s9 =	sand.u32 $0xFFFFFC00, s7  }
0x6ad: {  	s10 =	sand.u32 $0x70, s5;
	s9 =	sadd.s32 s9, s4  }
0x6ae: {  	v5 =	vld [tilespmem:s8+$0x0];
	s9 =	sadd.s32 s10, s9  }
0x6af: {  	v4 =	vld [tilespmem:s9+$0x0]  }
0x6b0: {  	s6 =	sadd.s32 $0x1, s6  }
0x6b1: {  	p0 =	slt.s32 s6, s28  }
.Ltmp167:
0x6b2: {  	_ = 	snop;
	(pc) =	sbr.rel @p0 .LBB2_209-.Ltmp167, $3  }
0x6b3: {  	_ = 	snop  }
0x6b4: {  	v4 =	vadd.f32 v5, v4;
	_ =	sdelay $0x1  }
0x6b5: {  	s7 =	sadd.s32 $0x80, s7;
	s8 =	sadd.s32 $0x10, s8;
	s5 =	sadd.s32 $0x10, s5;
	[tilespmem:s9+$0x0] =	vst v4  }
.Ltmp168:
0x6b6: {  	_ = 	snop;
	(pc) =	sbr.rel .LBB2_210-.Ltmp168, $1  }
0x6b7: {  	_ =	sdelay $0x3  }
.LBB2_194:
.Ltmp169:
0x6b8: {  	(pc) =	sbr.rel .LBB2_219-.Ltmp169, $2  }
0x6b9: {  	_ =	sdelay $0x2  }
0x6ba: {  	s8 =	smov.u32 s6  }
.LBB2_216:
.Ltmp170:
0x6bb: {  	(pc) =	sbr.rel .LBB2_219-.Ltmp170, $2  }
0x6bc: {  	_ =	sdelay $0x2  }
0x6bd: {  	s12 =	smov.u32 s11  }
.LBB2_211:
0x6be: {  	s0 =	simm.s32 $0x8  }
0x6bf: {  	_ =	swait.ge [sflag:s0], $0x4000  }
0x6c0: {  	[sflag:s0] =	ssyncset.done $0x0  }
0x6c1: {  	s30 =	simm.s32 $0x5;
	[sflag:s0] =	ssyncadd.s32 $0xFFFFC000  }
0x6c2: {  	_ =	swait.ge [sflag:s30], $0x4000  }
0x6c3: {  	s1 =	rddreg [dreg:$0x1d]  }
0x6c4: {  	s2 =	simm.s32 $0x10000;
	s3 =	sld [smem:$0x7F8]  }
.Ltmp171:
0x6c5: {  	[sflag:s30] =	ssyncset.done $0x0;
	s23 =	rddreg [dreg:$0xc];
	(pc) =	sbr.rel .LBB2_212-.Ltmp171, $4  }
0x6c6: {  	s0 =	simm.s32 $0x0;
	s21 =	sld [smem:$0x7E3];
	[sflag:s30] =	ssyncadd.s32 $0xFFFFC000  }
0x6c7: {  	[hbm4b:s1+s0] =	stream.linear.scatter [tilespmem:s2], [sflag:$0xA], $0x4000, $0x38;
	[tilespmem:$0x1C000] =	vst v63  }
0x6c8: {  	s1 =	sld [smem:$0x7D5]  }
0x6c9: {  	s2 =	sld [smem:$0x7D4]  }
.LBB2_230:
0x6ca: {  	s0 =	sadd.s32 $0x1, s0  }
0x6cb: {  	p0 =	sne.s32 s0, $0x8  }
.Ltmp172:
0x6cc: {  	_ = 	snop;
	(pc) =	sbr.rel @!p0 .LBB2_231-.Ltmp172, $2  }
0x6cd: {  	_ =	sdelay $0x2  }
0x6ce: {  	s3 =	sadd.s32 $0x1, s3;
	s2 =	sadd.s32 $0xFFFFFFFF, s2;
	s1 =	sadd.s32 $0xFFFFFFFF, s1  }
.LBB2_212:
0x6cf: {  	s4 =	rddreg [dreg:$0x1f]  }
0x6d0: {  	s4 =	sor.u32 s4, s0  }
0x6d1: {  	s4 =	smax.u32 s4, $0x1FF  }
0x6d2: {  	s4 =	sadd.s32 $0xFFFFFE01, s4  }
0x6d3: {  	s4 =	sshrl.u32 s4, $0x4  }
0x6d4: {  	s5 =	sand.u32 $0x7C, s4  }
0x6d5: {  	p0 =	seq.s32 s5, $0x0  }
.Ltmp173:
0x6d6: {  	s6 =	rddreg [dreg:$0x1e];
	(pc) =	sbr.rel @p0 .LBB2_220-.Ltmp173, $1  }
0x6d7: {  	v4 =	vld [tilespmem:s6+$0x0];
	_ =	sdelay $0x3  }
0x6d8: {  	s7 =	sshll.u32 s0, $0x7;
	s6 =	simm.s32 $0x0  }
0x6d9: {  	p1 =	sgt.u32 s5, $0x4;
	v5 =	vmov s7;
	s8 =	sand.u32 $0x40, s6;
	s6 =	sand.u32 $0x7FFFFC00, s6  }
.Ltmp174:
0x6da: {  	s12 =	sor.u32 s8, s6;
	(pc) =	sbr.rel @!p1 .LBB2_214-.Ltmp174, $4  }
0x6db: {  	s6 =	sadd.s32 s7, s12  }
0x6dc: {  	s6 =	sadd.s32 $0x14000, s6  }
0x6dd: {  	v6 =	vld [tilespmem:s6+$0x20]  }
0x6de: {  	p0 =	por $0x0, $0x0;
	v8 =	vld.idx.msk [tilespmem:v5+s12+$0x14000 ss:$0x1], $0xffff  }
0x6df: {  	_ = 	snop  }
0x6e0: {  	v10 =	vld [tilespmem:s6+$0x30];
	s9 =	simm.s32 $0x200;
	s10 =	simm.s32 $0x40;
	p1 =	sgt.u32 s5, $0x8  }
.Ltmp175:
0x6e1: {  	s8 =	sand.u32 $0x40, s10;
	s11 =	sand.u32 $0x7FFFFC00, s9;
	(pc) =	sbr.rel @!p1 .LBB2_236-.Ltmp175, $4  }
0x6e2: {  	v7 =	vld [tilespmem:s6+$0x10];
	s11 =	sor.u32 s8, s11  }
0x6e3: {  	s8 =	sadd.s32 s7, s11;
	v11 =	vadd.f32 v8, v4  }
0x6e4: {  	v8 =	vld.idx.msk [tilespmem:v5+s11+$0x14000 ss:$0x1], $0xffff;
	s8 =	sadd.s32 $0x14000, s8  }
0x6e5: {  	s13 =	simm.s32 $0x8;
	p0 =	por $0x1, $0x1;
	v9 =	vadd.f32 v6, v4;
	v6 =	vld [tilespmem:s8+$0x20];
	v10 =	vadd.f32 v10, v4;
	[tilespmem:v5+s12+$0x14000 ss:$0x1] =	vst.idx.msk $0xffff, v11  }
.LBB2_237:
0x6e6: {  	s13 =	sadd.s32 $0x4, s13  }
0x6e7: {  	v11 =	vld [tilespmem:s8+$0x30];
	s9 =	sadd.s32 $0x200, s9;
	s10 =	sadd.s32 $0x40, s10;
	v12 =	vadd.f32 v7, v4;
	[tilespmem:s6+$0x20] =	vst v9;
	p1 =	slt.u32 s13, s5  }
.Ltmp176:
0x6e8: {  	s12 =	sand.u32 $0x40, s10;
	s14 =	sand.u32 $0x7FFFFC00, s9;
	v7 =	vld [tilespmem:s8+$0x10];
	[tilespmem:s6+$0x30] =	vst v10;
	(pc) =	sbr.rel @p1 .LBB2_237-.Ltmp176, $4  }
0x6e9: {  	s12 =	sor.u32 s12, s14;
	[tilespmem:s6+$0x10] =	vst v12;
	s6 =	smov.u32 s8  }
0x6ea: {  	v10 =	vadd.f32 v8, v4;
	s8 =	sadd.s32 s7, s12;
	v8 =	vld.idx.msk [tilespmem:v5+s12+$0x14000 ss:$0x1], $0xffff  }
0x6eb: {  	s8 =	sadd.s32 $0x14000, s8;
	v9 =	vadd.f32 v6, v4  }
0x6ec: {  	v6 =	vld [tilespmem:s8+$0x20];
	[tilespmem:v5+s11+$0x14000 ss:$0x1] =	vst.idx.msk $0xffff, v10;
	v10 =	vadd.f32 v11, v4;
	s11 =	smov.u32 s12  }
0x6ed: {  	s12 =	smov.u32 s11  }
.LBB2_239:
0x6ee: {  	v11 =	vld [tilespmem:s8+$0x30]  }
0x6ef: {  	v12 =	vld [tilespmem:s8+$0x10]  }
0x6f0: {  	v7 =	vadd.f32 @p0 v7, v4;
	[tilespmem:s6+$0x20] =	vst @p0 v9  }
0x6f1: {  	[tilespmem:s6+$0x30] =	vst @p0 v10;
	v8 =	vadd.f32 v8, v4  }
0x6f2: {  	[tilespmem:s6+$0x10] =	vst @p0 v7;
	v6 =	vadd.f32 v6, v4  }
0x6f3: {  	[tilespmem:v5+s12+$0x14000 ss:$0x1] =	vst.idx.msk $0xffff, v8;
	v5 =	vadd.f32 v11, v4  }
0x6f4: {  	v7 =	vadd.f32 v12, v4;
	[tilespmem:s8+$0x20] =	vst v6  }
0x6f5: {  	[tilespmem:s8+$0x30] =	vst v5  }
0x6f6: {  	[tilespmem:s8+$0x10] =	vst v7  }
.LBB2_220:
0x6f7: {  	p0 =	seq.s32 s5, s4  }
.Ltmp177:
0x6f8: {  	_ = 	snop;
	(pc) =	sbr.rel @p0 .LBB2_223-.Ltmp177, $3  }
0x6f9: {  	_ =	sdelay $0x1  }
0x6fa: {  	s6 =	smax.u32 s3, $0x1FF  }
0x6fb: {  	s8 =	sadd.s32 $0xFFFFFE01, s6  }
0x6fc: {  	s6 =	sshrl.u32 s8, $0x6;
	s7 =	sshll.u32 s0, $0x7  }
0x6fd: {  	s9 =	sand.u32 $0x1F, s6;
	s10 =	sand.u32 $0x3FFFFF80, s7  }
0x6fe: {  	s6 =	sshll.u32 s9, $0x9;
	s7 =	sshll.u32 s9, $0x6;
	s9 =	sadd.s32 $0x14000, s10  }
.LBB2_222:
0x6ff: {  	s10 =	sand.u32 $0x7FFFFC00, s6  }
0x700: {  	s11 =	sand.u32 $0x70, s7;
	s10 =	sadd.s32 s10, s9  }
0x701: {  	s10 =	sadd.s32 s11, s10  }
0x702: {  	v5 =	vld [tilespmem:s10+$0x0]  }
0x703: {  	s5 =	sadd.s32 $0x1, s5  }
0x704: {  	p0 =	slt.u32 s5, s4  }
.Ltmp178:
0x705: {  	_ = 	snop;
	(pc) =	sbr.rel @p0 .LBB2_222-.Ltmp178, $3  }
0x706: {  	_ = 	snop  }
0x707: {  	v5 =	vadd.f32 v5, v4;
	_ =	sdelay $0x1  }
0x708: {  	s6 =	sadd.s32 $0x80, s6;
	s7 =	sadd.s32 $0x10, s7;
	[tilespmem:s10+$0x0] =	vst v5  }
.LBB2_223:
0x709: {  	s5 =	sld [smem:$0x7E5];
	_ =	sdelay $0x2  }
0x70a: {  	s6 =	ssub.s32 s5, s4  }
0x70b: {  	s5 =	sshrl.u32 s6, $0x1E  }
0x70c: {  	s5 =	sadd.s32 s5, s6  }
0x70d: {  	s7 =	sand.u32 $0xFFFFFFFC, s5  }
0x70e: {  	p0 =	slt.s32 s7, $0x1  }
.Ltmp179:
0x70f: {  	_ = 	snop;
	(pc) =	sbr.rel @p0 .LBB2_227-.Ltmp179, $2  }
0x710: {  	_ =	sdelay $0x2  }
0x711: {  	s5 =	sadd.s32 s4, s7  }
0x712: {  	s9 =	sshrl.u32 s8, $0x4;
	s11 =	sshll.u32 s0, $0x7  }
0x713: {  	s20 =	sand.u32 $0xFFFFFFF0, s8;
	s4 =	sadd.s32 $0x4, s4;
	s10 =	sshll.u32 s9, $0x6;
	v4 =	vmov s11  }
0x714: {  	s13 =	sshll.u32 s9, $0x7;
	s8 =	sadd.s32 $0x30, s20;
	s10 =	sshra.s32 s10, $0x2  }
0x715: {  	s9 =	sadd.s32 $0x180, s13;
	s28 =	sand.u32 $0x70, s8;
	s29 =	sadd.s32 $0xFFFFFFE0, s8  }
0x716: {  	s30 =	sadd.s32 $0x80, s13;
	s12 =	sadd.s32 $0xFFFFFFD0, s8;
	v5 =	vmov s10;
	s9 =	sand.u32 $0xFFFFFC00, s9  }
0x717: {  	s16 =	sand.u32 $0xFFFFFC00, s13;
	s12 =	sand.u32 $0x70, s12;
	s9 =	sor.u32 s28, s9  }
0x718: {  	s11 =	sand.u32 $0x70, s29;
	s17 =	sand.u32 $0xFFFFFC00, s30;
	s10 =	sor.u32 s12, s16;
	v10 =	vld.idx.msk [tilespmem:v4+s9+$0x14000 ss:$0x1], $0xffff  }
0x719: {  	p0 =	slt.s32 s4, s5;
	s12 =	sor.u32 s11, s17;
	v12 =	vld.idx.msk [tilespmem:v4+s10+$0x14000 ss:$0x1], $0xffff  }
.Ltmp180:
0x71a: {  	v11 =	vld.idx.msk [tilespmem:v4+s12+$0x14000 ss:$0x1], $0xffff;
	(pc) =	sbr.rel @!p0 .LBB2_226-.Ltmp180, $4  }
0x71b: {  	v7 =	vld.idx.msk [tilespmem:v5+s2+$0x0 ss:$0x1], $0xffff  }
0x71c: {  	s14 =	sadd.s32 $0xFFFFFFF0, s8;
	s15 =	sadd.s32 $0x100, s13;
	v8 =	vld.idx.msk [tilespmem:v5+s2+$0xFFFFFFE0 ss:$0x1], $0xffff  }
0x71d: {  	s14 =	sand.u32 $0x70, s14;
	s15 =	sand.u32 $0xFFFFFC00, s15;
	v9 =	vld.idx.msk [tilespmem:v5+s2+$0xFFFFFFF0 ss:$0x1], $0xffff  }
0x71e: {  	s13 =	sadd.s32 $0x200, s13;
	s11 =	sor.u32 s14, s15;
	s14 =	sadd.s32 $0x40, s2;
	v6 =	vld.idx.msk [tilespmem:v5+s2+$0xFFFFFFD0 ss:$0x1], $0xffff  }
.LBB2_225:
0x71f: {  	s15 =	sadd.s32 $0x180, s13  }
0x720: {  	s4 =	sadd.s32 $0x4, s4;
	v13 =	vld.idx.msk [tilespmem:v4+s11+$0x14000 ss:$0x1], $0xffff;
	v10 =	vadd.f32 v7, v10;
	s8 =	sadd.s32 $0x40, s8;
	s18 =	sadd.s32 $0x80, s13  }
0x721: {  	v15 =	vmov v8;
	v14 =	vld.idx.msk [tilespmem:v5+s14+$0xFFFFFFD0 ss:$0x1], $0xffff;
	s16 =	sand.u32 $0x70, s8;
	s15 =	sand.u32 $0xFFFFFC00, s15;
	p0 =	slt.s32 s4, s5  }
0x722: {  	s19 =	sadd.s32 $0x100, s13;
	s17 =	sadd.s32 $0xFFFFFFE0, s8;
	v16 =	vmov v9;
	v7 =	vld.idx.msk [tilespmem:v5+s14+$0x0 ss:$0x1], $0xffff;
	[tilespmem:v4+s9+$0x14000 ss:$0x1] =	vst.idx.msk $0xffff, v10;
	s9 =	sor.u32 s16, s15  }
0x723: {  	s18 =	sand.u32 $0xFFFFFC00, s18;
	s15 =	sadd.s32 $0xFFFFFFD0, s8;
	s16 =	sadd.s32 $0xFFFFFFF0, s8;
	v10 =	vld.idx.msk [tilespmem:v4+s9+$0x14000 ss:$0x1], $0xffff  }
.Ltmp181:
0x724: {  	s17 =	sand.u32 $0x70, s17;
	s15 =	sand.u32 $0x70, s15;
	v17 =	vadd.f32 v6, v12;
	v8 =	vld.idx.msk [tilespmem:v5+s14+$0xFFFFFFE0 ss:$0x1], $0xffff;
	(pc) =	sbr.rel @p0 .LBB2_225-.Ltmp181, $4  }
0x725: {  	s20 =	sand.u32 $0xFFFFFC00, s13;
	s19 =	sand.u32 $0xFFFFFC00, s19;
	s16 =	sand.u32 $0x70, s16;
	v11 =	vadd.f32 v15, v11;
	v9 =	vld.idx.msk [tilespmem:v5+s14+$0xFFFFFFF0 ss:$0x1], $0xffff  }
0x726: {  	s17 =	sor.u32 s17, s18;
	s16 =	sor.u32 s16, s19;
	v13 =	vadd.f32 v16, v13;
	[tilespmem:v4+s10+$0x14000 ss:$0x1] =	vst.idx.msk $0xffff, v17;
	s10 =	sor.u32 s15, s20  }
0x727: {  	v6 =	vmov v14;
	v12 =	vld.idx.msk [tilespmem:v4+s10+$0x14000 ss:$0x1], $0xffff;
	[tilespmem:v4+s12+$0x14000 ss:$0x1] =	vst.idx.msk $0xffff, v11;
	s12 =	smov.u32 s17  }
0x728: {  	s13 =	sadd.s32 $0x200, s13;
	s14 =	sadd.s32 $0x40, s14;
	v11 =	vld.idx.msk [tilespmem:v4+s12+$0x14000 ss:$0x1], $0xffff;
	[tilespmem:v4+s11+$0x14000 ss:$0x1] =	vst.idx.msk $0xffff, v13;
	s11 =	smov.u32 s16  }
.LBB2_226:
0x729: {  	_ =	sdelay $0x3  }
0x72a: {  	v5 =	vld.idx.msk [tilespmem:v4+s11+$0x14000 ss:$0x1], $0xffff;
	_ =	sdelay $0x1  }
0x72b: {  	v7 =	vadd.f32 v7, v10  }
0x72c: {  	v6 =	vadd.f32 v6, v12  }
0x72d: {  	[tilespmem:v4+s9+$0x14000 ss:$0x1] =	vst.idx.msk $0xffff, v7;
	v63 =	vadd.f32 v8, v11  }
0x72e: {  	v5 =	vadd.f32 v9, v5;
	[tilespmem:v4+s10+$0x14000 ss:$0x1] =	vst.idx.msk $0xffff, v6  }
0x72f: {  	[tilespmem:v4+s12+$0x14000 ss:$0x1] =	vst.idx.msk $0xffff, v63  }
0x730: {  	[tilespmem:v4+s11+$0x14000 ss:$0x1] =	vst.idx.msk $0xffff, v5  }
.LBB2_227:
0x731: {  	p0 =	sgt.s32 s5, s21  }
.Ltmp182:
0x732: {  	_ = 	snop;
	(pc) =	sbr.rel @p0 .LBB2_230-.Ltmp182, $1  }
0x733: {  	_ =	sdelay $0x3  }
0x734: {  	s6 =	ssub.s32 s6, s7;
	s8 =	sld [smem:$0x7F7]  }
0x735: {  	s4 =	sshll.u32 s0, $0x7;
	s7 =	sshll.u32 s6, $0x6  }
0x736: {  	s4 =	sand.u32 $0x3FFFFF80, s4;
	s7 =	ssub.s32 $0x0, s7  }
0x737: {  	s4 =	sadd.s32 $0x14000, s4;
	s6 =	ssub.s32 s8, s6;
	s30 =	sshra.s32 s7, $0x2  }
0x738: {  	s7 =	sshll.u32 s5, $0x7;
	s5 =	sshll.u32 s5, $0x4;
	s8 =	sadd.s32 s30, s1  }
.LBB2_229:
0x739: {  	s9 =	sand.u32 $0xFFFFFC00, s7  }
0x73a: {  	s10 =	sand.u32 $0x70, s5;
	s9 =	sadd.s32 s9, s4  }
0x73b: {  	v5 =	vld [tilespmem:s8+$0x0];
	s9 =	sadd.s32 s10, s9  }
0x73c: {  	v4 =	vld [tilespmem:s9+$0x0]  }
0x73d: {  	s6 =	sadd.s32 $0x1, s6  }
0x73e: {  	p0 =	slt.s32 s6, s21  }
.Ltmp183:
0x73f: {  	_ = 	snop;
	(pc) =	sbr.rel @p0 .LBB2_229-.Ltmp183, $3  }
0x740: {  	_ = 	snop  }
0x741: {  	v4 =	vadd.f32 v5, v4;
	_ =	sdelay $0x1  }
0x742: {  	s7 =	sadd.s32 $0x80, s7;
	s8 =	sadd.s32 $0x10, s8;
	s5 =	sadd.s32 $0x10, s5;
	[tilespmem:s9+$0x0] =	vst v4  }
.Ltmp184:
0x743: {  	_ = 	snop;
	(pc) =	sbr.rel .LBB2_230-.Ltmp184, $1  }
0x744: {  	_ =	sdelay $0x3  }
.LBB2_214:
.Ltmp185:
0x745: {  	(pc) =	sbr.rel .LBB2_239-.Ltmp185, $2  }
0x746: {  	_ =	sdelay $0x2  }
0x747: {  	s8 =	smov.u32 s6  }
.LBB2_236:
.Ltmp186:
0x748: {  	(pc) =	sbr.rel .LBB2_239-.Ltmp186, $2  }
0x749: {  	_ =	sdelay $0x2  }
0x74a: {  	s12 =	smov.u32 s11  }
.LBB2_231:
0x74b: {  	s0 =	simm.s32 $0x9  }
0x74c: {  	_ =	swait.ge [sflag:s0], $0x4000  }
0x74d: {  	[sflag:s0] =	ssyncset.done $0x0  }
0x74e: {  	s30 =	simm.s32 $0x6;
	[sflag:s0] =	ssyncadd.s32 $0xFFFFC000  }
0x74f: {  	_ =	swait.ge [sflag:s30], $0x4000  }
0x750: {  	s2 =	simm.s32 $0x14000;
	s1 =	sld [smem:$0x7C5]  }
.Ltmp187:
0x751: {  	[sflag:s30] =	ssyncset.done $0x0;
	s3 =	sld [smem:$0x7D6];
	(pc) =	sbr.rel .LBB2_232-.Ltmp187, $4  }
0x752: {  	s0 =	simm.s32 $0x0;
	s21 =	sld [smem:$0x7E7];
	[sflag:s30] =	ssyncadd.s32 $0xFFFFC000  }
0x753: {  	[hbm4b:s1+s0] =	stream.linear.scatter [tilespmem:s2], [sflag:$0xB], $0x4000, $0x38;
	[tilespmem:$0x1C000] =	vst v63  }
0x754: {  	s1 =	sld [smem:$0x7D8]  }
0x755: {  	s2 =	sld [smem:$0x7D7]  }
.LBB2_250:
0x756: {  	s0 =	sadd.s32 $0x1, s0  }
0x757: {  	p0 =	sne.s32 s0, $0x8  }
.Ltmp188:
0x758: {  	_ = 	snop;
	(pc) =	sbr.rel @!p0 .LBB2_251-.Ltmp188, $2  }
0x759: {  	_ =	sdelay $0x2  }
0x75a: {  	s3 =	sadd.s32 $0x1, s3;
	s2 =	sadd.s32 $0xFFFFFFFF, s2;
	s1 =	sadd.s32 $0xFFFFFFFF, s1  }
.LBB2_232:
0x75b: {  	s4 =	sld [smem:$0x7E6];
	_ =	sdelay $0x2  }
0x75c: {  	s4 =	sor.u32 s4, s0  }
0x75d: {  	s4 =	smax.u32 s4, $0x1FF  }
0x75e: {  	s4 =	sadd.s32 $0xFFFFFE01, s4  }
0x75f: {  	s4 =	sshrl.u32 s4, $0x4  }
0x760: {  	s6 =	sld [smem:$0x7C6];
	s5 =	sand.u32 $0x7C, s4  }
0x761: {  	p0 =	seq.s32 s5, $0x0  }
.Ltmp189:
0x762: {  	_ = 	snop;
	(pc) =	sbr.rel @p0 .LBB2_240-.Ltmp189, $1  }
0x763: {  	v4 =	vld [tilespmem:s6+$0x0];
	_ =	sdelay $0x3  }
0x764: {  	s7 =	sshll.u32 s0, $0x7;
	s6 =	simm.s32 $0x0  }
0x765: {  	p1 =	sgt.u32 s5, $0x4;
	v5 =	vmov s7;
	s8 =	sand.u32 $0x40, s6;
	s6 =	sand.u32 $0x7FFFFC00, s6  }
.Ltmp190:
0x766: {  	s12 =	sor.u32 s8, s6;
	(pc) =	sbr.rel @!p1 .LBB2_234-.Ltmp190, $4  }
0x767: {  	s6 =	sadd.s32 s7, s12  }
0x768: {  	s6 =	sadd.s32 $0x18000, s6  }
0x769: {  	v6 =	vld [tilespmem:s6+$0x20]  }
0x76a: {  	p0 =	por $0x0, $0x0;
	v8 =	vld.idx.msk [tilespmem:v5+s12+$0x18000 ss:$0x1], $0xffff  }
0x76b: {  	_ = 	snop  }
0x76c: {  	v10 =	vld [tilespmem:s6+$0x30];
	s9 =	simm.s32 $0x200;
	s10 =	simm.s32 $0x40;
	p1 =	sgt.u32 s5, $0x8  }
.Ltmp191:
0x76d: {  	s8 =	sand.u32 $0x40, s10;
	s11 =	sand.u32 $0x7FFFFC00, s9;
	(pc) =	sbr.rel @!p1 .LBB2_254-.Ltmp191, $4  }
0x76e: {  	v7 =	vld [tilespmem:s6+$0x10];
	s11 =	sor.u32 s8, s11  }
0x76f: {  	s8 =	sadd.s32 s7, s11;
	v11 =	vadd.f32 v8, v4  }
0x770: {  	v8 =	vld.idx.msk [tilespmem:v5+s11+$0x18000 ss:$0x1], $0xffff;
	s8 =	sadd.s32 $0x18000, s8  }
0x771: {  	s13 =	simm.s32 $0x8;
	p0 =	por $0x1, $0x1;
	v9 =	vadd.f32 v6, v4;
	v6 =	vld [tilespmem:s8+$0x20];
	v10 =	vadd.f32 v10, v4;
	[tilespmem:v5+s12+$0x18000 ss:$0x1] =	vst.idx.msk $0xffff, v11  }
.LBB2_255:
0x772: {  	s13 =	sadd.s32 $0x4, s13  }
0x773: {  	v11 =	vld [tilespmem:s8+$0x30];
	s9 =	sadd.s32 $0x200, s9;
	s10 =	sadd.s32 $0x40, s10;
	v12 =	vadd.f32 v7, v4;
	[tilespmem:s6+$0x20] =	vst v9;
	p1 =	slt.u32 s13, s5  }
.Ltmp192:
0x774: {  	s12 =	sand.u32 $0x40, s10;
	s14 =	sand.u32 $0x7FFFFC00, s9;
	v7 =	vld [tilespmem:s8+$0x10];
	[tilespmem:s6+$0x30] =	vst v10;
	(pc) =	sbr.rel @p1 .LBB2_255-.Ltmp192, $4  }
0x775: {  	s12 =	sor.u32 s12, s14;
	[tilespmem:s6+$0x10] =	vst v12;
	s6 =	smov.u32 s8  }
0x776: {  	v10 =	vadd.f32 v8, v4;
	s8 =	sadd.s32 s7, s12;
	v8 =	vld.idx.msk [tilespmem:v5+s12+$0x18000 ss:$0x1], $0xffff  }
0x777: {  	s8 =	sadd.s32 $0x18000, s8;
	v9 =	vadd.f32 v6, v4  }
0x778: {  	v6 =	vld [tilespmem:s8+$0x20];
	[tilespmem:v5+s11+$0x18000 ss:$0x1] =	vst.idx.msk $0xffff, v10;
	v10 =	vadd.f32 v11, v4;
	s11 =	smov.u32 s12  }
0x779: {  	s12 =	smov.u32 s11  }
.LBB2_257:
0x77a: {  	v11 =	vld [tilespmem:s8+$0x30]  }
0x77b: {  	v12 =	vld [tilespmem:s8+$0x10]  }
0x77c: {  	v7 =	vadd.f32 @p0 v7, v4;
	[tilespmem:s6+$0x20] =	vst @p0 v9  }
0x77d: {  	[tilespmem:s6+$0x30] =	vst @p0 v10;
	v8 =	vadd.f32 v8, v4  }
0x77e: {  	[tilespmem:s6+$0x10] =	vst @p0 v7;
	v6 =	vadd.f32 v6, v4  }
0x77f: {  	[tilespmem:v5+s12+$0x18000 ss:$0x1] =	vst.idx.msk $0xffff, v8;
	v5 =	vadd.f32 v11, v4  }
0x780: {  	v7 =	vadd.f32 v12, v4;
	[tilespmem:s8+$0x20] =	vst v6  }
0x781: {  	[tilespmem:s8+$0x30] =	vst v5  }
0x782: {  	[tilespmem:s8+$0x10] =	vst v7  }
.LBB2_240:
0x783: {  	p0 =	seq.s32 s5, s4  }
.Ltmp193:
0x784: {  	_ = 	snop;
	(pc) =	sbr.rel @p0 .LBB2_243-.Ltmp193, $3  }
0x785: {  	_ =	sdelay $0x1  }
0x786: {  	s6 =	smax.u32 s3, $0x1FF  }
0x787: {  	s8 =	sadd.s32 $0xFFFFFE01, s6  }
0x788: {  	s6 =	sshrl.u32 s8, $0x6;
	s7 =	sshll.u32 s0, $0x7  }
0x789: {  	s9 =	sand.u32 $0x1F, s6;
	s10 =	sand.u32 $0x3FFFFF80, s7  }
0x78a: {  	s6 =	sshll.u32 s9, $0x9;
	s7 =	sshll.u32 s9, $0x6;
	s9 =	sadd.s32 $0x18000, s10  }
.LBB2_242:
0x78b: {  	s10 =	sand.u32 $0x7FFFFC00, s6  }
0x78c: {  	s11 =	sand.u32 $0x70, s7;
	s10 =	sadd.s32 s10, s9  }
0x78d: {  	s10 =	sadd.s32 s11, s10  }
0x78e: {  	v5 =	vld [tilespmem:s10+$0x0]  }
0x78f: {  	s5 =	sadd.s32 $0x1, s5  }
0x790: {  	p0 =	slt.u32 s5, s4  }
.Ltmp194:
0x791: {  	_ = 	snop;
	(pc) =	sbr.rel @p0 .LBB2_242-.Ltmp194, $3  }
0x792: {  	_ = 	snop  }
0x793: {  	v5 =	vadd.f32 v5, v4;
	_ =	sdelay $0x1  }
0x794: {  	s6 =	sadd.s32 $0x80, s6;
	s7 =	sadd.s32 $0x10, s7;
	[tilespmem:s10+$0x0] =	vst v5  }
.LBB2_243:
0x795: {  	s5 =	sld [smem:$0x7E8];
	_ =	sdelay $0x2  }
0x796: {  	s6 =	ssub.s32 s5, s4  }
0x797: {  	s5 =	sshrl.u32 s6, $0x1E  }
0x798: {  	s5 =	sadd.s32 s5, s6  }
0x799: {  	s7 =	sand.u32 $0xFFFFFFFC, s5  }
0x79a: {  	p0 =	slt.s32 s7, $0x1  }
.Ltmp195:
0x79b: {  	_ = 	snop;
	(pc) =	sbr.rel @p0 .LBB2_247-.Ltmp195, $2  }
0x79c: {  	_ =	sdelay $0x2  }
0x79d: {  	s5 =	sadd.s32 s4, s7  }
0x79e: {  	s9 =	sshrl.u32 s8, $0x4;
	s11 =	sshll.u32 s0, $0x7  }
0x79f: {  	s20 =	sand.u32 $0xFFFFFFF0, s8;
	s4 =	sadd.s32 $0x4, s4;
	s10 =	sshll.u32 s9, $0x6;
	v4 =	vmov s11  }
0x7a0: {  	s13 =	sshll.u32 s9, $0x7;
	s8 =	sadd.s32 $0x30, s20;
	s10 =	sshra.s32 s10, $0x2  }
0x7a1: {  	s9 =	sadd.s32 $0x180, s13;
	s28 =	sand.u32 $0x70, s8;
	s29 =	sadd.s32 $0xFFFFFFE0, s8  }
0x7a2: {  	s30 =	sadd.s32 $0x80, s13;
	s12 =	sadd.s32 $0xFFFFFFD0, s8;
	v5 =	vmov s10;
	s9 =	sand.u32 $0xFFFFFC00, s9  }
0x7a3: {  	s16 =	sand.u32 $0xFFFFFC00, s13;
	s12 =	sand.u32 $0x70, s12;
	s9 =	sor.u32 s28, s9  }
0x7a4: {  	s11 =	sand.u32 $0x70, s29;
	s17 =	sand.u32 $0xFFFFFC00, s30;
	s10 =	sor.u32 s12, s16;
	v10 =	vld.idx.msk [tilespmem:v4+s9+$0x18000 ss:$0x1], $0xffff  }
0x7a5: {  	p0 =	slt.s32 s4, s5;
	s12 =	sor.u32 s11, s17;
	v12 =	vld.idx.msk [tilespmem:v4+s10+$0x18000 ss:$0x1], $0xffff  }
.Ltmp196:
0x7a6: {  	v11 =	vld.idx.msk [tilespmem:v4+s12+$0x18000 ss:$0x1], $0xffff;
	(pc) =	sbr.rel @!p0 .LBB2_246-.Ltmp196, $4  }
0x7a7: {  	v7 =	vld.idx.msk [tilespmem:v5+s2+$0x0 ss:$0x1], $0xffff  }
0x7a8: {  	s14 =	sadd.s32 $0xFFFFFFF0, s8;
	s15 =	sadd.s32 $0x100, s13;
	v8 =	vld.idx.msk [tilespmem:v5+s2+$0xFFFFFFE0 ss:$0x1], $0xffff  }
0x7a9: {  	s14 =	sand.u32 $0x70, s14;
	s15 =	sand.u32 $0xFFFFFC00, s15;
	v9 =	vld.idx.msk [tilespmem:v5+s2+$0xFFFFFFF0 ss:$0x1], $0xffff  }
0x7aa: {  	s13 =	sadd.s32 $0x200, s13;
	s11 =	sor.u32 s14, s15;
	s14 =	sadd.s32 $0x40, s2;
	v6 =	vld.idx.msk [tilespmem:v5+s2+$0xFFFFFFD0 ss:$0x1], $0xffff  }
.LBB2_245:
0x7ab: {  	s15 =	sadd.s32 $0x180, s13  }
0x7ac: {  	s4 =	sadd.s32 $0x4, s4;
	v13 =	vld.idx.msk [tilespmem:v4+s11+$0x18000 ss:$0x1], $0xffff;
	v10 =	vadd.f32 v7, v10;
	s8 =	sadd.s32 $0x40, s8;
	s18 =	sadd.s32 $0x80, s13  }
0x7ad: {  	v15 =	vmov v8;
	v14 =	vld.idx.msk [tilespmem:v5+s14+$0xFFFFFFD0 ss:$0x1], $0xffff;
	s16 =	sand.u32 $0x70, s8;
	s15 =	sand.u32 $0xFFFFFC00, s15;
	p0 =	slt.s32 s4, s5  }
0x7ae: {  	s19 =	sadd.s32 $0x100, s13;
	s17 =	sadd.s32 $0xFFFFFFE0, s8;
	v16 =	vmov v9;
	v7 =	vld.idx.msk [tilespmem:v5+s14+$0x0 ss:$0x1], $0xffff;
	[tilespmem:v4+s9+$0x18000 ss:$0x1] =	vst.idx.msk $0xffff, v10;
	s9 =	sor.u32 s16, s15  }
0x7af: {  	s18 =	sand.u32 $0xFFFFFC00, s18;
	s15 =	sadd.s32 $0xFFFFFFD0, s8;
	s16 =	sadd.s32 $0xFFFFFFF0, s8;
	v10 =	vld.idx.msk [tilespmem:v4+s9+$0x18000 ss:$0x1], $0xffff  }
.Ltmp197:
0x7b0: {  	s17 =	sand.u32 $0x70, s17;
	s15 =	sand.u32 $0x70, s15;
	v17 =	vadd.f32 v6, v12;
	v8 =	vld.idx.msk [tilespmem:v5+s14+$0xFFFFFFE0 ss:$0x1], $0xffff;
	(pc) =	sbr.rel @p0 .LBB2_245-.Ltmp197, $4  }
0x7b1: {  	s20 =	sand.u32 $0xFFFFFC00, s13;
	s19 =	sand.u32 $0xFFFFFC00, s19;
	s16 =	sand.u32 $0x70, s16;
	v11 =	vadd.f32 v15, v11;
	v9 =	vld.idx.msk [tilespmem:v5+s14+$0xFFFFFFF0 ss:$0x1], $0xffff  }
0x7b2: {  	s17 =	sor.u32 s17, s18;
	s16 =	sor.u32 s16, s19;
	v13 =	vadd.f32 v16, v13;
	[tilespmem:v4+s10+$0x18000 ss:$0x1] =	vst.idx.msk $0xffff, v17;
	s10 =	sor.u32 s15, s20  }
0x7b3: {  	v6 =	vmov v14;
	v12 =	vld.idx.msk [tilespmem:v4+s10+$0x18000 ss:$0x1], $0xffff;
	[tilespmem:v4+s12+$0x18000 ss:$0x1] =	vst.idx.msk $0xffff, v11;
	s12 =	smov.u32 s17  }
0x7b4: {  	s13 =	sadd.s32 $0x200, s13;
	s14 =	sadd.s32 $0x40, s14;
	v11 =	vld.idx.msk [tilespmem:v4+s12+$0x18000 ss:$0x1], $0xffff;
	[tilespmem:v4+s11+$0x18000 ss:$0x1] =	vst.idx.msk $0xffff, v13;
	s11 =	smov.u32 s16  }
.LBB2_246:
0x7b5: {  	_ =	sdelay $0x3  }
0x7b6: {  	v5 =	vld.idx.msk [tilespmem:v4+s11+$0x18000 ss:$0x1], $0xffff;
	_ =	sdelay $0x1  }
0x7b7: {  	v7 =	vadd.f32 v7, v10  }
0x7b8: {  	v6 =	vadd.f32 v6, v12  }
0x7b9: {  	[tilespmem:v4+s9+$0x18000 ss:$0x1] =	vst.idx.msk $0xffff, v7;
	v63 =	vadd.f32 v8, v11  }
0x7ba: {  	v5 =	vadd.f32 v9, v5;
	[tilespmem:v4+s10+$0x18000 ss:$0x1] =	vst.idx.msk $0xffff, v6  }
0x7bb: {  	[tilespmem:v4+s12+$0x18000 ss:$0x1] =	vst.idx.msk $0xffff, v63  }
0x7bc: {  	[tilespmem:v4+s11+$0x18000 ss:$0x1] =	vst.idx.msk $0xffff, v5  }
.LBB2_247:
0x7bd: {  	p0 =	sgt.s32 s5, s21  }
.Ltmp198:
0x7be: {  	_ = 	snop;
	(pc) =	sbr.rel @p0 .LBB2_250-.Ltmp198, $1  }
0x7bf: {  	_ =	sdelay $0x3  }
0x7c0: {  	s6 =	ssub.s32 s6, s7  }
0x7c1: {  	s4 =	sshll.u32 s0, $0x7;
	s7 =	sshll.u32 s6, $0x6  }
0x7c2: {  	s8 =	rddreg [dreg:$0x8];
	s4 =	sand.u32 $0x3FFFFF80, s4;
	s7 =	ssub.s32 $0x0, s7  }
0x7c3: {  	s6 =	ssub.s32 s8, s6;
	s4 =	sadd.s32 $0x18000, s4;
	s30 =	sshra.s32 s7, $0x2  }
0x7c4: {  	s7 =	sshll.u32 s5, $0x7;
	s5 =	sshll.u32 s5, $0x4;
	s8 =	sadd.s32 s30, s1  }
.LBB2_249:
0x7c5: {  	s9 =	sand.u32 $0xFFFFFC00, s7  }
0x7c6: {  	s10 =	sand.u32 $0x70, s5;
	s9 =	sadd.s32 s9, s4  }
0x7c7: {  	v5 =	vld [tilespmem:s8+$0x0];
	s9 =	sadd.s32 s10, s9  }
0x7c8: {  	v4 =	vld [tilespmem:s9+$0x0]  }
0x7c9: {  	s6 =	sadd.s32 $0x1, s6  }
0x7ca: {  	p0 =	slt.s32 s6, s21  }
.Ltmp199:
0x7cb: {  	_ = 	snop;
	(pc) =	sbr.rel @p0 .LBB2_249-.Ltmp199, $3  }
0x7cc: {  	_ = 	snop  }
0x7cd: {  	v4 =	vadd.f32 v5, v4;
	_ =	sdelay $0x1  }
0x7ce: {  	s7 =	sadd.s32 $0x80, s7;
	s8 =	sadd.s32 $0x10, s8;
	s5 =	sadd.s32 $0x10, s5;
	[tilespmem:s9+$0x0] =	vst v4  }
.Ltmp200:
0x7cf: {  	_ = 	snop;
	(pc) =	sbr.rel .LBB2_250-.Ltmp200, $1  }
0x7d0: {  	_ =	sdelay $0x3  }
.LBB2_234:
.Ltmp201:
0x7d1: {  	(pc) =	sbr.rel .LBB2_257-.Ltmp201, $2  }
0x7d2: {  	_ =	sdelay $0x2  }
0x7d3: {  	s8 =	smov.u32 s6  }
.LBB2_254:
.Ltmp202:
0x7d4: {  	(pc) =	sbr.rel .LBB2_257-.Ltmp202, $2  }
0x7d5: {  	_ =	sdelay $0x2  }
0x7d6: {  	s12 =	smov.u32 s11  }
.LBB2_252:
0x7d7: {  	_ =	sfence.sel $0x180000  }
0x7d8: {  	[bflag:$0x0] =	sbarrier.arrive $0xFFFF  }
0x7d9: {  	_ =	strace $0x90000047  }
0x7da: {  	s0 =	stileid.u32;
	[bflag:$0x2] =	sbarrier.arrive $0xFFFF  }
0x7db: {  	p0 =	sne.s32 s0, $0x0;
	s0 =	rddreg [dreg:$0x3]  }
0x7dc: {  	s0 =	sadd.s32 @!p0 $0x100000, s0  }
0x7dd: {  	[sflag:s0] =	ssyncadd.tile.s32 @!p0 $0x1;
	_ =	shalt  }
.Lfunc_end2:
_tile_overlayer_lowered:
.L_overlay_start_2:
0x7de: {  	(tag) =	ssettag $0x2  }
0x7df: {  	s0 =	rddreg [dreg:$0x0];
	s2 =	stileid.u32  }
0x7e0: {  	s1 =	rddreg [dreg:$0x1];
	p0 =	sne.s32 s2, $0x0  }
0x7e1: {  	s3 =	rddreg [dreg:$0x2];
	[bflag:$0x3] =	sbarrier.arrive $0xFFFF;
	s2 =	simm.s32 @!p0 $0x1C0D  }
0x7e2: {  	[timem:s3], [sflag:s2] =	dma.local @!p0 [hbm:s0], s1  }
0x7e3: {  	s0 =	simm.s32 @!p0 $0xD  }
0x7e4: {  	_ =	swait.ge @!p0 [sflag:s0], s1  }
0x7e5: {  	s1 =	ssub.s32 @!p0 $0x0, s1;
	[sflag:s0] =	ssyncset.done @!p0 $0x0  }
0x7e6: {  	[sflag:s0] =	ssyncadd.s32 @!p0 s1  }
0x7e7: {  	[bflag:$0x3] =	sbarrier.arrive $0xFFFF  }
0x7e8: {  	_ =	shalt  }

</sc_bundles>
